<compile_context>
chip_gen: v7x
topology: tpu7x:2x2x1
jax: 0.10.2.dev20260603
libtpu: 0.0.44.dev20260713+nightly
codegen_flags: <defaults>
</compile_context>

<pallas_src>
import functools
import numpy as np
import jax
import jax.numpy as jnp
from jax import lax
from jax.experimental import pallas as pl
from jax.experimental.pallas import tpu as pltpu
from jax.experimental.pallas import tpu_sc as plsc

_N = 4194304
_N_MIN = 262144.0
_TH = float(np.float32(-np.log(np.float64(0.7))))

_SHAPE4 = (16, 1, 512, 512)
_G1 = 16

_NT = 32
_PER = _N // _NT
_CHUNK = 16384
_NCH = _PER // _CHUNK
_NB1 = 32768
_NB2 = 65536
_U = 8

_MESH = plsc.VectorSubcoreMesh(
    core_axis_name="c", subcore_axis_name="s", num_cores=2, num_subcores=16)


def _p1_body(x_ref, y_ref, loss_ref, sum_ref, cnt_ref):
    x = x_ref[...]
    y = y_ref[...]
    loss = jnp.maximum(x, 0.0) - x * y + jnp.log(1.0 + jnp.exp(-jnp.abs(x)))
    loss_ref[...] = loss.reshape(4, 1, 512, 128)
    m = loss > _TH
    pcnt = jnp.sum(m.astype(jnp.float32))
    psum = jnp.sum(jnp.maximum(loss - _TH, 0.0)) + _TH * pcnt
    sum_ref[...] = jnp.full((1, 1, 128), psum, jnp.float32)
    cnt_ref[...] = jnp.full((1, 1, 128), pcnt, jnp.float32)


_p1 = pl.pallas_call(
    _p1_body,
    grid=(4, 4),
    in_specs=[pl.BlockSpec((4, 1, 512, 128), lambda i, j: (i, 0, 0, j)),
              pl.BlockSpec((4, 1, 512, 128), lambda i, j: (i, 0, 0, j))],
    out_specs=[pl.BlockSpec((4, 1, 512, 128), lambda i, j: (i, j, 0, 0)),
               pl.BlockSpec((1, 1, 128), lambda i, j: (i * 4 + j, 0, 0)),
               pl.BlockSpec((1, 1, 128), lambda i, j: (i * 4 + j, 0, 0))],
    out_shape=[jax.ShapeDtypeStruct((16, 4, 512, 128), jnp.float32),
               jax.ShapeDtypeStruct((16, 1, 128), jnp.float32),
               jax.ShapeDtypeStruct((16, 1, 128), jnp.float32)],
)


@functools.partial(
    pl.kernel,
    mesh=_MESH,
    compiler_params=pltpu.CompilerParams(needs_layout_passes=False),
    out_type=jax.ShapeDtypeStruct((_NT, _NB1 // 128, 128), jnp.int32),
    scratch_types=[pltpu.VMEM((_CHUNK,), jnp.float32),
                   pltpu.VMEM((_CHUNK,), jnp.float32),
                   pltpu.VMEM((_NB1 // 128, 128), jnp.int32),
                   pltpu.SemaphoreType.DMA,
                   pltpu.SemaphoreType.DMA],
)
def _hist1(loss_hbm, cnt_out, buf0, buf1, hcnt, sem0, sem1):
    wid = lax.axis_index("s") * 2 + lax.axis_index("c")

    z_i = jnp.zeros((16,), jnp.int32)

    def zbody(i, carry):
        for u in range(_U):
            hcnt[i, pl.ds(u * 16, 16)] = z_i
        return carry
    lax.fori_loop(0, _NB1 // 128, zbody, 0)

    base = wid * _PER
    ones = jnp.ones((16,), jnp.int32)
    bufs = (buf0, buf1)
    sems = (sem0, sem1)

    def inner(buf):
        def vbody(j, carry):
            b0 = j * (16 * _U)
            vs = [buf[pl.ds(b0 + u * 16, 16)] for u in range(_U)]
            his = [lax.shift_right_logical(
                lax.bitcast_convert_type(v, jnp.int32), 16) for v in vs]
            rows = [lax.shift_right_logical(h, 7) for h in his]
            cols = [jnp.bitwise_and(h, 127) for h in his]
            for u in range(_U):
                plsc.addupdate_scatter(hcnt, [rows[u], cols[u]], ones)
            return carry
        lax.fori_loop(0, _CHUNK // (16 * _U), vbody, 0)

    cp = pltpu.async_copy(loss_hbm.at[pl.ds(base, _CHUNK)], buf0, sem0)
    for c in range(_NCH):
        nxt = None
        if c + 1 < _NCH:
            nxt = pltpu.async_copy(
                loss_hbm.at[pl.ds(base + (c + 1) * _CHUNK, _CHUNK)],
                bufs[(c + 1) % 2], sems[(c + 1) % 2])
        cp.wait()
        inner(bufs[c % 2])
        cp = nxt

    pltpu.sync_copy(hcnt, cnt_out.at[wid])


def _suffix(h):
    R = h.shape[0]
    W = h
    k = 1
    while k < 128:
        W = W + jnp.concatenate([W[:, k:], jnp.zeros((R, k), h.dtype)], axis=1)
        k *= 2
    rt = W[:, 0:1]
    T = rt
    k = 1
    while k < R:
        T = T + jnp.concatenate([T[k:, :], jnp.zeros((k, 1), h.dtype)], axis=0)
        k *= 2
    return W + (T - rt)


def _p3_body(cnt_ref, sumP_ref, cntP_ref, stats_ref, bvec_ref):
    h = cnt_ref[0].astype(jnp.float32)
    for i in range(1, _NT):
        h = h + cnt_ref[i].astype(jnp.float32)
    S = _suffix(h)
    R = _NB1 // 128
    ii = lax.broadcasted_iota(jnp.int32, (R, 128), 0)
    jj = lax.broadcasted_iota(jnp.int32, (R, 128), 1)
    flat = (ii * 128 + jj).astype(jnp.float32)
    B = jnp.max(jnp.where(S >= _N_MIN, flat, -1.0))
    hB = jnp.sum(jnp.where(flat == B, h, 0.0))
    SB = jnp.sum(jnp.where(flat == B, S, 0.0))
    aboveB = SB - hB
    r = _N_MIN - aboveB
    sgt = jnp.sum(sumP_ref[:, 0, 0:1])
    cgt = jnp.sum(cntP_ref[:, 0, 0:1])
    lane = lax.broadcasted_iota(jnp.int32, (1, 128), 1)
    stats = (jnp.where(lane == 0, B, 0.0)
             + jnp.where(lane == 1, aboveB, 0.0)
             + jnp.where(lane == 2, r, 0.0)
             + jnp.where(lane == 4, cgt, 0.0)
             + jnp.where(lane == 5, sgt, 0.0))
    stats_ref[...] = stats
    bvec_ref[...] = jnp.full((8, 128), B, jnp.float32).astype(jnp.int32)


_p3 = pl.pallas_call(
    _p3_body,
    out_shape=[jax.ShapeDtypeStruct((1, 128), jnp.float32),
               jax.ShapeDtypeStruct((8, 128), jnp.int32)],
)


@functools.partial(
    pl.kernel,
    mesh=_MESH,
    compiler_params=pltpu.CompilerParams(needs_layout_passes=False),
    out_type=[jax.ShapeDtypeStruct((_NT, _NB2 // 128, 128), jnp.int32),
              jax.ShapeDtypeStruct((_NT, 128), jnp.float32)],
    scratch_types=[pltpu.VMEM((_CHUNK,), jnp.float32),
                   pltpu.VMEM((_CHUNK,), jnp.float32),
                   pltpu.VMEM((_NB2 // 128, 128), jnp.int32),
                   pltpu.VMEM((128,), jnp.int32),
                   pltpu.VMEM((128,), jnp.float32),
                   pltpu.SemaphoreType.DMA,
                   pltpu.SemaphoreType.DMA],
)
def _hist2(loss_hbm, bvec_hbm, out, sa_out, buf0, buf1, hist, bvbuf, abuf,
           sem0, sem1):
    wid = lax.axis_index("s") * 2 + lax.axis_index("c")
    pltpu.sync_copy(bvec_hbm.at[0], bvbuf)
    bv = bvbuf[pl.ds(0, 16)]

    z_i = jnp.zeros((16,), jnp.int32)

    def zbody(i, carry):
        for u in range(_U):
            hist[i, pl.ds(u * 16, 16)] = z_i
        return carry
    lax.fori_loop(0, _NB2 // 128, zbody, 0)

    base = wid * _PER
    ones = jnp.ones((16,), jnp.int32)
    bufs = (buf0, buf1)
    sems = (sem0, sem1)

    def inner(buf, acc0):
        def vbody(j, acc):
            b0 = j * (16 * _U)
            vs = [buf[pl.ds(b0 + u * 16, 16)] for u in range(_U)]
            bs = [lax.bitcast_convert_type(v, jnp.int32) for v in vs]
            hs = [lax.shift_right_logical(b, 16) for b in bs]
            rows = [jnp.bitwise_and(lax.shift_right_logical(b, 7), 511)
                    for b in bs]
            cols = [jnp.bitwise_and(b, 127) for b in bs]
            mks = [h == bv for h in hs]
            for u in range(_U):
                plsc.addupdate_scatter(hist, [rows[u], cols[u]], ones,
                                       mask=mks[u])
            for u in range(_U):
                acc = acc + jnp.where(hs[u] > bv, vs[u], 0.0)
            return acc
        return lax.fori_loop(0, _CHUNK // (16 * _U), vbody, acc0)

    acc = jnp.zeros((16,), jnp.float32)
    cp = pltpu.async_copy(loss_hbm.at[pl.ds(base, _CHUNK)], buf0, sem0)
    for c in range(_NCH):
        nxt = None
        if c + 1 < _NCH:
            nxt = pltpu.async_copy(
                loss_hbm.at[pl.ds(base + (c + 1) * _CHUNK, _CHUNK)],
                bufs[(c + 1) % 2], sems[(c + 1) % 2])
        cp.wait()
        acc = inner(bufs[c % 2], acc)
        cp = nxt

    abuf[pl.ds(0, 16)] = acc
    z_f = jnp.zeros((16,), jnp.float32)
    for u in range(1, _U):
        abuf[pl.ds(u * 16, 16)] = z_f
    pltpu.sync_copy(hist, out.at[wid])
    pltpu.sync_copy(abuf, sa_out.at[wid])


def _p5_body(cnt2_ref, sa_ref, stats_ref, out_ref):
    sv = stats_ref[...]
    lane = lax.broadcasted_iota(jnp.int32, (1, 128), 1)

    def pick(k):
        return jnp.sum(jnp.where(lane == k, sv, 0.0))

    B = pick(0)
    aboveB = pick(1)
    r = pick(2)
    cgt = pick(4)
    sgt = pick(5)
    sumAbove = jnp.sum(sa_ref[...])

    h = cnt2_ref[0].astype(jnp.float32)
    for i in range(1, _NT):
        h = h + cnt2_ref[i].astype(jnp.float32)
    S = _suffix(h)
    R = _NB2 // 128
    ii = lax.broadcasted_iota(jnp.int32, (R, 128), 0)
    jj = lax.broadcasted_iota(jnp.int32, (R, 128), 1)
    flati = ii * 128 + jj
    flat = flati.astype(jnp.float32)
    L = jnp.max(jnp.where(S >= r, flat, -1.0))
    hL = jnp.sum(jnp.where(flat == L, h, 0.0))
    SL = jnp.sum(jnp.where(flat == L, S, 0.0))
    cnt_gt_t = aboveB + (SL - hL)
    bbits = lax.shift_left(B.astype(jnp.int32), 16)
    vals = lax.bitcast_convert_type(jnp.bitwise_or(bbits, flati), jnp.float32)
    t = jnp.sum(jnp.where(flat == L, vals, 0.0))
    sum_gt_t = sumAbove + jnp.sum(jnp.where(flat > L, h * vals, 0.0))
    else_ans = (sum_gt_t + (_N_MIN - cnt_gt_t) * t) / _N_MIN
    if_ans = sgt / jnp.maximum(cgt, 1.0)
    ans = jnp.where(cgt > _N_MIN, if_ans, else_ans)
    out_ref[...] = jnp.full((1, 128), ans, jnp.float32)


_p5 = pl.pallas_call(
    _p5_body,
    out_shape=jax.ShapeDtypeStruct((1, 128), jnp.float32),
)


@jax.jit
def kernel(logits, labels):
    loss, sumP, cntP = _p1(logits, labels)
    lossf = loss.reshape(_N)
    cnt1 = _hist1(lossf)
    stats, bvec = _p3(cnt1, sumP, cntP)
    cnt2, sa = _hist2(lossf, bvec)
    out = _p5(cnt2, sa, stats)
    return out[0, 0]

# --- scband reference (transcript-rebuilt; emitter-appended) ---
"""Pipeline reference for scband-ohem-bceloss-26980984553553 (READ-ONLY COPY).

The authoritative reference and input builder live on the scoring server;
editing this copy changes nothing except your own understanding.
"""

import jax, jax.numpy as jnp
import numpy as np

THRESH = 0.7
N_MIN = 262144
SHAPE = (16, 1, 512, 512)


def bce_with_logits(x, y):
    # numerically-stable BCEWithLogitsLoss (reduction='none')
    return jnp.maximum(x, 0.0) - x * y + jnp.log1p(jnp.exp(-jnp.abs(x)))


def setup_inputs(seed: int = 0) -> dict:
    key = jax.random.key(seed)
    k1, k2 = jax.random.split(key)
    logits = jax.random.normal(k1, SHAPE, dtype=jnp.float32)
    labels = jax.random.randint(k2, SHAPE, 0, 2).astype(jnp.float32)
    return {"logits": logits, "labels": labels}


def reference(logits, labels):
    thresh = -jnp.log(jnp.asarray(THRESH, dtype=jnp.float32))
    loss = bce_with_logits(logits, labels).reshape(-1)
    # sort descending
    loss_sorted = jnp.sort(loss)[::-1]
    n = loss_sorted.shape[0]
    pos = jnp.arange(n)
    cond = loss_sorted[N_MIN] > thresh
    # if loss[n_min] > thresh: keep loss > thresh (a prefix of the descending sort)
    # else: keep first n_min elements
    mask = jnp.where(cond, loss_sorted > thresh, pos < N_MIN)
    maskf = mask.astype(loss_sorted.dtype)
    return jnp.sum(loss_sorted * maskf) / jnp.sum(maskf)

if __name__ == "__main__":
    import jax
    _d = setup_inputs()
    print(jax.jit(kernel)(*tuple(_d.values())))

</pallas_src>

<mosaic_0001>
#map = affine_map<(d0, d1) -> (0)>
#map1 = affine_map<(d0, d1) -> (0, 0)>
#map2 = affine_map<(d0, d1) -> (0, 0, 0)>
module attributes {stable_mosaic.version = 14 : i64} {
  func.func @_hist2(%arg0: i32, %arg1: i32, %arg2: memref<4194304xf32, #tpu.memory_space<hbm>>, %arg3: memref<8x128xi32, #tpu.memory_space<hbm>>, %arg4: memref<32x512x128xi32, #tpu.memory_space<hbm>>, %arg5: memref<32x128xf32, #tpu.memory_space<hbm>>, %arg6: memref<16384xf32, #tpu.memory_space<vmem>>, %arg7: memref<16384xf32, #tpu.memory_space<vmem>>, %arg8: memref<512x128xi32, #tpu.memory_space<vmem>>, %arg9: memref<128xi32, #tpu.memory_space<vmem>>, %arg10: memref<128xf32, #tpu.memory_space<vmem>>, %arg11: memref<!tpu.dma_semaphore, #tpu.memory_space<semaphore_mem>>, %arg12: memref<!tpu.dma_semaphore, #tpu.memory_space<semaphore_mem>>) attributes {dimension_semantics = [#tpu.dimension_semantics<core_parallel>, #tpu.dimension_semantics<subcore_parallel>], iteration_bounds = array<i64: 2, 16>, scalar_prefetch = 0 : i64, scratch_operands = 7 : i64, tpu.core_type = #tpu.core_type<sc_vector_subcore>, window_params = [{transform_indices = #map}, {transform_indices = #map1}, {transform_indices = #map2}, {transform_indices = #map1}]} {
    %mul3A = arith.constant 2 : i32
    %mul3A_0 = arith.muli %arg1, %mul3A : i32
    %add3A = arith.addi %mul3A_0, %arg0 : i32
    %run_scoped3A = arith.constant 0 : i32
    "tpu.region"() ({
      %run_scoped3A_123 = tpu.sem_alloc : memref<!tpu.dma_semaphore, #tpu.memory_space<semaphore_mem>>
      %dma_start3A_124 = arith.constant 0 : i32
      %dma_start3A_125 = tpu.memref_slice %arg3[%run_scoped3A, %dma_start3A_124] : memref<8x128xi32, #tpu.memory_space<hbm>> -> memref<1x128xi32, #tpu.memory_space<hbm>>
      %dma_start3A_126 = tpu.memref_squeeze %dma_start3A_125 : memref<1x128xi32, #tpu.memory_space<hbm>> -> memref<128xi32, #tpu.memory_space<hbm>>
      %dma_start3A_127 = arith.constant 0 : i32
      %dma_start3A_128 = tpu.memref_slice %arg3[%run_scoped3A, %dma_start3A_127] : memref<8x128xi32, #tpu.memory_space<hbm>> -> memref<1x128xi32, #tpu.memory_space<hbm>>
      %dma_start3A_129 = tpu.memref_squeeze %dma_start3A_128 : memref<1x128xi32, #tpu.memory_space<hbm>> -> memref<128xi32, #tpu.memory_space<hbm>>
      tpu.enqueue_dma source(%dma_start3A_129 : memref<128xi32, #tpu.memory_space<hbm>>) target(%arg9 : memref<128xi32, #tpu.memory_space<vmem>>) target_semaphore(%run_scoped3A_123 : memref<!tpu.dma_semaphore, #tpu.memory_space<semaphore_mem>>)
      %dma_wait3A_130 = arith.constant 0 : i32
      %dma_wait3A_131 = tpu.memref_slice %arg3[%run_scoped3A, %dma_wait3A_130] : memref<8x128xi32, #tpu.memory_space<hbm>> -> memref<1x128xi32, #tpu.memory_space<hbm>>
      %dma_wait3A_132 = tpu.memref_squeeze %dma_wait3A_131 : memref<1x128xi32, #tpu.memory_space<hbm>> -> memref<128xi32, #tpu.memory_space<hbm>>
      %dma_wait3A_133 = arith.constant 0 : i32
      %dma_wait3A_134 = tpu.memref_slice %arg3[%run_scoped3A, %dma_wait3A_133] : memref<8x128xi32, #tpu.memory_space<hbm>> -> memref<1x128xi32, #tpu.memory_space<hbm>>
      %dma_wait3A_135 = tpu.memref_squeeze %dma_wait3A_134 : memref<1x128xi32, #tpu.memory_space<hbm>> -> memref<128xi32, #tpu.memory_space<hbm>>
      tpu.wait_dma2 semaphore(%run_scoped3A_123 : memref<!tpu.dma_semaphore, #tpu.memory_space<semaphore_mem>>) src(%dma_wait3A_135 : memref<128xi32, #tpu.memory_space<hbm>>) dst(%arg9 : memref<128xi32, #tpu.memory_space<vmem>>)
      tpu.yield
    }) : () -> ()
    %get3A = arith.constant 0 : index
    %get3A_1 = tpu.vector_load %arg9[%get3A] {strides = array<i32>} : memref<128xi32, #tpu.memory_space<vmem>>, vector<16xi32>,
    %broadcast_in_dim3A = arith.constant 0 : i32
    %broadcast_in_dim3A_2 = vector.broadcast %broadcast_in_dim3A : i32 to vector<16xi32>
    %scan3A = arith.constant 0 : i32
    %scan3A_3 = arith.constant 0 : i32
    %scan3A_4 = arith.constant 512 : i32
    %scan3A_5 = arith.addi %scan3A_3, %scan3A_4 : i32
    %scan3A_6 = arith.constant 1 : i32
    scf.for %scan3A_123 = %scan3A_3 to %scan3A_5 step %scan3A_6  : i32 {
      %swap3A_124 = arith.index_cast %scan3A_123 : i32 to index
      %swap3A_125 = arith.constant 0 : index
      %swap3A_126 = tpu.vector_load %arg8[%swap3A_124, %swap3A_125] {strides = array<i32>} : memref<512x128xi32, #tpu.memory_space<vmem>>, vector<16xi32>,
      tpu.vector_store %arg8[%swap3A_124, %swap3A_125], %broadcast_in_dim3A_2 {strides = array<i32>} : memref<512x128xi32, #tpu.memory_space<vmem>>, vector<16xi32>,
      %swap3A_127 = arith.index_cast %scan3A_123 : i32 to index
      %swap3A_128 = arith.constant 16 : index
      %swap3A_129 = tpu.vector_load %arg8[%swap3A_127, %swap3A_128] {strides = array<i32>} : memref<512x128xi32, #tpu.memory_space<vmem>>, vector<16xi32>,
      tpu.vector_store %arg8[%swap3A_127, %swap3A_128], %broadcast_in_dim3A_2 {strides = array<i32>} : memref<512x128xi32, #tpu.memory_space<vmem>>, vector<16xi32>,
      %swap3A_130 = arith.index_cast %scan3A_123 : i32 to index
      %swap3A_131 = arith.constant 32 : index
      %swap3A_132 = tpu.vector_load %arg8[%swap3A_130, %swap3A_131] {strides = array<i32>} : memref<512x128xi32, #tpu.memory_space<vmem>>, vector<16xi32>,
      tpu.vector_store %arg8[%swap3A_130, %swap3A_131], %broadcast_in_dim3A_2 {strides = array<i32>} : memref<512x128xi32, #tpu.memory_space<vmem>>, vector<16xi32>,
      %swap3A_133 = arith.index_cast %scan3A_123 : i32 to index
      %swap3A_134 = arith.constant 48 : index
      %swap3A_135 = tpu.vector_load %arg8[%swap3A_133, %swap3A_134] {strides = array<i32>} : memref<512x128xi32, #tpu.memory_space<vmem>>, vector<16xi32>,
      tpu.vector_store %arg8[%swap3A_133, %swap3A_134], %broadcast_in_dim3A_2 {strides = array<i32>} : memref<512x128xi32, #tpu.memory_space<vmem>>, vector<16xi32>,
      %swap3A_136 = arith.index_cast %scan3A_123 : i32 to index
      %swap3A_137 = arith.constant 64 : index
      %swap3A_138 = tpu.vector_load %arg8[%swap3A_136, %swap3A_137] {strides = array<i32>} : memref<512x128xi32, #tpu.memory_space<vmem>>, vector<16xi32>,
      tpu.vector_store %arg8[%swap3A_136, %swap3A_137], %broadcast_in_dim3A_2 {strides = array<i32>} : memref<512x128xi32, #tpu.memory_space<vmem>>, vector<16xi32>,
      %swap3A_139 = arith.index_cast %scan3A_123 : i32 to index
      %swap3A_140 = arith.constant 80 : index
      %swap3A_141 = tpu.vector_load %arg8[%swap3A_139, %swap3A_140] {strides = array<i32>} : memref<512x128xi32, #tpu.memory_space<vmem>>, vector<16xi32>,
      tpu.vector_store %arg8[%swap3A_139, %swap3A_140], %broadcast_in_dim3A_2 {strides = array<i32>} : memref<512x128xi32, #tpu.memory_space<vmem>>, vector<16xi32>,
      %swap3A_142 = arith.index_cast %scan3A_123 : i32 to index
      %swap3A_143 = arith.constant 96 : index
      %swap3A_144 = tpu.vector_load %arg8[%swap3A_142, %swap3A_143] {strides = array<i32>} : memref<512x128xi32, #tpu.memory_space<vmem>>, vector<16xi32>,
      tpu.vector_store %arg8[%swap3A_142, %swap3A_143], %broadcast_in_dim3A_2 {strides = array<i32>} : memref<512x128xi32, #tpu.memory_space<vmem>>, vector<16xi32>,
      %swap3A_145 = arith.index_cast %scan3A_123 : i32 to index
      %swap3A_146 = arith.constant 112 : index
      %swap3A_147 = tpu.vector_load %arg8[%swap3A_145, %swap3A_146] {strides = array<i32>} : memref<512x128xi32, #tpu.memory_space<vmem>>, vector<16xi32>,
      tpu.vector_store %arg8[%swap3A_145, %swap3A_146], %broadcast_in_dim3A_2 {strides = array<i32>} : memref<512x128xi32, #tpu.memory_space<vmem>>, vector<16xi32>,
    }
    %scan3A_7 = arith.constant 512 : i32
    %mul3A_8 = arith.constant 131072 : i32
    %mul3A_9 = arith.muli %add3A, %mul3A_8 : i32
    %broadcast_in_dim3A_10 = arith.constant 1 : i32
    %broadcast_in_dim3A_11 = vector.broadcast %broadcast_in_dim3A_10 : i32 to vector<16xi32>
    %broadcast_in_dim3A_12 = arith.constant 0.000000e+00 : f32
    %broadcast_in_dim3A_13 = vector.broadcast %broadcast_in_dim3A_12 : f32 to vector<16xf32>
    %dma_start3A = tpu.memref_slice %arg2[%mul3A_9] : memref<4194304xf32, #tpu.memory_space<hbm>> -> memref<16384xf32, #tpu.memory_space<hbm>>
    %dma_start3A_14 = tpu.memref_slice %arg2[%mul3A_9] : memref<4194304xf32, #tpu.memory_space<hbm>> -> memref<16384xf32, #tpu.memory_space<hbm>>
    tpu.enqueue_dma source(%dma_start3A_14 : memref<16384xf32, #tpu.memory_space<hbm>>) target(%arg6 : memref<16384xf32, #tpu.memory_space<vmem>>) target_semaphore(%arg11 : memref<!tpu.dma_semaphore, #tpu.memory_space<semaphore_mem>>)
    %add3A_15 = arith.constant 16384 : i32
    %add3A_16 = arith.addi %mul3A_9, %add3A_15 : i32
    %dma_start3A_17 = tpu.memref_slice %arg2[%add3A_16] : memref<4194304xf32, #tpu.memory_space<hbm>> -> memref<16384xf32, #tpu.memory_space<hbm>>
    %dma_start3A_18 = tpu.memref_slice %arg2[%add3A_16] : memref<4194304xf32, #tpu.memory_space<hbm>> -> memref<16384xf32, #tpu.memory_space<hbm>>
    tpu.enqueue_dma source(%dma_start3A_18 : memref<16384xf32, #tpu.memory_space<hbm>>) target(%arg7 : memref<16384xf32, #tpu.memory_space<vmem>>) target_semaphore(%arg12 : memref<!tpu.dma_semaphore, #tpu.memory_space<semaphore_mem>>)
    %dma_wait3A = tpu.memref_slice %arg2[%mul3A_9] : memref<4194304xf32, #tpu.memory_space<hbm>> -> memref<16384xf32, #tpu.memory_space<hbm>>
    %dma_wait3A_19 = tpu.memref_slice %arg2[%mul3A_9] : memref<4194304xf32, #tpu.memory_space<hbm>> -> memref<16384xf32, #tpu.memory_space<hbm>>
    tpu.wait_dma2 semaphore(%arg11 : memref<!tpu.dma_semaphore, #tpu.memory_space<semaphore_mem>>) src(%dma_wait3A_19 : memref<16384xf32, #tpu.memory_space<hbm>>) dst(%arg6 : memref<16384xf32, #tpu.memory_space<vmem>>)
    %scan3A_20 = arith.constant 0 : i32
    %scan3A_21 = arith.constant 128 : i32
    %scan3A_22 = arith.addi %scan3A_20, %scan3A_21 : i32
    %scan3A_23 = arith.constant 1 : i32
    %scan3A_24 = scf.for %scan3A_123 = %scan3A_20 to %scan3A_22 step %scan3A_23 iter_args(%scan3A_124 = %broadcast_in_dim3A_13) -> (vector<16xf32>)  : i32 {
      %mul3A_125 = arith.constant 128 : i32
      %mul3A_126 = arith.muli %scan3A_123, %mul3A_125 : i32
      %add3A_127 = arith.constant 0 : i32
      %add3A_128 = arith.addi %mul3A_126, %add3A_127 : i32
      %get3A_129 = arith.index_cast %add3A_128 : i32 to index
      %get3A_130 = tpu.vector_load %arg6[%get3A_129] {strides = array<i32>} : memref<16384xf32, #tpu.memory_space<vmem>>, vector<16xf32>,
      %add3A_131 = arith.constant 16 : i32
      %add3A_132 = arith.addi %mul3A_126, %add3A_131 : i32
      %get3A_133 = arith.index_cast %add3A_132 : i32 to index
      %get3A_134 = tpu.vector_load %arg6[%get3A_133] {strides = array<i32>} : memref<16384xf32, #tpu.memory_space<vmem>>, vector<16xf32>,
      %add3A_135 = arith.constant 32 : i32
      %add3A_136 = arith.addi %mul3A_126, %add3A_135 : i32
      %get3A_137 = arith.index_cast %add3A_136 : i32 to index
      %get3A_138 = tpu.vector_load %arg6[%get3A_137] {strides = array<i32>} : memref<16384xf32, #tpu.memory_space<vmem>>, vector<16xf32>,
      %add3A_139 = arith.constant 48 : i32
      %add3A_140 = arith.addi %mul3A_126, %add3A_139 : i32
      %get3A_141 = arith.index_cast %add3A_140 : i32 to index
      %get3A_142 = tpu.vector_load %arg6[%get3A_141] {strides = array<i32>} : memref<16384xf32, #tpu.memory_space<vmem>>, vector<16xf32>,
      %add3A_143 = arith.constant 64 : i32
      %add3A_144 = arith.addi %mul3A_126, %add3A_143 : i32
      %get3A_145 = arith.index_cast %add3A_144 : i32 to index
      %get3A_146 = tpu.vector_load %arg6[%get3A_145] {strides = array<i32>} : memref<16384xf32, #tpu.memory_space<vmem>>, vector<16xf32>,
      %add3A_147 = arith.constant 80 : i32
      %add3A_148 = arith.addi %mul3A_126, %add3A_147 : i32
      %get3A_149 = arith.index_cast %add3A_148 : i32 to index
      %get3A_150 = tpu.vector_load %arg6[%get3A_149] {strides = array<i32>} : memref<16384xf32, #tpu.memory_space<vmem>>, vector<16xf32>,
      %add3A_151 = arith.constant 96 : i32
      %add3A_152 = arith.addi %mul3A_126, %add3A_151 : i32
      %get3A_153 = arith.index_cast %add3A_152 : i32 to index
      %get3A_154 = tpu.vector_load %arg6[%get3A_153] {strides = array<i32>} : memref<16384xf32, #tpu.memory_space<vmem>>, vector<16xf32>,
      %add3A_155 = arith.constant 112 : i32
      %add3A_156 = arith.addi %mul3A_126, %add3A_155 : i32
      %get3A_157 = arith.index_cast %add3A_156 : i32 to index
      %get3A_158 = tpu.vector_load %arg6[%get3A_157] {strides = array<i32>} : memref<16384xf32, #tpu.memory_space<vmem>>, vector<16xf32>,
      %bitcast_convert_type3A = tpu.bitcast %get3A_130 : vector<16xf32> -> vector<16xi32>
      %bitcast_convert_type3A_159 = tpu.bitcast %get3A_134 : vector<16xf32> -> vector<16xi32>
      %bitcast_convert_type3A_160 = tpu.bitcast %get3A_138 : vector<16xf32> -> vector<16xi32>
      %bitcast_convert_type3A_161 = tpu.bitcast %get3A_142 : vector<16xf32> -> vector<16xi32>
      %bitcast_convert_type3A_162 = tpu.bitcast %get3A_146 : vector<16xf32> -> vector<16xi32>
      %bitcast_convert_type3A_163 = tpu.bitcast %get3A_150 : vector<16xf32> -> vector<16xi32>
      %bitcast_convert_type3A_164 = tpu.bitcast %get3A_154 : vector<16xf32> -> vector<16xi32>
      %bitcast_convert_type3A_165 = tpu.bitcast %get3A_158 : vector<16xf32> -> vector<16xi32>
      %shift_right_logical3A = arith.constant 16 : i32
      %shift_right_logical3A_166 = vector.broadcast %shift_right_logical3A : i32 to vector<16xi32>
      %shift_right_logical3A_167 = arith.shrui %bitcast_convert_type3A, %shift_right_logical3A_166 : vector<16xi32>
      %shift_right_logical3A_168 = arith.constant 16 : i32
      %shift_right_logical3A_169 = vector.broadcast %shift_right_logical3A_168 : i32 to vector<16xi32>
      %shift_right_logical3A_170 = arith.shrui %bitcast_convert_type3A_159, %shift_right_logical3A_169 : vector<16xi32>
      %shift_right_logical3A_171 = arith.constant 16 : i32
      %shift_right_logical3A_172 = vector.broadcast %shift_right_logical3A_171 : i32 to vector<16xi32>
      %shift_right_logical3A_173 = arith.shrui %bitcast_convert_type3A_160, %shift_right_logical3A_172 : vector<16xi32>
      %shift_right_logical3A_174 = arith.constant 16 : i32
      %shift_right_logical3A_175 = vector.broadcast %shift_right_logical3A_174 : i32 to vector<16xi32>
      %shift_right_logical3A_176 = arith.shrui %bitcast_convert_type3A_161, %shift_right_logical3A_175 : vector<16xi32>
      %shift_right_logical3A_177 = arith.constant 16 : i32
      %shift_right_logical3A_178 = vector.broadcast %shift_right_logical3A_177 : i32 to vector<16xi32>
      %shift_right_logical3A_179 = arith.shrui %bitcast_convert_type3A_162, %shift_right_logical3A_178 : vector<16xi32>
      %shift_right_logical3A_180 = arith.constant 16 : i32
      %shift_right_logical3A_181 = vector.broadcast %shift_right_logical3A_180 : i32 to vector<16xi32>
      %shift_right_logical3A_182 = arith.shrui %bitcast_convert_type3A_163, %shift_right_logical3A_181 : vector<16xi32>
      %shift_right_logical3A_183 = arith.constant 16 : i32
      %shift_right_logical3A_184 = vector.broadcast %shift_right_logical3A_183 : i32 to vector<16xi32>
      %shift_right_logical3A_185 = arith.shrui %bitcast_convert_type3A_164, %shift_right_logical3A_184 : vector<16xi32>
      %shift_right_logical3A_186 = arith.constant 16 : i32
      %shift_right_logical3A_187 = vector.broadcast %shift_right_logical3A_186 : i32 to vector<16xi32>
      %shift_right_logical3A_188 = arith.shrui %bitcast_convert_type3A_165, %shift_right_logical3A_187 : vector<16xi32>
      %shift_right_logical3A_189 = arith.constant 7 : i32
      %shift_right_logical3A_190 = vector.broadcast %shift_right_logical3A_189 : i32 to vector<16xi32>
      %shift_right_logical3A_191 = arith.shrui %bitcast_convert_type3A, %shift_right_logical3A_190 : vector<16xi32>
      %and3A = arith.constant 511 : i32
      %and3A_192 = vector.broadcast %and3A : i32 to vector<16xi32>
      %and3A_193 = arith.andi %shift_right_logical3A_191, %and3A_192 : vector<16xi32>
      %shift_right_logical3A_194 = arith.constant 7 : i32
      %shift_right_logical3A_195 = vector.broadcast %shift_right_logical3A_194 : i32 to vector<16xi32>
      %shift_right_logical3A_196 = arith.shrui %bitcast_convert_type3A_159, %shift_right_logical3A_195 : vector<16xi32>
      %and3A_197 = arith.constant 511 : i32
      %and3A_198 = vector.broadcast %and3A_197 : i32 to vector<16xi32>
      %and3A_199 = arith.andi %shift_right_logical3A_196, %and3A_198 : vector<16xi32>
      %shift_right_logical3A_200 = arith.constant 7 : i32
      %shift_right_logical3A_201 = vector.broadcast %shift_right_logical3A_200 : i32 to vector<16xi32>
      %shift_right_logical3A_202 = arith.shrui %bitcast_convert_type3A_160, %shift_right_logical3A_201 : vector<16xi32>
      %and3A_203 = arith.constant 511 : i32
      %and3A_204 = vector.broadcast %and3A_203 : i32 to vector<16xi32>
      %and3A_205 = arith.andi %shift_right_logical3A_202, %and3A_204 : vector<16xi32>
      %shift_right_logical3A_206 = arith.constant 7 : i32
      %shift_right_logical3A_207 = vector.broadcast %shift_right_logical3A_206 : i32 to vector<16xi32>
      %shift_right_logical3A_208 = arith.shrui %bitcast_convert_type3A_161, %shift_right_logical3A_207 : vector<16xi32>
      %and3A_209 = arith.constant 511 : i32
      %and3A_210 = vector.broadcast %and3A_209 : i32 to vector<16xi32>
      %and3A_211 = arith.andi %shift_right_logical3A_208, %and3A_210 : vector<16xi32>
      %shift_right_logical3A_212 = arith.constant 7 : i32
      %shift_right_logical3A_213 = vector.broadcast %shift_right_logical3A_212 : i32 to vector<16xi32>
      %shift_right_logical3A_214 = arith.shrui %bitcast_convert_type3A_162, %shift_right_logical3A_213 : vector<16xi32>
      %and3A_215 = arith.constant 511 : i32
      %and3A_216 = vector.broadcast %and3A_215 : i32 to vector<16xi32>
      %and3A_217 = arith.andi %shift_right_logical3A_214, %and3A_216 : vector<16xi32>
      %shift_right_logical3A_218 = arith.constant 7 : i32
      %shift_right_logical3A_219 = vector.broadcast %shift_right_logical3A_218 : i32 to vector<16xi32>
      %shift_right_logical3A_220 = arith.shrui %bitcast_convert_type3A_163, %shift_right_logical3A_219 : vector<16xi32>
      %and3A_221 = arith.constant 511 : i32
      %and3A_222 = vector.broadcast %and3A_221 : i32 to vector<16xi32>
      %and3A_223 = arith.andi %shift_right_logical3A_220, %and3A_222 : vector<16xi32>
      %shift_right_logical3A_224 = arith.constant 7 : i32
      %shift_right_logical3A_225 = vector.broadcast %shift_right_logical3A_224 : i32 to vector<16xi32>
      %shift_right_logical3A_226 = arith.shrui %bitcast_convert_type3A_164, %shift_right_logical3A_225 : vector<16xi32>
      %and3A_227 = arith.constant 511 : i32
      %and3A_228 = vector.broadcast %and3A_227 : i32 to vector<16xi32>
      %and3A_229 = arith.andi %shift_right_logical3A_226, %and3A_228 : vector<16xi32>
      %shift_right_logical3A_230 = arith.constant 7 : i32
      %shift_right_logical3A_231 = vector.broadcast %shift_right_logical3A_230 : i32 to vector<16xi32>
      %shift_right_logical3A_232 = arith.shrui %bitcast_convert_type3A_165, %shift_right_logical3A_231 : vector<16xi32>
      %and3A_233 = arith.constant 511 : i32
      %and3A_234 = vector.broadcast %and3A_233 : i32 to vector<16xi32>
      %and3A_235 = arith.andi %shift_right_logical3A_232, %and3A_234 : vector<16xi32>
      %and3A_236 = arith.constant 127 : i32
      %and3A_237 = vector.broadcast %and3A_236 : i32 to vector<16xi32>
      %and3A_238 = arith.andi %bitcast_convert_type3A, %and3A_237 : vector<16xi32>
      %and3A_239 = arith.constant 127 : i32
      %and3A_240 = vector.broadcast %and3A_239 : i32 to vector<16xi32>
      %and3A_241 = arith.andi %bitcast_convert_type3A_159, %and3A_240 : vector<16xi32>
      %and3A_242 = arith.constant 127 : i32
      %and3A_243 = vector.broadcast %and3A_242 : i32 to vector<16xi32>
      %and3A_244 = arith.andi %bitcast_convert_type3A_160, %and3A_243 : vector<16xi32>
      %and3A_245 = arith.constant 127 : i32
      %and3A_246 = vector.broadcast %and3A_245 : i32 to vector<16xi32>
      %and3A_247 = arith.andi %bitcast_convert_type3A_161, %and3A_246 : vector<16xi32>
      %and3A_248 = arith.constant 127 : i32
      %and3A_249 = vector.broadcast %and3A_248 : i32 to vector<16xi32>
      %and3A_250 = arith.andi %bitcast_convert_type3A_162, %and3A_249 : vector<16xi32>
      %and3A_251 = arith.constant 127 : i32
      %and3A_252 = vector.broadcast %and3A_251 : i32 to vector<16xi32>
      %and3A_253 = arith.andi %bitcast_convert_type3A_163, %and3A_252 : vector<16xi32>
      %and3A_254 = arith.constant 127 : i32
      %and3A_255 = vector.broadcast %and3A_254 : i32 to vector<16xi32>
      %and3A_256 = arith.andi %bitcast_convert_type3A_164, %and3A_255 : vector<16xi32>
      %and3A_257 = arith.constant 127 : i32
      %and3A_258 = vector.broadcast %and3A_257 : i32 to vector<16xi32>
      %and3A_259 = arith.andi %bitcast_convert_type3A_165, %and3A_258 : vector<16xi32>
      %eq3A = arith.cmpi eq, %shift_right_logical3A_167, %get3A_1 : vector<16xi32>
      %eq3A_260 = arith.cmpi eq, %shift_right_logical3A_170, %get3A_1 : vector<16xi32>
      %eq3A_261 = arith.cmpi eq, %shift_right_logical3A_173, %get3A_1 : vector<16xi32>
      %eq3A_262 = arith.cmpi eq, %shift_right_logical3A_176, %get3A_1 : vector<16xi32>
      %eq3A_263 = arith.cmpi eq, %shift_right_logical3A_179, %get3A_1 : vector<16xi32>
      %eq3A_264 = arith.cmpi eq, %shift_right_logical3A_182, %get3A_1 : vector<16xi32>
      %eq3A_265 = arith.cmpi eq, %shift_right_logical3A_185, %get3A_1 : vector<16xi32>
      %eq3A_266 = arith.cmpi eq, %shift_right_logical3A_188, %get3A_1 : vector<16xi32>
      tpu.vector_store_idx %arg8[%and3A_193, %and3A_238], %broadcast_in_dim3A_11 masked %eq3A {add = true} : memref<512x128xi32, #tpu.memory_space<vmem>>[vector<16xi32>, vector<16xi32>], vector<16xi32>, vector<16xi1>
      tpu.vector_store_idx %arg8[%and3A_199, %and3A_241], %broadcast_in_dim3A_11 masked %eq3A_260 {add = true} : memref<512x128xi32, #tpu.memory_space<vmem>>[vector<16xi32>, vector<16xi32>], vector<16xi32>, vector<16xi1>
      tpu.vector_store_idx %arg8[%and3A_205, %and3A_244], %broadcast_in_dim3A_11 masked %eq3A_261 {add = true} : memref<512x128xi32, #tpu.memory_space<vmem>>[vector<16xi32>, vector<16xi32>], vector<16xi32>, vector<16xi1>
      tpu.vector_store_idx %arg8[%and3A_211, %and3A_247], %broadcast_in_dim3A_11 masked %eq3A_262 {add = true} : memref<512x128xi32, #tpu.memory_space<vmem>>[vector<16xi32>, vector<16xi32>], vector<16xi32>, vector<16xi1>
      tpu.vector_store_idx %arg8[%and3A_217, %and3A_250], %broadcast_in_dim3A_11 masked %eq3A_263 {add = true} : memref<512x128xi32, #tpu.memory_space<vmem>>[vector<16xi32>, vector<16xi32>], vector<16xi32>, vector<16xi1>
      tpu.vector_store_idx %arg8[%and3A_223, %and3A_253], %broadcast_in_dim3A_11 masked %eq3A_264 {add = true} : memref<512x128xi32, #tpu.memory_space<vmem>>[vector<16xi32>, vector<16xi32>], vector<16xi32>, vector<16xi1>
      tpu.vector_store_idx %arg8[%and3A_229, %and3A_256], %broadcast_in_dim3A_11 masked %eq3A_265 {add = true} : memref<512x128xi32, #tpu.memory_space<vmem>>[vector<16xi32>, vector<16xi32>], vector<16xi32>, vector<16xi1>
      tpu.vector_store_idx %arg8[%and3A_235, %and3A_259], %broadcast_in_dim3A_11 masked %eq3A_266 {add = true} : memref<512x128xi32, #tpu.memory_space<vmem>>[vector<16xi32>, vector<16xi32>], vector<16xi32>, vector<16xi1>
      %gt3A = arith.cmpi sgt, %shift_right_logical3A_167, %get3A_1 : vector<16xi32>
      %jit3A = arith.constant 0.000000e+00 : f32
      %broadcast_in_dim3A_267 = vector.broadcast %jit3A : f32 to vector<16xf32>
      %select_n3A = arith.select %gt3A, %get3A_130, %broadcast_in_dim3A_267 : vector<16xi1>, vector<16xf32>
      %add3A_268 = arith.addf %scan3A_124, %select_n3A : vector<16xf32>
      %gt3A_269 = arith.cmpi sgt, %shift_right_logical3A_170, %get3A_1 : vector<16xi32>
      %jit3A_270 = arith.constant 0.000000e+00 : f32
      %broadcast_in_dim3A_271 = vector.broadcast %jit3A_270 : f32 to vector<16xf32>
      %select_n3A_272 = arith.select %gt3A_269, %get3A_134, %broadcast_in_dim3A_271 : vector<16xi1>, vector<16xf32>
      %add3A_273 = arith.addf %add3A_268, %select_n3A_272 : vector<16xf32>
      %gt3A_274 = arith.cmpi sgt, %shift_right_logical3A_173, %get3A_1 : vector<16xi32>
      %jit3A_275 = arith.constant 0.000000e+00 : f32
      %broadcast_in_dim3A_276 = vector.broadcast %jit3A_275 : f32 to vector<16xf32>
      %select_n3A_277 = arith.select %gt3A_274, %get3A_138, %broadcast_in_dim3A_276 : vector<16xi1>, vector<16xf32>
      %add3A_278 = arith.addf %add3A_273, %select_n3A_277 : vector<16xf32>
      %gt3A_279 = arith.cmpi sgt, %shift_right_logical3A_176, %get3A_1 : vector<16xi32>
      %jit3A_280 = arith.constant 0.000000e+00 : f32
      %broadcast_in_dim3A_281 = vector.broadcast %jit3A_280 : f32 to vector<16xf32>
      %select_n3A_282 = arith.select %gt3A_279, %get3A_142, %broadcast_in_dim3A_281 : vector<16xi1>, vector<16xf32>
      %add3A_283 = arith.addf %add3A_278, %select_n3A_282 : vector<16xf32>
      %gt3A_284 = arith.cmpi sgt, %shift_right_logical3A_179, %get3A_1 : vector<16xi32>
      %jit3A_285 = arith.constant 0.000000e+00 : f32
      %broadcast_in_dim3A_286 = vector.broadcast %jit3A_285 : f32 to vector<16xf32>
      %select_n3A_287 = arith.select %gt3A_284, %get3A_146, %broadcast_in_dim3A_286 : vector<16xi1>, vector<16xf32>
      %add3A_288 = arith.addf %add3A_283, %select_n3A_287 : vector<16xf32>
      %gt3A_289 = arith.cmpi sgt, %shift_right_logical3A_182, %get3A_1 : vector<16xi32>
      %jit3A_290 = arith.constant 0.000000e+00 : f32
      %broadcast_in_dim3A_291 = vector.broadcast %jit3A_290 : f32 to vector<16xf32>
      %select_n3A_292 = arith.select %gt3A_289, %get3A_150, %broadcast_in_dim3A_291 : vector<16xi1>, vector<16xf32>
      %add3A_293 = arith.addf %add3A_288, %select_n3A_292 : vector<16xf32>
      %gt3A_294 = arith.cmpi sgt, %shift_right_logical3A_185, %get3A_1 : vector<16xi32>
      %jit3A_295 = arith.constant 0.000000e+00 : f32
      %broadcast_in_dim3A_296 = vector.broadcast %jit3A_295 : f32 to vector<16xf32>
      %select_n3A_297 = arith.select %gt3A_294, %get3A_154, %broadcast_in_dim3A_296 : vector<16xi1>, vector<16xf32>
      %add3A_298 = arith.addf %add3A_293, %select_n3A_297 : vector<16xf32>
      %gt3A_299 = arith.cmpi sgt, %shift_right_logical3A_188, %get3A_1 : vector<16xi32>
      %jit3A_300 = arith.constant 0.000000e+00 : f32
      %broadcast_in_dim3A_301 = vector.broadcast %jit3A_300 : f32 to vector<16xf32>
      %select_n3A_302 = arith.select %gt3A_299, %get3A_158, %broadcast_in_dim3A_301 : vector<16xi1>, vector<16xf32>
      %add3A_303 = arith.addf %add3A_298, %select_n3A_302 : vector<16xf32>
      scf.yield %add3A_303 : vector<16xf32>
    }
    %scan3A_25 = arith.constant 128 : i32
    %add3A_26 = arith.constant 32768 : i32
    %add3A_27 = arith.addi %mul3A_9, %add3A_26 : i32
    %dma_start3A_28 = tpu.memref_slice %arg2[%add3A_27] : memref<4194304xf32, #tpu.memory_space<hbm>> -> memref<16384xf32, #tpu.memory_space<hbm>>
    %dma_start3A_29 = tpu.memref_slice %arg2[%add3A_27] : memref<4194304xf32, #tpu.memory_space<hbm>> -> memref<16384xf32, #tpu.memory_space<hbm>>
    tpu.enqueue_dma source(%dma_start3A_29 : memref<16384xf32, #tpu.memory_space<hbm>>) target(%arg6 : memref<16384xf32, #tpu.memory_space<vmem>>) target_semaphore(%arg11 : memref<!tpu.dma_semaphore, #tpu.memory_space<semaphore_mem>>)
    %dma_wait3A_30 = tpu.memref_slice %arg2[%add3A_16] : memref<4194304xf32, #tpu.memory_space<hbm>> -> memref<16384xf32, #tpu.memory_space<hbm>>
    %dma_wait3A_31 = tpu.memref_slice %arg2[%add3A_16] : memref<4194304xf32, #tpu.memory_space<hbm>> -> memref<16384xf32, #tpu.memory_space<hbm>>
    tpu.wait_dma2 semaphore(%arg12 : memref<!tpu.dma_semaphore, #tpu.memory_space<semaphore_mem>>) src(%dma_wait3A_31 : memref<16384xf32, #tpu.memory_space<hbm>>) dst(%arg7 : memref<16384xf32, #tpu.memory_space<vmem>>)
    %scan3A_32 = arith.constant 0 : i32
    %scan3A_33 = arith.constant 128 : i32
    %scan3A_34 = arith.addi %scan3A_32, %scan3A_33 : i32
    %scan3A_35 = arith.constant 1 : i32
    %scan3A_36 = scf.for %scan3A_123 = %scan3A_32 to %scan3A_34 step %scan3A_35 iter_args(%scan3A_124 = %scan3A_24) -> (vector<16xf32>)  : i32 {
      %mul3A_125 = arith.constant 128 : i32
      %mul3A_126 = arith.muli %scan3A_123, %mul3A_125 : i32
      %add3A_127 = arith.constant 0 : i32
      %add3A_128 = arith.addi %mul3A_126, %add3A_127 : i32
      %get3A_129 = arith.index_cast %add3A_128 : i32 to index
      %get3A_130 = tpu.vector_load %arg7[%get3A_129] {strides = array<i32>} : memref<16384xf32, #tpu.memory_space<vmem>>, vector<16xf32>,
      %add3A_131 = arith.constant 16 : i32
      %add3A_132 = arith.addi %mul3A_126, %add3A_131 : i32
      %get3A_133 = arith.index_cast %add3A_132 : i32 to index
      %get3A_134 = tpu.vector_load %arg7[%get3A_133] {strides = array<i32>} : memref<16384xf32, #tpu.memory_space<vmem>>, vector<16xf32>,
      %add3A_135 = arith.constant 32 : i32
      %add3A_136 = arith.addi %mul3A_126, %add3A_135 : i32
      %get3A_137 = arith.index_cast %add3A_136 : i32 to index
      %get3A_138 = tpu.vector_load %arg7[%get3A_137] {strides = array<i32>} : memref<16384xf32, #tpu.memory_space<vmem>>, vector<16xf32>,
      %add3A_139 = arith.constant 48 : i32
      %add3A_140 = arith.addi %mul3A_126, %add3A_139 : i32
      %get3A_141 = arith.index_cast %add3A_140 : i32 to index
      %get3A_142 = tpu.vector_load %arg7[%get3A_141] {strides = array<i32>} : memref<16384xf32, #tpu.memory_space<vmem>>, vector<16xf32>,
      %add3A_143 = arith.constant 64 : i32
      %add3A_144 = arith.addi %mul3A_126, %add3A_143 : i32
      %get3A_145 = arith.index_cast %add3A_144 : i32 to index
      %get3A_146 = tpu.vector_load %arg7[%get3A_145] {strides = array<i32>} : memref<16384xf32, #tpu.memory_space<vmem>>, vector<16xf32>,
      %add3A_147 = arith.constant 80 : i32
      %add3A_148 = arith.addi %mul3A_126, %add3A_147 : i32
      %get3A_149 = arith.index_cast %add3A_148 : i32 to index
      %get3A_150 = tpu.vector_load %arg7[%get3A_149] {strides = array<i32>} : memref<16384xf32, #tpu.memory_space<vmem>>, vector<16xf32>,
      %add3A_151 = arith.constant 96 : i32
      %add3A_152 = arith.addi %mul3A_126, %add3A_151 : i32
      %get3A_153 = arith.index_cast %add3A_152 : i32 to index
      %get3A_154 = tpu.vector_load %arg7[%get3A_153] {strides = array<i32>} : memref<16384xf32, #tpu.memory_space<vmem>>, vector<16xf32>,
      %add3A_155 = arith.constant 112 : i32
      %add3A_156 = arith.addi %mul3A_126, %add3A_155 : i32
      %get3A_157 = arith.index_cast %add3A_156 : i32 to index
      %get3A_158 = tpu.vector_load %arg7[%get3A_157] {strides = array<i32>} : memref<16384xf32, #tpu.memory_space<vmem>>, vector<16xf32>,
      %bitcast_convert_type3A = tpu.bitcast %get3A_130 : vector<16xf32> -> vector<16xi32>
      %bitcast_convert_type3A_159 = tpu.bitcast %get3A_134 : vector<16xf32> -> vector<16xi32>
      %bitcast_convert_type3A_160 = tpu.bitcast %get3A_138 : vector<16xf32> -> vector<16xi32>
      %bitcast_convert_type3A_161 = tpu.bitcast %get3A_142 : vector<16xf32> -> vector<16xi32>
      %bitcast_convert_type3A_162 = tpu.bitcast %get3A_146 : vector<16xf32> -> vector<16xi32>
      %bitcast_convert_type3A_163 = tpu.bitcast %get3A_150 : vector<16xf32> -> vector<16xi32>
      %bitcast_convert_type3A_164 = tpu.bitcast %get3A_154 : vector<16xf32> -> vector<16xi32>
      %bitcast_convert_type3A_165 = tpu.bitcast %get3A_158 : vector<16xf32> -> vector<16xi32>
      %shift_right_logical3A = arith.constant 16 : i32
      %shift_right_logical3A_166 = vector.broadcast %shift_right_logical3A : i32 to vector<16xi32>
      %shift_right_logical3A_167 = arith.shrui %bitcast_convert_type3A, %shift_right_logical3A_166 : vector<16xi32>
      %shift_right_logical3A_168 = arith.constant 16 : i32
      %shift_right_logical3A_169 = vector.broadcast %shift_right_logical3A_168 : i32 to vector<16xi32>
      %shift_right_logical3A_170 = arith.shrui %bitcast_convert_type3A_159, %shift_right_logical3A_169 : vector<16xi32>
      %shift_right_logical3A_171 = arith.constant 16 : i32
      %shift_right_logical3A_172 = vector.broadcast %shift_right_logical3A_171 : i32 to vector<16xi32>
      %shift_right_logical3A_173 = arith.shrui %bitcast_convert_type3A_160, %shift_right_logical3A_172 : vector<16xi32>
      %shift_right_logical3A_174 = arith.constant 16 : i32
      %shift_right_logical3A_175 = vector.broadcast %shift_right_logical3A_174 : i32 to vector<16xi32>
      %shift_right_logical3A_176 = arith.shrui %bitcast_convert_type3A_161, %shift_right_logical3A_175 : vector<16xi32>
      %shift_right_logical3A_177 = arith.constant 16 : i32
      %shift_right_logical3A_178 = vector.broadcast %shift_right_logical3A_177 : i32 to vector<16xi32>
      %shift_right_logical3A_179 = arith.shrui %bitcast_convert_type3A_162, %shift_right_logical3A_178 : vector<16xi32>
      %shift_right_logical3A_180 = arith.constant 16 : i32
      %shift_right_logical3A_181 = vector.broadcast %shift_right_logical3A_180 : i32 to vector<16xi32>
      %shift_right_logical3A_182 = arith.shrui %bitcast_convert_type3A_163, %shift_right_logical3A_181 : vector<16xi32>
      %shift_right_logical3A_183 = arith.constant 16 : i32
      %shift_right_logical3A_184 = vector.broadcast %shift_right_logical3A_183 : i32 to vector<16xi32>
      %shift_right_logical3A_185 = arith.shrui %bitcast_convert_type3A_164, %shift_right_logical3A_184 : vector<16xi32>
      %shift_right_logical3A_186 = arith.constant 16 : i32
      %shift_right_logical3A_187 = vector.broadcast %shift_right_logical3A_186 : i32 to vector<16xi32>
      %shift_right_logical3A_188 = arith.shrui %bitcast_convert_type3A_165, %shift_right_logical3A_187 : vector<16xi32>
      %shift_right_logical3A_189 = arith.constant 7 : i32
      %shift_right_logical3A_190 = vector.broadcast %shift_right_logical3A_189 : i32 to vector<16xi32>
      %shift_right_logical3A_191 = arith.shrui %bitcast_convert_type3A, %shift_right_logical3A_190 : vector<16xi32>
      %and3A = arith.constant 511 : i32
      %and3A_192 = vector.broadcast %and3A : i32 to vector<16xi32>
      %and3A_193 = arith.andi %shift_right_logical3A_191, %and3A_192 : vector<16xi32>
      %shift_right_logical3A_194 = arith.constant 7 : i32
      %shift_right_logical3A_195 = vector.broadcast %shift_right_logical3A_194 : i32 to vector<16xi32>
      %shift_right_logical3A_196 = arith.shrui %bitcast_convert_type3A_159, %shift_right_logical3A_195 : vector<16xi32>
      %and3A_197 = arith.constant 511 : i32
      %and3A_198 = vector.broadcast %and3A_197 : i32 to vector<16xi32>
      %and3A_199 = arith.andi %shift_right_logical3A_196, %and3A_198 : vector<16xi32>
      %shift_right_logical3A_200 = arith.constant 7 : i32
      %shift_right_logical3A_201 = vector.broadcast %shift_right_logical3A_200 : i32 to vector<16xi32>
      %shift_right_logical3A_202 = arith.shrui %bitcast_convert_type3A_160, %shift_right_logical3A_201 : vector<16xi32>
      %and3A_203 = arith.constant 511 : i32
      %and3A_204 = vector.broadcast %and3A_203 : i32 to vector<16xi32>
      %and3A_205 = arith.andi %shift_right_logical3A_202, %and3A_204 : vector<16xi32>
      %shift_right_logical3A_206 = arith.constant 7 : i32
      %shift_right_logical3A_207 = vector.broadcast %shift_right_logical3A_206 : i32 to vector<16xi32>
      %shift_right_logical3A_208 = arith.shrui %bitcast_convert_type3A_161, %shift_right_logical3A_207 : vector<16xi32>
      %and3A_209 = arith.constant 511 : i32
      %and3A_210 = vector.broadcast %and3A_209 : i32 to vector<16xi32>
      %and3A_211 = arith.andi %shift_right_logical3A_208, %and3A_210 : vector<16xi32>
      %shift_right_logical3A_212 = arith.constant 7 : i32
      %shift_right_logical3A_213 = vector.broadcast %shift_right_logical3A_212 : i32 to vector<16xi32>
      %shift_right_logical3A_214 = arith.shrui %bitcast_convert_type3A_162, %shift_right_logical3A_213 : vector<16xi32>
      %and3A_215 = arith.constant 511 : i32
      %and3A_216 = vector.broadcast %and3A_215 : i32 to vector<16xi32>
      %and3A_217 = arith.andi %shift_right_logical3A_214, %and3A_216 : vector<16xi32>
      %shift_right_logical3A_218 = arith.constant 7 : i32
      %shift_right_logical3A_219 = vector.broadcast %shift_right_logical3A_218 : i32 to vector<16xi32>
      %shift_right_logical3A_220 = arith.shrui %bitcast_convert_type3A_163, %shift_right_logical3A_219 : vector<16xi32>
      %and3A_221 = arith.constant 511 : i32
      %and3A_222 = vector.broadcast %and3A_221 : i32 to vector<16xi32>
      %and3A_223 = arith.andi %shift_right_logical3A_220, %and3A_222 : vector<16xi32>
      %shift_right_logical3A_224 = arith.constant 7 : i32
      %shift_right_logical3A_225 = vector.broadcast %shift_right_logical3A_224 : i32 to vector<16xi32>
      %shift_right_logical3A_226 = arith.shrui %bitcast_convert_type3A_164, %shift_right_logical3A_225 : vector<16xi32>
      %and3A_227 = arith.constant 511 : i32
      %and3A_228 = vector.broadcast %and3A_227 : i32 to vector<16xi32>
      %and3A_229 = arith.andi %shift_right_logical3A_226, %and3A_228 : vector<16xi32>
      %shift_right_logical3A_230 = arith.constant 7 : i32
      %shift_right_logical3A_231 = vector.broadcast %shift_right_logical3A_230 : i32 to vector<16xi32>
      %shift_right_logical3A_232 = arith.shrui %bitcast_convert_type3A_165, %shift_right_logical3A_231 : vector<16xi32>
      %and3A_233 = arith.constant 511 : i32
      %and3A_234 = vector.broadcast %and3A_233 : i32 to vector<16xi32>
      %and3A_235 = arith.andi %shift_right_logical3A_232, %and3A_234 : vector<16xi32>
      %and3A_236 = arith.constant 127 : i32
      %and3A_237 = vector.broadcast %and3A_236 : i32 to vector<16xi32>
      %and3A_238 = arith.andi %bitcast_convert_type3A, %and3A_237 : vector<16xi32>
      %and3A_239 = arith.constant 127 : i32
      %and3A_240 = vector.broadcast %and3A_239 : i32 to vector<16xi32>
      %and3A_241 = arith.andi %bitcast_convert_type3A_159, %and3A_240 : vector<16xi32>
      %and3A_242 = arith.constant 127 : i32
      %and3A_243 = vector.broadcast %and3A_242 : i32 to vector<16xi32>
      %and3A_244 = arith.andi %bitcast_convert_type3A_160, %and3A_243 : vector<16xi32>
      %and3A_245 = arith.constant 127 : i32
      %and3A_246 = vector.broadcast %and3A_245 : i32 to vector<16xi32>
      %and3A_247 = arith.andi %bitcast_convert_type3A_161, %and3A_246 : vector<16xi32>
      %and3A_248 = arith.constant 127 : i32
      %and3A_249 = vector.broadcast %and3A_248 : i32 to vector<16xi32>
      %and3A_250 = arith.andi %bitcast_convert_type3A_162, %and3A_249 : vector<16xi32>
      %and3A_251 = arith.constant 127 : i32
      %and3A_252 = vector.broadcast %and3A_251 : i32 to vector<16xi32>
      %and3A_253 = arith.andi %bitcast_convert_type3A_163, %and3A_252 : vector<16xi32>
      %and3A_254 = arith.constant 127 : i32
      %and3A_255 = vector.broadcast %and3A_254 : i32 to vector<16xi32>
      %and3A_256 = arith.andi %bitcast_convert_type3A_164, %and3A_255 : vector<16xi32>
      %and3A_257 = arith.constant 127 : i32
      %and3A_258 = vector.broadcast %and3A_257 : i32 to vector<16xi32>
      %and3A_259 = arith.andi %bitcast_convert_type3A_165, %and3A_258 : vector<16xi32>
      %eq3A = arith.cmpi eq, %shift_right_logical3A_167, %get3A_1 : vector<16xi32>
      %eq3A_260 = arith.cmpi eq, %shift_right_logical3A_170, %get3A_1 : vector<16xi32>
      %eq3A_261 = arith.cmpi eq, %shift_right_logical3A_173, %get3A_1 : vector<16xi32>
      %eq3A_262 = arith.cmpi eq, %shift_right_logical3A_176, %get3A_1 : vector<16xi32>
      %eq3A_263 = arith.cmpi eq, %shift_right_logical3A_179, %get3A_1 : vector<16xi32>
      %eq3A_264 = arith.cmpi eq, %shift_right_logical3A_182, %get3A_1 : vector<16xi32>
      %eq3A_265 = arith.cmpi eq, %shift_right_logical3A_185, %get3A_1 : vector<16xi32>
      %eq3A_266 = arith.cmpi eq, %shift_right_logical3A_188, %get3A_1 : vector<16xi32>
      tpu.vector_store_idx %arg8[%and3A_193, %and3A_238], %broadcast_in_dim3A_11 masked %eq3A {add = true} : memref<512x128xi32, #tpu.memory_space<vmem>>[vector<16xi32>, vector<16xi32>], vector<16xi32>, vector<16xi1>
      tpu.vector_store_idx %arg8[%and3A_199, %and3A_241], %broadcast_in_dim3A_11 masked %eq3A_260 {add = true} : memref<512x128xi32, #tpu.memory_space<vmem>>[vector<16xi32>, vector<16xi32>], vector<16xi32>, vector<16xi1>
      tpu.vector_store_idx %arg8[%and3A_205, %and3A_244], %broadcast_in_dim3A_11 masked %eq3A_261 {add = true} : memref<512x128xi32, #tpu.memory_space<vmem>>[vector<16xi32>, vector<16xi32>], vector<16xi32>, vector<16xi1>
      tpu.vector_store_idx %arg8[%and3A_211, %and3A_247], %broadcast_in_dim3A_11 masked %eq3A_262 {add = true} : memref<512x128xi32, #tpu.memory_space<vmem>>[vector<16xi32>, vector<16xi32>], vector<16xi32>, vector<16xi1>
      tpu.vector_store_idx %arg8[%and3A_217, %and3A_250], %broadcast_in_dim3A_11 masked %eq3A_263 {add = true} : memref<512x128xi32, #tpu.memory_space<vmem>>[vector<16xi32>, vector<16xi32>], vector<16xi32>, vector<16xi1>
      tpu.vector_store_idx %arg8[%and3A_223, %and3A_253], %broadcast_in_dim3A_11 masked %eq3A_264 {add = true} : memref<512x128xi32, #tpu.memory_space<vmem>>[vector<16xi32>, vector<16xi32>], vector<16xi32>, vector<16xi1>
      tpu.vector_store_idx %arg8[%and3A_229, %and3A_256], %broadcast_in_dim3A_11 masked %eq3A_265 {add = true} : memref<512x128xi32, #tpu.memory_space<vmem>>[vector<16xi32>, vector<16xi32>], vector<16xi32>, vector<16xi1>
      tpu.vector_store_idx %arg8[%and3A_235, %and3A_259], %broadcast_in_dim3A_11 masked %eq3A_266 {add = true} : memref<512x128xi32, #tpu.memory_space<vmem>>[vector<16xi32>, vector<16xi32>], vector<16xi32>, vector<16xi1>
      %gt3A = arith.cmpi sgt, %shift_right_logical3A_167, %get3A_1 : vector<16xi32>
      %jit3A = arith.constant 0.000000e+00 : f32
      %broadcast_in_dim3A_267 = vector.broadcast %jit3A : f32 to vector<16xf32>
      %select_n3A = arith.select %gt3A, %get3A_130, %broadcast_in_dim3A_267 : vector<16xi1>, vector<16xf32>
      %add3A_268 = arith.addf %scan3A_124, %select_n3A : vector<16xf32>
      %gt3A_269 = arith.cmpi sgt, %shift_right_logical3A_170, %get3A_1 : vector<16xi32>
      %jit3A_270 = arith.constant 0.000000e+00 : f32
      %broadcast_in_dim3A_271 = vector.broadcast %jit3A_270 : f32 to vector<16xf32>
      %select_n3A_272 = arith.select %gt3A_269, %get3A_134, %broadcast_in_dim3A_271 : vector<16xi1>, vector<16xf32>
      %add3A_273 = arith.addf %add3A_268, %select_n3A_272 : vector<16xf32>
      %gt3A_274 = arith.cmpi sgt, %shift_right_logical3A_173, %get3A_1 : vector<16xi32>
      %jit3A_275 = arith.constant 0.000000e+00 : f32
      %broadcast_in_dim3A_276 = vector.broadcast %jit3A_275 : f32 to vector<16xf32>
      %select_n3A_277 = arith.select %gt3A_274, %get3A_138, %broadcast_in_dim3A_276 : vector<16xi1>, vector<16xf32>
      %add3A_278 = arith.addf %add3A_273, %select_n3A_277 : vector<16xf32>
      %gt3A_279 = arith.cmpi sgt, %shift_right_logical3A_176, %get3A_1 : vector<16xi32>
      %jit3A_280 = arith.constant 0.000000e+00 : f32
      %broadcast_in_dim3A_281 = vector.broadcast %jit3A_280 : f32 to vector<16xf32>
      %select_n3A_282 = arith.select %gt3A_279, %get3A_142, %broadcast_in_dim3A_281 : vector<16xi1>, vector<16xf32>
      %add3A_283 = arith.addf %add3A_278, %select_n3A_282 : vector<16xf32>
      %gt3A_284 = arith.cmpi sgt, %shift_right_logical3A_179, %get3A_1 : vector<16xi32>
      %jit3A_285 = arith.constant 0.000000e+00 : f32
      %broadcast_in_dim3A_286 = vector.broadcast %jit3A_285 : f32 to vector<16xf32>
      %select_n3A_287 = arith.select %gt3A_284, %get3A_146, %broadcast_in_dim3A_286 : vector<16xi1>, vector<16xf32>
      %add3A_288 = arith.addf %add3A_283, %select_n3A_287 : vector<16xf32>
      %gt3A_289 = arith.cmpi sgt, %shift_right_logical3A_182, %get3A_1 : vector<16xi32>
      %jit3A_290 = arith.constant 0.000000e+00 : f32
      %broadcast_in_dim3A_291 = vector.broadcast %jit3A_290 : f32 to vector<16xf32>
      %select_n3A_292 = arith.select %gt3A_289, %get3A_150, %broadcast_in_dim3A_291 : vector<16xi1>, vector<16xf32>
      %add3A_293 = arith.addf %add3A_288, %select_n3A_292 : vector<16xf32>
      %gt3A_294 = arith.cmpi sgt, %shift_right_logical3A_185, %get3A_1 : vector<16xi32>
      %jit3A_295 = arith.constant 0.000000e+00 : f32
      %broadcast_in_dim3A_296 = vector.broadcast %jit3A_295 : f32 to vector<16xf32>
      %select_n3A_297 = arith.select %gt3A_294, %get3A_154, %broadcast_in_dim3A_296 : vector<16xi1>, vector<16xf32>
      %add3A_298 = arith.addf %add3A_293, %select_n3A_297 : vector<16xf32>
      %gt3A_299 = arith.cmpi sgt, %shift_right_logical3A_188, %get3A_1 : vector<16xi32>
      %jit3A_300 = arith.constant 0.000000e+00 : f32
      %broadcast_in_dim3A_301 = vector.broadcast %jit3A_300 : f32 to vector<16xf32>
      %select_n3A_302 = arith.select %gt3A_299, %get3A_158, %broadcast_in_dim3A_301 : vector<16xi1>, vector<16xf32>
      %add3A_303 = arith.addf %add3A_298, %select_n3A_302 : vector<16xf32>
      scf.yield %add3A_303 : vector<16xf32>
    }
    %scan3A_37 = arith.constant 128 : i32
    %add3A_38 = arith.constant 49152 : i32
    %add3A_39 = arith.addi %mul3A_9, %add3A_38 : i32
    %dma_start3A_40 = tpu.memref_slice %arg2[%add3A_39] : memref<4194304xf32, #tpu.memory_space<hbm>> -> memref<16384xf32, #tpu.memory_space<hbm>>
    %dma_start3A_41 = tpu.memref_slice %arg2[%add3A_39] : memref<4194304xf32, #tpu.memory_space<hbm>> -> memref<16384xf32, #tpu.memory_space<hbm>>
    tpu.enqueue_dma source(%dma_start3A_41 : memref<16384xf32, #tpu.memory_space<hbm>>) target(%arg7 : memref<16384xf32, #tpu.memory_space<vmem>>) target_semaphore(%arg12 : memref<!tpu.dma_semaphore, #tpu.memory_space<semaphore_mem>>)
    %dma_wait3A_42 = tpu.memref_slice %arg2[%add3A_27] : memref<4194304xf32, #tpu.memory_space<hbm>> -> memref<16384xf32, #tpu.memory_space<hbm>>
    %dma_wait3A_43 = tpu.memref_slice %arg2[%add3A_27] : memref<4194304xf32, #tpu.memory_space<hbm>> -> memref<16384xf32, #tpu.memory_space<hbm>>
    tpu.wait_dma2 semaphore(%arg11 : memref<!tpu.dma_semaphore, #tpu.memory_space<semaphore_mem>>) src(%dma_wait3A_43 : memref<16384xf32, #tpu.memory_space<hbm>>) dst(%arg6 : memref<16384xf32, #tpu.memory_space<vmem>>)
    %scan3A_44 = arith.constant 0 : i32
    %scan3A_45 = arith.constant 128 : i32
    %scan3A_46 = arith.addi %scan3A_44, %scan3A_45 : i32
    %scan3A_47 = arith.constant 1 : i32
    %scan3A_48 = scf.for %scan3A_123 = %scan3A_44 to %scan3A_46 step %scan3A_47 iter_args(%scan3A_124 = %scan3A_36) -> (vector<16xf32>)  : i32 {
      %mul3A_125 = arith.constant 128 : i32
      %mul3A_126 = arith.muli %scan3A_123, %mul3A_125 : i32
      %add3A_127 = arith.constant 0 : i32
      %add3A_128 = arith.addi %mul3A_126, %add3A_127 : i32
      %get3A_129 = arith.index_cast %add3A_128 : i32 to index
      %get3A_130 = tpu.vector_load %arg6[%get3A_129] {strides = array<i32>} : memref<16384xf32, #tpu.memory_space<vmem>>, vector<16xf32>,
      %add3A_131 = arith.constant 16 : i32
      %add3A_132 = arith.addi %mul3A_126, %add3A_131 : i32
      %get3A_133 = arith.index_cast %add3A_132 : i32 to index
      %get3A_134 = tpu.vector_load %arg6[%get3A_133] {strides = array<i32>} : memref<16384xf32, #tpu.memory_space<vmem>>, vector<16xf32>,
      %add3A_135 = arith.constant 32 : i32
      %add3A_136 = arith.addi %mul3A_126, %add3A_135 : i32
      %get3A_137 = arith.index_cast %add3A_136 : i32 to index
      %get3A_138 = tpu.vector_load %arg6[%get3A_137] {strides = array<i32>} : memref<16384xf32, #tpu.memory_space<vmem>>, vector<16xf32>,
      %add3A_139 = arith.constant 48 : i32
      %add3A_140 = arith.addi %mul3A_126, %add3A_139 : i32
      %get3A_141 = arith.index_cast %add3A_140 : i32 to index
      %get3A_142 = tpu.vector_load %arg6[%get3A_141] {strides = array<i32>} : memref<16384xf32, #tpu.memory_space<vmem>>, vector<16xf32>,
      %add3A_143 = arith.constant 64 : i32
      %add3A_144 = arith.addi %mul3A_126, %add3A_143 : i32
      %get3A_145 = arith.index_cast %add3A_144 : i32 to index
      %get3A_146 = tpu.vector_load %arg6[%get3A_145] {strides = array<i32>} : memref<16384xf32, #tpu.memory_space<vmem>>, vector<16xf32>,
      %add3A_147 = arith.constant 80 : i32
      %add3A_148 = arith.addi %mul3A_126, %add3A_147 : i32
      %get3A_149 = arith.index_cast %add3A_148 : i32 to index
      %get3A_150 = tpu.vector_load %arg6[%get3A_149] {strides = array<i32>} : memref<16384xf32, #tpu.memory_space<vmem>>, vector<16xf32>,
      %add3A_151 = arith.constant 96 : i32
      %add3A_152 = arith.addi %mul3A_126, %add3A_151 : i32
      %get3A_153 = arith.index_cast %add3A_152 : i32 to index
      %get3A_154 = tpu.vector_load %arg6[%get3A_153] {strides = array<i32>} : memref<16384xf32, #tpu.memory_space<vmem>>, vector<16xf32>,
      %add3A_155 = arith.constant 112 : i32
      %add3A_156 = arith.addi %mul3A_126, %add3A_155 : i32
      %get3A_157 = arith.index_cast %add3A_156 : i32 to index
      %get3A_158 = tpu.vector_load %arg6[%get3A_157] {strides = array<i32>} : memref<16384xf32, #tpu.memory_space<vmem>>, vector<16xf32>,
      %bitcast_convert_type3A = tpu.bitcast %get3A_130 : vector<16xf32> -> vector<16xi32>
      %bitcast_convert_type3A_159 = tpu.bitcast %get3A_134 : vector<16xf32> -> vector<16xi32>
      %bitcast_convert_type3A_160 = tpu.bitcast %get3A_138 : vector<16xf32> -> vector<16xi32>
      %bitcast_convert_type3A_161 = tpu.bitcast %get3A_142 : vector<16xf32> -> vector<16xi32>
      %bitcast_convert_type3A_162 = tpu.bitcast %get3A_146 : vector<16xf32> -> vector<16xi32>
      %bitcast_convert_type3A_163 = tpu.bitcast %get3A_150 : vector<16xf32> -> vector<16xi32>
      %bitcast_convert_type3A_164 = tpu.bitcast %get3A_154 : vector<16xf32> -> vector<16xi32>
      %bitcast_convert_type3A_165 = tpu.bitcast %get3A_158 : vector<16xf32> -> vector<16xi32>
      %shift_right_logical3A = arith.constant 16 : i32
      %shift_right_logical3A_166 = vector.broadcast %shift_right_logical3A : i32 to vector<16xi32>
      %shift_right_logical3A_167 = arith.shrui %bitcast_convert_type3A, %shift_right_logical3A_166 : vector<16xi32>
      %shift_right_logical3A_168 = arith.constant 16 : i32
      %shift_right_logical3A_169 = vector.broadcast %shift_right_logical3A_168 : i32 to vector<16xi32>
      %shift_right_logical3A_170 = arith.shrui %bitcast_convert_type3A_159, %shift_right_logical3A_169 : vector<16xi32>
      %shift_right_logical3A_171 = arith.constant 16 : i32
      %shift_right_logical3A_172 = vector.broadcast %shift_right_logical3A_171 : i32 to vector<16xi32>
      %shift_right_logical3A_173 = arith.shrui %bitcast_convert_type3A_160, %shift_right_logical3A_172 : vector<16xi32>
      %shift_right_logical3A_174 = arith.constant 16 : i32
      %shift_right_logical3A_175 = vector.broadcast %shift_right_logical3A_174 : i32 to vector<16xi32>
      %shift_right_logical3A_176 = arith.shrui %bitcast_convert_type3A_161, %shift_right_logical3A_175 : vector<16xi32>
      %shift_right_logical3A_177 = arith.constant 16 : i32
      %shift_right_logical3A_178 = vector.broadcast %shift_right_logical3A_177 : i32 to vector<16xi32>
      %shift_right_logical3A_179 = arith.shrui %bitcast_convert_type3A_162, %shift_right_logical3A_178 : vector<16xi32>
      %shift_right_logical3A_180 = arith.constant 16 : i32
      %shift_right_logical3A_181 = vector.broadcast %shift_right_logical3A_180 : i32 to vector<16xi32>
      %shift_right_logical3A_182 = arith.shrui %bitcast_convert_type3A_163, %shift_right_logical3A_181 : vector<16xi32>
      %shift_right_logical3A_183 = arith.constant 16 : i32
      %shift_right_logical3A_184 = vector.broadcast %shift_right_logical3A_183 : i32 to vector<16xi32>
      %shift_right_logical3A_185 = arith.shrui %bitcast_convert_type3A_164, %shift_right_logical3A_184 : vector<16xi32>
      %shift_right_logical3A_186 = arith.constant 16 : i32
      %shift_right_logical3A_187 = vector.broadcast %shift_right_logical3A_186 : i32 to vector<16xi32>
      %shift_right_logical3A_188 = arith.shrui %bitcast_convert_type3A_165, %shift_right_logical3A_187 : vector<16xi32>
      %shift_right_logical3A_189 = arith.constant 7 : i32
      %shift_right_logical3A_190 = vector.broadcast %shift_right_logical3A_189 : i32 to vector<16xi32>
      %shift_right_logical3A_191 = arith.shrui %bitcast_convert_type3A, %shift_right_logical3A_190 : vector<16xi32>
      %and3A = arith.constant 511 : i32
      %and3A_192 = vector.broadcast %and3A : i32 to vector<16xi32>
      %and3A_193 = arith.andi %shift_right_logical3A_191, %and3A_192 : vector<16xi32>
      %shift_right_logical3A_194 = arith.constant 7 : i32
      %shift_right_logical3A_195 = vector.broadcast %shift_right_logical3A_194 : i32 to vector<16xi32>
      %shift_right_logical3A_196 = arith.shrui %bitcast_convert_type3A_159, %shift_right_logical3A_195 : vector<16xi32>
      %and3A_197 = arith.constant 511 : i32
      %and3A_198 = vector.broadcast %and3A_197 : i32 to vector<16xi32>
      %and3A_199 = arith.andi %shift_right_logical3A_196, %and3A_198 : vector<16xi32>
      %shift_right_logical3A_200 = arith.constant 7 : i32
      %shift_right_logical3A_201 = vector.broadcast %shift_right_logical3A_200 : i32 to vector<16xi32>
      %shift_right_logical3A_202 = arith.shrui %bitcast_convert_type3A_160, %shift_right_logical3A_201 : vector<16xi32>
      %and3A_203 = arith.constant 511 : i32
      %and3A_204 = vector.broadcast %and3A_203 : i32 to vector<16xi32>
      %and3A_205 = arith.andi %shift_right_logical3A_202, %and3A_204 : vector<16xi32>
      %shift_right_logical3A_206 = arith.constant 7 : i32
      %shift_right_logical3A_207 = vector.broadcast %shift_right_logical3A_206 : i32 to vector<16xi32>
      %shift_right_logical3A_208 = arith.shrui %bitcast_convert_type3A_161, %shift_right_logical3A_207 : vector<16xi32>
      %and3A_209 = arith.constant 511 : i32
      %and3A_210 = vector.broadcast %and3A_209 : i32 to vector<16xi32>
      %and3A_211 = arith.andi %shift_right_logical3A_208, %and3A_210 : vector<16xi32>
      %shift_right_logical3A_212 = arith.constant 7 : i32
      %shift_right_logical3A_213 = vector.broadcast %shift_right_logical3A_212 : i32 to vector<16xi32>
      %shift_right_logical3A_214 = arith.shrui %bitcast_convert_type3A_162, %shift_right_logical3A_213 : vector<16xi32>
      %and3A_215 = arith.constant 511 : i32
      %and3A_216 = vector.broadcast %and3A_215 : i32 to vector<16xi32>
      %and3A_217 = arith.andi %shift_right_logical3A_214, %and3A_216 : vector<16xi32>
      %shift_right_logical3A_218 = arith.constant 7 : i32
      %shift_right_logical3A_219 = vector.broadcast %shift_right_logical3A_218 : i32 to vector<16xi32>
      %shift_right_logical3A_220 = arith.shrui %bitcast_convert_type3A_163, %shift_right_logical3A_219 : vector<16xi32>
      %and3A_221 = arith.constant 511 : i32
      %and3A_222 = vector.broadcast %and3A_221 : i32 to vector<16xi32>
      %and3A_223 = arith.andi %shift_right_logical3A_220, %and3A_222 : vector<16xi32>
      %shift_right_logical3A_224 = arith.constant 7 : i32
      %shift_right_logical3A_225 = vector.broadcast %shift_right_logical3A_224 : i32 to vector<16xi32>
      %shift_right_logical3A_226 = arith.shrui %bitcast_convert_type3A_164, %shift_right_logical3A_225 : vector<16xi32>
      %and3A_227 = arith.constant 511 : i32
      %and3A_228 = vector.broadcast %and3A_227 : i32 to vector<16xi32>
      %and3A_229 = arith.andi %shift_right_logical3A_226, %and3A_228 : vector<16xi32>
      %shift_right_logical3A_230 = arith.constant 7 : i32
      %shift_right_logical3A_231 = vector.broadcast %shift_right_logical3A_230 : i32 to vector<16xi32>
      %shift_right_logical3A_232 = arith.shrui %bitcast_convert_type3A_165, %shift_right_logical3A_231 : vector<16xi32>
      %and3A_233 = arith.constant 511 : i32
      %and3A_234 = vector.broadcast %and3A_233 : i32 to vector<16xi32>
      %and3A_235 = arith.andi %shift_right_logical3A_232, %and3A_234 : vector<16xi32>
      %and3A_236 = arith.constant 127 : i32
      %and3A_237 = vector.broadcast %and3A_236 : i32 to vector<16xi32>
      %and3A_238 = arith.andi %bitcast_convert_type3A, %and3A_237 : vector<16xi32>
      %and3A_239 = arith.constant 127 : i32
      %and3A_240 = vector.broadcast %and3A_239 : i32 to vector<16xi32>
      %and3A_241 = arith.andi %bitcast_convert_type3A_159, %and3A_240 : vector<16xi32>
      %and3A_242 = arith.constant 127 : i32
      %and3A_243 = vector.broadcast %and3A_242 : i32 to vector<16xi32>
      %and3A_244 = arith.andi %bitcast_convert_type3A_160, %and3A_243 : vector<16xi32>
      %and3A_245 = arith.constant 127 : i32
      %and3A_246 = vector.broadcast %and3A_245 : i32 to vector<16xi32>
      %and3A_247 = arith.andi %bitcast_convert_type3A_161, %and3A_246 : vector<16xi32>
      %and3A_248 = arith.constant 127 : i32
      %and3A_249 = vector.broadcast %and3A_248 : i32 to vector<16xi32>
      %and3A_250 = arith.andi %bitcast_convert_type3A_162, %and3A_249 : vector<16xi32>
      %and3A_251 = arith.constant 127 : i32
      %and3A_252 = vector.broadcast %and3A_251 : i32 to vector<16xi32>
      %and3A_253 = arith.andi %bitcast_convert_type3A_163, %and3A_252 : vector<16xi32>
      %and3A_254 = arith.constant 127 : i32
      %and3A_255 = vector.broadcast %and3A_254 : i32 to vector<16xi32>
      %and3A_256 = arith.andi %bitcast_convert_type3A_164, %and3A_255 : vector<16xi32>
      %and3A_257 = arith.constant 127 : i32
      %and3A_258 = vector.broadcast %and3A_257 : i32 to vector<16xi32>
      %and3A_259 = arith.andi %bitcast_convert_type3A_165, %and3A_258 : vector<16xi32>
      %eq3A = arith.cmpi eq, %shift_right_logical3A_167, %get3A_1 : vector<16xi32>
      %eq3A_260 = arith.cmpi eq, %shift_right_logical3A_170, %get3A_1 : vector<16xi32>
      %eq3A_261 = arith.cmpi eq, %shift_right_logical3A_173, %get3A_1 : vector<16xi32>
      %eq3A_262 = arith.cmpi eq, %shift_right_logical3A_176, %get3A_1 : vector<16xi32>
      %eq3A_263 = arith.cmpi eq, %shift_right_logical3A_179, %get3A_1 : vector<16xi32>
      %eq3A_264 = arith.cmpi eq, %shift_right_logical3A_182, %get3A_1 : vector<16xi32>
      %eq3A_265 = arith.cmpi eq, %shift_right_logical3A_185, %get3A_1 : vector<16xi32>
      %eq3A_266 = arith.cmpi eq, %shift_right_logical3A_188, %get3A_1 : vector<16xi32>
      tpu.vector_store_idx %arg8[%and3A_193, %and3A_238], %broadcast_in_dim3A_11 masked %eq3A {add = true} : memref<512x128xi32, #tpu.memory_space<vmem>>[vector<16xi32>, vector<16xi32>], vector<16xi32>, vector<16xi1>
      tpu.vector_store_idx %arg8[%and3A_199, %and3A_241], %broadcast_in_dim3A_11 masked %eq3A_260 {add = true} : memref<512x128xi32, #tpu.memory_space<vmem>>[vector<16xi32>, vector<16xi32>], vector<16xi32>, vector<16xi1>
      tpu.vector_store_idx %arg8[%and3A_205, %and3A_244], %broadcast_in_dim3A_11 masked %eq3A_261 {add = true} : memref<512x128xi32, #tpu.memory_space<vmem>>[vector<16xi32>, vector<16xi32>], vector<16xi32>, vector<16xi1>
      tpu.vector_store_idx %arg8[%and3A_211, %and3A_247], %broadcast_in_dim3A_11 masked %eq3A_262 {add = true} : memref<512x128xi32, #tpu.memory_space<vmem>>[vector<16xi32>, vector<16xi32>], vector<16xi32>, vector<16xi1>
      tpu.vector_store_idx %arg8[%and3A_217, %and3A_250], %broadcast_in_dim3A_11 masked %eq3A_263 {add = true} : memref<512x128xi32, #tpu.memory_space<vmem>>[vector<16xi32>, vector<16xi32>], vector<16xi32>, vector<16xi1>
      tpu.vector_store_idx %arg8[%and3A_223, %and3A_253], %broadcast_in_dim3A_11 masked %eq3A_264 {add = true} : memref<512x128xi32, #tpu.memory_space<vmem>>[vector<16xi32>, vector<16xi32>], vector<16xi32>, vector<16xi1>
      tpu.vector_store_idx %arg8[%and3A_229, %and3A_256], %broadcast_in_dim3A_11 masked %eq3A_265 {add = true} : memref<512x128xi32, #tpu.memory_space<vmem>>[vector<16xi32>, vector<16xi32>], vector<16xi32>, vector<16xi1>
      tpu.vector_store_idx %arg8[%and3A_235, %and3A_259], %broadcast_in_dim3A_11 masked %eq3A_266 {add = true} : memref<512x128xi32, #tpu.memory_space<vmem>>[vector<16xi32>, vector<16xi32>], vector<16xi32>, vector<16xi1>
      %gt3A = arith.cmpi sgt, %shift_right_logical3A_167, %get3A_1 : vector<16xi32>
      %jit3A = arith.constant 0.000000e+00 : f32
      %broadcast_in_dim3A_267 = vector.broadcast %jit3A : f32 to vector<16xf32>
      %select_n3A = arith.select %gt3A, %get3A_130, %broadcast_in_dim3A_267 : vector<16xi1>, vector<16xf32>
      %add3A_268 = arith.addf %scan3A_124, %select_n3A : vector<16xf32>
      %gt3A_269 = arith.cmpi sgt, %shift_right_logical3A_170, %get3A_1 : vector<16xi32>
      %jit3A_270 = arith.constant 0.000000e+00 : f32
      %broadcast_in_dim3A_271 = vector.broadcast %jit3A_270 : f32 to vector<16xf32>
      %select_n3A_272 = arith.select %gt3A_269, %get3A_134, %broadcast_in_dim3A_271 : vector<16xi1>, vector<16xf32>
      %add3A_273 = arith.addf %add3A_268, %select_n3A_272 : vector<16xf32>
      %gt3A_274 = arith.cmpi sgt, %shift_right_logical3A_173, %get3A_1 : vector<16xi32>
      %jit3A_275 = arith.constant 0.000000e+00 : f32
      %broadcast_in_dim3A_276 = vector.broadcast %jit3A_275 : f32 to vector<16xf32>
      %select_n3A_277 = arith.select %gt3A_274, %get3A_138, %broadcast_in_dim3A_276 : vector<16xi1>, vector<16xf32>
      %add3A_278 = arith.addf %add3A_273, %select_n3A_277 : vector<16xf32>
      %gt3A_279 = arith.cmpi sgt, %shift_right_logical3A_176, %get3A_1 : vector<16xi32>
      %jit3A_280 = arith.constant 0.000000e+00 : f32
      %broadcast_in_dim3A_281 = vector.broadcast %jit3A_280 : f32 to vector<16xf32>
      %select_n3A_282 = arith.select %gt3A_279, %get3A_142, %broadcast_in_dim3A_281 : vector<16xi1>, vector<16xf32>
      %add3A_283 = arith.addf %add3A_278, %select_n3A_282 : vector<16xf32>
      %gt3A_284 = arith.cmpi sgt, %shift_right_logical3A_179, %get3A_1 : vector<16xi32>
      %jit3A_285 = arith.constant 0.000000e+00 : f32
      %broadcast_in_dim3A_286 = vector.broadcast %jit3A_285 : f32 to vector<16xf32>
      %select_n3A_287 = arith.select %gt3A_284, %get3A_146, %broadcast_in_dim3A_286 : vector<16xi1>, vector<16xf32>
      %add3A_288 = arith.addf %add3A_283, %select_n3A_287 : vector<16xf32>
      %gt3A_289 = arith.cmpi sgt, %shift_right_logical3A_182, %get3A_1 : vector<16xi32>
      %jit3A_290 = arith.constant 0.000000e+00 : f32
      %broadcast_in_dim3A_291 = vector.broadcast %jit3A_290 : f32 to vector<16xf32>
      %select_n3A_292 = arith.select %gt3A_289, %get3A_150, %broadcast_in_dim3A_291 : vector<16xi1>, vector<16xf32>
      %add3A_293 = arith.addf %add3A_288, %select_n3A_292 : vector<16xf32>
      %gt3A_294 = arith.cmpi sgt, %shift_right_logical3A_185, %get3A_1 : vector<16xi32>
      %jit3A_295 = arith.constant 0.000000e+00 : f32
      %broadcast_in_dim3A_296 = vector.broadcast %jit3A_295 : f32 to vector<16xf32>
      %select_n3A_297 = arith.select %gt3A_294, %get3A_154, %broadcast_in_dim3A_296 : vector<16xi1>, vector<16xf32>
      %add3A_298 = arith.addf %add3A_293, %select_n3A_297 : vector<16xf32>
      %gt3A_299 = arith.cmpi sgt, %shift_right_logical3A_188, %get3A_1 : vector<16xi32>
      %jit3A_300 = arith.constant 0.000000e+00 : f32
      %broadcast_in_dim3A_301 = vector.broadcast %jit3A_300 : f32 to vector<16xf32>
      %select_n3A_302 = arith.select %gt3A_299, %get3A_158, %broadcast_in_dim3A_301 : vector<16xi1>, vector<16xf32>
      %add3A_303 = arith.addf %add3A_298, %select_n3A_302 : vector<16xf32>
      scf.yield %add3A_303 : vector<16xf32>
    }
    %scan3A_49 = arith.constant 128 : i32
    %add3A_50 = arith.constant 65536 : i32
    %add3A_51 = arith.addi %mul3A_9, %add3A_50 : i32
    %dma_start3A_52 = tpu.memref_slice %arg2[%add3A_51] : memref<4194304xf32, #tpu.memory_space<hbm>> -> memref<16384xf32, #tpu.memory_space<hbm>>
    %dma_start3A_53 = tpu.memref_slice %arg2[%add3A_51] : memref<4194304xf32, #tpu.memory_space<hbm>> -> memref<16384xf32, #tpu.memory_space<hbm>>
    tpu.enqueue_dma source(%dma_start3A_53 : memref<16384xf32, #tpu.memory_space<hbm>>) target(%arg6 : memref<16384xf32, #tpu.memory_space<vmem>>) target_semaphore(%arg11 : memref<!tpu.dma_semaphore, #tpu.memory_space<semaphore_mem>>)
    %dma_wait3A_54 = tpu.memref_slice %arg2[%add3A_39] : memref<4194304xf32, #tpu.memory_space<hbm>> -> memref<16384xf32, #tpu.memory_space<hbm>>
    %dma_wait3A_55 = tpu.memref_slice %arg2[%add3A_39] : memref<4194304xf32, #tpu.memory_space<hbm>> -> memref<16384xf32, #tpu.memory_space<hbm>>
    tpu.wait_dma2 semaphore(%arg12 : memref<!tpu.dma_semaphore, #tpu.memory_space<semaphore_mem>>) src(%dma_wait3A_55 : memref<16384xf32, #tpu.memory_space<hbm>>) dst(%arg7 : memref<16384xf32, #tpu.memory_space<vmem>>)
    %scan3A_56 = arith.constant 0 : i32
    %scan3A_57 = arith.constant 128 : i32
    %scan3A_58 = arith.addi %scan3A_56, %scan3A_57 : i32
    %scan3A_59 = arith.constant 1 : i32
    %scan3A_60 = scf.for %scan3A_123 = %scan3A_56 to %scan3A_58 step %scan3A_59 iter_args(%scan3A_124 = %scan3A_48) -> (vector<16xf32>)  : i32 {
      %mul3A_125 = arith.constant 128 : i32
      %mul3A_126 = arith.muli %scan3A_123, %mul3A_125 : i32
      %add3A_127 = arith.constant 0 : i32
      %add3A_128 = arith.addi %mul3A_126, %add3A_127 : i32
      %get3A_129 = arith.index_cast %add3A_128 : i32 to index
      %get3A_130 = tpu.vector_load %arg7[%get3A_129] {strides = array<i32>} : memref<16384xf32, #tpu.memory_space<vmem>>, vector<16xf32>,
      %add3A_131 = arith.constant 16 : i32
      %add3A_132 = arith.addi %mul3A_126, %add3A_131 : i32
      %get3A_133 = arith.index_cast %add3A_132 : i32 to index
      %get3A_134 = tpu.vector_load %arg7[%get3A_133] {strides = array<i32>} : memref<16384xf32, #tpu.memory_space<vmem>>, vector<16xf32>,
      %add3A_135 = arith.constant 32 : i32
      %add3A_136 = arith.addi %mul3A_126, %add3A_135 : i32
      %get3A_137 = arith.index_cast %add3A_136 : i32 to index
      %get3A_138 = tpu.vector_load %arg7[%get3A_137] {strides = array<i32>} : memref<16384xf32, #tpu.memory_space<vmem>>, vector<16xf32>,
      %add3A_139 = arith.constant 48 : i32
      %add3A_140 = arith.addi %mul3A_126, %add3A_139 : i32
      %get3A_141 = arith.index_cast %add3A_140 : i32 to index
      %get3A_142 = tpu.vector_load %arg7[%get3A_141] {strides = array<i32>} : memref<16384xf32, #tpu.memory_space<vmem>>, vector<16xf32>,
      %add3A_143 = arith.constant 64 : i32
      %add3A_144 = arith.addi %mul3A_126, %add3A_143 : i32
      %get3A_145 = arith.index_cast %add3A_144 : i32 to index
      %get3A_146 = tpu.vector_load %arg7[%get3A_145] {strides = array<i32>} : memref<16384xf32, #tpu.memory_space<vmem>>, vector<16xf32>,
      %add3A_147 = arith.constant 80 : i32
      %add3A_148 = arith.addi %mul3A_126, %add3A_147 : i32
      %get3A_149 = arith.index_cast %add3A_148 : i32 to index
      %get3A_150 = tpu.vector_load %arg7[%get3A_149] {strides = array<i32>} : memref<16384xf32, #tpu.memory_space<vmem>>, vector<16xf32>,
      %add3A_151 = arith.constant 96 : i32
      %add3A_152 = arith.addi %mul3A_126, %add3A_151 : i32
      %get3A_153 = arith.index_cast %add3A_152 : i32 to index
      %get3A_154 = tpu.vector_load %arg7[%get3A_153] {strides = array<i32>} : memref<16384xf32, #tpu.memory_space<vmem>>, vector<16xf32>,
      %add3A_155 = arith.constant 112 : i32
      %add3A_156 = arith.addi %mul3A_126, %add3A_155 : i32
      %get3A_157 = arith.index_cast %add3A_156 : i32 to index
      %get3A_158 = tpu.vector_load %arg7[%get3A_157] {strides = array<i32>} : memref<16384xf32, #tpu.memory_space<vmem>>, vector<16xf32>,
      %bitcast_convert_type3A = tpu.bitcast %get3A_130 : vector<16xf32> -> vector<16xi32>
      %bitcast_convert_type3A_159 = tpu.bitcast %get3A_134 : vector<16xf32> -> vector<16xi32>
      %bitcast_convert_type3A_160 = tpu.bitcast %get3A_138 : vector<16xf32> -> vector<16xi32>
      %bitcast_convert_type3A_161 = tpu.bitcast %get3A_142 : vector<16xf32> -> vector<16xi32>
      %bitcast_convert_type3A_162 = tpu.bitcast %get3A_146 : vector<16xf32> -> vector<16xi32>
      %bitcast_convert_type3A_163 = tpu.bitcast %get3A_150 : vector<16xf32> -> vector<16xi32>
      %bitcast_convert_type3A_164 = tpu.bitcast %get3A_154 : vector<16xf32> -> vector<16xi32>
      %bitcast_convert_type3A_165 = tpu.bitcast %get3A_158 : vector<16xf32> -> vector<16xi32>
      %shift_right_logical3A = arith.constant 16 : i32
      %shift_right_logical3A_166 = vector.broadcast %shift_right_logical3A : i32 to vector<16xi32>
      %shift_right_logical3A_167 = arith.shrui %bitcast_convert_type3A, %shift_right_logical3A_166 : vector<16xi32>
      %shift_right_logical3A_168 = arith.constant 16 : i32
      %shift_right_logical3A_169 = vector.broadcast %shift_right_logical3A_168 : i32 to vector<16xi32>
      %shift_right_logical3A_170 = arith.shrui %bitcast_convert_type3A_159, %shift_right_logical3A_169 : vector<16xi32>
      %shift_right_logical3A_171 = arith.constant 16 : i32
      %shift_right_logical3A_172 = vector.broadcast %shift_right_logical3A_171 : i32 to vector<16xi32>
      %shift_right_logical3A_173 = arith.shrui %bitcast_convert_type3A_160, %shift_right_logical3A_172 : vector<16xi32>
      %shift_right_logical3A_174 = arith.constant 16 : i32
      %shift_right_logical3A_175 = vector.broadcast %shift_right_logical3A_174 : i32 to vector<16xi32>
      %shift_right_logical3A_176 = arith.shrui %bitcast_convert_type3A_161, %shift_right_logical3A_175 : vector<16xi32>
      %shift_right_logical3A_177 = arith.constant 16 : i32
      %shift_right_logical3A_178 = vector.broadcast %shift_right_logical3A_177 : i32 to vector<16xi32>
      %shift_right_logical3A_179 = arith.shrui %bitcast_convert_type3A_162, %shift_right_logical3A_178 : vector<16xi32>
      %shift_right_logical3A_180 = arith.constant 16 : i32
      %shift_right_logical3A_181 = vector.broadcast %shift_right_logical3A_180 : i32 to vector<16xi32>
      %shift_right_logical3A_182 = arith.shrui %bitcast_convert_type3A_163, %shift_right_logical3A_181 : vector<16xi32>
      %shift_right_logical3A_183 = arith.constant 16 : i32
      %shift_right_logical3A_184 = vector.broadcast %shift_right_logical3A_183 : i32 to vector<16xi32>
      %shift_right_logical3A_185 = arith.shrui %bitcast_convert_type3A_164, %shift_right_logical3A_184 : vector<16xi32>
      %shift_right_logical3A_186 = arith.constant 16 : i32
      %shift_right_logical3A_187 = vector.broadcast %shift_right_logical3A_186 : i32 to vector<16xi32>
      %shift_right_logical3A_188 = arith.shrui %bitcast_convert_type3A_165, %shift_right_logical3A_187 : vector<16xi32>
      %shift_right_logical3A_189 = arith.constant 7 : i32
      %shift_right_logical3A_190 = vector.broadcast %shift_right_logical3A_189 : i32 to vector<16xi32>
      %shift_right_logical3A_191 = arith.shrui %bitcast_convert_type3A, %shift_right_logical3A_190 : vector<16xi32>
      %and3A = arith.constant 511 : i32
      %and3A_192 = vector.broadcast %and3A : i32 to vector<16xi32>
      %and3A_193 = arith.andi %shift_right_logical3A_191, %and3A_192 : vector<16xi32>
      %shift_right_logical3A_194 = arith.constant 7 : i32
      %shift_right_logical3A_195 = vector.broadcast %shift_right_logical3A_194 : i32 to vector<16xi32>
      %shift_right_logical3A_196 = arith.shrui %bitcast_convert_type3A_159, %shift_right_logical3A_195 : vector<16xi32>
      %and3A_197 = arith.constant 511 : i32
      %and3A_198 = vector.broadcast %and3A_197 : i32 to vector<16xi32>
      %and3A_199 = arith.andi %shift_right_logical3A_196, %and3A_198 : vector<16xi32>
      %shift_right_logical3A_200 = arith.constant 7 : i32
      %shift_right_logical3A_201 = vector.broadcast %shift_right_logical3A_200 : i32 to vector<16xi32>
      %shift_right_logical3A_202 = arith.shrui %bitcast_convert_type3A_160, %shift_right_logical3A_201 : vector<16xi32>
      %and3A_203 = arith.constant 511 : i32
      %and3A_204 = vector.broadcast %and3A_203 : i32 to vector<16xi32>
      %and3A_205 = arith.andi %shift_right_logical3A_202, %and3A_204 : vector<16xi32>
      %shift_right_logical3A_206 = arith.constant 7 : i32
      %shift_right_logical3A_207 = vector.broadcast %shift_right_logical3A_206 : i32 to vector<16xi32>
      %shift_right_logical3A_208 = arith.shrui %bitcast_convert_type3A_161, %shift_right_logical3A_207 : vector<16xi32>
      %and3A_209 = arith.constant 511 : i32
      %and3A_210 = vector.broadcast %and3A_209 : i32 to vector<16xi32>
      %and3A_211 = arith.andi %shift_right_logical3A_208, %and3A_210 : vector<16xi32>
      %shift_right_logical3A_212 = arith.constant 7 : i32
      %shift_right_logical3A_213 = vector.broadcast %shift_right_logical3A_212 : i32 to vector<16xi32>
      %shift_right_logical3A_214 = arith.shrui %bitcast_convert_type3A_162, %shift_right_logical3A_213 : vector<16xi32>
      %and3A_215 = arith.constant 511 : i32
      %and3A_216 = vector.broadcast %and3A_215 : i32 to vector<16xi32>
      %and3A_217 = arith.andi %shift_right_logical3A_214, %and3A_216 : vector<16xi32>
      %shift_right_logical3A_218 = arith.constant 7 : i32
      %shift_right_logical3A_219 = vector.broadcast %shift_right_logical3A_218 : i32 to vector<16xi32>
      %shift_right_logical3A_220 = arith.shrui %bitcast_convert_type3A_163, %shift_right_logical3A_219 : vector<16xi32>
      %and3A_221 = arith.constant 511 : i32
      %and3A_222 = vector.broadcast %and3A_221 : i32 to vector<16xi32>
      %and3A_223 = arith.andi %shift_right_logical3A_220, %and3A_222 : vector<16xi32>
      %shift_right_logical3A_224 = arith.constant 7 : i32
      %shift_right_logical3A_225 = vector.broadcast %shift_right_logical3A_224 : i32 to vector<16xi32>
      %shift_right_logical3A_226 = arith.shrui %bitcast_convert_type3A_164, %shift_right_logical3A_225 : vector<16xi32>
      %and3A_227 = arith.constant 511 : i32
      %and3A_228 = vector.broadcast %and3A_227 : i32 to vector<16xi32>
      %and3A_229 = arith.andi %shift_right_logical3A_226, %and3A_228 : vector<16xi32>
      %shift_right_logical3A_230 = arith.constant 7 : i32
      %shift_right_logical3A_231 = vector.broadcast %shift_right_logical3A_230 : i32 to vector<16xi32>
      %shift_right_logical3A_232 = arith.shrui %bitcast_convert_type3A_165, %shift_right_logical3A_231 : vector<16xi32>
      %and3A_233 = arith.constant 511 : i32
      %and3A_234 = vector.broadcast %and3A_233 : i32 to vector<16xi32>
      %and3A_235 = arith.andi %shift_right_logical3A_232, %and3A_234 : vector<16xi32>
      %and3A_236 = arith.constant 127 : i32
      %and3A_237 = vector.broadcast %and3A_236 : i32 to vector<16xi32>
      %and3A_238 = arith.andi %bitcast_convert_type3A, %and3A_237 : vector<16xi32>
      %and3A_239 = arith.constant 127 : i32
      %and3A_240 = vector.broadcast %and3A_239 : i32 to vector<16xi32>
      %and3A_241 = arith.andi %bitcast_convert_type3A_159, %and3A_240 : vector<16xi32>
      %and3A_242 = arith.constant 127 : i32
      %and3A_243 = vector.broadcast %and3A_242 : i32 to vector<16xi32>
      %and3A_244 = arith.andi %bitcast_convert_type3A_160, %and3A_243 : vector<16xi32>
      %and3A_245 = arith.constant 127 : i32
      %and3A_246 = vector.broadcast %and3A_245 : i32 to vector<16xi32>
      %and3A_247 = arith.andi %bitcast_convert_type3A_161, %and3A_246 : vector<16xi32>
      %and3A_248 = arith.constant 127 : i32
      %and3A_249 = vector.broadcast %and3A_248 : i32 to vector<16xi32>
      %and3A_250 = arith.andi %bitcast_convert_type3A_162, %and3A_249 : vector<16xi32>
      %and3A_251 = arith.constant 127 : i32
      %and3A_252 = vector.broadcast %and3A_251 : i32 to vector<16xi32>
      %and3A_253 = arith.andi %bitcast_convert_type3A_163, %and3A_252 : vector<16xi32>
      %and3A_254 = arith.constant 127 : i32
      %and3A_255 = vector.broadcast %and3A_254 : i32 to vector<16xi32>
      %and3A_256 = arith.andi %bitcast_convert_type3A_164, %and3A_255 : vector<16xi32>
      %and3A_257 = arith.constant 127 : i32
      %and3A_258 = vector.broadcast %and3A_257 : i32 to vector<16xi32>
      %and3A_259 = arith.andi %bitcast_convert_type3A_165, %and3A_258 : vector<16xi32>
      %eq3A = arith.cmpi eq, %shift_right_logical3A_167, %get3A_1 : vector<16xi32>
      %eq3A_260 = arith.cmpi eq, %shift_right_logical3A_170, %get3A_1 : vector<16xi32>
      %eq3A_261 = arith.cmpi eq, %shift_right_logical3A_173, %get3A_1 : vector<16xi32>
      %eq3A_262 = arith.cmpi eq, %shift_right_logical3A_176, %get3A_1 : vector<16xi32>
      %eq3A_263 = arith.cmpi eq, %shift_right_logical3A_179, %get3A_1 : vector<16xi32>
      %eq3A_264 = arith.cmpi eq, %shift_right_logical3A_182, %get3A_1 : vector<16xi32>
      %eq3A_265 = arith.cmpi eq, %shift_right_logical3A_185, %get3A_1 : vector<16xi32>
      %eq3A_266 = arith.cmpi eq, %shift_right_logical3A_188, %get3A_1 : vector<16xi32>
      tpu.vector_store_idx %arg8[%and3A_193, %and3A_238], %broadcast_in_dim3A_11 masked %eq3A {add = true} : memref<512x128xi32, #tpu.memory_space<vmem>>[vector<16xi32>, vector<16xi32>], vector<16xi32>, vector<16xi1>
      tpu.vector_store_idx %arg8[%and3A_199, %and3A_241], %broadcast_in_dim3A_11 masked %eq3A_260 {add = true} : memref<512x128xi32, #tpu.memory_space<vmem>>[vector<16xi32>, vector<16xi32>], vector<16xi32>, vector<16xi1>
      tpu.vector_store_idx %arg8[%and3A_205, %and3A_244], %broadcast_in_dim3A_11 masked %eq3A_261 {add = true} : memref<512x128xi32, #tpu.memory_space<vmem>>[vector<16xi32>, vector<16xi32>], vector<16xi32>, vector<16xi1>
      tpu.vector_store_idx %arg8[%and3A_211, %and3A_247], %broadcast_in_dim3A_11 masked %eq3A_262 {add = true} : memref<512x128xi32, #tpu.memory_space<vmem>>[vector<16xi32>, vector<16xi32>], vector<16xi32>, vector<16xi1>
      tpu.vector_store_idx %arg8[%and3A_217, %and3A_250], %broadcast_in_dim3A_11 masked %eq3A_263 {add = true} : memref<512x128xi32, #tpu.memory_space<vmem>>[vector<16xi32>, vector<16xi32>], vector<16xi32>, vector<16xi1>
      tpu.vector_store_idx %arg8[%and3A_223, %and3A_253], %broadcast_in_dim3A_11 masked %eq3A_264 {add = true} : memref<512x128xi32, #tpu.memory_space<vmem>>[vector<16xi32>, vector<16xi32>], vector<16xi32>, vector<16xi1>
      tpu.vector_store_idx %arg8[%and3A_229, %and3A_256], %broadcast_in_dim3A_11 masked %eq3A_265 {add = true} : memref<512x128xi32, #tpu.memory_space<vmem>>[vector<16xi32>, vector<16xi32>], vector<16xi32>, vector<16xi1>
      tpu.vector_store_idx %arg8[%and3A_235, %and3A_259], %broadcast_in_dim3A_11 masked %eq3A_266 {add = true} : memref<512x128xi32, #tpu.memory_space<vmem>>[vector<16xi32>, vector<16xi32>], vector<16xi32>, vector<16xi1>
      %gt3A = arith.cmpi sgt, %shift_right_logical3A_167, %get3A_1 : vector<16xi32>
      %jit3A = arith.constant 0.000000e+00 : f32
      %broadcast_in_dim3A_267 = vector.broadcast %jit3A : f32 to vector<16xf32>
      %select_n3A = arith.select %gt3A, %get3A_130, %broadcast_in_dim3A_267 : vector<16xi1>, vector<16xf32>
      %add3A_268 = arith.addf %scan3A_124, %select_n3A : vector<16xf32>
      %gt3A_269 = arith.cmpi sgt, %shift_right_logical3A_170, %get3A_1 : vector<16xi32>
      %jit3A_270 = arith.constant 0.000000e+00 : f32
      %broadcast_in_dim3A_271 = vector.broadcast %jit3A_270 : f32 to vector<16xf32>
      %select_n3A_272 = arith.select %gt3A_269, %get3A_134, %broadcast_in_dim3A_271 : vector<16xi1>, vector<16xf32>
      %add3A_273 = arith.addf %add3A_268, %select_n3A_272 : vector<16xf32>
      %gt3A_274 = arith.cmpi sgt, %shift_right_logical3A_173, %get3A_1 : vector<16xi32>
      %jit3A_275 = arith.constant 0.000000e+00 : f32
      %broadcast_in_dim3A_276 = vector.broadcast %jit3A_275 : f32 to vector<16xf32>
      %select_n3A_277 = arith.select %gt3A_274, %get3A_138, %broadcast_in_dim3A_276 : vector<16xi1>, vector<16xf32>
      %add3A_278 = arith.addf %add3A_273, %select_n3A_277 : vector<16xf32>
      %gt3A_279 = arith.cmpi sgt, %shift_right_logical3A_176, %get3A_1 : vector<16xi32>
      %jit3A_280 = arith.constant 0.000000e+00 : f32
      %broadcast_in_dim3A_281 = vector.broadcast %jit3A_280 : f32 to vector<16xf32>
      %select_n3A_282 = arith.select %gt3A_279, %get3A_142, %broadcast_in_dim3A_281 : vector<16xi1>, vector<16xf32>
      %add3A_283 = arith.addf %add3A_278, %select_n3A_282 : vector<16xf32>
      %gt3A_284 = arith.cmpi sgt, %shift_right_logical3A_179, %get3A_1 : vector<16xi32>
      %jit3A_285 = arith.constant 0.000000e+00 : f32
      %broadcast_in_dim3A_286 = vector.broadcast %jit3A_285 : f32 to vector<16xf32>
      %select_n3A_287 = arith.select %gt3A_284, %get3A_146, %broadcast_in_dim3A_286 : vector<16xi1>, vector<16xf32>
      %add3A_288 = arith.addf %add3A_283, %select_n3A_287 : vector<16xf32>
      %gt3A_289 = arith.cmpi sgt, %shift_right_logical3A_182, %get3A_1 : vector<16xi32>
      %jit3A_290 = arith.constant 0.000000e+00 : f32
      %broadcast_in_dim3A_291 = vector.broadcast %jit3A_290 : f32 to vector<16xf32>
      %select_n3A_292 = arith.select %gt3A_289, %get3A_150, %broadcast_in_dim3A_291 : vector<16xi1>, vector<16xf32>
      %add3A_293 = arith.addf %add3A_288, %select_n3A_292 : vector<16xf32>
      %gt3A_294 = arith.cmpi sgt, %shift_right_logical3A_185, %get3A_1 : vector<16xi32>
      %jit3A_295 = arith.constant 0.000000e+00 : f32
      %broadcast_in_dim3A_296 = vector.broadcast %jit3A_295 : f32 to vector<16xf32>
      %select_n3A_297 = arith.select %gt3A_294, %get3A_154, %broadcast_in_dim3A_296 : vector<16xi1>, vector<16xf32>
      %add3A_298 = arith.addf %add3A_293, %select_n3A_297 : vector<16xf32>
      %gt3A_299 = arith.cmpi sgt, %shift_right_logical3A_188, %get3A_1 : vector<16xi32>
      %jit3A_300 = arith.constant 0.000000e+00 : f32
      %broadcast_in_dim3A_301 = vector.broadcast %jit3A_300 : f32 to vector<16xf32>
      %select_n3A_302 = arith.select %gt3A_299, %get3A_158, %broadcast_in_dim3A_301 : vector<16xi1>, vector<16xf32>
      %add3A_303 = arith.addf %add3A_298, %select_n3A_302 : vector<16xf32>
      scf.yield %add3A_303 : vector<16xf32>
    }
    %scan3A_61 = arith.constant 128 : i32
    %add3A_62 = arith.constant 81920 : i32
    %add3A_63 = arith.addi %mul3A_9, %add3A_62 : i32
    %dma_start3A_64 = tpu.memref_slice %arg2[%add3A_63] : memref<4194304xf32, #tpu.memory_space<hbm>> -> memref<16384xf32, #tpu.memory_space<hbm>>
    %dma_start3A_65 = tpu.memref_slice %arg2[%add3A_63] : memref<4194304xf32, #tpu.memory_space<hbm>> -> memref<16384xf32, #tpu.memory_space<hbm>>
    tpu.enqueue_dma source(%dma_start3A_65 : memref<16384xf32, #tpu.memory_space<hbm>>) target(%arg7 : memref<16384xf32, #tpu.memory_space<vmem>>) target_semaphore(%arg12 : memref<!tpu.dma_semaphore, #tpu.memory_space<semaphore_mem>>)
    %dma_wait3A_66 = tpu.memref_slice %arg2[%add3A_51] : memref<4194304xf32, #tpu.memory_space<hbm>> -> memref<16384xf32, #tpu.memory_space<hbm>>
    %dma_wait3A_67 = tpu.memref_slice %arg2[%add3A_51] : memref<4194304xf32, #tpu.memory_space<hbm>> -> memref<16384xf32, #tpu.memory_space<hbm>>
    tpu.wait_dma2 semaphore(%arg11 : memref<!tpu.dma_semaphore, #tpu.memory_space<semaphore_mem>>) src(%dma_wait3A_67 : memref<16384xf32, #tpu.memory_space<hbm>>) dst(%arg6 : memref<16384xf32, #tpu.memory_space<vmem>>)
    %scan3A_68 = arith.constant 0 : i32
    %scan3A_69 = arith.constant 128 : i32
    %scan3A_70 = arith.addi %scan3A_68, %scan3A_69 : i32
    %scan3A_71 = arith.constant 1 : i32
    %scan3A_72 = scf.for %scan3A_123 = %scan3A_68 to %scan3A_70 step %scan3A_71 iter_args(%scan3A_124 = %scan3A_60) -> (vector<16xf32>)  : i32 {
      %mul3A_125 = arith.constant 128 : i32
      %mul3A_126 = arith.muli %scan3A_123, %mul3A_125 : i32
      %add3A_127 = arith.constant 0 : i32
      %add3A_128 = arith.addi %mul3A_126, %add3A_127 : i32
      %get3A_129 = arith.index_cast %add3A_128 : i32 to index
      %get3A_130 = tpu.vector_load %arg6[%get3A_129] {strides = array<i32>} : memref<16384xf32, #tpu.memory_space<vmem>>, vector<16xf32>,
      %add3A_131 = arith.constant 16 : i32
      %add3A_132 = arith.addi %mul3A_126, %add3A_131 : i32
      %get3A_133 = arith.index_cast %add3A_132 : i32 to index
      %get3A_134 = tpu.vector_load %arg6[%get3A_133] {strides = array<i32>} : memref<16384xf32, #tpu.memory_space<vmem>>, vector<16xf32>,
      %add3A_135 = arith.constant 32 : i32
      %add3A_136 = arith.addi %mul3A_126, %add3A_135 : i32
      %get3A_137 = arith.index_cast %add3A_136 : i32 to index
      %get3A_138 = tpu.vector_load %arg6[%get3A_137] {strides = array<i32>} : memref<16384xf32, #tpu.memory_space<vmem>>, vector<16xf32>,
      %add3A_139 = arith.constant 48 : i32
      %add3A_140 = arith.addi %mul3A_126, %add3A_139 : i32
      %get3A_141 = arith.index_cast %add3A_140 : i32 to index
      %get3A_142 = tpu.vector_load %arg6[%get3A_141] {strides = array<i32>} : memref<16384xf32, #tpu.memory_space<vmem>>, vector<16xf32>,
      %add3A_143 = arith.constant 64 : i32
      %add3A_144 = arith.addi %mul3A_126, %add3A_143 : i32
      %get3A_145 = arith.index_cast %add3A_144 : i32 to index
      %get3A_146 = tpu.vector_load %arg6[%get3A_145] {strides = array<i32>} : memref<16384xf32, #tpu.memory_space<vmem>>, vector<16xf32>,
      %add3A_147 = arith.constant 80 : i32
      %add3A_148 = arith.addi %mul3A_126, %add3A_147 : i32
      %get3A_149 = arith.index_cast %add3A_148 : i32 to index
      %get3A_150 = tpu.vector_load %arg6[%get3A_149] {strides = array<i32>} : memref<16384xf32, #tpu.memory_space<vmem>>, vector<16xf32>,
      %add3A_151 = arith.constant 96 : i32
      %add3A_152 = arith.addi %mul3A_126, %add3A_151 : i32
      %get3A_153 = arith.index_cast %add3A_152 : i32 to index
      %get3A_154 = tpu.vector_load %arg6[%get3A_153] {strides = array<i32>} : memref<16384xf32, #tpu.memory_space<vmem>>, vector<16xf32>,
      %add3A_155 = arith.constant 112 : i32
      %add3A_156 = arith.addi %mul3A_126, %add3A_155 : i32
      %get3A_157 = arith.index_cast %add3A_156 : i32 to index
      %get3A_158 = tpu.vector_load %arg6[%get3A_157] {strides = array<i32>} : memref<16384xf32, #tpu.memory_space<vmem>>, vector<16xf32>,
      %bitcast_convert_type3A = tpu.bitcast %get3A_130 : vector<16xf32> -> vector<16xi32>
      %bitcast_convert_type3A_159 = tpu.bitcast %get3A_134 : vector<16xf32> -> vector<16xi32>
      %bitcast_convert_type3A_160 = tpu.bitcast %get3A_138 : vector<16xf32> -> vector<16xi32>
      %bitcast_convert_type3A_161 = tpu.bitcast %get3A_142 : vector<16xf32> -> vector<16xi32>
      %bitcast_convert_type3A_162 = tpu.bitcast %get3A_146 : vector<16xf32> -> vector<16xi32>
      %bitcast_convert_type3A_163 = tpu.bitcast %get3A_150 : vector<16xf32> -> vector<16xi32>
      %bitcast_convert_type3A_164 = tpu.bitcast %get3A_154 : vector<16xf32> -> vector<16xi32>
      %bitcast_convert_type3A_165 = tpu.bitcast %get3A_158 : vector<16xf32> -> vector<16xi32>
      %shift_right_logical3A = arith.constant 16 : i32
      %shift_right_logical3A_166 = vector.broadcast %shift_right_logical3A : i32 to vector<16xi32>
      %shift_right_logical3A_167 = arith.shrui %bitcast_convert_type3A, %shift_right_logical3A_166 : vector<16xi32>
      %shift_right_logical3A_168 = arith.constant 16 : i32
      %shift_right_logical3A_169 = vector.broadcast %shift_right_logical3A_168 : i32 to vector<16xi32>
      %shift_right_logical3A_170 = arith.shrui %bitcast_convert_type3A_159, %shift_right_logical3A_169 : vector<16xi32>
      %shift_right_logical3A_171 = arith.constant 16 : i32
      %shift_right_logical3A_172 = vector.broadcast %shift_right_logical3A_171 : i32 to vector<16xi32>
      %shift_right_logical3A_173 = arith.shrui %bitcast_convert_type3A_160, %shift_right_logical3A_172 : vector<16xi32>
      %shift_right_logical3A_174 = arith.constant 16 : i32
      %shift_right_logical3A_175 = vector.broadcast %shift_right_logical3A_174 : i32 to vector<16xi32>
      %shift_right_logical3A_176 = arith.shrui %bitcast_convert_type3A_161, %shift_right_logical3A_175 : vector<16xi32>
      %shift_right_logical3A_177 = arith.constant 16 : i32
      %shift_right_logical3A_178 = vector.broadcast %shift_right_logical3A_177 : i32 to vector<16xi32>
      %shift_right_logical3A_179 = arith.shrui %bitcast_convert_type3A_162, %shift_right_logical3A_178 : vector<16xi32>
      %shift_right_logical3A_180 = arith.constant 16 : i32
      %shift_right_logical3A_181 = vector.broadcast %shift_right_logical3A_180 : i32 to vector<16xi32>
      %shift_right_logical3A_182 = arith.shrui %bitcast_convert_type3A_163, %shift_right_logical3A_181 : vector<16xi32>
      %shift_right_logical3A_183 = arith.constant 16 : i32
      %shift_right_logical3A_184 = vector.broadcast %shift_right_logical3A_183 : i32 to vector<16xi32>
      %shift_right_logical3A_185 = arith.shrui %bitcast_convert_type3A_164, %shift_right_logical3A_184 : vector<16xi32>
      %shift_right_logical3A_186 = arith.constant 16 : i32
      %shift_right_logical3A_187 = vector.broadcast %shift_right_logical3A_186 : i32 to vector<16xi32>
      %shift_right_logical3A_188 = arith.shrui %bitcast_convert_type3A_165, %shift_right_logical3A_187 : vector<16xi32>
      %shift_right_logical3A_189 = arith.constant 7 : i32
      %shift_right_logical3A_190 = vector.broadcast %shift_right_logical3A_189 : i32 to vector<16xi32>
      %shift_right_logical3A_191 = arith.shrui %bitcast_convert_type3A, %shift_right_logical3A_190 : vector<16xi32>
      %and3A = arith.constant 511 : i32
      %and3A_192 = vector.broadcast %and3A : i32 to vector<16xi32>
      %and3A_193 = arith.andi %shift_right_logical3A_191, %and3A_192 : vector<16xi32>
      %shift_right_logical3A_194 = arith.constant 7 : i32
      %shift_right_logical3A_195 = vector.broadcast %shift_right_logical3A_194 : i32 to vector<16xi32>
      %shift_right_logical3A_196 = arith.shrui %bitcast_convert_type3A_159, %shift_right_logical3A_195 : vector<16xi32>
      %and3A_197 = arith.constant 511 : i32
      %and3A_198 = vector.broadcast %and3A_197 : i32 to vector<16xi32>
      %and3A_199 = arith.andi %shift_right_logical3A_196, %and3A_198 : vector<16xi32>
      %shift_right_logical3A_200 = arith.constant 7 : i32
      %shift_right_logical3A_201 = vector.broadcast %shift_right_logical3A_200 : i32 to vector<16xi32>
      %shift_right_logical3A_202 = arith.shrui %bitcast_convert_type3A_160, %shift_right_logical3A_201 : vector<16xi32>
      %and3A_203 = arith.constant 511 : i32
      %and3A_204 = vector.broadcast %and3A_203 : i32 to vector<16xi32>
      %and3A_205 = arith.andi %shift_right_logical3A_202, %and3A_204 : vector<16xi32>
      %shift_right_logical3A_206 = arith.constant 7 : i32
      %shift_right_logical3A_207 = vector.broadcast %shift_right_logical3A_206 : i32 to vector<16xi32>
      %shift_right_logical3A_208 = arith.shrui %bitcast_convert_type3A_161, %shift_right_logical3A_207 : vector<16xi32>
      %and3A_209 = arith.constant 511 : i32
      %and3A_210 = vector.broadcast %and3A_209 : i32 to vector<16xi32>
      %and3A_211 = arith.andi %shift_right_logical3A_208, %and3A_210 : vector<16xi32>
      %shift_right_logical3A_212 = arith.constant 7 : i32
      %shift_right_logical3A_213 = vector.broadcast %shift_right_logical3A_212 : i32 to vector<16xi32>
      %shift_right_logical3A_214 = arith.shrui %bitcast_convert_type3A_162, %shift_right_logical3A_213 : vector<16xi32>
      %and3A_215 = arith.constant 511 : i32
      %and3A_216 = vector.broadcast %and3A_215 : i32 to vector<16xi32>
      %and3A_217 = arith.andi %shift_right_logical3A_214, %and3A_216 : vector<16xi32>
      %shift_right_logical3A_218 = arith.constant 7 : i32
      %shift_right_logical3A_219 = vector.broadcast %shift_right_logical3A_218 : i32 to vector<16xi32>
      %shift_right_logical3A_220 = arith.shrui %bitcast_convert_type3A_163, %shift_right_logical3A_219 : vector<16xi32>
      %and3A_221 = arith.constant 511 : i32
      %and3A_222 = vector.broadcast %and3A_221 : i32 to vector<16xi32>
      %and3A_223 = arith.andi %shift_right_logical3A_220, %and3A_222 : vector<16xi32>
      %shift_right_logical3A_224 = arith.constant 7 : i32
      %shift_right_logical3A_225 = vector.broadcast %shift_right_logical3A_224 : i32 to vector<16xi32>
      %shift_right_logical3A_226 = arith.shrui %bitcast_convert_type3A_164, %shift_right_logical3A_225 : vector<16xi32>
      %and3A_227 = arith.constant 511 : i32
      %and3A_228 = vector.broadcast %and3A_227 : i32 to vector<16xi32>
      %and3A_229 = arith.andi %shift_right_logical3A_226, %and3A_228 : vector<16xi32>
      %shift_right_logical3A_230 = arith.constant 7 : i32
      %shift_right_logical3A_231 = vector.broadcast %shift_right_logical3A_230 : i32 to vector<16xi32>
      %shift_right_logical3A_232 = arith.shrui %bitcast_convert_type3A_165, %shift_right_logical3A_231 : vector<16xi32>
      %and3A_233 = arith.constant 511 : i32
      %and3A_234 = vector.broadcast %and3A_233 : i32 to vector<16xi32>
      %and3A_235 = arith.andi %shift_right_logical3A_232, %and3A_234 : vector<16xi32>
      %and3A_236 = arith.constant 127 : i32
      %and3A_237 = vector.broadcast %and3A_236 : i32 to vector<16xi32>
      %and3A_238 = arith.andi %bitcast_convert_type3A, %and3A_237 : vector<16xi32>
      %and3A_239 = arith.constant 127 : i32
      %and3A_240 = vector.broadcast %and3A_239 : i32 to vector<16xi32>
      %and3A_241 = arith.andi %bitcast_convert_type3A_159, %and3A_240 : vector<16xi32>
      %and3A_242 = arith.constant 127 : i32
      %and3A_243 = vector.broadcast %and3A_242 : i32 to vector<16xi32>
      %and3A_244 = arith.andi %bitcast_convert_type3A_160, %and3A_243 : vector<16xi32>
      %and3A_245 = arith.constant 127 : i32
      %and3A_246 = vector.broadcast %and3A_245 : i32 to vector<16xi32>
      %and3A_247 = arith.andi %bitcast_convert_type3A_161, %and3A_246 : vector<16xi32>
      %and3A_248 = arith.constant 127 : i32
      %and3A_249 = vector.broadcast %and3A_248 : i32 to vector<16xi32>
      %and3A_250 = arith.andi %bitcast_convert_type3A_162, %and3A_249 : vector<16xi32>
      %and3A_251 = arith.constant 127 : i32
      %and3A_252 = vector.broadcast %and3A_251 : i32 to vector<16xi32>
      %and3A_253 = arith.andi %bitcast_convert_type3A_163, %and3A_252 : vector<16xi32>
      %and3A_254 = arith.constant 127 : i32
      %and3A_255 = vector.broadcast %and3A_254 : i32 to vector<16xi32>
      %and3A_256 = arith.andi %bitcast_convert_type3A_164, %and3A_255 : vector<16xi32>
      %and3A_257 = arith.constant 127 : i32
      %and3A_258 = vector.broadcast %and3A_257 : i32 to vector<16xi32>
      %and3A_259 = arith.andi %bitcast_convert_type3A_165, %and3A_258 : vector<16xi32>
      %eq3A = arith.cmpi eq, %shift_right_logical3A_167, %get3A_1 : vector<16xi32>
      %eq3A_260 = arith.cmpi eq, %shift_right_logical3A_170, %get3A_1 : vector<16xi32>
      %eq3A_261 = arith.cmpi eq, %shift_right_logical3A_173, %get3A_1 : vector<16xi32>
      %eq3A_262 = arith.cmpi eq, %shift_right_logical3A_176, %get3A_1 : vector<16xi32>
      %eq3A_263 = arith.cmpi eq, %shift_right_logical3A_179, %get3A_1 : vector<16xi32>
      %eq3A_264 = arith.cmpi eq, %shift_right_logical3A_182, %get3A_1 : vector<16xi32>
      %eq3A_265 = arith.cmpi eq, %shift_right_logical3A_185, %get3A_1 : vector<16xi32>
      %eq3A_266 = arith.cmpi eq, %shift_right_logical3A_188, %get3A_1 : vector<16xi32>
      tpu.vector_store_idx %arg8[%and3A_193, %and3A_238], %broadcast_in_dim3A_11 masked %eq3A {add = true} : memref<512x128xi32, #tpu.memory_space<vmem>>[vector<16xi32>, vector<16xi32>], vector<16xi32>, vector<16xi1>
      tpu.vector_store_idx %arg8[%and3A_199, %and3A_241], %broadcast_in_dim3A_11 masked %eq3A_260 {add = true} : memref<512x128xi32, #tpu.memory_space<vmem>>[vector<16xi32>, vector<16xi32>], vector<16xi32>, vector<16xi1>
      tpu.vector_store_idx %arg8[%and3A_205, %and3A_244], %broadcast_in_dim3A_11 masked %eq3A_261 {add = true} : memref<512x128xi32, #tpu.memory_space<vmem>>[vector<16xi32>, vector<16xi32>], vector<16xi32>, vector<16xi1>
      tpu.vector_store_idx %arg8[%and3A_211, %and3A_247], %broadcast_in_dim3A_11 masked %eq3A_262 {add = true} : memref<512x128xi32, #tpu.memory_space<vmem>>[vector<16xi32>, vector<16xi32>], vector<16xi32>, vector<16xi1>
      tpu.vector_store_idx %arg8[%and3A_217, %and3A_250], %broadcast_in_dim3A_11 masked %eq3A_263 {add = true} : memref<512x128xi32, #tpu.memory_space<vmem>>[vector<16xi32>, vector<16xi32>], vector<16xi32>, vector<16xi1>
      tpu.vector_store_idx %arg8[%and3A_223, %and3A_253], %broadcast_in_dim3A_11 masked %eq3A_264 {add = true} : memref<512x128xi32, #tpu.memory_space<vmem>>[vector<16xi32>, vector<16xi32>], vector<16xi32>, vector<16xi1>
      tpu.vector_store_idx %arg8[%and3A_229, %and3A_256], %broadcast_in_dim3A_11 masked %eq3A_265 {add = true} : memref<512x128xi32, #tpu.memory_space<vmem>>[vector<16xi32>, vector<16xi32>], vector<16xi32>, vector<16xi1>
      tpu.vector_store_idx %arg8[%and3A_235, %and3A_259], %broadcast_in_dim3A_11 masked %eq3A_266 {add = true} : memref<512x128xi32, #tpu.memory_space<vmem>>[vector<16xi32>, vector<16xi32>], vector<16xi32>, vector<16xi1>
      %gt3A = arith.cmpi sgt, %shift_right_logical3A_167, %get3A_1 : vector<16xi32>
      %jit3A = arith.constant 0.000000e+00 : f32
      %broadcast_in_dim3A_267 = vector.broadcast %jit3A : f32 to vector<16xf32>
      %select_n3A = arith.select %gt3A, %get3A_130, %broadcast_in_dim3A_267 : vector<16xi1>, vector<16xf32>
      %add3A_268 = arith.addf %scan3A_124, %select_n3A : vector<16xf32>
      %gt3A_269 = arith.cmpi sgt, %shift_right_logical3A_170, %get3A_1 : vector<16xi32>
      %jit3A_270 = arith.constant 0.000000e+00 : f32
      %broadcast_in_dim3A_271 = vector.broadcast %jit3A_270 : f32 to vector<16xf32>
      %select_n3A_272 = arith.select %gt3A_269, %get3A_134, %broadcast_in_dim3A_271 : vector<16xi1>, vector<16xf32>
      %add3A_273 = arith.addf %add3A_268, %select_n3A_272 : vector<16xf32>
      %gt3A_274 = arith.cmpi sgt, %shift_right_logical3A_173, %get3A_1 : vector<16xi32>
      %jit3A_275 = arith.constant 0.000000e+00 : f32
      %broadcast_in_dim3A_276 = vector.broadcast %jit3A_275 : f32 to vector<16xf32>
      %select_n3A_277 = arith.select %gt3A_274, %get3A_138, %broadcast_in_dim3A_276 : vector<16xi1>, vector<16xf32>
      %add3A_278 = arith.addf %add3A_273, %select_n3A_277 : vector<16xf32>
      %gt3A_279 = arith.cmpi sgt, %shift_right_logical3A_176, %get3A_1 : vector<16xi32>
      %jit3A_280 = arith.constant 0.000000e+00 : f32
      %broadcast_in_dim3A_281 = vector.broadcast %jit3A_280 : f32 to vector<16xf32>
      %select_n3A_282 = arith.select %gt3A_279, %get3A_142, %broadcast_in_dim3A_281 : vector<16xi1>, vector<16xf32>
      %add3A_283 = arith.addf %add3A_278, %select_n3A_282 : vector<16xf32>
      %gt3A_284 = arith.cmpi sgt, %shift_right_logical3A_179, %get3A_1 : vector<16xi32>
      %jit3A_285 = arith.constant 0.000000e+00 : f32
      %broadcast_in_dim3A_286 = vector.broadcast %jit3A_285 : f32 to vector<16xf32>
      %select_n3A_287 = arith.select %gt3A_284, %get3A_146, %broadcast_in_dim3A_286 : vector<16xi1>, vector<16xf32>
      %add3A_288 = arith.addf %add3A_283, %select_n3A_287 : vector<16xf32>
      %gt3A_289 = arith.cmpi sgt, %shift_right_logical3A_182, %get3A_1 : vector<16xi32>
      %jit3A_290 = arith.constant 0.000000e+00 : f32
      %broadcast_in_dim3A_291 = vector.broadcast %jit3A_290 : f32 to vector<16xf32>
      %select_n3A_292 = arith.select %gt3A_289, %get3A_150, %broadcast_in_dim3A_291 : vector<16xi1>, vector<16xf32>
      %add3A_293 = arith.addf %add3A_288, %select_n3A_292 : vector<16xf32>
      %gt3A_294 = arith.cmpi sgt, %shift_right_logical3A_185, %get3A_1 : vector<16xi32>
      %jit3A_295 = arith.constant 0.000000e+00 : f32
      %broadcast_in_dim3A_296 = vector.broadcast %jit3A_295 : f32 to vector<16xf32>
      %select_n3A_297 = arith.select %gt3A_294, %get3A_154, %broadcast_in_dim3A_296 : vector<16xi1>, vector<16xf32>
      %add3A_298 = arith.addf %add3A_293, %select_n3A_297 : vector<16xf32>
      %gt3A_299 = arith.cmpi sgt, %shift_right_logical3A_188, %get3A_1 : vector<16xi32>
      %jit3A_300 = arith.constant 0.000000e+00 : f32
      %broadcast_in_dim3A_301 = vector.broadcast %jit3A_300 : f32 to vector<16xf32>
      %select_n3A_302 = arith.select %gt3A_299, %get3A_158, %broadcast_in_dim3A_301 : vector<16xi1>, vector<16xf32>
      %add3A_303 = arith.addf %add3A_298, %select_n3A_302 : vector<16xf32>
      scf.yield %add3A_303 : vector<16xf32>
    }
    %scan3A_73 = arith.constant 128 : i32
    %add3A_74 = arith.constant 98304 : i32
    %add3A_75 = arith.addi %mul3A_9, %add3A_74 : i32
    %dma_start3A_76 = tpu.memref_slice %arg2[%add3A_75] : memref<4194304xf32, #tpu.memory_space<hbm>> -> memref<16384xf32, #tpu.memory_space<hbm>>
    %dma_start3A_77 = tpu.memref_slice %arg2[%add3A_75] : memref<4194304xf32, #tpu.memory_space<hbm>> -> memref<16384xf32, #tpu.memory_space<hbm>>
    tpu.enqueue_dma source(%dma_start3A_77 : memref<16384xf32, #tpu.memory_space<hbm>>) target(%arg6 : memref<16384xf32, #tpu.memory_space<vmem>>) target_semaphore(%arg11 : memref<!tpu.dma_semaphore, #tpu.memory_space<semaphore_mem>>)
    %dma_wait3A_78 = tpu.memref_slice %arg2[%add3A_63] : memref<4194304xf32, #tpu.memory_space<hbm>> -> memref<16384xf32, #tpu.memory_space<hbm>>
    %dma_wait3A_79 = tpu.memref_slice %arg2[%add3A_63] : memref<4194304xf32, #tpu.memory_space<hbm>> -> memref<16384xf32, #tpu.memory_space<hbm>>
    tpu.wait_dma2 semaphore(%arg12 : memref<!tpu.dma_semaphore, #tpu.memory_space<semaphore_mem>>) src(%dma_wait3A_79 : memref<16384xf32, #tpu.memory_space<hbm>>) dst(%arg7 : memref<16384xf32, #tpu.memory_space<vmem>>)
    %scan3A_80 = arith.constant 0 : i32
    %scan3A_81 = arith.constant 128 : i32
    %scan3A_82 = arith.addi %scan3A_80, %scan3A_81 : i32
    %scan3A_83 = arith.constant 1 : i32
    %scan3A_84 = scf.for %scan3A_123 = %scan3A_80 to %scan3A_82 step %scan3A_83 iter_args(%scan3A_124 = %scan3A_72) -> (vector<16xf32>)  : i32 {
      %mul3A_125 = arith.constant 128 : i32
      %mul3A_126 = arith.muli %scan3A_123, %mul3A_125 : i32
      %add3A_127 = arith.constant 0 : i32
      %add3A_128 = arith.addi %mul3A_126, %add3A_127 : i32
      %get3A_129 = arith.index_cast %add3A_128 : i32 to index
      %get3A_130 = tpu.vector_load %arg7[%get3A_129] {strides = array<i32>} : memref<16384xf32, #tpu.memory_space<vmem>>, vector<16xf32>,
      %add3A_131 = arith.constant 16 : i32
      %add3A_132 = arith.addi %mul3A_126, %add3A_131 : i32
      %get3A_133 = arith.index_cast %add3A_132 : i32 to index
      %get3A_134 = tpu.vector_load %arg7[%get3A_133] {strides = array<i32>} : memref<16384xf32, #tpu.memory_space<vmem>>, vector<16xf32>,
      %add3A_135 = arith.constant 32 : i32
      %add3A_136 = arith.addi %mul3A_126, %add3A_135 : i32
      %get3A_137 = arith.index_cast %add3A_136 : i32 to index
      %get3A_138 = tpu.vector_load %arg7[%get3A_137] {strides = array<i32>} : memref<16384xf32, #tpu.memory_space<vmem>>, vector<16xf32>,
      %add3A_139 = arith.constant 48 : i32
      %add3A_140 = arith.addi %mul3A_126, %add3A_139 : i32
      %get3A_141 = arith.index_cast %add3A_140 : i32 to index
      %get3A_142 = tpu.vector_load %arg7[%get3A_141] {strides = array<i32>} : memref<16384xf32, #tpu.memory_space<vmem>>, vector<16xf32>,
      %add3A_143 = arith.constant 64 : i32
      %add3A_144 = arith.addi %mul3A_126, %add3A_143 : i32
      %get3A_145 = arith.index_cast %add3A_144 : i32 to index
      %get3A_146 = tpu.vector_load %arg7[%get3A_145] {strides = array<i32>} : memref<16384xf32, #tpu.memory_space<vmem>>, vector<16xf32>,
      %add3A_147 = arith.constant 80 : i32
      %add3A_148 = arith.addi %mul3A_126, %add3A_147 : i32
      %get3A_149 = arith.index_cast %add3A_148 : i32 to index
      %get3A_150 = tpu.vector_load %arg7[%get3A_149] {strides = array<i32>} : memref<16384xf32, #tpu.memory_space<vmem>>, vector<16xf32>,
      %add3A_151 = arith.constant 96 : i32
      %add3A_152 = arith.addi %mul3A_126, %add3A_151 : i32
      %get3A_153 = arith.index_cast %add3A_152 : i32 to index
      %get3A_154 = tpu.vector_load %arg7[%get3A_153] {strides = array<i32>} : memref<16384xf32, #tpu.memory_space<vmem>>, vector<16xf32>,
      %add3A_155 = arith.constant 112 : i32
      %add3A_156 = arith.addi %mul3A_126, %add3A_155 : i32
      %get3A_157 = arith.index_cast %add3A_156 : i32 to index
      %get3A_158 = tpu.vector_load %arg7[%get3A_157] {strides = array<i32>} : memref<16384xf32, #tpu.memory_space<vmem>>, vector<16xf32>,
      %bitcast_convert_type3A = tpu.bitcast %get3A_130 : vector<16xf32> -> vector<16xi32>
      %bitcast_convert_type3A_159 = tpu.bitcast %get3A_134 : vector<16xf32> -> vector<16xi32>
      %bitcast_convert_type3A_160 = tpu.bitcast %get3A_138 : vector<16xf32> -> vector<16xi32>
      %bitcast_convert_type3A_161 = tpu.bitcast %get3A_142 : vector<16xf32> -> vector<16xi32>
      %bitcast_convert_type3A_162 = tpu.bitcast %get3A_146 : vector<16xf32> -> vector<16xi32>
      %bitcast_convert_type3A_163 = tpu.bitcast %get3A_150 : vector<16xf32> -> vector<16xi32>
      %bitcast_convert_type3A_164 = tpu.bitcast %get3A_154 : vector<16xf32> -> vector<16xi32>
      %bitcast_convert_type3A_165 = tpu.bitcast %get3A_158 : vector<16xf32> -> vector<16xi32>
      %shift_right_logical3A = arith.constant 16 : i32
      %shift_right_logical3A_166 = vector.broadcast %shift_right_logical3A : i32 to vector<16xi32>
      %shift_right_logical3A_167 = arith.shrui %bitcast_convert_type3A, %shift_right_logical3A_166 : vector<16xi32>
      %shift_right_logical3A_168 = arith.constant 16 : i32
      %shift_right_logical3A_169 = vector.broadcast %shift_right_logical3A_168 : i32 to vector<16xi32>
      %shift_right_logical3A_170 = arith.shrui %bitcast_convert_type3A_159, %shift_right_logical3A_169 : vector<16xi32>
      %shift_right_logical3A_171 = arith.constant 16 : i32
      %shift_right_logical3A_172 = vector.broadcast %shift_right_logical3A_171 : i32 to vector<16xi32>
      %shift_right_logical3A_173 = arith.shrui %bitcast_convert_type3A_160, %shift_right_logical3A_172 : vector<16xi32>
      %shift_right_logical3A_174 = arith.constant 16 : i32
      %shift_right_logical3A_175 = vector.broadcast %shift_right_logical3A_174 : i32 to vector<16xi32>
      %shift_right_logical3A_176 = arith.shrui %bitcast_convert_type3A_161, %shift_right_logical3A_175 : vector<16xi32>
      %shift_right_logical3A_177 = arith.constant 16 : i32
      %shift_right_logical3A_178 = vector.broadcast %shift_right_logical3A_177 : i32 to vector<16xi32>
      %shift_right_logical3A_179 = arith.shrui %bitcast_convert_type3A_162, %shift_right_logical3A_178 : vector<16xi32>
      %shift_right_logical3A_180 = arith.constant 16 : i32
      %shift_right_logical3A_181 = vector.broadcast %shift_right_logical3A_180 : i32 to vector<16xi32>
      %shift_right_logical3A_182 = arith.shrui %bitcast_convert_type3A_163, %shift_right_logical3A_181 : vector<16xi32>
      %shift_right_logical3A_183 = arith.constant 16 : i32
      %shift_right_logical3A_184 = vector.broadcast %shift_right_logical3A_183 : i32 to vector<16xi32>
      %shift_right_logical3A_185 = arith.shrui %bitcast_convert_type3A_164, %shift_right_logical3A_184 : vector<16xi32>
      %shift_right_logical3A_186 = arith.constant 16 : i32
      %shift_right_logical3A_187 = vector.broadcast %shift_right_logical3A_186 : i32 to vector<16xi32>
      %shift_right_logical3A_188 = arith.shrui %bitcast_convert_type3A_165, %shift_right_logical3A_187 : vector<16xi32>
      %shift_right_logical3A_189 = arith.constant 7 : i32
      %shift_right_logical3A_190 = vector.broadcast %shift_right_logical3A_189 : i32 to vector<16xi32>
      %shift_right_logical3A_191 = arith.shrui %bitcast_convert_type3A, %shift_right_logical3A_190 : vector<16xi32>
      %and3A = arith.constant 511 : i32
      %and3A_192 = vector.broadcast %and3A : i32 to vector<16xi32>
      %and3A_193 = arith.andi %shift_right_logical3A_191, %and3A_192 : vector<16xi32>
      %shift_right_logical3A_194 = arith.constant 7 : i32
      %shift_right_logical3A_195 = vector.broadcast %shift_right_logical3A_194 : i32 to vector<16xi32>
      %shift_right_logical3A_196 = arith.shrui %bitcast_convert_type3A_159, %shift_right_logical3A_195 : vector<16xi32>
      %and3A_197 = arith.constant 511 : i32
      %and3A_198 = vector.broadcast %and3A_197 : i32 to vector<16xi32>
      %and3A_199 = arith.andi %shift_right_logical3A_196, %and3A_198 : vector<16xi32>
      %shift_right_logical3A_200 = arith.constant 7 : i32
      %shift_right_logical3A_201 = vector.broadcast %shift_right_logical3A_200 : i32 to vector<16xi32>
      %shift_right_logical3A_202 = arith.shrui %bitcast_convert_type3A_160, %shift_right_logical3A_201 : vector<16xi32>
      %and3A_203 = arith.constant 511 : i32
      %and3A_204 = vector.broadcast %and3A_203 : i32 to vector<16xi32>
      %and3A_205 = arith.andi %shift_right_logical3A_202, %and3A_204 : vector<16xi32>
      %shift_right_logical3A_206 = arith.constant 7 : i32
      %shift_right_logical3A_207 = vector.broadcast %shift_right_logical3A_206 : i32 to vector<16xi32>
      %shift_right_logical3A_208 = arith.shrui %bitcast_convert_type3A_161, %shift_right_logical3A_207 : vector<16xi32>
      %and3A_209 = arith.constant 511 : i32
      %and3A_210 = vector.broadcast %and3A_209 : i32 to vector<16xi32>
      %and3A_211 = arith.andi %shift_right_logical3A_208, %and3A_210 : vector<16xi32>
      %shift_right_logical3A_212 = arith.constant 7 : i32
      %shift_right_logical3A_213 = vector.broadcast %shift_right_logical3A_212 : i32 to vector<16xi32>
      %shift_right_logical3A_214 = arith.shrui %bitcast_convert_type3A_162, %shift_right_logical3A_213 : vector<16xi32>
      %and3A_215 = arith.constant 511 : i32
      %and3A_216 = vector.broadcast %and3A_215 : i32 to vector<16xi32>
      %and3A_217 = arith.andi %shift_right_logical3A_214, %and3A_216 : vector<16xi32>
      %shift_right_logical3A_218 = arith.constant 7 : i32
      %shift_right_logical3A_219 = vector.broadcast %shift_right_logical3A_218 : i32 to vector<16xi32>
      %shift_right_logical3A_220 = arith.shrui %bitcast_convert_type3A_163, %shift_right_logical3A_219 : vector<16xi32>
      %and3A_221 = arith.constant 511 : i32
      %and3A_222 = vector.broadcast %and3A_221 : i32 to vector<16xi32>
      %and3A_223 = arith.andi %shift_right_logical3A_220, %and3A_222 : vector<16xi32>
      %shift_right_logical3A_224 = arith.constant 7 : i32
      %shift_right_logical3A_225 = vector.broadcast %shift_right_logical3A_224 : i32 to vector<16xi32>
      %shift_right_logical3A_226 = arith.shrui %bitcast_convert_type3A_164, %shift_right_logical3A_225 : vector<16xi32>
      %and3A_227 = arith.constant 511 : i32
      %and3A_228 = vector.broadcast %and3A_227 : i32 to vector<16xi32>
      %and3A_229 = arith.andi %shift_right_logical3A_226, %and3A_228 : vector<16xi32>
      %shift_right_logical3A_230 = arith.constant 7 : i32
      %shift_right_logical3A_231 = vector.broadcast %shift_right_logical3A_230 : i32 to vector<16xi32>
      %shift_right_logical3A_232 = arith.shrui %bitcast_convert_type3A_165, %shift_right_logical3A_231 : vector<16xi32>
      %and3A_233 = arith.constant 511 : i32
      %and3A_234 = vector.broadcast %and3A_233 : i32 to vector<16xi32>
      %and3A_235 = arith.andi %shift_right_logical3A_232, %and3A_234 : vector<16xi32>
      %and3A_236 = arith.constant 127 : i32
      %and3A_237 = vector.broadcast %and3A_236 : i32 to vector<16xi32>
      %and3A_238 = arith.andi %bitcast_convert_type3A, %and3A_237 : vector<16xi32>
      %and3A_239 = arith.constant 127 : i32
      %and3A_240 = vector.broadcast %and3A_239 : i32 to vector<16xi32>
      %and3A_241 = arith.andi %bitcast_convert_type3A_159, %and3A_240 : vector<16xi32>
      %and3A_242 = arith.constant 127 : i32
      %and3A_243 = vector.broadcast %and3A_242 : i32 to vector<16xi32>
      %and3A_244 = arith.andi %bitcast_convert_type3A_160, %and3A_243 : vector<16xi32>
      %and3A_245 = arith.constant 127 : i32
      %and3A_246 = vector.broadcast %and3A_245 : i32 to vector<16xi32>
      %and3A_247 = arith.andi %bitcast_convert_type3A_161, %and3A_246 : vector<16xi32>
      %and3A_248 = arith.constant 127 : i32
      %and3A_249 = vector.broadcast %and3A_248 : i32 to vector<16xi32>
      %and3A_250 = arith.andi %bitcast_convert_type3A_162, %and3A_249 : vector<16xi32>
      %and3A_251 = arith.constant 127 : i32
      %and3A_252 = vector.broadcast %and3A_251 : i32 to vector<16xi32>
      %and3A_253 = arith.andi %bitcast_convert_type3A_163, %and3A_252 : vector<16xi32>
      %and3A_254 = arith.constant 127 : i32
      %and3A_255 = vector.broadcast %and3A_254 : i32 to vector<16xi32>
      %and3A_256 = arith.andi %bitcast_convert_type3A_164, %and3A_255 : vector<16xi32>
      %and3A_257 = arith.constant 127 : i32
      %and3A_258 = vector.broadcast %and3A_257 : i32 to vector<16xi32>
      %and3A_259 = arith.andi %bitcast_convert_type3A_165, %and3A_258 : vector<16xi32>
      %eq3A = arith.cmpi eq, %shift_right_logical3A_167, %get3A_1 : vector<16xi32>
      %eq3A_260 = arith.cmpi eq, %shift_right_logical3A_170, %get3A_1 : vector<16xi32>
      %eq3A_261 = arith.cmpi eq, %shift_right_logical3A_173, %get3A_1 : vector<16xi32>
      %eq3A_262 = arith.cmpi eq, %shift_right_logical3A_176, %get3A_1 : vector<16xi32>
      %eq3A_263 = arith.cmpi eq, %shift_right_logical3A_179, %get3A_1 : vector<16xi32>
      %eq3A_264 = arith.cmpi eq, %shift_right_logical3A_182, %get3A_1 : vector<16xi32>
      %eq3A_265 = arith.cmpi eq, %shift_right_logical3A_185, %get3A_1 : vector<16xi32>
      %eq3A_266 = arith.cmpi eq, %shift_right_logical3A_188, %get3A_1 : vector<16xi32>
      tpu.vector_store_idx %arg8[%and3A_193, %and3A_238], %broadcast_in_dim3A_11 masked %eq3A {add = true} : memref<512x128xi32, #tpu.memory_space<vmem>>[vector<16xi32>, vector<16xi32>], vector<16xi32>, vector<16xi1>
      tpu.vector_store_idx %arg8[%and3A_199, %and3A_241], %broadcast_in_dim3A_11 masked %eq3A_260 {add = true} : memref<512x128xi32, #tpu.memory_space<vmem>>[vector<16xi32>, vector<16xi32>], vector<16xi32>, vector<16xi1>
      tpu.vector_store_idx %arg8[%and3A_205, %and3A_244], %broadcast_in_dim3A_11 masked %eq3A_261 {add = true} : memref<512x128xi32, #tpu.memory_space<vmem>>[vector<16xi32>, vector<16xi32>], vector<16xi32>, vector<16xi1>
      tpu.vector_store_idx %arg8[%and3A_211, %and3A_247], %broadcast_in_dim3A_11 masked %eq3A_262 {add = true} : memref<512x128xi32, #tpu.memory_space<vmem>>[vector<16xi32>, vector<16xi32>], vector<16xi32>, vector<16xi1>
      tpu.vector_store_idx %arg8[%and3A_217, %and3A_250], %broadcast_in_dim3A_11 masked %eq3A_263 {add = true} : memref<512x128xi32, #tpu.memory_space<vmem>>[vector<16xi32>, vector<16xi32>], vector<16xi32>, vector<16xi1>
      tpu.vector_store_idx %arg8[%and3A_223, %and3A_253], %broadcast_in_dim3A_11 masked %eq3A_264 {add = true} : memref<512x128xi32, #tpu.memory_space<vmem>>[vector<16xi32>, vector<16xi32>], vector<16xi32>, vector<16xi1>
      tpu.vector_store_idx %arg8[%and3A_229, %and3A_256], %broadcast_in_dim3A_11 masked %eq3A_265 {add = true} : memref<512x128xi32, #tpu.memory_space<vmem>>[vector<16xi32>, vector<16xi32>], vector<16xi32>, vector<16xi1>
      tpu.vector_store_idx %arg8[%and3A_235, %and3A_259], %broadcast_in_dim3A_11 masked %eq3A_266 {add = true} : memref<512x128xi32, #tpu.memory_space<vmem>>[vector<16xi32>, vector<16xi32>], vector<16xi32>, vector<16xi1>
      %gt3A = arith.cmpi sgt, %shift_right_logical3A_167, %get3A_1 : vector<16xi32>
      %jit3A = arith.constant 0.000000e+00 : f32
      %broadcast_in_dim3A_267 = vector.broadcast %jit3A : f32 to vector<16xf32>
      %select_n3A = arith.select %gt3A, %get3A_130, %broadcast_in_dim3A_267 : vector<16xi1>, vector<16xf32>
      %add3A_268 = arith.addf %scan3A_124, %select_n3A : vector<16xf32>
      %gt3A_269 = arith.cmpi sgt, %shift_right_logical3A_170, %get3A_1 : vector<16xi32>
      %jit3A_270 = arith.constant 0.000000e+00 : f32
      %broadcast_in_dim3A_271 = vector.broadcast %jit3A_270 : f32 to vector<16xf32>
      %select_n3A_272 = arith.select %gt3A_269, %get3A_134, %broadcast_in_dim3A_271 : vector<16xi1>, vector<16xf32>
      %add3A_273 = arith.addf %add3A_268, %select_n3A_272 : vector<16xf32>
      %gt3A_274 = arith.cmpi sgt, %shift_right_logical3A_173, %get3A_1 : vector<16xi32>
      %jit3A_275 = arith.constant 0.000000e+00 : f32
      %broadcast_in_dim3A_276 = vector.broadcast %jit3A_275 : f32 to vector<16xf32>
      %select_n3A_277 = arith.select %gt3A_274, %get3A_138, %broadcast_in_dim3A_276 : vector<16xi1>, vector<16xf32>
      %add3A_278 = arith.addf %add3A_273, %select_n3A_277 : vector<16xf32>
      %gt3A_279 = arith.cmpi sgt, %shift_right_logical3A_176, %get3A_1 : vector<16xi32>
      %jit3A_280 = arith.constant 0.000000e+00 : f32
      %broadcast_in_dim3A_281 = vector.broadcast %jit3A_280 : f32 to vector<16xf32>
      %select_n3A_282 = arith.select %gt3A_279, %get3A_142, %broadcast_in_dim3A_281 : vector<16xi1>, vector<16xf32>
      %add3A_283 = arith.addf %add3A_278, %select_n3A_282 : vector<16xf32>
      %gt3A_284 = arith.cmpi sgt, %shift_right_logical3A_179, %get3A_1 : vector<16xi32>
      %jit3A_285 = arith.constant 0.000000e+00 : f32
      %broadcast_in_dim3A_286 = vector.broadcast %jit3A_285 : f32 to vector<16xf32>
      %select_n3A_287 = arith.select %gt3A_284, %get3A_146, %broadcast_in_dim3A_286 : vector<16xi1>, vector<16xf32>
      %add3A_288 = arith.addf %add3A_283, %select_n3A_287 : vector<16xf32>
      %gt3A_289 = arith.cmpi sgt, %shift_right_logical3A_182, %get3A_1 : vector<16xi32>
      %jit3A_290 = arith.constant 0.000000e+00 : f32
      %broadcast_in_dim3A_291 = vector.broadcast %jit3A_290 : f32 to vector<16xf32>
      %select_n3A_292 = arith.select %gt3A_289, %get3A_150, %broadcast_in_dim3A_291 : vector<16xi1>, vector<16xf32>
      %add3A_293 = arith.addf %add3A_288, %select_n3A_292 : vector<16xf32>
      %gt3A_294 = arith.cmpi sgt, %shift_right_logical3A_185, %get3A_1 : vector<16xi32>
      %jit3A_295 = arith.constant 0.000000e+00 : f32
      %broadcast_in_dim3A_296 = vector.broadcast %jit3A_295 : f32 to vector<16xf32>
      %select_n3A_297 = arith.select %gt3A_294, %get3A_154, %broadcast_in_dim3A_296 : vector<16xi1>, vector<16xf32>
      %add3A_298 = arith.addf %add3A_293, %select_n3A_297 : vector<16xf32>
      %gt3A_299 = arith.cmpi sgt, %shift_right_logical3A_188, %get3A_1 : vector<16xi32>
      %jit3A_300 = arith.constant 0.000000e+00 : f32
      %broadcast_in_dim3A_301 = vector.broadcast %jit3A_300 : f32 to vector<16xf32>
      %select_n3A_302 = arith.select %gt3A_299, %get3A_158, %broadcast_in_dim3A_301 : vector<16xi1>, vector<16xf32>
      %add3A_303 = arith.addf %add3A_298, %select_n3A_302 : vector<16xf32>
      scf.yield %add3A_303 : vector<16xf32>
    }
    %scan3A_85 = arith.constant 128 : i32
    %add3A_86 = arith.constant 114688 : i32
    %add3A_87 = arith.addi %mul3A_9, %add3A_86 : i32
    %dma_start3A_88 = tpu.memref_slice %arg2[%add3A_87] : memref<4194304xf32, #tpu.memory_space<hbm>> -> memref<16384xf32, #tpu.memory_space<hbm>>
    %dma_start3A_89 = tpu.memref_slice %arg2[%add3A_87] : memref<4194304xf32, #tpu.memory_space<hbm>> -> memref<16384xf32, #tpu.memory_space<hbm>>
    tpu.enqueue_dma source(%dma_start3A_89 : memref<16384xf32, #tpu.memory_space<hbm>>) target(%arg7 : memref<16384xf32, #tpu.memory_space<vmem>>) target_semaphore(%arg12 : memref<!tpu.dma_semaphore, #tpu.memory_space<semaphore_mem>>)
    %dma_wait3A_90 = tpu.memref_slice %arg2[%add3A_75] : memref<4194304xf32, #tpu.memory_space<hbm>> -> memref<16384xf32, #tpu.memory_space<hbm>>
    %dma_wait3A_91 = tpu.memref_slice %arg2[%add3A_75] : memref<4194304xf32, #tpu.memory_space<hbm>> -> memref<16384xf32, #tpu.memory_space<hbm>>
    tpu.wait_dma2 semaphore(%arg11 : memref<!tpu.dma_semaphore, #tpu.memory_space<semaphore_mem>>) src(%dma_wait3A_91 : memref<16384xf32, #tpu.memory_space<hbm>>) dst(%arg6 : memref<16384xf32, #tpu.memory_space<vmem>>)
    %scan3A_92 = arith.constant 0 : i32
    %scan3A_93 = arith.constant 128 : i32
    %scan3A_94 = arith.addi %scan3A_92, %scan3A_93 : i32
    %scan3A_95 = arith.constant 1 : i32
    %scan3A_96 = scf.for %scan3A_123 = %scan3A_92 to %scan3A_94 step %scan3A_95 iter_args(%scan3A_124 = %scan3A_84) -> (vector<16xf32>)  : i32 {
      %mul3A_125 = arith.constant 128 : i32
      %mul3A_126 = arith.muli %scan3A_123, %mul3A_125 : i32
      %add3A_127 = arith.constant 0 : i32
      %add3A_128 = arith.addi %mul3A_126, %add3A_127 : i32
      %get3A_129 = arith.index_cast %add3A_128 : i32 to index
      %get3A_130 = tpu.vector_load %arg6[%get3A_129] {strides = array<i32>} : memref<16384xf32, #tpu.memory_space<vmem>>, vector<16xf32>,
      %add3A_131 = arith.constant 16 : i32
      %add3A_132 = arith.addi %mul3A_126, %add3A_131 : i32
      %get3A_133 = arith.index_cast %add3A_132 : i32 to index
      %get3A_134 = tpu.vector_load %arg6[%get3A_133] {strides = array<i32>} : memref<16384xf32, #tpu.memory_space<vmem>>, vector<16xf32>,
      %add3A_135 = arith.constant 32 : i32
      %add3A_136 = arith.addi %mul3A_126, %add3A_135 : i32
      %get3A_137 = arith.index_cast %add3A_136 : i32 to index
      %get3A_138 = tpu.vector_load %arg6[%get3A_137] {strides = array<i32>} : memref<16384xf32, #tpu.memory_space<vmem>>, vector<16xf32>,
      %add3A_139 = arith.constant 48 : i32
      %add3A_140 = arith.addi %mul3A_126, %add3A_139 : i32
      %get3A_141 = arith.index_cast %add3A_140 : i32 to index
      %get3A_142 = tpu.vector_load %arg6[%get3A_141] {strides = array<i32>} : memref<16384xf32, #tpu.memory_space<vmem>>, vector<16xf32>,
      %add3A_143 = arith.constant 64 : i32
      %add3A_144 = arith.addi %mul3A_126, %add3A_143 : i32
      %get3A_145 = arith.index_cast %add3A_144 : i32 to index
      %get3A_146 = tpu.vector_load %arg6[%get3A_145] {strides = array<i32>} : memref<16384xf32, #tpu.memory_space<vmem>>, vector<16xf32>,
      %add3A_147 = arith.constant 80 : i32
      %add3A_148 = arith.addi %mul3A_126, %add3A_147 : i32
      %get3A_149 = arith.index_cast %add3A_148 : i32 to index
      %get3A_150 = tpu.vector_load %arg6[%get3A_149] {strides = array<i32>} : memref<16384xf32, #tpu.memory_space<vmem>>, vector<16xf32>,
      %add3A_151 = arith.constant 96 : i32
      %add3A_152 = arith.addi %mul3A_126, %add3A_151 : i32
      %get3A_153 = arith.index_cast %add3A_152 : i32 to index
      %get3A_154 = tpu.vector_load %arg6[%get3A_153] {strides = array<i32>} : memref<16384xf32, #tpu.memory_space<vmem>>, vector<16xf32>,
      %add3A_155 = arith.constant 112 : i32
      %add3A_156 = arith.addi %mul3A_126, %add3A_155 : i32
      %get3A_157 = arith.index_cast %add3A_156 : i32 to index
      %get3A_158 = tpu.vector_load %arg6[%get3A_157] {strides = array<i32>} : memref<16384xf32, #tpu.memory_space<vmem>>, vector<16xf32>,
      %bitcast_convert_type3A = tpu.bitcast %get3A_130 : vector<16xf32> -> vector<16xi32>
      %bitcast_convert_type3A_159 = tpu.bitcast %get3A_134 : vector<16xf32> -> vector<16xi32>
      %bitcast_convert_type3A_160 = tpu.bitcast %get3A_138 : vector<16xf32> -> vector<16xi32>
      %bitcast_convert_type3A_161 = tpu.bitcast %get3A_142 : vector<16xf32> -> vector<16xi32>
      %bitcast_convert_type3A_162 = tpu.bitcast %get3A_146 : vector<16xf32> -> vector<16xi32>
      %bitcast_convert_type3A_163 = tpu.bitcast %get3A_150 : vector<16xf32> -> vector<16xi32>
      %bitcast_convert_type3A_164 = tpu.bitcast %get3A_154 : vector<16xf32> -> vector<16xi32>
      %bitcast_convert_type3A_165 = tpu.bitcast %get3A_158 : vector<16xf32> -> vector<16xi32>
      %shift_right_logical3A = arith.constant 16 : i32
      %shift_right_logical3A_166 = vector.broadcast %shift_right_logical3A : i32 to vector<16xi32>
      %shift_right_logical3A_167 = arith.shrui %bitcast_convert_type3A, %shift_right_logical3A_166 : vector<16xi32>
      %shift_right_logical3A_168 = arith.constant 16 : i32
      %shift_right_logical3A_169 = vector.broadcast %shift_right_logical3A_168 : i32 to vector<16xi32>
      %shift_right_logical3A_170 = arith.shrui %bitcast_convert_type3A_159, %shift_right_logical3A_169 : vector<16xi32>
      %shift_right_logical3A_171 = arith.constant 16 : i32
      %shift_right_logical3A_172 = vector.broadcast %shift_right_logical3A_171 : i32 to vector<16xi32>
      %shift_right_logical3A_173 = arith.shrui %bitcast_convert_type3A_160, %shift_right_logical3A_172 : vector<16xi32>
      %shift_right_logical3A_174 = arith.constant 16 : i32
      %shift_right_logical3A_175 = vector.broadcast %shift_right_logical3A_174 : i32 to vector<16xi32>
      %shift_right_logical3A_176 = arith.shrui %bitcast_convert_type3A_161, %shift_right_logical3A_175 : vector<16xi32>
      %shift_right_logical3A_177 = arith.constant 16 : i32
      %shift_right_logical3A_178 = vector.broadcast %shift_right_logical3A_177 : i32 to vector<16xi32>
      %shift_right_logical3A_179 = arith.shrui %bitcast_convert_type3A_162, %shift_right_logical3A_178 : vector<16xi32>
      %shift_right_logical3A_180 = arith.constant 16 : i32
      %shift_right_logical3A_181 = vector.broadcast %shift_right_logical3A_180 : i32 to vector<16xi32>
      %shift_right_logical3A_182 = arith.shrui %bitcast_convert_type3A_163, %shift_right_logical3A_181 : vector<16xi32>
      %shift_right_logical3A_183 = arith.constant 16 : i32
      %shift_right_logical3A_184 = vector.broadcast %shift_right_logical3A_183 : i32 to vector<16xi32>
      %shift_right_logical3A_185 = arith.shrui %bitcast_convert_type3A_164, %shift_right_logical3A_184 : vector<16xi32>
      %shift_right_logical3A_186 = arith.constant 16 : i32
      %shift_right_logical3A_187 = vector.broadcast %shift_right_logical3A_186 : i32 to vector<16xi32>
      %shift_right_logical3A_188 = arith.shrui %bitcast_convert_type3A_165, %shift_right_logical3A_187 : vector<16xi32>
      %shift_right_logical3A_189 = arith.constant 7 : i32
      %shift_right_logical3A_190 = vector.broadcast %shift_right_logical3A_189 : i32 to vector<16xi32>
      %shift_right_logical3A_191 = arith.shrui %bitcast_convert_type3A, %shift_right_logical3A_190 : vector<16xi32>
      %and3A = arith.constant 511 : i32
      %and3A_192 = vector.broadcast %and3A : i32 to vector<16xi32>
      %and3A_193 = arith.andi %shift_right_logical3A_191, %and3A_192 : vector<16xi32>
      %shift_right_logical3A_194 = arith.constant 7 : i32
      %shift_right_logical3A_195 = vector.broadcast %shift_right_logical3A_194 : i32 to vector<16xi32>
      %shift_right_logical3A_196 = arith.shrui %bitcast_convert_type3A_159, %shift_right_logical3A_195 : vector<16xi32>
      %and3A_197 = arith.constant 511 : i32
      %and3A_198 = vector.broadcast %and3A_197 : i32 to vector<16xi32>
      %and3A_199 = arith.andi %shift_right_logical3A_196, %and3A_198 : vector<16xi32>
      %shift_right_logical3A_200 = arith.constant 7 : i32
      %shift_right_logical3A_201 = vector.broadcast %shift_right_logical3A_200 : i32 to vector<16xi32>
      %shift_right_logical3A_202 = arith.shrui %bitcast_convert_type3A_160, %shift_right_logical3A_201 : vector<16xi32>
      %and3A_203 = arith.constant 511 : i32
      %and3A_204 = vector.broadcast %and3A_203 : i32 to vector<16xi32>
      %and3A_205 = arith.andi %shift_right_logical3A_202, %and3A_204 : vector<16xi32>
      %shift_right_logical3A_206 = arith.constant 7 : i32
      %shift_right_logical3A_207 = vector.broadcast %shift_right_logical3A_206 : i32 to vector<16xi32>
      %shift_right_logical3A_208 = arith.shrui %bitcast_convert_type3A_161, %shift_right_logical3A_207 : vector<16xi32>
      %and3A_209 = arith.constant 511 : i32
      %and3A_210 = vector.broadcast %and3A_209 : i32 to vector<16xi32>
      %and3A_211 = arith.andi %shift_right_logical3A_208, %and3A_210 : vector<16xi32>
      %shift_right_logical3A_212 = arith.constant 7 : i32
      %shift_right_logical3A_213 = vector.broadcast %shift_right_logical3A_212 : i32 to vector<16xi32>
      %shift_right_logical3A_214 = arith.shrui %bitcast_convert_type3A_162, %shift_right_logical3A_213 : vector<16xi32>
      %and3A_215 = arith.constant 511 : i32
      %and3A_216 = vector.broadcast %and3A_215 : i32 to vector<16xi32>
      %and3A_217 = arith.andi %shift_right_logical3A_214, %and3A_216 : vector<16xi32>
      %shift_right_logical3A_218 = arith.constant 7 : i32
      %shift_right_logical3A_219 = vector.broadcast %shift_right_logical3A_218 : i32 to vector<16xi32>
      %shift_right_logical3A_220 = arith.shrui %bitcast_convert_type3A_163, %shift_right_logical3A_219 : vector<16xi32>
      %and3A_221 = arith.constant 511 : i32
      %and3A_222 = vector.broadcast %and3A_221 : i32 to vector<16xi32>
      %and3A_223 = arith.andi %shift_right_logical3A_220, %and3A_222 : vector<16xi32>
      %shift_right_logical3A_224 = arith.constant 7 : i32
      %shift_right_logical3A_225 = vector.broadcast %shift_right_logical3A_224 : i32 to vector<16xi32>
      %shift_right_logical3A_226 = arith.shrui %bitcast_convert_type3A_164, %shift_right_logical3A_225 : vector<16xi32>
      %and3A_227 = arith.constant 511 : i32
      %and3A_228 = vector.broadcast %and3A_227 : i32 to vector<16xi32>
      %and3A_229 = arith.andi %shift_right_logical3A_226, %and3A_228 : vector<16xi32>
      %shift_right_logical3A_230 = arith.constant 7 : i32
      %shift_right_logical3A_231 = vector.broadcast %shift_right_logical3A_230 : i32 to vector<16xi32>
      %shift_right_logical3A_232 = arith.shrui %bitcast_convert_type3A_165, %shift_right_logical3A_231 : vector<16xi32>
      %and3A_233 = arith.constant 511 : i32
      %and3A_234 = vector.broadcast %and3A_233 : i32 to vector<16xi32>
      %and3A_235 = arith.andi %shift_right_logical3A_232, %and3A_234 : vector<16xi32>
      %and3A_236 = arith.constant 127 : i32
      %and3A_237 = vector.broadcast %and3A_236 : i32 to vector<16xi32>
      %and3A_238 = arith.andi %bitcast_convert_type3A, %and3A_237 : vector<16xi32>
      %and3A_239 = arith.constant 127 : i32
      %and3A_240 = vector.broadcast %and3A_239 : i32 to vector<16xi32>
      %and3A_241 = arith.andi %bitcast_convert_type3A_159, %and3A_240 : vector<16xi32>
      %and3A_242 = arith.constant 127 : i32
      %and3A_243 = vector.broadcast %and3A_242 : i32 to vector<16xi32>
      %and3A_244 = arith.andi %bitcast_convert_type3A_160, %and3A_243 : vector<16xi32>
      %and3A_245 = arith.constant 127 : i32
      %and3A_246 = vector.broadcast %and3A_245 : i32 to vector<16xi32>
      %and3A_247 = arith.andi %bitcast_convert_type3A_161, %and3A_246 : vector<16xi32>
      %and3A_248 = arith.constant 127 : i32
      %and3A_249 = vector.broadcast %and3A_248 : i32 to vector<16xi32>
      %and3A_250 = arith.andi %bitcast_convert_type3A_162, %and3A_249 : vector<16xi32>
      %and3A_251 = arith.constant 127 : i32
      %and3A_252 = vector.broadcast %and3A_251 : i32 to vector<16xi32>
      %and3A_253 = arith.andi %bitcast_convert_type3A_163, %and3A_252 : vector<16xi32>
      %and3A_254 = arith.constant 127 : i32
      %and3A_255 = vector.broadcast %and3A_254 : i32 to vector<16xi32>
      %and3A_256 = arith.andi %bitcast_convert_type3A_164, %and3A_255 : vector<16xi32>
      %and3A_257 = arith.constant 127 : i32
      %and3A_258 = vector.broadcast %and3A_257 : i32 to vector<16xi32>
      %and3A_259 = arith.andi %bitcast_convert_type3A_165, %and3A_258 : vector<16xi32>
      %eq3A = arith.cmpi eq, %shift_right_logical3A_167, %get3A_1 : vector<16xi32>
      %eq3A_260 = arith.cmpi eq, %shift_right_logical3A_170, %get3A_1 : vector<16xi32>
      %eq3A_261 = arith.cmpi eq, %shift_right_logical3A_173, %get3A_1 : vector<16xi32>
      %eq3A_262 = arith.cmpi eq, %shift_right_logical3A_176, %get3A_1 : vector<16xi32>
      %eq3A_263 = arith.cmpi eq, %shift_right_logical3A_179, %get3A_1 : vector<16xi32>
      %eq3A_264 = arith.cmpi eq, %shift_right_logical3A_182, %get3A_1 : vector<16xi32>
      %eq3A_265 = arith.cmpi eq, %shift_right_logical3A_185, %get3A_1 : vector<16xi32>
      %eq3A_266 = arith.cmpi eq, %shift_right_logical3A_188, %get3A_1 : vector<16xi32>
      tpu.vector_store_idx %arg8[%and3A_193, %and3A_238], %broadcast_in_dim3A_11 masked %eq3A {add = true} : memref<512x128xi32, #tpu.memory_space<vmem>>[vector<16xi32>, vector<16xi32>], vector<16xi32>, vector<16xi1>
      tpu.vector_store_idx %arg8[%and3A_199, %and3A_241], %broadcast_in_dim3A_11 masked %eq3A_260 {add = true} : memref<512x128xi32, #tpu.memory_space<vmem>>[vector<16xi32>, vector<16xi32>], vector<16xi32>, vector<16xi1>
      tpu.vector_store_idx %arg8[%and3A_205, %and3A_244], %broadcast_in_dim3A_11 masked %eq3A_261 {add = true} : memref<512x128xi32, #tpu.memory_space<vmem>>[vector<16xi32>, vector<16xi32>], vector<16xi32>, vector<16xi1>
      tpu.vector_store_idx %arg8[%and3A_211, %and3A_247], %broadcast_in_dim3A_11 masked %eq3A_262 {add = true} : memref<512x128xi32, #tpu.memory_space<vmem>>[vector<16xi32>, vector<16xi32>], vector<16xi32>, vector<16xi1>
      tpu.vector_store_idx %arg8[%and3A_217, %and3A_250], %broadcast_in_dim3A_11 masked %eq3A_263 {add = true} : memref<512x128xi32, #tpu.memory_space<vmem>>[vector<16xi32>, vector<16xi32>], vector<16xi32>, vector<16xi1>
      tpu.vector_store_idx %arg8[%and3A_223, %and3A_253], %broadcast_in_dim3A_11 masked %eq3A_264 {add = true} : memref<512x128xi32, #tpu.memory_space<vmem>>[vector<16xi32>, vector<16xi32>], vector<16xi32>, vector<16xi1>
      tpu.vector_store_idx %arg8[%and3A_229, %and3A_256], %broadcast_in_dim3A_11 masked %eq3A_265 {add = true} : memref<512x128xi32, #tpu.memory_space<vmem>>[vector<16xi32>, vector<16xi32>], vector<16xi32>, vector<16xi1>
      tpu.vector_store_idx %arg8[%and3A_235, %and3A_259], %broadcast_in_dim3A_11 masked %eq3A_266 {add = true} : memref<512x128xi32, #tpu.memory_space<vmem>>[vector<16xi32>, vector<16xi32>], vector<16xi32>, vector<16xi1>
      %gt3A = arith.cmpi sgt, %shift_right_logical3A_167, %get3A_1 : vector<16xi32>
      %jit3A = arith.constant 0.000000e+00 : f32
      %broadcast_in_dim3A_267 = vector.broadcast %jit3A : f32 to vector<16xf32>
      %select_n3A = arith.select %gt3A, %get3A_130, %broadcast_in_dim3A_267 : vector<16xi1>, vector<16xf32>
      %add3A_268 = arith.addf %scan3A_124, %select_n3A : vector<16xf32>
      %gt3A_269 = arith.cmpi sgt, %shift_right_logical3A_170, %get3A_1 : vector<16xi32>
      %jit3A_270 = arith.constant 0.000000e+00 : f32
      %broadcast_in_dim3A_271 = vector.broadcast %jit3A_270 : f32 to vector<16xf32>
      %select_n3A_272 = arith.select %gt3A_269, %get3A_134, %broadcast_in_dim3A_271 : vector<16xi1>, vector<16xf32>
      %add3A_273 = arith.addf %add3A_268, %select_n3A_272 : vector<16xf32>
      %gt3A_274 = arith.cmpi sgt, %shift_right_logical3A_173, %get3A_1 : vector<16xi32>
      %jit3A_275 = arith.constant 0.000000e+00 : f32
      %broadcast_in_dim3A_276 = vector.broadcast %jit3A_275 : f32 to vector<16xf32>
      %select_n3A_277 = arith.select %gt3A_274, %get3A_138, %broadcast_in_dim3A_276 : vector<16xi1>, vector<16xf32>
      %add3A_278 = arith.addf %add3A_273, %select_n3A_277 : vector<16xf32>
      %gt3A_279 = arith.cmpi sgt, %shift_right_logical3A_176, %get3A_1 : vector<16xi32>
      %jit3A_280 = arith.constant 0.000000e+00 : f32
      %broadcast_in_dim3A_281 = vector.broadcast %jit3A_280 : f32 to vector<16xf32>
      %select_n3A_282 = arith.select %gt3A_279, %get3A_142, %broadcast_in_dim3A_281 : vector<16xi1>, vector<16xf32>
      %add3A_283 = arith.addf %add3A_278, %select_n3A_282 : vector<16xf32>
      %gt3A_284 = arith.cmpi sgt, %shift_right_logical3A_179, %get3A_1 : vector<16xi32>
      %jit3A_285 = arith.constant 0.000000e+00 : f32
      %broadcast_in_dim3A_286 = vector.broadcast %jit3A_285 : f32 to vector<16xf32>
      %select_n3A_287 = arith.select %gt3A_284, %get3A_146, %broadcast_in_dim3A_286 : vector<16xi1>, vector<16xf32>
      %add3A_288 = arith.addf %add3A_283, %select_n3A_287 : vector<16xf32>
      %gt3A_289 = arith.cmpi sgt, %shift_right_logical3A_182, %get3A_1 : vector<16xi32>
      %jit3A_290 = arith.constant 0.000000e+00 : f32
      %broadcast_in_dim3A_291 = vector.broadcast %jit3A_290 : f32 to vector<16xf32>
      %select_n3A_292 = arith.select %gt3A_289, %get3A_150, %broadcast_in_dim3A_291 : vector<16xi1>, vector<16xf32>
      %add3A_293 = arith.addf %add3A_288, %select_n3A_292 : vector<16xf32>
      %gt3A_294 = arith.cmpi sgt, %shift_right_logical3A_185, %get3A_1 : vector<16xi32>
      %jit3A_295 = arith.constant 0.000000e+00 : f32
      %broadcast_in_dim3A_296 = vector.broadcast %jit3A_295 : f32 to vector<16xf32>
      %select_n3A_297 = arith.select %gt3A_294, %get3A_154, %broadcast_in_dim3A_296 : vector<16xi1>, vector<16xf32>
      %add3A_298 = arith.addf %add3A_293, %select_n3A_297 : vector<16xf32>
      %gt3A_299 = arith.cmpi sgt, %shift_right_logical3A_188, %get3A_1 : vector<16xi32>
      %jit3A_300 = arith.constant 0.000000e+00 : f32
      %broadcast_in_dim3A_301 = vector.broadcast %jit3A_300 : f32 to vector<16xf32>
      %select_n3A_302 = arith.select %gt3A_299, %get3A_158, %broadcast_in_dim3A_301 : vector<16xi1>, vector<16xf32>
      %add3A_303 = arith.addf %add3A_298, %select_n3A_302 : vector<16xf32>
      scf.yield %add3A_303 : vector<16xf32>
    }
    %scan3A_97 = arith.constant 128 : i32
    %dma_wait3A_98 = tpu.memref_slice %arg2[%add3A_87] : memref<4194304xf32, #tpu.memory_space<hbm>> -> memref<16384xf32, #tpu.memory_space<hbm>>
    %dma_wait3A_99 = tpu.memref_slice %arg2[%add3A_87] : memref<4194304xf32, #tpu.memory_space<hbm>> -> memref<16384xf32, #tpu.memory_space<hbm>>
    tpu.wait_dma2 semaphore(%arg12 : memref<!tpu.dma_semaphore, #tpu.memory_space<semaphore_mem>>) src(%dma_wait3A_99 : memref<16384xf32, #tpu.memory_space<hbm>>) dst(%arg7 : memref<16384xf32, #tpu.memory_space<vmem>>)
    %scan3A_100 = arith.constant 0 : i32
    %scan3A_101 = arith.constant 128 : i32
    %scan3A_102 = arith.addi %scan3A_100, %scan3A_101 : i32
    %scan3A_103 = arith.constant 1 : i32
    %scan3A_104 = scf.for %scan3A_123 = %scan3A_100 to %scan3A_102 step %scan3A_103 iter_args(%scan3A_124 = %scan3A_96) -> (vector<16xf32>)  : i32 {
      %mul3A_125 = arith.constant 128 : i32
      %mul3A_126 = arith.muli %scan3A_123, %mul3A_125 : i32
      %add3A_127 = arith.constant 0 : i32
      %add3A_128 = arith.addi %mul3A_126, %add3A_127 : i32
      %get3A_129 = arith.index_cast %add3A_128 : i32 to index
      %get3A_130 = tpu.vector_load %arg7[%get3A_129] {strides = array<i32>} : memref<16384xf32, #tpu.memory_space<vmem>>, vector<16xf32>,
      %add3A_131 = arith.constant 16 : i32
      %add3A_132 = arith.addi %mul3A_126, %add3A_131 : i32
      %get3A_133 = arith.index_cast %add3A_132 : i32 to index
      %get3A_134 = tpu.vector_load %arg7[%get3A_133] {strides = array<i32>} : memref<16384xf32, #tpu.memory_space<vmem>>, vector<16xf32>,
      %add3A_135 = arith.constant 32 : i32
      %add3A_136 = arith.addi %mul3A_126, %add3A_135 : i32
      %get3A_137 = arith.index_cast %add3A_136 : i32 to index
      %get3A_138 = tpu.vector_load %arg7[%get3A_137] {strides = array<i32>} : memref<16384xf32, #tpu.memory_space<vmem>>, vector<16xf32>,
      %add3A_139 = arith.constant 48 : i32
      %add3A_140 = arith.addi %mul3A_126, %add3A_139 : i32
      %get3A_141 = arith.index_cast %add3A_140 : i32 to index
      %get3A_142 = tpu.vector_load %arg7[%get3A_141] {strides = array<i32>} : memref<16384xf32, #tpu.memory_space<vmem>>, vector<16xf32>,
      %add3A_143 = arith.constant 64 : i32
      %add3A_144 = arith.addi %mul3A_126, %add3A_143 : i32
      %get3A_145 = arith.index_cast %add3A_144 : i32 to index
      %get3A_146 = tpu.vector_load %arg7[%get3A_145] {strides = array<i32>} : memref<16384xf32, #tpu.memory_space<vmem>>, vector<16xf32>,
      %add3A_147 = arith.constant 80 : i32
      %add3A_148 = arith.addi %mul3A_126, %add3A_147 : i32
      %get3A_149 = arith.index_cast %add3A_148 : i32 to index
      %get3A_150 = tpu.vector_load %arg7[%get3A_149] {strides = array<i32>} : memref<16384xf32, #tpu.memory_space<vmem>>, vector<16xf32>,
      %add3A_151 = arith.constant 96 : i32
      %add3A_152 = arith.addi %mul3A_126, %add3A_151 : i32
      %get3A_153 = arith.index_cast %add3A_152 : i32 to index
      %get3A_154 = tpu.vector_load %arg7[%get3A_153] {strides = array<i32>} : memref<16384xf32, #tpu.memory_space<vmem>>, vector<16xf32>,
      %add3A_155 = arith.constant 112 : i32
      %add3A_156 = arith.addi %mul3A_126, %add3A_155 : i32
      %get3A_157 = arith.index_cast %add3A_156 : i32 to index
      %get3A_158 = tpu.vector_load %arg7[%get3A_157] {strides = array<i32>} : memref<16384xf32, #tpu.memory_space<vmem>>, vector<16xf32>,
      %bitcast_convert_type3A = tpu.bitcast %get3A_130 : vector<16xf32> -> vector<16xi32>
      %bitcast_convert_type3A_159 = tpu.bitcast %get3A_134 : vector<16xf32> -> vector<16xi32>
      %bitcast_convert_type3A_160 = tpu.bitcast %get3A_138 : vector<16xf32> -> vector<16xi32>
      %bitcast_convert_type3A_161 = tpu.bitcast %get3A_142 : vector<16xf32> -> vector<16xi32>
      %bitcast_convert_type3A_162 = tpu.bitcast %get3A_146 : vector<16xf32> -> vector<16xi32>
      %bitcast_convert_type3A_163 = tpu.bitcast %get3A_150 : vector<16xf32> -> vector<16xi32>
      %bitcast_convert_type3A_164 = tpu.bitcast %get3A_154 : vector<16xf32> -> vector<16xi32>
      %bitcast_convert_type3A_165 = tpu.bitcast %get3A_158 : vector<16xf32> -> vector<16xi32>
      %shift_right_logical3A = arith.constant 16 : i32
      %shift_right_logical3A_166 = vector.broadcast %shift_right_logical3A : i32 to vector<16xi32>
      %shift_right_logical3A_167 = arith.shrui %bitcast_convert_type3A, %shift_right_logical3A_166 : vector<16xi32>
      %shift_right_logical3A_168 = arith.constant 16 : i32
      %shift_right_logical3A_169 = vector.broadcast %shift_right_logical3A_168 : i32 to vector<16xi32>
      %shift_right_logical3A_170 = arith.shrui %bitcast_convert_type3A_159, %shift_right_logical3A_169 : vector<16xi32>
      %shift_right_logical3A_171 = arith.constant 16 : i32
      %shift_right_logical3A_172 = vector.broadcast %shift_right_logical3A_171 : i32 to vector<16xi32>
      %shift_right_logical3A_173 = arith.shrui %bitcast_convert_type3A_160, %shift_right_logical3A_172 : vector<16xi32>
      %shift_right_logical3A_174 = arith.constant 16 : i32
      %shift_right_logical3A_175 = vector.broadcast %shift_right_logical3A_174 : i32 to vector<16xi32>
      %shift_right_logical3A_176 = arith.shrui %bitcast_convert_type3A_161, %shift_right_logical3A_175 : vector<16xi32>
      %shift_right_logical3A_177 = arith.constant 16 : i32
      %shift_right_logical3A_178 = vector.broadcast %shift_right_logical3A_177 : i32 to vector<16xi32>
      %shift_right_logical3A_179 = arith.shrui %bitcast_convert_type3A_162, %shift_right_logical3A_178 : vector<16xi32>
      %shift_right_logical3A_180 = arith.constant 16 : i32
      %shift_right_logical3A_181 = vector.broadcast %shift_right_logical3A_180 : i32 to vector<16xi32>
      %shift_right_logical3A_182 = arith.shrui %bitcast_convert_type3A_163, %shift_right_logical3A_181 : vector<16xi32>
      %shift_right_logical3A_183 = arith.constant 16 : i32
      %shift_right_logical3A_184 = vector.broadcast %shift_right_logical3A_183 : i32 to vector<16xi32>
      %shift_right_logical3A_185 = arith.shrui %bitcast_convert_type3A_164, %shift_right_logical3A_184 : vector<16xi32>
      %shift_right_logical3A_186 = arith.constant 16 : i32
      %shift_right_logical3A_187 = vector.broadcast %shift_right_logical3A_186 : i32 to vector<16xi32>
      %shift_right_logical3A_188 = arith.shrui %bitcast_convert_type3A_165, %shift_right_logical3A_187 : vector<16xi32>
      %shift_right_logical3A_189 = arith.constant 7 : i32
      %shift_right_logical3A_190 = vector.broadcast %shift_right_logical3A_189 : i32 to vector<16xi32>
      %shift_right_logical3A_191 = arith.shrui %bitcast_convert_type3A, %shift_right_logical3A_190 : vector<16xi32>
      %and3A = arith.constant 511 : i32
      %and3A_192 = vector.broadcast %and3A : i32 to vector<16xi32>
      %and3A_193 = arith.andi %shift_right_logical3A_191, %and3A_192 : vector<16xi32>
      %shift_right_logical3A_194 = arith.constant 7 : i32
      %shift_right_logical3A_195 = vector.broadcast %shift_right_logical3A_194 : i32 to vector<16xi32>
      %shift_right_logical3A_196 = arith.shrui %bitcast_convert_type3A_159, %shift_right_logical3A_195 : vector<16xi32>
      %and3A_197 = arith.constant 511 : i32
      %and3A_198 = vector.broadcast %and3A_197 : i32 to vector<16xi32>
      %and3A_199 = arith.andi %shift_right_logical3A_196, %and3A_198 : vector<16xi32>
      %shift_right_logical3A_200 = arith.constant 7 : i32
      %shift_right_logical3A_201 = vector.broadcast %shift_right_logical3A_200 : i32 to vector<16xi32>
      %shift_right_logical3A_202 = arith.shrui %bitcast_convert_type3A_160, %shift_right_logical3A_201 : vector<16xi32>
      %and3A_203 = arith.constant 511 : i32
      %and3A_204 = vector.broadcast %and3A_203 : i32 to vector<16xi32>
      %and3A_205 = arith.andi %shift_right_logical3A_202, %and3A_204 : vector<16xi32>
      %shift_right_logical3A_206 = arith.constant 7 : i32
      %shift_right_logical3A_207 = vector.broadcast %shift_right_logical3A_206 : i32 to vector<16xi32>
      %shift_right_logical3A_208 = arith.shrui %bitcast_convert_type3A_161, %shift_right_logical3A_207 : vector<16xi32>
      %and3A_209 = arith.constant 511 : i32
      %and3A_210 = vector.broadcast %and3A_209 : i32 to vector<16xi32>
      %and3A_211 = arith.andi %shift_right_logical3A_208, %and3A_210 : vector<16xi32>
      %shift_right_logical3A_212 = arith.constant 7 : i32
      %shift_right_logical3A_213 = vector.broadcast %shift_right_logical3A_212 : i32 to vector<16xi32>
      %shift_right_logical3A_214 = arith.shrui %bitcast_convert_type3A_162, %shift_right_logical3A_213 : vector<16xi32>
      %and3A_215 = arith.constant 511 : i32
      %and3A_216 = vector.broadcast %and3A_215 : i32 to vector<16xi32>
      %and3A_217 = arith.andi %shift_right_logical3A_214, %and3A_216 : vector<16xi32>
      %shift_right_logical3A_218 = arith.constant 7 : i32
      %shift_right_logical3A_219 = vector.broadcast %shift_right_logical3A_218 : i32 to vector<16xi32>
      %shift_right_logical3A_220 = arith.shrui %bitcast_convert_type3A_163, %shift_right_logical3A_219 : vector<16xi32>
      %and3A_221 = arith.constant 511 : i32
      %and3A_222 = vector.broadcast %and3A_221 : i32 to vector<16xi32>
      %and3A_223 = arith.andi %shift_right_logical3A_220, %and3A_222 : vector<16xi32>
      %shift_right_logical3A_224 = arith.constant 7 : i32
      %shift_right_logical3A_225 = vector.broadcast %shift_right_logical3A_224 : i32 to vector<16xi32>
      %shift_right_logical3A_226 = arith.shrui %bitcast_convert_type3A_164, %shift_right_logical3A_225 : vector<16xi32>
      %and3A_227 = arith.constant 511 : i32
      %and3A_228 = vector.broadcast %and3A_227 : i32 to vector<16xi32>
      %and3A_229 = arith.andi %shift_right_logical3A_226, %and3A_228 : vector<16xi32>
      %shift_right_logical3A_230 = arith.constant 7 : i32
      %shift_right_logical3A_231 = vector.broadcast %shift_right_logical3A_230 : i32 to vector<16xi32>
      %shift_right_logical3A_232 = arith.shrui %bitcast_convert_type3A_165, %shift_right_logical3A_231 : vector<16xi32>
      %and3A_233 = arith.constant 511 : i32
      %and3A_234 = vector.broadcast %and3A_233 : i32 to vector<16xi32>
      %and3A_235 = arith.andi %shift_right_logical3A_232, %and3A_234 : vector<16xi32>
      %and3A_236 = arith.constant 127 : i32
      %and3A_237 = vector.broadcast %and3A_236 : i32 to vector<16xi32>
      %and3A_238 = arith.andi %bitcast_convert_type3A, %and3A_237 : vector<16xi32>
      %and3A_239 = arith.constant 127 : i32
      %and3A_240 = vector.broadcast %and3A_239 : i32 to vector<16xi32>
      %and3A_241 = arith.andi %bitcast_convert_type3A_159, %and3A_240 : vector<16xi32>
      %and3A_242 = arith.constant 127 : i32
      %and3A_243 = vector.broadcast %and3A_242 : i32 to vector<16xi32>
      %and3A_244 = arith.andi %bitcast_convert_type3A_160, %and3A_243 : vector<16xi32>
      %and3A_245 = arith.constant 127 : i32
      %and3A_246 = vector.broadcast %and3A_245 : i32 to vector<16xi32>
      %and3A_247 = arith.andi %bitcast_convert_type3A_161, %and3A_246 : vector<16xi32>
      %and3A_248 = arith.constant 127 : i32
      %and3A_249 = vector.broadcast %and3A_248 : i32 to vector<16xi32>
      %and3A_250 = arith.andi %bitcast_convert_type3A_162, %and3A_249 : vector<16xi32>
      %and3A_251 = arith.constant 127 : i32
      %and3A_252 = vector.broadcast %and3A_251 : i32 to vector<16xi32>
      %and3A_253 = arith.andi %bitcast_convert_type3A_163, %and3A_252 : vector<16xi32>
      %and3A_254 = arith.constant 127 : i32
      %and3A_255 = vector.broadcast %and3A_254 : i32 to vector<16xi32>
      %and3A_256 = arith.andi %bitcast_convert_type3A_164, %and3A_255 : vector<16xi32>
      %and3A_257 = arith.constant 127 : i32
      %and3A_258 = vector.broadcast %and3A_257 : i32 to vector<16xi32>
      %and3A_259 = arith.andi %bitcast_convert_type3A_165, %and3A_258 : vector<16xi32>
      %eq3A = arith.cmpi eq, %shift_right_logical3A_167, %get3A_1 : vector<16xi32>
      %eq3A_260 = arith.cmpi eq, %shift_right_logical3A_170, %get3A_1 : vector<16xi32>
      %eq3A_261 = arith.cmpi eq, %shift_right_logical3A_173, %get3A_1 : vector<16xi32>
      %eq3A_262 = arith.cmpi eq, %shift_right_logical3A_176, %get3A_1 : vector<16xi32>
      %eq3A_263 = arith.cmpi eq, %shift_right_logical3A_179, %get3A_1 : vector<16xi32>
      %eq3A_264 = arith.cmpi eq, %shift_right_logical3A_182, %get3A_1 : vector<16xi32>
      %eq3A_265 = arith.cmpi eq, %shift_right_logical3A_185, %get3A_1 : vector<16xi32>
      %eq3A_266 = arith.cmpi eq, %shift_right_logical3A_188, %get3A_1 : vector<16xi32>
      tpu.vector_store_idx %arg8[%and3A_193, %and3A_238], %broadcast_in_dim3A_11 masked %eq3A {add = true} : memref<512x128xi32, #tpu.memory_space<vmem>>[vector<16xi32>, vector<16xi32>], vector<16xi32>, vector<16xi1>
      tpu.vector_store_idx %arg8[%and3A_199, %and3A_241], %broadcast_in_dim3A_11 masked %eq3A_260 {add = true} : memref<512x128xi32, #tpu.memory_space<vmem>>[vector<16xi32>, vector<16xi32>], vector<16xi32>, vector<16xi1>
      tpu.vector_store_idx %arg8[%and3A_205, %and3A_244], %broadcast_in_dim3A_11 masked %eq3A_261 {add = true} : memref<512x128xi32, #tpu.memory_space<vmem>>[vector<16xi32>, vector<16xi32>], vector<16xi32>, vector<16xi1>
      tpu.vector_store_idx %arg8[%and3A_211, %and3A_247], %broadcast_in_dim3A_11 masked %eq3A_262 {add = true} : memref<512x128xi32, #tpu.memory_space<vmem>>[vector<16xi32>, vector<16xi32>], vector<16xi32>, vector<16xi1>
      tpu.vector_store_idx %arg8[%and3A_217, %and3A_250], %broadcast_in_dim3A_11 masked %eq3A_263 {add = true} : memref<512x128xi32, #tpu.memory_space<vmem>>[vector<16xi32>, vector<16xi32>], vector<16xi32>, vector<16xi1>
      tpu.vector_store_idx %arg8[%and3A_223, %and3A_253], %broadcast_in_dim3A_11 masked %eq3A_264 {add = true} : memref<512x128xi32, #tpu.memory_space<vmem>>[vector<16xi32>, vector<16xi32>], vector<16xi32>, vector<16xi1>
      tpu.vector_store_idx %arg8[%and3A_229, %and3A_256], %broadcast_in_dim3A_11 masked %eq3A_265 {add = true} : memref<512x128xi32, #tpu.memory_space<vmem>>[vector<16xi32>, vector<16xi32>], vector<16xi32>, vector<16xi1>
      tpu.vector_store_idx %arg8[%and3A_235, %and3A_259], %broadcast_in_dim3A_11 masked %eq3A_266 {add = true} : memref<512x128xi32, #tpu.memory_space<vmem>>[vector<16xi32>, vector<16xi32>], vector<16xi32>, vector<16xi1>
      %gt3A = arith.cmpi sgt, %shift_right_logical3A_167, %get3A_1 : vector<16xi32>
      %jit3A = arith.constant 0.000000e+00 : f32
      %broadcast_in_dim3A_267 = vector.broadcast %jit3A : f32 to vector<16xf32>
      %select_n3A = arith.select %gt3A, %get3A_130, %broadcast_in_dim3A_267 : vector<16xi1>, vector<16xf32>
      %add3A_268 = arith.addf %scan3A_124, %select_n3A : vector<16xf32>
      %gt3A_269 = arith.cmpi sgt, %shift_right_logical3A_170, %get3A_1 : vector<16xi32>
      %jit3A_270 = arith.constant 0.000000e+00 : f32
      %broadcast_in_dim3A_271 = vector.broadcast %jit3A_270 : f32 to vector<16xf32>
      %select_n3A_272 = arith.select %gt3A_269, %get3A_134, %broadcast_in_dim3A_271 : vector<16xi1>, vector<16xf32>
      %add3A_273 = arith.addf %add3A_268, %select_n3A_272 : vector<16xf32>
      %gt3A_274 = arith.cmpi sgt, %shift_right_logical3A_173, %get3A_1 : vector<16xi32>
      %jit3A_275 = arith.constant 0.000000e+00 : f32
      %broadcast_in_dim3A_276 = vector.broadcast %jit3A_275 : f32 to vector<16xf32>
      %select_n3A_277 = arith.select %gt3A_274, %get3A_138, %broadcast_in_dim3A_276 : vector<16xi1>, vector<16xf32>
      %add3A_278 = arith.addf %add3A_273, %select_n3A_277 : vector<16xf32>
      %gt3A_279 = arith.cmpi sgt, %shift_right_logical3A_176, %get3A_1 : vector<16xi32>
      %jit3A_280 = arith.constant 0.000000e+00 : f32
      %broadcast_in_dim3A_281 = vector.broadcast %jit3A_280 : f32 to vector<16xf32>
      %select_n3A_282 = arith.select %gt3A_279, %get3A_142, %broadcast_in_dim3A_281 : vector<16xi1>, vector<16xf32>
      %add3A_283 = arith.addf %add3A_278, %select_n3A_282 : vector<16xf32>
      %gt3A_284 = arith.cmpi sgt, %shift_right_logical3A_179, %get3A_1 : vector<16xi32>
      %jit3A_285 = arith.constant 0.000000e+00 : f32
      %broadcast_in_dim3A_286 = vector.broadcast %jit3A_285 : f32 to vector<16xf32>
      %select_n3A_287 = arith.select %gt3A_284, %get3A_146, %broadcast_in_dim3A_286 : vector<16xi1>, vector<16xf32>
      %add3A_288 = arith.addf %add3A_283, %select_n3A_287 : vector<16xf32>
      %gt3A_289 = arith.cmpi sgt, %shift_right_logical3A_182, %get3A_1 : vector<16xi32>
      %jit3A_290 = arith.constant 0.000000e+00 : f32
      %broadcast_in_dim3A_291 = vector.broadcast %jit3A_290 : f32 to vector<16xf32>
      %select_n3A_292 = arith.select %gt3A_289, %get3A_150, %broadcast_in_dim3A_291 : vector<16xi1>, vector<16xf32>
      %add3A_293 = arith.addf %add3A_288, %select_n3A_292 : vector<16xf32>
      %gt3A_294 = arith.cmpi sgt, %shift_right_logical3A_185, %get3A_1 : vector<16xi32>
      %jit3A_295 = arith.constant 0.000000e+00 : f32
      %broadcast_in_dim3A_296 = vector.broadcast %jit3A_295 : f32 to vector<16xf32>
      %select_n3A_297 = arith.select %gt3A_294, %get3A_154, %broadcast_in_dim3A_296 : vector<16xi1>, vector<16xf32>
      %add3A_298 = arith.addf %add3A_293, %select_n3A_297 : vector<16xf32>
      %gt3A_299 = arith.cmpi sgt, %shift_right_logical3A_188, %get3A_1 : vector<16xi32>
      %jit3A_300 = arith.constant 0.000000e+00 : f32
      %broadcast_in_dim3A_301 = vector.broadcast %jit3A_300 : f32 to vector<16xf32>
      %select_n3A_302 = arith.select %gt3A_299, %get3A_158, %broadcast_in_dim3A_301 : vector<16xi1>, vector<16xf32>
      %add3A_303 = arith.addf %add3A_298, %select_n3A_302 : vector<16xf32>
      scf.yield %add3A_303 : vector<16xf32>
    }
    %scan3A_105 = arith.constant 128 : i32
    %swap3A = arith.constant 0 : index
    %swap3A_106 = tpu.vector_load %arg10[%swap3A] {strides = array<i32>} : memref<128xf32, #tpu.memory_space<vmem>>, vector<16xf32>,
    tpu.vector_store %arg10[%swap3A], %scan3A_104 {strides = array<i32>} : memref<128xf32, #tpu.memory_space<vmem>>, vector<16xf32>,
    %broadcast_in_dim3A_107 = arith.constant 0.000000e+00 : f32
    %broadcast_in_dim3A_108 = vector.broadcast %broadcast_in_dim3A_107 : f32 to vector<16xf32>
    %swap3A_109 = arith.constant 16 : index
    %swap3A_110 = tpu.vector_load %arg10[%swap3A_109] {strides = array<i32>} : memref<128xf32, #tpu.memory_space<vmem>>, vector<16xf32>,
    tpu.vector_store %arg10[%swap3A_109], %broadcast_in_dim3A_108 {strides = array<i32>} : memref<128xf32, #tpu.memory_space<vmem>>, vector<16xf32>,
    %swap3A_111 = arith.constant 32 : index
    %swap3A_112 = tpu.vector_load %arg10[%swap3A_111] {strides = array<i32>} : memref<128xf32, #tpu.memory_space<vmem>>, vector<16xf32>,
    tpu.vector_store %arg10[%swap3A_111], %broadcast_in_dim3A_108 {strides = array<i32>} : memref<128xf32, #tpu.memory_space<vmem>>, vector<16xf32>,
    %swap3A_113 = arith.constant 48 : index
    %swap3A_114 = tpu.vector_load %arg10[%swap3A_113] {strides = array<i32>} : memref<128xf32, #tpu.memory_space<vmem>>, vector<16xf32>,
    tpu.vector_store %arg10[%swap3A_113], %broadcast_in_dim3A_108 {strides = array<i32>} : memref<128xf32, #tpu.memory_space<vmem>>, vector<16xf32>,
    %swap3A_115 = arith.constant 64 : index
    %swap3A_116 = tpu.vector_load %arg10[%swap3A_115] {strides = array<i32>} : memref<128xf32, #tpu.memory_space<vmem>>, vector<16xf32>,
    tpu.vector_store %arg10[%swap3A_115], %broadcast_in_dim3A_108 {strides = array<i32>} : memref<128xf32, #tpu.memory_space<vmem>>, vector<16xf32>,
    %swap3A_117 = arith.constant 80 : index
    %swap3A_118 = tpu.vector_load %arg10[%swap3A_117] {strides = array<i32>} : memref<128xf32, #tpu.memory_space<vmem>>, vector<16xf32>,
    tpu.vector_store %arg10[%swap3A_117], %broadcast_in_dim3A_108 {strides = array<i32>} : memref<128xf32, #tpu.memory_space<vmem>>, vector<16xf32>,
    %swap3A_119 = arith.constant 96 : index
    %swap3A_120 = tpu.vector_load %arg10[%swap3A_119] {strides = array<i32>} : memref<128xf32, #tpu.memory_space<vmem>>, vector<16xf32>,
    tpu.vector_store %arg10[%swap3A_119], %broadcast_in_dim3A_108 {strides = array<i32>} : memref<128xf32, #tpu.memory_space<vmem>>, vector<16xf32>,
    %swap3A_121 = arith.constant 112 : index
    %swap3A_122 = tpu.vector_load %arg10[%swap3A_121] {strides = array<i32>} : memref<128xf32, #tpu.memory_space<vmem>>, vector<16xf32>,
    tpu.vector_store %arg10[%swap3A_121], %broadcast_in_dim3A_108 {strides = array<i32>} : memref<128xf32, #tpu.memory_space<vmem>>, vector<16xf32>,
    "tpu.region"() ({
      %run_scoped3A_123 = tpu.sem_alloc : memref<!tpu.dma_semaphore, #tpu.memory_space<semaphore_mem>>
      %dma_start3A_124 = arith.constant 0 : i32
      %dma_start3A_125 = arith.constant 0 : i32
      %dma_start3A_126 = tpu.memref_slice %arg4[%add3A, %dma_start3A_124, %dma_start3A_125] : memref<32x512x128xi32, #tpu.memory_space<hbm>> -> memref<1x512x128xi32, #tpu.memory_space<hbm>>
      %dma_start3A_127 = tpu.memref_squeeze %dma_start3A_126 : memref<1x512x128xi32, #tpu.memory_space<hbm>> -> memref<512x128xi32, #tpu.memory_space<hbm>>
      %dma_start3A_128 = arith.constant 0 : i32
      %dma_start3A_129 = arith.constant 0 : i32
      %dma_start3A_130 = tpu.memref_slice %arg4[%add3A, %dma_start3A_128, %dma_start3A_129] : memref<32x512x128xi32, #tpu.memory_space<hbm>> -> memref<1x512x128xi32, #tpu.memory_space<hbm>>
      %dma_start3A_131 = tpu.memref_squeeze %dma_start3A_130 : memref<1x512x128xi32, #tpu.memory_space<hbm>> -> memref<512x128xi32, #tpu.memory_space<hbm>>
      tpu.enqueue_dma source(%arg8 : memref<512x128xi32, #tpu.memory_space<vmem>>) target(%dma_start3A_131 : memref<512x128xi32, #tpu.memory_space<hbm>>) target_semaphore(%run_scoped3A_123 : memref<!tpu.dma_semaphore, #tpu.memory_space<semaphore_mem>>)
      %dma_wait3A_132 = arith.constant 0 : i32
      %dma_wait3A_133 = arith.constant 0 : i32
      %dma_wait3A_134 = tpu.memref_slice %arg4[%add3A, %dma_wait3A_132, %dma_wait3A_133] : memref<32x512x128xi32, #tpu.memory_space<hbm>> -> memref<1x512x128xi32, #tpu.memory_space<hbm>>
      %dma_wait3A_135 = tpu.memref_squeeze %dma_wait3A_134 : memref<1x512x128xi32, #tpu.memory_space<hbm>> -> memref<512x128xi32, #tpu.memory_space<hbm>>
      %dma_wait3A_136 = arith.constant 0 : i32
      %dma_wait3A_137 = arith.constant 0 : i32
      %dma_wait3A_138 = tpu.memref_slice %arg4[%add3A, %dma_wait3A_136, %dma_wait3A_137] : memref<32x512x128xi32, #tpu.memory_space<hbm>> -> memref<1x512x128xi32, #tpu.memory_space<hbm>>
      %dma_wait3A_139 = tpu.memref_squeeze %dma_wait3A_138 : memref<1x512x128xi32, #tpu.memory_space<hbm>> -> memref<512x128xi32, #tpu.memory_space<hbm>>
      tpu.wait_dma2 semaphore(%run_scoped3A_123 : memref<!tpu.dma_semaphore, #tpu.memory_space<semaphore_mem>>) src(%arg8 : memref<512x128xi32, #tpu.memory_space<vmem>>) dst(%dma_wait3A_139 : memref<512x128xi32, #tpu.memory_space<hbm>>)
      tpu.yield
    }) : () -> ()
    "tpu.region"() ({
      %run_scoped3A_123 = tpu.sem_alloc : memref<!tpu.dma_semaphore, #tpu.memory_space<semaphore_mem>>
      %dma_start3A_124 = arith.constant 0 : i32
      %dma_start3A_125 = tpu.memref_slice %arg5[%add3A, %dma_start3A_124] : memref<32x128xf32, #tpu.memory_space<hbm>> -> memref<1x128xf32, #tpu.memory_space<hbm>>
      %dma_start3A_126 = tpu.memref_squeeze %dma_start3A_125 : memref<1x128xf32, #tpu.memory_space<hbm>> -> memref<128xf32, #tpu.memory_space<hbm>>
      %dma_start3A_127 = arith.constant 0 : i32
      %dma_start3A_128 = tpu.memref_slice %arg5[%add3A, %dma_start3A_127] : memref<32x128xf32, #tpu.memory_space<hbm>> -> memref<1x128xf32, #tpu.memory_space<hbm>>
      %dma_start3A_129 = tpu.memref_squeeze %dma_start3A_128 : memref<1x128xf32, #tpu.memory_space<hbm>> -> memref<128xf32, #tpu.memory_space<hbm>>
      tpu.enqueue_dma source(%arg10 : memref<128xf32, #tpu.memory_space<vmem>>) target(%dma_start3A_129 : memref<128xf32, #tpu.memory_space<hbm>>) target_semaphore(%run_scoped3A_123 : memref<!tpu.dma_semaphore, #tpu.memory_space<semaphore_mem>>)
      %dma_wait3A_130 = arith.constant 0 : i32
      %dma_wait3A_131 = tpu.memref_slice %arg5[%add3A, %dma_wait3A_130] : memref<32x128xf32, #tpu.memory_space<hbm>> -> memref<1x128xf32, #tpu.memory_space<hbm>>
      %dma_wait3A_132 = tpu.memref_squeeze %dma_wait3A_131 : memref<1x128xf32, #tpu.memory_space<hbm>> -> memref<128xf32, #tpu.memory_space<hbm>>
      %dma_wait3A_133 = arith.constant 0 : i32
      %dma_wait3A_134 = tpu.memref_slice %arg5[%add3A, %dma_wait3A_133] : memref<32x128xf32, #tpu.memory_space<hbm>> -> memref<1x128xf32, #tpu.memory_space<hbm>>
      %dma_wait3A_135 = tpu.memref_squeeze %dma_wait3A_134 : memref<1x128xf32, #tpu.memory_space<hbm>> -> memref<128xf32, #tpu.memory_space<hbm>>
      tpu.wait_dma2 semaphore(%run_scoped3A_123 : memref<!tpu.dma_semaphore, #tpu.memory_space<semaphore_mem>>) src(%arg10 : memref<128xf32, #tpu.memory_space<vmem>>) dst(%dma_wait3A_135 : memref<128xf32, #tpu.memory_space<hbm>>)
      tpu.yield
    }) : () -> ()
    return
  }
}

#map = affine_map<(d0, d1) -> (0)>
#map1 = affine_map<(d0, d1) -> (0, 0, 0)>
module attributes {stable_mosaic.version = 14 : i64} {
  func.func @_hist1(%arg0: i32, %arg1: i32, %arg2: memref<4194304xf32, #tpu.memory_space<hbm>>, %arg3: memref<32x256x128xi32, #tpu.memory_space<hbm>>, %arg4: memref<16384xf32, #tpu.memory_space<vmem>>, %arg5: memref<16384xf32, #tpu.memory_space<vmem>>, %arg6: memref<256x128xi32, #tpu.memory_space<vmem>>, %arg7: memref<!tpu.dma_semaphore, #tpu.memory_space<semaphore_mem>>, %arg8: memref<!tpu.dma_semaphore, #tpu.memory_space<semaphore_mem>>) attributes {dimension_semantics = [#tpu.dimension_semantics<core_parallel>, #tpu.dimension_semantics<subcore_parallel>], iteration_bounds = array<i64: 2, 16>, scalar_prefetch = 0 : i64, scratch_operands = 5 : i64, tpu.core_type = #tpu.core_type<sc_vector_subcore>, window_params = [{transform_indices = #map}, {transform_indices = #map1}]} {
    %mul3A = arith.constant 2 : i32
    %mul3A_0 = arith.muli %arg1, %mul3A : i32
    %add3A = arith.addi %mul3A_0, %arg0 : i32
    %broadcast_in_dim3A = arith.constant 0 : i32
    %broadcast_in_dim3A_1 = vector.broadcast %broadcast_in_dim3A : i32 to vector<16xi32>
    %scan3A = arith.constant 0 : i32
    %scan3A_2 = arith.constant 0 : i32
    %scan3A_3 = arith.constant 256 : i32
    %scan3A_4 = arith.addi %scan3A_2, %scan3A_3 : i32
    %scan3A_5 = arith.constant 1 : i32
    scf.for %scan3A_103 = %scan3A_2 to %scan3A_4 step %scan3A_5  : i32 {
      %swap3A = arith.index_cast %scan3A_103 : i32 to index
      %swap3A_104 = arith.constant 0 : index
      %swap3A_105 = tpu.vector_load %arg6[%swap3A, %swap3A_104] {strides = array<i32>} : memref<256x128xi32, #tpu.memory_space<vmem>>, vector<16xi32>,
      tpu.vector_store %arg6[%swap3A, %swap3A_104], %broadcast_in_dim3A_1 {strides = array<i32>} : memref<256x128xi32, #tpu.memory_space<vmem>>, vector<16xi32>,
      %swap3A_106 = arith.index_cast %scan3A_103 : i32 to index
      %swap3A_107 = arith.constant 16 : index
      %swap3A_108 = tpu.vector_load %arg6[%swap3A_106, %swap3A_107] {strides = array<i32>} : memref<256x128xi32, #tpu.memory_space<vmem>>, vector<16xi32>,
      tpu.vector_store %arg6[%swap3A_106, %swap3A_107], %broadcast_in_dim3A_1 {strides = array<i32>} : memref<256x128xi32, #tpu.memory_space<vmem>>, vector<16xi32>,
      %swap3A_109 = arith.index_cast %scan3A_103 : i32 to index
      %swap3A_110 = arith.constant 32 : index
      %swap3A_111 = tpu.vector_load %arg6[%swap3A_109, %swap3A_110] {strides = array<i32>} : memref<256x128xi32, #tpu.memory_space<vmem>>, vector<16xi32>,
      tpu.vector_store %arg6[%swap3A_109, %swap3A_110], %broadcast_in_dim3A_1 {strides = array<i32>} : memref<256x128xi32, #tpu.memory_space<vmem>>, vector<16xi32>,
      %swap3A_112 = arith.index_cast %scan3A_103 : i32 to index
      %swap3A_113 = arith.constant 48 : index
      %swap3A_114 = tpu.vector_load %arg6[%swap3A_112, %swap3A_113] {strides = array<i32>} : memref<256x128xi32, #tpu.memory_space<vmem>>, vector<16xi32>,
      tpu.vector_store %arg6[%swap3A_112, %swap3A_113], %broadcast_in_dim3A_1 {strides = array<i32>} : memref<256x128xi32, #tpu.memory_space<vmem>>, vector<16xi32>,
      %swap3A_115 = arith.index_cast %scan3A_103 : i32 to index
      %swap3A_116 = arith.constant 64 : index
      %swap3A_117 = tpu.vector_load %arg6[%swap3A_115, %swap3A_116] {strides = array<i32>} : memref<256x128xi32, #tpu.memory_space<vmem>>, vector<16xi32>,
      tpu.vector_store %arg6[%swap3A_115, %swap3A_116], %broadcast_in_dim3A_1 {strides = array<i32>} : memref<256x128xi32, #tpu.memory_space<vmem>>, vector<16xi32>,
      %swap3A_118 = arith.index_cast %scan3A_103 : i32 to index
      %swap3A_119 = arith.constant 80 : index
      %swap3A_120 = tpu.vector_load %arg6[%swap3A_118, %swap3A_119] {strides = array<i32>} : memref<256x128xi32, #tpu.memory_space<vmem>>, vector<16xi32>,
      tpu.vector_store %arg6[%swap3A_118, %swap3A_119], %broadcast_in_dim3A_1 {strides = array<i32>} : memref<256x128xi32, #tpu.memory_space<vmem>>, vector<16xi32>,
      %swap3A_121 = arith.index_cast %scan3A_103 : i32 to index
      %swap3A_122 = arith.constant 96 : index
      %swap3A_123 = tpu.vector_load %arg6[%swap3A_121, %swap3A_122] {strides = array<i32>} : memref<256x128xi32, #tpu.memory_space<vmem>>, vector<16xi32>,
      tpu.vector_store %arg6[%swap3A_121, %swap3A_122], %broadcast_in_dim3A_1 {strides = array<i32>} : memref<256x128xi32, #tpu.memory_space<vmem>>, vector<16xi32>,
      %swap3A_124 = arith.index_cast %scan3A_103 : i32 to index
      %swap3A_125 = arith.constant 112 : index
      %swap3A_126 = tpu.vector_load %arg6[%swap3A_124, %swap3A_125] {strides = array<i32>} : memref<256x128xi32, #tpu.memory_space<vmem>>, vector<16xi32>,
      tpu.vector_store %arg6[%swap3A_124, %swap3A_125], %broadcast_in_dim3A_1 {strides = array<i32>} : memref<256x128xi32, #tpu.memory_space<vmem>>, vector<16xi32>,
    }
    %scan3A_6 = arith.constant 256 : i32
    %mul3A_7 = arith.constant 131072 : i32
    %mul3A_8 = arith.muli %add3A, %mul3A_7 : i32
    %broadcast_in_dim3A_9 = arith.constant 1 : i32
    %broadcast_in_dim3A_10 = vector.broadcast %broadcast_in_dim3A_9 : i32 to vector<16xi32>
    %dma_start3A = tpu.memref_slice %arg2[%mul3A_8] : memref<4194304xf32, #tpu.memory_space<hbm>> -> memref<16384xf32, #tpu.memory_space<hbm>>
    %dma_start3A_11 = tpu.memref_slice %arg2[%mul3A_8] : memref<4194304xf32, #tpu.memory_space<hbm>> -> memref<16384xf32, #tpu.memory_space<hbm>>
    tpu.enqueue_dma source(%dma_start3A_11 : memref<16384xf32, #tpu.memory_space<hbm>>) target(%arg4 : memref<16384xf32, #tpu.memory_space<vmem>>) target_semaphore(%arg7 : memref<!tpu.dma_semaphore, #tpu.memory_space<semaphore_mem>>)
    %add3A_12 = arith.constant 16384 : i32
    %add3A_13 = arith.addi %mul3A_8, %add3A_12 : i32
    %dma_start3A_14 = tpu.memref_slice %arg2[%add3A_13] : memref<4194304xf32, #tpu.memory_space<hbm>> -> memref<16384xf32, #tpu.memory_space<hbm>>
    %dma_start3A_15 = tpu.memref_slice %arg2[%add3A_13] : memref<4194304xf32, #tpu.memory_space<hbm>> -> memref<16384xf32, #tpu.memory_space<hbm>>
    tpu.enqueue_dma source(%dma_start3A_15 : memref<16384xf32, #tpu.memory_space<hbm>>) target(%arg5 : memref<16384xf32, #tpu.memory_space<vmem>>) target_semaphore(%arg8 : memref<!tpu.dma_semaphore, #tpu.memory_space<semaphore_mem>>)
    %dma_wait3A = tpu.memref_slice %arg2[%mul3A_8] : memref<4194304xf32, #tpu.memory_space<hbm>> -> memref<16384xf32, #tpu.memory_space<hbm>>
    %dma_wait3A_16 = tpu.memref_slice %arg2[%mul3A_8] : memref<4194304xf32, #tpu.memory_space<hbm>> -> memref<16384xf32, #tpu.memory_space<hbm>>
    tpu.wait_dma2 semaphore(%arg7 : memref<!tpu.dma_semaphore, #tpu.memory_space<semaphore_mem>>) src(%dma_wait3A_16 : memref<16384xf32, #tpu.memory_space<hbm>>) dst(%arg4 : memref<16384xf32, #tpu.memory_space<vmem>>)
    %scan3A_17 = arith.constant 0 : i32
    %scan3A_18 = arith.constant 0 : i32
    %scan3A_19 = arith.constant 128 : i32
    %scan3A_20 = arith.addi %scan3A_18, %scan3A_19 : i32
    %scan3A_21 = arith.constant 1 : i32
    scf.for %scan3A_103 = %scan3A_18 to %scan3A_20 step %scan3A_21  : i32 {
      %mul3A_104 = arith.constant 128 : i32
      %mul3A_105 = arith.muli %scan3A_103, %mul3A_104 : i32
      %add3A_106 = arith.constant 0 : i32
      %add3A_107 = arith.addi %mul3A_105, %add3A_106 : i32
      %get3A = arith.index_cast %add3A_107 : i32 to index
      %get3A_108 = tpu.vector_load %arg4[%get3A] {strides = array<i32>} : memref<16384xf32, #tpu.memory_space<vmem>>, vector<16xf32>,
      %add3A_109 = arith.constant 16 : i32
      %add3A_110 = arith.addi %mul3A_105, %add3A_109 : i32
      %get3A_111 = arith.index_cast %add3A_110 : i32 to index
      %get3A_112 = tpu.vector_load %arg4[%get3A_111] {strides = array<i32>} : memref<16384xf32, #tpu.memory_space<vmem>>, vector<16xf32>,
      %add3A_113 = arith.constant 32 : i32
      %add3A_114 = arith.addi %mul3A_105, %add3A_113 : i32
      %get3A_115 = arith.index_cast %add3A_114 : i32 to index
      %get3A_116 = tpu.vector_load %arg4[%get3A_115] {strides = array<i32>} : memref<16384xf32, #tpu.memory_space<vmem>>, vector<16xf32>,
      %add3A_117 = arith.constant 48 : i32
      %add3A_118 = arith.addi %mul3A_105, %add3A_117 : i32
      %get3A_119 = arith.index_cast %add3A_118 : i32 to index
      %get3A_120 = tpu.vector_load %arg4[%get3A_119] {strides = array<i32>} : memref<16384xf32, #tpu.memory_space<vmem>>, vector<16xf32>,
      %add3A_121 = arith.constant 64 : i32
      %add3A_122 = arith.addi %mul3A_105, %add3A_121 : i32
      %get3A_123 = arith.index_cast %add3A_122 : i32 to index
      %get3A_124 = tpu.vector_load %arg4[%get3A_123] {strides = array<i32>} : memref<16384xf32, #tpu.memory_space<vmem>>, vector<16xf32>,
      %add3A_125 = arith.constant 80 : i32
      %add3A_126 = arith.addi %mul3A_105, %add3A_125 : i32
      %get3A_127 = arith.index_cast %add3A_126 : i32 to index
      %get3A_128 = tpu.vector_load %arg4[%get3A_127] {strides = array<i32>} : memref<16384xf32, #tpu.memory_space<vmem>>, vector<16xf32>,
      %add3A_129 = arith.constant 96 : i32
      %add3A_130 = arith.addi %mul3A_105, %add3A_129 : i32
      %get3A_131 = arith.index_cast %add3A_130 : i32 to index
      %get3A_132 = tpu.vector_load %arg4[%get3A_131] {strides = array<i32>} : memref<16384xf32, #tpu.memory_space<vmem>>, vector<16xf32>,
      %add3A_133 = arith.constant 112 : i32
      %add3A_134 = arith.addi %mul3A_105, %add3A_133 : i32
      %get3A_135 = arith.index_cast %add3A_134 : i32 to index
      %get3A_136 = tpu.vector_load %arg4[%get3A_135] {strides = array<i32>} : memref<16384xf32, #tpu.memory_space<vmem>>, vector<16xf32>,
      %bitcast_convert_type3A = tpu.bitcast %get3A_108 : vector<16xf32> -> vector<16xi32>
      %shift_right_logical3A = arith.constant 16 : i32
      %shift_right_logical3A_137 = vector.broadcast %shift_right_logical3A : i32 to vector<16xi32>
      %shift_right_logical3A_138 = arith.shrui %bitcast_convert_type3A, %shift_right_logical3A_137 : vector<16xi32>
      %bitcast_convert_type3A_139 = tpu.bitcast %get3A_112 : vector<16xf32> -> vector<16xi32>
      %shift_right_logical3A_140 = arith.constant 16 : i32
      %shift_right_logical3A_141 = vector.broadcast %shift_right_logical3A_140 : i32 to vector<16xi32>
      %shift_right_logical3A_142 = arith.shrui %bitcast_convert_type3A_139, %shift_right_logical3A_141 : vector<16xi32>
      %bitcast_convert_type3A_143 = tpu.bitcast %get3A_116 : vector<16xf32> -> vector<16xi32>
      %shift_right_logical3A_144 = arith.constant 16 : i32
      %shift_right_logical3A_145 = vector.broadcast %shift_right_logical3A_144 : i32 to vector<16xi32>
      %shift_right_logical3A_146 = arith.shrui %bitcast_convert_type3A_143, %shift_right_logical3A_145 : vector<16xi32>
      %bitcast_convert_type3A_147 = tpu.bitcast %get3A_120 : vector<16xf32> -> vector<16xi32>
      %shift_right_logical3A_148 = arith.constant 16 : i32
      %shift_right_logical3A_149 = vector.broadcast %shift_right_logical3A_148 : i32 to vector<16xi32>
      %shift_right_logical3A_150 = arith.shrui %bitcast_convert_type3A_147, %shift_right_logical3A_149 : vector<16xi32>
      %bitcast_convert_type3A_151 = tpu.bitcast %get3A_124 : vector<16xf32> -> vector<16xi32>
      %shift_right_logical3A_152 = arith.constant 16 : i32
      %shift_right_logical3A_153 = vector.broadcast %shift_right_logical3A_152 : i32 to vector<16xi32>
      %shift_right_logical3A_154 = arith.shrui %bitcast_convert_type3A_151, %shift_right_logical3A_153 : vector<16xi32>
      %bitcast_convert_type3A_155 = tpu.bitcast %get3A_128 : vector<16xf32> -> vector<16xi32>
      %shift_right_logical3A_156 = arith.constant 16 : i32
      %shift_right_logical3A_157 = vector.broadcast %shift_right_logical3A_156 : i32 to vector<16xi32>
      %shift_right_logical3A_158 = arith.shrui %bitcast_convert_type3A_155, %shift_right_logical3A_157 : vector<16xi32>
      %bitcast_convert_type3A_159 = tpu.bitcast %get3A_132 : vector<16xf32> -> vector<16xi32>
      %shift_right_logical3A_160 = arith.constant 16 : i32
      %shift_right_logical3A_161 = vector.broadcast %shift_right_logical3A_160 : i32 to vector<16xi32>
      %shift_right_logical3A_162 = arith.shrui %bitcast_convert_type3A_159, %shift_right_logical3A_161 : vector<16xi32>
      %bitcast_convert_type3A_163 = tpu.bitcast %get3A_136 : vector<16xf32> -> vector<16xi32>
      %shift_right_logical3A_164 = arith.constant 16 : i32
      %shift_right_logical3A_165 = vector.broadcast %shift_right_logical3A_164 : i32 to vector<16xi32>
      %shift_right_logical3A_166 = arith.shrui %bitcast_convert_type3A_163, %shift_right_logical3A_165 : vector<16xi32>
      %shift_right_logical3A_167 = arith.constant 7 : i32
      %shift_right_logical3A_168 = vector.broadcast %shift_right_logical3A_167 : i32 to vector<16xi32>
      %shift_right_logical3A_169 = arith.shrui %shift_right_logical3A_138, %shift_right_logical3A_168 : vector<16xi32>
      %shift_right_logical3A_170 = arith.constant 7 : i32
      %shift_right_logical3A_171 = vector.broadcast %shift_right_logical3A_170 : i32 to vector<16xi32>
      %shift_right_logical3A_172 = arith.shrui %shift_right_logical3A_142, %shift_right_logical3A_171 : vector<16xi32>
      %shift_right_logical3A_173 = arith.constant 7 : i32
      %shift_right_logical3A_174 = vector.broadcast %shift_right_logical3A_173 : i32 to vector<16xi32>
      %shift_right_logical3A_175 = arith.shrui %shift_right_logical3A_146, %shift_right_logical3A_174 : vector<16xi32>
      %shift_right_logical3A_176 = arith.constant 7 : i32
      %shift_right_logical3A_177 = vector.broadcast %shift_right_logical3A_176 : i32 to vector<16xi32>
      %shift_right_logical3A_178 = arith.shrui %shift_right_logical3A_150, %shift_right_logical3A_177 : vector<16xi32>
      %shift_right_logical3A_179 = arith.constant 7 : i32
      %shift_right_logical3A_180 = vector.broadcast %shift_right_logical3A_179 : i32 to vector<16xi32>
      %shift_right_logical3A_181 = arith.shrui %shift_right_logical3A_154, %shift_right_logical3A_180 : vector<16xi32>
      %shift_right_logical3A_182 = arith.constant 7 : i32
      %shift_right_logical3A_183 = vector.broadcast %shift_right_logical3A_182 : i32 to vector<16xi32>
      %shift_right_logical3A_184 = arith.shrui %shift_right_logical3A_158, %shift_right_logical3A_183 : vector<16xi32>
      %shift_right_logical3A_185 = arith.constant 7 : i32
      %shift_right_logical3A_186 = vector.broadcast %shift_right_logical3A_185 : i32 to vector<16xi32>
      %shift_right_logical3A_187 = arith.shrui %shift_right_logical3A_162, %shift_right_logical3A_186 : vector<16xi32>
      %shift_right_logical3A_188 = arith.constant 7 : i32
      %shift_right_logical3A_189 = vector.broadcast %shift_right_logical3A_188 : i32 to vector<16xi32>
      %shift_right_logical3A_190 = arith.shrui %shift_right_logical3A_166, %shift_right_logical3A_189 : vector<16xi32>
      %and3A = arith.constant 127 : i32
      %and3A_191 = vector.broadcast %and3A : i32 to vector<16xi32>
      %and3A_192 = arith.andi %shift_right_logical3A_138, %and3A_191 : vector<16xi32>
      %and3A_193 = arith.constant 127 : i32
      %and3A_194 = vector.broadcast %and3A_193 : i32 to vector<16xi32>
      %and3A_195 = arith.andi %shift_right_logical3A_142, %and3A_194 : vector<16xi32>
      %and3A_196 = arith.constant 127 : i32
      %and3A_197 = vector.broadcast %and3A_196 : i32 to vector<16xi32>
      %and3A_198 = arith.andi %shift_right_logical3A_146, %and3A_197 : vector<16xi32>
      %and3A_199 = arith.constant 127 : i32
      %and3A_200 = vector.broadcast %and3A_199 : i32 to vector<16xi32>
      %and3A_201 = arith.andi %shift_right_logical3A_150, %and3A_200 : vector<16xi32>
      %and3A_202 = arith.constant 127 : i32
      %and3A_203 = vector.broadcast %and3A_202 : i32 to vector<16xi32>
      %and3A_204 = arith.andi %shift_right_logical3A_154, %and3A_203 : vector<16xi32>
      %and3A_205 = arith.constant 127 : i32
      %and3A_206 = vector.broadcast %and3A_205 : i32 to vector<16xi32>
      %and3A_207 = arith.andi %shift_right_logical3A_158, %and3A_206 : vector<16xi32>
      %and3A_208 = arith.constant 127 : i32
      %and3A_209 = vector.broadcast %and3A_208 : i32 to vector<16xi32>
      %and3A_210 = arith.andi %shift_right_logical3A_162, %and3A_209 : vector<16xi32>
      %and3A_211 = arith.constant 127 : i32
      %and3A_212 = vector.broadcast %and3A_211 : i32 to vector<16xi32>
      %and3A_213 = arith.andi %shift_right_logical3A_166, %and3A_212 : vector<16xi32>
      tpu.vector_store_idx %arg6[%shift_right_logical3A_169, %and3A_192], %broadcast_in_dim3A_10 {add = true} : memref<256x128xi32, #tpu.memory_space<vmem>>[vector<16xi32>, vector<16xi32>], vector<16xi32>,
      tpu.vector_store_idx %arg6[%shift_right_logical3A_172, %and3A_195], %broadcast_in_dim3A_10 {add = true} : memref<256x128xi32, #tpu.memory_space<vmem>>[vector<16xi32>, vector<16xi32>], vector<16xi32>,
      tpu.vector_store_idx %arg6[%shift_right_logical3A_175, %and3A_198], %broadcast_in_dim3A_10 {add = true} : memref<256x128xi32, #tpu.memory_space<vmem>>[vector<16xi32>, vector<16xi32>], vector<16xi32>,
      tpu.vector_store_idx %arg6[%shift_right_logical3A_178, %and3A_201], %broadcast_in_dim3A_10 {add = true} : memref<256x128xi32, #tpu.memory_space<vmem>>[vector<16xi32>, vector<16xi32>], vector<16xi32>,
      tpu.vector_store_idx %arg6[%shift_right_logical3A_181, %and3A_204], %broadcast_in_dim3A_10 {add = true} : memref<256x128xi32, #tpu.memory_space<vmem>>[vector<16xi32>, vector<16xi32>], vector<16xi32>,
      tpu.vector_store_idx %arg6[%shift_right_logical3A_184, %and3A_207], %broadcast_in_dim3A_10 {add = true} : memref<256x128xi32, #tpu.memory_space<vmem>>[vector<16xi32>, vector<16xi32>], vector<16xi32>,
      tpu.vector_store_idx %arg6[%shift_right_logical3A_187, %and3A_210], %broadcast_in_dim3A_10 {add = true} : memref<256x128xi32, #tpu.memory_space<vmem>>[vector<16xi32>, vector<16xi32>], vector<16xi32>,
      tpu.vector_store_idx %arg6[%shift_right_logical3A_190, %and3A_213], %broadcast_in_dim3A_10 {add = true} : memref<256x128xi32, #tpu.memory_space<vmem>>[vector<16xi32>, vector<16xi32>], vector<16xi32>,
    }
    %scan3A_22 = arith.constant 128 : i32
    %add3A_23 = arith.constant 32768 : i32
    %add3A_24 = arith.addi %mul3A_8, %add3A_23 : i32
    %dma_start3A_25 = tpu.memref_slice %arg2[%add3A_24] : memref<4194304xf32, #tpu.memory_space<hbm>> -> memref<16384xf32, #tpu.memory_space<hbm>>
    %dma_start3A_26 = tpu.memref_slice %arg2[%add3A_24] : memref<4194304xf32, #tpu.memory_space<hbm>> -> memref<16384xf32, #tpu.memory_space<hbm>>
    tpu.enqueue_dma source(%dma_start3A_26 : memref<16384xf32, #tpu.memory_space<hbm>>) target(%arg4 : memref<16384xf32, #tpu.memory_space<vmem>>) target_semaphore(%arg7 : memref<!tpu.dma_semaphore, #tpu.memory_space<semaphore_mem>>)
    %dma_wait3A_27 = tpu.memref_slice %arg2[%add3A_13] : memref<4194304xf32, #tpu.memory_space<hbm>> -> memref<16384xf32, #tpu.memory_space<hbm>>
    %dma_wait3A_28 = tpu.memref_slice %arg2[%add3A_13] : memref<4194304xf32, #tpu.memory_space<hbm>> -> memref<16384xf32, #tpu.memory_space<hbm>>
    tpu.wait_dma2 semaphore(%arg8 : memref<!tpu.dma_semaphore, #tpu.memory_space<semaphore_mem>>) src(%dma_wait3A_28 : memref<16384xf32, #tpu.memory_space<hbm>>) dst(%arg5 : memref<16384xf32, #tpu.memory_space<vmem>>)
    %scan3A_29 = arith.constant 0 : i32
    %scan3A_30 = arith.constant 0 : i32
    %scan3A_31 = arith.constant 128 : i32
    %scan3A_32 = arith.addi %scan3A_30, %scan3A_31 : i32
    %scan3A_33 = arith.constant 1 : i32
    scf.for %scan3A_103 = %scan3A_30 to %scan3A_32 step %scan3A_33  : i32 {
      %mul3A_104 = arith.constant 128 : i32
      %mul3A_105 = arith.muli %scan3A_103, %mul3A_104 : i32
      %add3A_106 = arith.constant 0 : i32
      %add3A_107 = arith.addi %mul3A_105, %add3A_106 : i32
      %get3A = arith.index_cast %add3A_107 : i32 to index
      %get3A_108 = tpu.vector_load %arg5[%get3A] {strides = array<i32>} : memref<16384xf32, #tpu.memory_space<vmem>>, vector<16xf32>,
      %add3A_109 = arith.constant 16 : i32
      %add3A_110 = arith.addi %mul3A_105, %add3A_109 : i32
      %get3A_111 = arith.index_cast %add3A_110 : i32 to index
      %get3A_112 = tpu.vector_load %arg5[%get3A_111] {strides = array<i32>} : memref<16384xf32, #tpu.memory_space<vmem>>, vector<16xf32>,
      %add3A_113 = arith.constant 32 : i32
      %add3A_114 = arith.addi %mul3A_105, %add3A_113 : i32
      %get3A_115 = arith.index_cast %add3A_114 : i32 to index
      %get3A_116 = tpu.vector_load %arg5[%get3A_115] {strides = array<i32>} : memref<16384xf32, #tpu.memory_space<vmem>>, vector<16xf32>,
      %add3A_117 = arith.constant 48 : i32
      %add3A_118 = arith.addi %mul3A_105, %add3A_117 : i32
      %get3A_119 = arith.index_cast %add3A_118 : i32 to index
      %get3A_120 = tpu.vector_load %arg5[%get3A_119] {strides = array<i32>} : memref<16384xf32, #tpu.memory_space<vmem>>, vector<16xf32>,
      %add3A_121 = arith.constant 64 : i32
      %add3A_122 = arith.addi %mul3A_105, %add3A_121 : i32
      %get3A_123 = arith.index_cast %add3A_122 : i32 to index
      %get3A_124 = tpu.vector_load %arg5[%get3A_123] {strides = array<i32>} : memref<16384xf32, #tpu.memory_space<vmem>>, vector<16xf32>,
      %add3A_125 = arith.constant 80 : i32
      %add3A_126 = arith.addi %mul3A_105, %add3A_125 : i32
      %get3A_127 = arith.index_cast %add3A_126 : i32 to index
      %get3A_128 = tpu.vector_load %arg5[%get3A_127] {strides = array<i32>} : memref<16384xf32, #tpu.memory_space<vmem>>, vector<16xf32>,
      %add3A_129 = arith.constant 96 : i32
      %add3A_130 = arith.addi %mul3A_105, %add3A_129 : i32
      %get3A_131 = arith.index_cast %add3A_130 : i32 to index
      %get3A_132 = tpu.vector_load %arg5[%get3A_131] {strides = array<i32>} : memref<16384xf32, #tpu.memory_space<vmem>>, vector<16xf32>,
      %add3A_133 = arith.constant 112 : i32
      %add3A_134 = arith.addi %mul3A_105, %add3A_133 : i32
      %get3A_135 = arith.index_cast %add3A_134 : i32 to index
      %get3A_136 = tpu.vector_load %arg5[%get3A_135] {strides = array<i32>} : memref<16384xf32, #tpu.memory_space<vmem>>, vector<16xf32>,
      %bitcast_convert_type3A = tpu.bitcast %get3A_108 : vector<16xf32> -> vector<16xi32>
      %shift_right_logical3A = arith.constant 16 : i32
      %shift_right_logical3A_137 = vector.broadcast %shift_right_logical3A : i32 to vector<16xi32>
      %shift_right_logical3A_138 = arith.shrui %bitcast_convert_type3A, %shift_right_logical3A_137 : vector<16xi32>
      %bitcast_convert_type3A_139 = tpu.bitcast %get3A_112 : vector<16xf32> -> vector<16xi32>
      %shift_right_logical3A_140 = arith.constant 16 : i32
      %shift_right_logical3A_141 = vector.broadcast %shift_right_logical3A_140 : i32 to vector<16xi32>
      %shift_right_logical3A_142 = arith.shrui %bitcast_convert_type3A_139, %shift_right_logical3A_141 : vector<16xi32>
      %bitcast_convert_type3A_143 = tpu.bitcast %get3A_116 : vector<16xf32> -> vector<16xi32>
      %shift_right_logical3A_144 = arith.constant 16 : i32
      %shift_right_logical3A_145 = vector.broadcast %shift_right_logical3A_144 : i32 to vector<16xi32>
      %shift_right_logical3A_146 = arith.shrui %bitcast_convert_type3A_143, %shift_right_logical3A_145 : vector<16xi32>
      %bitcast_convert_type3A_147 = tpu.bitcast %get3A_120 : vector<16xf32> -> vector<16xi32>
      %shift_right_logical3A_148 = arith.constant 16 : i32
      %shift_right_logical3A_149 = vector.broadcast %shift_right_logical3A_148 : i32 to vector<16xi32>
      %shift_right_logical3A_150 = arith.shrui %bitcast_convert_type3A_147, %shift_right_logical3A_149 : vector<16xi32>
      %bitcast_convert_type3A_151 = tpu.bitcast %get3A_124 : vector<16xf32> -> vector<16xi32>
      %shift_right_logical3A_152 = arith.constant 16 : i32
      %shift_right_logical3A_153 = vector.broadcast %shift_right_logical3A_152 : i32 to vector<16xi32>
      %shift_right_logical3A_154 = arith.shrui %bitcast_convert_type3A_151, %shift_right_logical3A_153 : vector<16xi32>
      %bitcast_convert_type3A_155 = tpu.bitcast %get3A_128 : vector<16xf32> -> vector<16xi32>
      %shift_right_logical3A_156 = arith.constant 16 : i32
      %shift_right_logical3A_157 = vector.broadcast %shift_right_logical3A_156 : i32 to vector<16xi32>
      %shift_right_logical3A_158 = arith.shrui %bitcast_convert_type3A_155, %shift_right_logical3A_157 : vector<16xi32>
      %bitcast_convert_type3A_159 = tpu.bitcast %get3A_132 : vector<16xf32> -> vector<16xi32>
      %shift_right_logical3A_160 = arith.constant 16 : i32
      %shift_right_logical3A_161 = vector.broadcast %shift_right_logical3A_160 : i32 to vector<16xi32>
      %shift_right_logical3A_162 = arith.shrui %bitcast_convert_type3A_159, %shift_right_logical3A_161 : vector<16xi32>
      %bitcast_convert_type3A_163 = tpu.bitcast %get3A_136 : vector<16xf32> -> vector<16xi32>
      %shift_right_logical3A_164 = arith.constant 16 : i32
      %shift_right_logical3A_165 = vector.broadcast %shift_right_logical3A_164 : i32 to vector<16xi32>
      %shift_right_logical3A_166 = arith.shrui %bitcast_convert_type3A_163, %shift_right_logical3A_165 : vector<16xi32>
      %shift_right_logical3A_167 = arith.constant 7 : i32
      %shift_right_logical3A_168 = vector.broadcast %shift_right_logical3A_167 : i32 to vector<16xi32>
      %shift_right_logical3A_169 = arith.shrui %shift_right_logical3A_138, %shift_right_logical3A_168 : vector<16xi32>
      %shift_right_logical3A_170 = arith.constant 7 : i32
      %shift_right_logical3A_171 = vector.broadcast %shift_right_logical3A_170 : i32 to vector<16xi32>
      %shift_right_logical3A_172 = arith.shrui %shift_right_logical3A_142, %shift_right_logical3A_171 : vector<16xi32>
      %shift_right_logical3A_173 = arith.constant 7 : i32
      %shift_right_logical3A_174 = vector.broadcast %shift_right_logical3A_173 : i32 to vector<16xi32>
      %shift_right_logical3A_175 = arith.shrui %shift_right_logical3A_146, %shift_right_logical3A_174 : vector<16xi32>
      %shift_right_logical3A_176 = arith.constant 7 : i32
      %shift_right_logical3A_177 = vector.broadcast %shift_right_logical3A_176 : i32 to vector<16xi32>
      %shift_right_logical3A_178 = arith.shrui %shift_right_logical3A_150, %shift_right_logical3A_177 : vector<16xi32>
      %shift_right_logical3A_179 = arith.constant 7 : i32
      %shift_right_logical3A_180 = vector.broadcast %shift_right_logical3A_179 : i32 to vector<16xi32>
      %shift_right_logical3A_181 = arith.shrui %shift_right_logical3A_154, %shift_right_logical3A_180 : vector<16xi32>
      %shift_right_logical3A_182 = arith.constant 7 : i32
      %shift_right_logical3A_183 = vector.broadcast %shift_right_logical3A_182 : i32 to vector<16xi32>
      %shift_right_logical3A_184 = arith.shrui %shift_right_logical3A_158, %shift_right_logical3A_183 : vector<16xi32>
      %shift_right_logical3A_185 = arith.constant 7 : i32
      %shift_right_logical3A_186 = vector.broadcast %shift_right_logical3A_185 : i32 to vector<16xi32>
      %shift_right_logical3A_187 = arith.shrui %shift_right_logical3A_162, %shift_right_logical3A_186 : vector<16xi32>
      %shift_right_logical3A_188 = arith.constant 7 : i32
      %shift_right_logical3A_189 = vector.broadcast %shift_right_logical3A_188 : i32 to vector<16xi32>
      %shift_right_logical3A_190 = arith.shrui %shift_right_logical3A_166, %shift_right_logical3A_189 : vector<16xi32>
      %and3A = arith.constant 127 : i32
      %and3A_191 = vector.broadcast %and3A : i32 to vector<16xi32>
      %and3A_192 = arith.andi %shift_right_logical3A_138, %and3A_191 : vector<16xi32>
      %and3A_193 = arith.constant 127 : i32
      %and3A_194 = vector.broadcast %and3A_193 : i32 to vector<16xi32>
      %and3A_195 = arith.andi %shift_right_logical3A_142, %and3A_194 : vector<16xi32>
      %and3A_196 = arith.constant 127 : i32
      %and3A_197 = vector.broadcast %and3A_196 : i32 to vector<16xi32>
      %and3A_198 = arith.andi %shift_right_logical3A_146, %and3A_197 : vector<16xi32>
      %and3A_199 = arith.constant 127 : i32
      %and3A_200 = vector.broadcast %and3A_199 : i32 to vector<16xi32>
      %and3A_201 = arith.andi %shift_right_logical3A_150, %and3A_200 : vector<16xi32>
      %and3A_202 = arith.constant 127 : i32
      %and3A_203 = vector.broadcast %and3A_202 : i32 to vector<16xi32>
      %and3A_204 = arith.andi %shift_right_logical3A_154, %and3A_203 : vector<16xi32>
      %and3A_205 = arith.constant 127 : i32
      %and3A_206 = vector.broadcast %and3A_205 : i32 to vector<16xi32>
      %and3A_207 = arith.andi %shift_right_logical3A_158, %and3A_206 : vector<16xi32>
      %and3A_208 = arith.constant 127 : i32
      %and3A_209 = vector.broadcast %and3A_208 : i32 to vector<16xi32>
      %and3A_210 = arith.andi %shift_right_logical3A_162, %and3A_209 : vector<16xi32>
      %and3A_211 = arith.constant 127 : i32
      %and3A_212 = vector.broadcast %and3A_211 : i32 to vector<16xi32>
      %and3A_213 = arith.andi %shift_right_logical3A_166, %and3A_212 : vector<16xi32>
      tpu.vector_store_idx %arg6[%shift_right_logical3A_169, %and3A_192], %broadcast_in_dim3A_10 {add = true} : memref<256x128xi32, #tpu.memory_space<vmem>>[vector<16xi32>, vector<16xi32>], vector<16xi32>,
      tpu.vector_store_idx %arg6[%shift_right_logical3A_172, %and3A_195], %broadcast_in_dim3A_10 {add = true} : memref<256x128xi32, #tpu.memory_space<vmem>>[vector<16xi32>, vector<16xi32>], vector<16xi32>,
      tpu.vector_store_idx %arg6[%shift_right_logical3A_175, %and3A_198], %broadcast_in_dim3A_10 {add = true} : memref<256x128xi32, #tpu.memory_space<vmem>>[vector<16xi32>, vector<16xi32>], vector<16xi32>,
      tpu.vector_store_idx %arg6[%shift_right_logical3A_178, %and3A_201], %broadcast_in_dim3A_10 {add = true} : memref<256x128xi32, #tpu.memory_space<vmem>>[vector<16xi32>, vector<16xi32>], vector<16xi32>,
      tpu.vector_store_idx %arg6[%shift_right_logical3A_181, %and3A_204], %broadcast_in_dim3A_10 {add = true} : memref<256x128xi32, #tpu.memory_space<vmem>>[vector<16xi32>, vector<16xi32>], vector<16xi32>,
      tpu.vector_store_idx %arg6[%shift_right_logical3A_184, %and3A_207], %broadcast_in_dim3A_10 {add = true} : memref<256x128xi32, #tpu.memory_space<vmem>>[vector<16xi32>, vector<16xi32>], vector<16xi32>,
      tpu.vector_store_idx %arg6[%shift_right_logical3A_187, %and3A_210], %broadcast_in_dim3A_10 {add = true} : memref<256x128xi32, #tpu.memory_space<vmem>>[vector<16xi32>, vector<16xi32>], vector<16xi32>,
      tpu.vector_store_idx %arg6[%shift_right_logical3A_190, %and3A_213], %broadcast_in_dim3A_10 {add = true} : memref<256x128xi32, #tpu.memory_space<vmem>>[vector<16xi32>, vector<16xi32>], vector<16xi32>,
    }
    %scan3A_34 = arith.constant 128 : i32
    %add3A_35 = arith.constant 49152 : i32
    %add3A_36 = arith.addi %mul3A_8, %add3A_35 : i32
    %dma_start3A_37 = tpu.memref_slice %arg2[%add3A_36] : memref<4194304xf32, #tpu.memory_space<hbm>> -> memref<16384xf32, #tpu.memory_space<hbm>>
    %dma_start3A_38 = tpu.memref_slice %arg2[%add3A_36] : memref<4194304xf32, #tpu.memory_space<hbm>> -> memref<16384xf32, #tpu.memory_space<hbm>>
    tpu.enqueue_dma source(%dma_start3A_38 : memref<16384xf32, #tpu.memory_space<hbm>>) target(%arg5 : memref<16384xf32, #tpu.memory_space<vmem>>) target_semaphore(%arg8 : memref<!tpu.dma_semaphore, #tpu.memory_space<semaphore_mem>>)
    %dma_wait3A_39 = tpu.memref_slice %arg2[%add3A_24] : memref<4194304xf32, #tpu.memory_space<hbm>> -> memref<16384xf32, #tpu.memory_space<hbm>>
    %dma_wait3A_40 = tpu.memref_slice %arg2[%add3A_24] : memref<4194304xf32, #tpu.memory_space<hbm>> -> memref<16384xf32, #tpu.memory_space<hbm>>
    tpu.wait_dma2 semaphore(%arg7 : memref<!tpu.dma_semaphore, #tpu.memory_space<semaphore_mem>>) src(%dma_wait3A_40 : memref<16384xf32, #tpu.memory_space<hbm>>) dst(%arg4 : memref<16384xf32, #tpu.memory_space<vmem>>)
    %scan3A_41 = arith.constant 0 : i32
    %scan3A_42 = arith.constant 0 : i32
    %scan3A_43 = arith.constant 128 : i32
    %scan3A_44 = arith.addi %scan3A_42, %scan3A_43 : i32
    %scan3A_45 = arith.constant 1 : i32
    scf.for %scan3A_103 = %scan3A_42 to %scan3A_44 step %scan3A_45  : i32 {
      %mul3A_104 = arith.constant 128 : i32
      %mul3A_105 = arith.muli %scan3A_103, %mul3A_104 : i32
      %add3A_106 = arith.constant 0 : i32
      %add3A_107 = arith.addi %mul3A_105, %add3A_106 : i32
      %get3A = arith.index_cast %add3A_107 : i32 to index
      %get3A_108 = tpu.vector_load %arg4[%get3A] {strides = array<i32>} : memref<16384xf32, #tpu.memory_space<vmem>>, vector<16xf32>,
      %add3A_109 = arith.constant 16 : i32
      %add3A_110 = arith.addi %mul3A_105, %add3A_109 : i32
      %get3A_111 = arith.index_cast %add3A_110 : i32 to index
      %get3A_112 = tpu.vector_load %arg4[%get3A_111] {strides = array<i32>} : memref<16384xf32, #tpu.memory_space<vmem>>, vector<16xf32>,
      %add3A_113 = arith.constant 32 : i32
      %add3A_114 = arith.addi %mul3A_105, %add3A_113 : i32
      %get3A_115 = arith.index_cast %add3A_114 : i32 to index
      %get3A_116 = tpu.vector_load %arg4[%get3A_115] {strides = array<i32>} : memref<16384xf32, #tpu.memory_space<vmem>>, vector<16xf32>,
      %add3A_117 = arith.constant 48 : i32
      %add3A_118 = arith.addi %mul3A_105, %add3A_117 : i32
      %get3A_119 = arith.index_cast %add3A_118 : i32 to index
      %get3A_120 = tpu.vector_load %arg4[%get3A_119] {strides = array<i32>} : memref<16384xf32, #tpu.memory_space<vmem>>, vector<16xf32>,
      %add3A_121 = arith.constant 64 : i32
      %add3A_122 = arith.addi %mul3A_105, %add3A_121 : i32
      %get3A_123 = arith.index_cast %add3A_122 : i32 to index
      %get3A_124 = tpu.vector_load %arg4[%get3A_123] {strides = array<i32>} : memref<16384xf32, #tpu.memory_space<vmem>>, vector<16xf32>,
      %add3A_125 = arith.constant 80 : i32
      %add3A_126 = arith.addi %mul3A_105, %add3A_125 : i32
      %get3A_127 = arith.index_cast %add3A_126 : i32 to index
      %get3A_128 = tpu.vector_load %arg4[%get3A_127] {strides = array<i32>} : memref<16384xf32, #tpu.memory_space<vmem>>, vector<16xf32>,
      %add3A_129 = arith.constant 96 : i32
      %add3A_130 = arith.addi %mul3A_105, %add3A_129 : i32
      %get3A_131 = arith.index_cast %add3A_130 : i32 to index
      %get3A_132 = tpu.vector_load %arg4[%get3A_131] {strides = array<i32>} : memref<16384xf32, #tpu.memory_space<vmem>>, vector<16xf32>,
      %add3A_133 = arith.constant 112 : i32
      %add3A_134 = arith.addi %mul3A_105, %add3A_133 : i32
      %get3A_135 = arith.index_cast %add3A_134 : i32 to index
      %get3A_136 = tpu.vector_load %arg4[%get3A_135] {strides = array<i32>} : memref<16384xf32, #tpu.memory_space<vmem>>, vector<16xf32>,
      %bitcast_convert_type3A = tpu.bitcast %get3A_108 : vector<16xf32> -> vector<16xi32>
      %shift_right_logical3A = arith.constant 16 : i32
      %shift_right_logical3A_137 = vector.broadcast %shift_right_logical3A : i32 to vector<16xi32>
      %shift_right_logical3A_138 = arith.shrui %bitcast_convert_type3A, %shift_right_logical3A_137 : vector<16xi32>
      %bitcast_convert_type3A_139 = tpu.bitcast %get3A_112 : vector<16xf32> -> vector<16xi32>
      %shift_right_logical3A_140 = arith.constant 16 : i32
      %shift_right_logical3A_141 = vector.broadcast %shift_right_logical3A_140 : i32 to vector<16xi32>
      %shift_right_logical3A_142 = arith.shrui %bitcast_convert_type3A_139, %shift_right_logical3A_141 : vector<16xi32>
      %bitcast_convert_type3A_143 = tpu.bitcast %get3A_116 : vector<16xf32> -> vector<16xi32>
      %shift_right_logical3A_144 = arith.constant 16 : i32
      %shift_right_logical3A_145 = vector.broadcast %shift_right_logical3A_144 : i32 to vector<16xi32>
      %shift_right_logical3A_146 = arith.shrui %bitcast_convert_type3A_143, %shift_right_logical3A_145 : vector<16xi32>
      %bitcast_convert_type3A_147 = tpu.bitcast %get3A_120 : vector<16xf32> -> vector<16xi32>
      %shift_right_logical3A_148 = arith.constant 16 : i32
      %shift_right_logical3A_149 = vector.broadcast %shift_right_logical3A_148 : i32 to vector<16xi32>
      %shift_right_logical3A_150 = arith.shrui %bitcast_convert_type3A_147, %shift_right_logical3A_149 : vector<16xi32>
      %bitcast_convert_type3A_151 = tpu.bitcast %get3A_124 : vector<16xf32> -> vector<16xi32>
      %shift_right_logical3A_152 = arith.constant 16 : i32
      %shift_right_logical3A_153 = vector.broadcast %shift_right_logical3A_152 : i32 to vector<16xi32>
      %shift_right_logical3A_154 = arith.shrui %bitcast_convert_type3A_151, %shift_right_logical3A_153 : vector<16xi32>
      %bitcast_convert_type3A_155 = tpu.bitcast %get3A_128 : vector<16xf32> -> vector<16xi32>
      %shift_right_logical3A_156 = arith.constant 16 : i32
      %shift_right_logical3A_157 = vector.broadcast %shift_right_logical3A_156 : i32 to vector<16xi32>
      %shift_right_logical3A_158 = arith.shrui %bitcast_convert_type3A_155, %shift_right_logical3A_157 : vector<16xi32>
      %bitcast_convert_type3A_159 = tpu.bitcast %get3A_132 : vector<16xf32> -> vector<16xi32>
      %shift_right_logical3A_160 = arith.constant 16 : i32
      %shift_right_logical3A_161 = vector.broadcast %shift_right_logical3A_160 : i32 to vector<16xi32>
      %shift_right_logical3A_162 = arith.shrui %bitcast_convert_type3A_159, %shift_right_logical3A_161 : vector<16xi32>
      %bitcast_convert_type3A_163 = tpu.bitcast %get3A_136 : vector<16xf32> -> vector<16xi32>
      %shift_right_logical3A_164 = arith.constant 16 : i32
      %shift_right_logical3A_165 = vector.broadcast %shift_right_logical3A_164 : i32 to vector<16xi32>
      %shift_right_logical3A_166 = arith.shrui %bitcast_convert_type3A_163, %shift_right_logical3A_165 : vector<16xi32>
      %shift_right_logical3A_167 = arith.constant 7 : i32
      %shift_right_logical3A_168 = vector.broadcast %shift_right_logical3A_167 : i32 to vector<16xi32>
      %shift_right_logical3A_169 = arith.shrui %shift_right_logical3A_138, %shift_right_logical3A_168 : vector<16xi32>
      %shift_right_logical3A_170 = arith.constant 7 : i32
      %shift_right_logical3A_171 = vector.broadcast %shift_right_logical3A_170 : i32 to vector<16xi32>
      %shift_right_logical3A_172 = arith.shrui %shift_right_logical3A_142, %shift_right_logical3A_171 : vector<16xi32>
      %shift_right_logical3A_173 = arith.constant 7 : i32
      %shift_right_logical3A_174 = vector.broadcast %shift_right_logical3A_173 : i32 to vector<16xi32>
      %shift_right_logical3A_175 = arith.shrui %shift_right_logical3A_146, %shift_right_logical3A_174 : vector<16xi32>
      %shift_right_logical3A_176 = arith.constant 7 : i32
      %shift_right_logical3A_177 = vector.broadcast %shift_right_logical3A_176 : i32 to vector<16xi32>
      %shift_right_logical3A_178 = arith.shrui %shift_right_logical3A_150, %shift_right_logical3A_177 : vector<16xi32>
      %shift_right_logical3A_179 = arith.constant 7 : i32
      %shift_right_logical3A_180 = vector.broadcast %shift_right_logical3A_179 : i32 to vector<16xi32>
      %shift_right_logical3A_181 = arith.shrui %shift_right_logical3A_154, %shift_right_logical3A_180 : vector<16xi32>
      %shift_right_logical3A_182 = arith.constant 7 : i32
      %shift_right_logical3A_183 = vector.broadcast %shift_right_logical3A_182 : i32 to vector<16xi32>
      %shift_right_logical3A_184 = arith.shrui %shift_right_logical3A_158, %shift_right_logical3A_183 : vector<16xi32>
      %shift_right_logical3A_185 = arith.constant 7 : i32
      %shift_right_logical3A_186 = vector.broadcast %shift_right_logical3A_185 : i32 to vector<16xi32>
      %shift_right_logical3A_187 = arith.shrui %shift_right_logical3A_162, %shift_right_logical3A_186 : vector<16xi32>
      %shift_right_logical3A_188 = arith.constant 7 : i32
      %shift_right_logical3A_189 = vector.broadcast %shift_right_logical3A_188 : i32 to vector<16xi32>
      %shift_right_logical3A_190 = arith.shrui %shift_right_logical3A_166, %shift_right_logical3A_189 : vector<16xi32>
      %and3A = arith.constant 127 : i32
      %and3A_191 = vector.broadcast %and3A : i32 to vector<16xi32>
      %and3A_192 = arith.andi %shift_right_logical3A_138, %and3A_191 : vector<16xi32>
      %and3A_193 = arith.constant 127 : i32
      %and3A_194 = vector.broadcast %and3A_193 : i32 to vector<16xi32>
      %and3A_195 = arith.andi %shift_right_logical3A_142, %and3A_194 : vector<16xi32>
      %and3A_196 = arith.constant 127 : i32
      %and3A_197 = vector.broadcast %and3A_196 : i32 to vector<16xi32>
      %and3A_198 = arith.andi %shift_right_logical3A_146, %and3A_197 : vector<16xi32>
      %and3A_199 = arith.constant 127 : i32
      %and3A_200 = vector.broadcast %and3A_199 : i32 to vector<16xi32>
      %and3A_201 = arith.andi %shift_right_logical3A_150, %and3A_200 : vector<16xi32>
      %and3A_202 = arith.constant 127 : i32
      %and3A_203 = vector.broadcast %and3A_202 : i32 to vector<16xi32>
      %and3A_204 = arith.andi %shift_right_logical3A_154, %and3A_203 : vector<16xi32>
      %and3A_205 = arith.constant 127 : i32
      %and3A_206 = vector.broadcast %and3A_205 : i32 to vector<16xi32>
      %and3A_207 = arith.andi %shift_right_logical3A_158, %and3A_206 : vector<16xi32>
      %and3A_208 = arith.constant 127 : i32
      %and3A_209 = vector.broadcast %and3A_208 : i32 to vector<16xi32>
      %and3A_210 = arith.andi %shift_right_logical3A_162, %and3A_209 : vector<16xi32>
      %and3A_211 = arith.constant 127 : i32
      %and3A_212 = vector.broadcast %and3A_211 : i32 to vector<16xi32>
      %and3A_213 = arith.andi %shift_right_logical3A_166, %and3A_212 : vector<16xi32>
      tpu.vector_store_idx %arg6[%shift_right_logical3A_169, %and3A_192], %broadcast_in_dim3A_10 {add = true} : memref<256x128xi32, #tpu.memory_space<vmem>>[vector<16xi32>, vector<16xi32>], vector<16xi32>,
      tpu.vector_store_idx %arg6[%shift_right_logical3A_172, %and3A_195], %broadcast_in_dim3A_10 {add = true} : memref<256x128xi32, #tpu.memory_space<vmem>>[vector<16xi32>, vector<16xi32>], vector<16xi32>,
      tpu.vector_store_idx %arg6[%shift_right_logical3A_175, %and3A_198], %broadcast_in_dim3A_10 {add = true} : memref<256x128xi32, #tpu.memory_space<vmem>>[vector<16xi32>, vector<16xi32>], vector<16xi32>,
      tpu.vector_store_idx %arg6[%shift_right_logical3A_178, %and3A_201], %broadcast_in_dim3A_10 {add = true} : memref<256x128xi32, #tpu.memory_space<vmem>>[vector<16xi32>, vector<16xi32>], vector<16xi32>,
      tpu.vector_store_idx %arg6[%shift_right_logical3A_181, %and3A_204], %broadcast_in_dim3A_10 {add = true} : memref<256x128xi32, #tpu.memory_space<vmem>>[vector<16xi32>, vector<16xi32>], vector<16xi32>,
      tpu.vector_store_idx %arg6[%shift_right_logical3A_184, %and3A_207], %broadcast_in_dim3A_10 {add = true} : memref<256x128xi32, #tpu.memory_space<vmem>>[vector<16xi32>, vector<16xi32>], vector<16xi32>,
      tpu.vector_store_idx %arg6[%shift_right_logical3A_187, %and3A_210], %broadcast_in_dim3A_10 {add = true} : memref<256x128xi32, #tpu.memory_space<vmem>>[vector<16xi32>, vector<16xi32>], vector<16xi32>,
      tpu.vector_store_idx %arg6[%shift_right_logical3A_190, %and3A_213], %broadcast_in_dim3A_10 {add = true} : memref<256x128xi32, #tpu.memory_space<vmem>>[vector<16xi32>, vector<16xi32>], vector<16xi32>,
    }
    %scan3A_46 = arith.constant 128 : i32
    %add3A_47 = arith.constant 65536 : i32
    %add3A_48 = arith.addi %mul3A_8, %add3A_47 : i32
    %dma_start3A_49 = tpu.memref_slice %arg2[%add3A_48] : memref<4194304xf32, #tpu.memory_space<hbm>> -> memref<16384xf32, #tpu.memory_space<hbm>>
    %dma_start3A_50 = tpu.memref_slice %arg2[%add3A_48] : memref<4194304xf32, #tpu.memory_space<hbm>> -> memref<16384xf32, #tpu.memory_space<hbm>>
    tpu.enqueue_dma source(%dma_start3A_50 : memref<16384xf32, #tpu.memory_space<hbm>>) target(%arg4 : memref<16384xf32, #tpu.memory_space<vmem>>) target_semaphore(%arg7 : memref<!tpu.dma_semaphore, #tpu.memory_space<semaphore_mem>>)
    %dma_wait3A_51 = tpu.memref_slice %arg2[%add3A_36] : memref<4194304xf32, #tpu.memory_space<hbm>> -> memref<16384xf32, #tpu.memory_space<hbm>>
    %dma_wait3A_52 = tpu.memref_slice %arg2[%add3A_36] : memref<4194304xf32, #tpu.memory_space<hbm>> -> memref<16384xf32, #tpu.memory_space<hbm>>
    tpu.wait_dma2 semaphore(%arg8 : memref<!tpu.dma_semaphore, #tpu.memory_space<semaphore_mem>>) src(%dma_wait3A_52 : memref<16384xf32, #tpu.memory_space<hbm>>) dst(%arg5 : memref<16384xf32, #tpu.memory_space<vmem>>)
    %scan3A_53 = arith.constant 0 : i32
    %scan3A_54 = arith.constant 0 : i32
    %scan3A_55 = arith.constant 128 : i32
    %scan3A_56 = arith.addi %scan3A_54, %scan3A_55 : i32
    %scan3A_57 = arith.constant 1 : i32
    scf.for %scan3A_103 = %scan3A_54 to %scan3A_56 step %scan3A_57  : i32 {
      %mul3A_104 = arith.constant 128 : i32
      %mul3A_105 = arith.muli %scan3A_103, %mul3A_104 : i32
      %add3A_106 = arith.constant 0 : i32
      %add3A_107 = arith.addi %mul3A_105, %add3A_106 : i32
      %get3A = arith.index_cast %add3A_107 : i32 to index
      %get3A_108 = tpu.vector_load %arg5[%get3A] {strides = array<i32>} : memref<16384xf32, #tpu.memory_space<vmem>>, vector<16xf32>,
      %add3A_109 = arith.constant 16 : i32
      %add3A_110 = arith.addi %mul3A_105, %add3A_109 : i32
      %get3A_111 = arith.index_cast %add3A_110 : i32 to index
      %get3A_112 = tpu.vector_load %arg5[%get3A_111] {strides = array<i32>} : memref<16384xf32, #tpu.memory_space<vmem>>, vector<16xf32>,
      %add3A_113 = arith.constant 32 : i32
      %add3A_114 = arith.addi %mul3A_105, %add3A_113 : i32
      %get3A_115 = arith.index_cast %add3A_114 : i32 to index
      %get3A_116 = tpu.vector_load %arg5[%get3A_115] {strides = array<i32>} : memref<16384xf32, #tpu.memory_space<vmem>>, vector<16xf32>,
      %add3A_117 = arith.constant 48 : i32
      %add3A_118 = arith.addi %mul3A_105, %add3A_117 : i32
      %get3A_119 = arith.index_cast %add3A_118 : i32 to index
      %get3A_120 = tpu.vector_load %arg5[%get3A_119] {strides = array<i32>} : memref<16384xf32, #tpu.memory_space<vmem>>, vector<16xf32>,
      %add3A_121 = arith.constant 64 : i32
      %add3A_122 = arith.addi %mul3A_105, %add3A_121 : i32
      %get3A_123 = arith.index_cast %add3A_122 : i32 to index
      %get3A_124 = tpu.vector_load %arg5[%get3A_123] {strides = array<i32>} : memref<16384xf32, #tpu.memory_space<vmem>>, vector<16xf32>,
      %add3A_125 = arith.constant 80 : i32
      %add3A_126 = arith.addi %mul3A_105, %add3A_125 : i32
      %get3A_127 = arith.index_cast %add3A_126 : i32 to index
      %get3A_128 = tpu.vector_load %arg5[%get3A_127] {strides = array<i32>} : memref<16384xf32, #tpu.memory_space<vmem>>, vector<16xf32>,
      %add3A_129 = arith.constant 96 : i32
      %add3A_130 = arith.addi %mul3A_105, %add3A_129 : i32
      %get3A_131 = arith.index_cast %add3A_130 : i32 to index
      %get3A_132 = tpu.vector_load %arg5[%get3A_131] {strides = array<i32>} : memref<16384xf32, #tpu.memory_space<vmem>>, vector<16xf32>,
      %add3A_133 = arith.constant 112 : i32
      %add3A_134 = arith.addi %mul3A_105, %add3A_133 : i32
      %get3A_135 = arith.index_cast %add3A_134 : i32 to index
      %get3A_136 = tpu.vector_load %arg5[%get3A_135] {strides = array<i32>} : memref<16384xf32, #tpu.memory_space<vmem>>, vector<16xf32>,
      %bitcast_convert_type3A = tpu.bitcast %get3A_108 : vector<16xf32> -> vector<16xi32>
      %shift_right_logical3A = arith.constant 16 : i32
      %shift_right_logical3A_137 = vector.broadcast %shift_right_logical3A : i32 to vector<16xi32>
      %shift_right_logical3A_138 = arith.shrui %bitcast_convert_type3A, %shift_right_logical3A_137 : vector<16xi32>
      %bitcast_convert_type3A_139 = tpu.bitcast %get3A_112 : vector<16xf32> -> vector<16xi32>
      %shift_right_logical3A_140 = arith.constant 16 : i32
      %shift_right_logical3A_141 = vector.broadcast %shift_right_logical3A_140 : i32 to vector<16xi32>
      %shift_right_logical3A_142 = arith.shrui %bitcast_convert_type3A_139, %shift_right_logical3A_141 : vector<16xi32>
      %bitcast_convert_type3A_143 = tpu.bitcast %get3A_116 : vector<16xf32> -> vector<16xi32>
      %shift_right_logical3A_144 = arith.constant 16 : i32
      %shift_right_logical3A_145 = vector.broadcast %shift_right_logical3A_144 : i32 to vector<16xi32>
      %shift_right_logical3A_146 = arith.shrui %bitcast_convert_type3A_143, %shift_right_logical3A_145 : vector<16xi32>
      %bitcast_convert_type3A_147 = tpu.bitcast %get3A_120 : vector<16xf32> -> vector<16xi32>
      %shift_right_logical3A_148 = arith.constant 16 : i32
      %shift_right_logical3A_149 = vector.broadcast %shift_right_logical3A_148 : i32 to vector<16xi32>
      %shift_right_logical3A_150 = arith.shrui %bitcast_convert_type3A_147, %shift_right_logical3A_149 : vector<16xi32>
      %bitcast_convert_type3A_151 = tpu.bitcast %get3A_124 : vector<16xf32> -> vector<16xi32>
      %shift_right_logical3A_152 = arith.constant 16 : i32
      %shift_right_logical3A_153 = vector.broadcast %shift_right_logical3A_152 : i32 to vector<16xi32>
      %shift_right_logical3A_154 = arith.shrui %bitcast_convert_type3A_151, %shift_right_logical3A_153 : vector<16xi32>
      %bitcast_convert_type3A_155 = tpu.bitcast %get3A_128 : vector<16xf32> -> vector<16xi32>
      %shift_right_logical3A_156 = arith.constant 16 : i32
      %shift_right_logical3A_157 = vector.broadcast %shift_right_logical3A_156 : i32 to vector<16xi32>
      %shift_right_logical3A_158 = arith.shrui %bitcast_convert_type3A_155, %shift_right_logical3A_157 : vector<16xi32>
      %bitcast_convert_type3A_159 = tpu.bitcast %get3A_132 : vector<16xf32> -> vector<16xi32>
      %shift_right_logical3A_160 = arith.constant 16 : i32
      %shift_right_logical3A_161 = vector.broadcast %shift_right_logical3A_160 : i32 to vector<16xi32>
      %shift_right_logical3A_162 = arith.shrui %bitcast_convert_type3A_159, %shift_right_logical3A_161 : vector<16xi32>
      %bitcast_convert_type3A_163 = tpu.bitcast %get3A_136 : vector<16xf32> -> vector<16xi32>
      %shift_right_logical3A_164 = arith.constant 16 : i32
      %shift_right_logical3A_165 = vector.broadcast %shift_right_logical3A_164 : i32 to vector<16xi32>
      %shift_right_logical3A_166 = arith.shrui %bitcast_convert_type3A_163, %shift_right_logical3A_165 : vector<16xi32>
      %shift_right_logical3A_167 = arith.constant 7 : i32
      %shift_right_logical3A_168 = vector.broadcast %shift_right_logical3A_167 : i32 to vector<16xi32>
      %shift_right_logical3A_169 = arith.shrui %shift_right_logical3A_138, %shift_right_logical3A_168 : vector<16xi32>
      %shift_right_logical3A_170 = arith.constant 7 : i32
      %shift_right_logical3A_171 = vector.broadcast %shift_right_logical3A_170 : i32 to vector<16xi32>
      %shift_right_logical3A_172 = arith.shrui %shift_right_logical3A_142, %shift_right_logical3A_171 : vector<16xi32>
      %shift_right_logical3A_173 = arith.constant 7 : i32
      %shift_right_logical3A_174 = vector.broadcast %shift_right_logical3A_173 : i32 to vector<16xi32>
      %shift_right_logical3A_175 = arith.shrui %shift_right_logical3A_146, %shift_right_logical3A_174 : vector<16xi32>
      %shift_right_logical3A_176 = arith.constant 7 : i32
      %shift_right_logical3A_177 = vector.broadcast %shift_right_logical3A_176 : i32 to vector<16xi32>
      %shift_right_logical3A_178 = arith.shrui %shift_right_logical3A_150, %shift_right_logical3A_177 : vector<16xi32>
      %shift_right_logical3A_179 = arith.constant 7 : i32
      %shift_right_logical3A_180 = vector.broadcast %shift_right_logical3A_179 : i32 to vector<16xi32>
      %shift_right_logical3A_181 = arith.shrui %shift_right_logical3A_154, %shift_right_logical3A_180 : vector<16xi32>
      %shift_right_logical3A_182 = arith.constant 7 : i32
      %shift_right_logical3A_183 = vector.broadcast %shift_right_logical3A_182 : i32 to vector<16xi32>
      %shift_right_logical3A_184 = arith.shrui %shift_right_logical3A_158, %shift_right_logical3A_183 : vector<16xi32>
      %shift_right_logical3A_185 = arith.constant 7 : i32
      %shift_right_logical3A_186 = vector.broadcast %shift_right_logical3A_185 : i32 to vector<16xi32>
      %shift_right_logical3A_187 = arith.shrui %shift_right_logical3A_162, %shift_right_logical3A_186 : vector<16xi32>
      %shift_right_logical3A_188 = arith.constant 7 : i32
      %shift_right_logical3A_189 = vector.broadcast %shift_right_logical3A_188 : i32 to vector<16xi32>
      %shift_right_logical3A_190 = arith.shrui %shift_right_logical3A_166, %shift_right_logical3A_189 : vector<16xi32>
      %and3A = arith.constant 127 : i32
      %and3A_191 = vector.broadcast %and3A : i32 to vector<16xi32>
      %and3A_192 = arith.andi %shift_right_logical3A_138, %and3A_191 : vector<16xi32>
      %and3A_193 = arith.constant 127 : i32
      %and3A_194 = vector.broadcast %and3A_193 : i32 to vector<16xi32>
      %and3A_195 = arith.andi %shift_right_logical3A_142, %and3A_194 : vector<16xi32>
      %and3A_196 = arith.constant 127 : i32
      %and3A_197 = vector.broadcast %and3A_196 : i32 to vector<16xi32>
      %and3A_198 = arith.andi %shift_right_logical3A_146, %and3A_197 : vector<16xi32>
      %and3A_199 = arith.constant 127 : i32
      %and3A_200 = vector.broadcast %and3A_199 : i32 to vector<16xi32>
      %and3A_201 = arith.andi %shift_right_logical3A_150, %and3A_200 : vector<16xi32>
      %and3A_202 = arith.constant 127 : i32
      %and3A_203 = vector.broadcast %and3A_202 : i32 to vector<16xi32>
      %and3A_204 = arith.andi %shift_right_logical3A_154, %and3A_203 : vector<16xi32>
      %and3A_205 = arith.constant 127 : i32
      %and3A_206 = vector.broadcast %and3A_205 : i32 to vector<16xi32>
      %and3A_207 = arith.andi %shift_right_logical3A_158, %and3A_206 : vector<16xi32>
      %and3A_208 = arith.constant 127 : i32
      %and3A_209 = vector.broadcast %and3A_208 : i32 to vector<16xi32>
      %and3A_210 = arith.andi %shift_right_logical3A_162, %and3A_209 : vector<16xi32>
      %and3A_211 = arith.constant 127 : i32
      %and3A_212 = vector.broadcast %and3A_211 : i32 to vector<16xi32>
      %and3A_213 = arith.andi %shift_right_logical3A_166, %and3A_212 : vector<16xi32>
      tpu.vector_store_idx %arg6[%shift_right_logical3A_169, %and3A_192], %broadcast_in_dim3A_10 {add = true} : memref<256x128xi32, #tpu.memory_space<vmem>>[vector<16xi32>, vector<16xi32>], vector<16xi32>,
      tpu.vector_store_idx %arg6[%shift_right_logical3A_172, %and3A_195], %broadcast_in_dim3A_10 {add = true} : memref<256x128xi32, #tpu.memory_space<vmem>>[vector<16xi32>, vector<16xi32>], vector<16xi32>,
      tpu.vector_store_idx %arg6[%shift_right_logical3A_175, %and3A_198], %broadcast_in_dim3A_10 {add = true} : memref<256x128xi32, #tpu.memory_space<vmem>>[vector<16xi32>, vector<16xi32>], vector<16xi32>,
      tpu.vector_store_idx %arg6[%shift_right_logical3A_178, %and3A_201], %broadcast_in_dim3A_10 {add = true} : memref<256x128xi32, #tpu.memory_space<vmem>>[vector<16xi32>, vector<16xi32>], vector<16xi32>,
      tpu.vector_store_idx %arg6[%shift_right_logical3A_181, %and3A_204], %broadcast_in_dim3A_10 {add = true} : memref<256x128xi32, #tpu.memory_space<vmem>>[vector<16xi32>, vector<16xi32>], vector<16xi32>,
      tpu.vector_store_idx %arg6[%shift_right_logical3A_184, %and3A_207], %broadcast_in_dim3A_10 {add = true} : memref<256x128xi32, #tpu.memory_space<vmem>>[vector<16xi32>, vector<16xi32>], vector<16xi32>,
      tpu.vector_store_idx %arg6[%shift_right_logical3A_187, %and3A_210], %broadcast_in_dim3A_10 {add = true} : memref<256x128xi32, #tpu.memory_space<vmem>>[vector<16xi32>, vector<16xi32>], vector<16xi32>,
      tpu.vector_store_idx %arg6[%shift_right_logical3A_190, %and3A_213], %broadcast_in_dim3A_10 {add = true} : memref<256x128xi32, #tpu.memory_space<vmem>>[vector<16xi32>, vector<16xi32>], vector<16xi32>,
    }
    %scan3A_58 = arith.constant 128 : i32
    %add3A_59 = arith.constant 81920 : i32
    %add3A_60 = arith.addi %mul3A_8, %add3A_59 : i32
    %dma_start3A_61 = tpu.memref_slice %arg2[%add3A_60] : memref<4194304xf32, #tpu.memory_space<hbm>> -> memref<16384xf32, #tpu.memory_space<hbm>>
    %dma_start3A_62 = tpu.memref_slice %arg2[%add3A_60] : memref<4194304xf32, #tpu.memory_space<hbm>> -> memref<16384xf32, #tpu.memory_space<hbm>>
    tpu.enqueue_dma source(%dma_start3A_62 : memref<16384xf32, #tpu.memory_space<hbm>>) target(%arg5 : memref<16384xf32, #tpu.memory_space<vmem>>) target_semaphore(%arg8 : memref<!tpu.dma_semaphore, #tpu.memory_space<semaphore_mem>>)
    %dma_wait3A_63 = tpu.memref_slice %arg2[%add3A_48] : memref<4194304xf32, #tpu.memory_space<hbm>> -> memref<16384xf32, #tpu.memory_space<hbm>>
    %dma_wait3A_64 = tpu.memref_slice %arg2[%add3A_48] : memref<4194304xf32, #tpu.memory_space<hbm>> -> memref<16384xf32, #tpu.memory_space<hbm>>
    tpu.wait_dma2 semaphore(%arg7 : memref<!tpu.dma_semaphore, #tpu.memory_space<semaphore_mem>>) src(%dma_wait3A_64 : memref<16384xf32, #tpu.memory_space<hbm>>) dst(%arg4 : memref<16384xf32, #tpu.memory_space<vmem>>)
    %scan3A_65 = arith.constant 0 : i32
    %scan3A_66 = arith.constant 0 : i32
    %scan3A_67 = arith.constant 128 : i32
    %scan3A_68 = arith.addi %scan3A_66, %scan3A_67 : i32
    %scan3A_69 = arith.constant 1 : i32
    scf.for %scan3A_103 = %scan3A_66 to %scan3A_68 step %scan3A_69  : i32 {
      %mul3A_104 = arith.constant 128 : i32
      %mul3A_105 = arith.muli %scan3A_103, %mul3A_104 : i32
      %add3A_106 = arith.constant 0 : i32
      %add3A_107 = arith.addi %mul3A_105, %add3A_106 : i32
      %get3A = arith.index_cast %add3A_107 : i32 to index
      %get3A_108 = tpu.vector_load %arg4[%get3A] {strides = array<i32>} : memref<16384xf32, #tpu.memory_space<vmem>>, vector<16xf32>,
      %add3A_109 = arith.constant 16 : i32
      %add3A_110 = arith.addi %mul3A_105, %add3A_109 : i32
      %get3A_111 = arith.index_cast %add3A_110 : i32 to index
      %get3A_112 = tpu.vector_load %arg4[%get3A_111] {strides = array<i32>} : memref<16384xf32, #tpu.memory_space<vmem>>, vector<16xf32>,
      %add3A_113 = arith.constant 32 : i32
      %add3A_114 = arith.addi %mul3A_105, %add3A_113 : i32
      %get3A_115 = arith.index_cast %add3A_114 : i32 to index
      %get3A_116 = tpu.vector_load %arg4[%get3A_115] {strides = array<i32>} : memref<16384xf32, #tpu.memory_space<vmem>>, vector<16xf32>,
      %add3A_117 = arith.constant 48 : i32
      %add3A_118 = arith.addi %mul3A_105, %add3A_117 : i32
      %get3A_119 = arith.index_cast %add3A_118 : i32 to index
      %get3A_120 = tpu.vector_load %arg4[%get3A_119] {strides = array<i32>} : memref<16384xf32, #tpu.memory_space<vmem>>, vector<16xf32>,
      %add3A_121 = arith.constant 64 : i32
      %add3A_122 = arith.addi %mul3A_105, %add3A_121 : i32
      %get3A_123 = arith.index_cast %add3A_122 : i32 to index
      %get3A_124 = tpu.vector_load %arg4[%get3A_123] {strides = array<i32>} : memref<16384xf32, #tpu.memory_space<vmem>>, vector<16xf32>,
      %add3A_125 = arith.constant 80 : i32
      %add3A_126 = arith.addi %mul3A_105, %add3A_125 : i32
      %get3A_127 = arith.index_cast %add3A_126 : i32 to index
      %get3A_128 = tpu.vector_load %arg4[%get3A_127] {strides = array<i32>} : memref<16384xf32, #tpu.memory_space<vmem>>, vector<16xf32>,
      %add3A_129 = arith.constant 96 : i32
      %add3A_130 = arith.addi %mul3A_105, %add3A_129 : i32
      %get3A_131 = arith.index_cast %add3A_130 : i32 to index
      %get3A_132 = tpu.vector_load %arg4[%get3A_131] {strides = array<i32>} : memref<16384xf32, #tpu.memory_space<vmem>>, vector<16xf32>,
      %add3A_133 = arith.constant 112 : i32
      %add3A_134 = arith.addi %mul3A_105, %add3A_133 : i32
      %get3A_135 = arith.index_cast %add3A_134 : i32 to index
      %get3A_136 = tpu.vector_load %arg4[%get3A_135] {strides = array<i32>} : memref<16384xf32, #tpu.memory_space<vmem>>, vector<16xf32>,
      %bitcast_convert_type3A = tpu.bitcast %get3A_108 : vector<16xf32> -> vector<16xi32>
      %shift_right_logical3A = arith.constant 16 : i32
      %shift_right_logical3A_137 = vector.broadcast %shift_right_logical3A : i32 to vector<16xi32>
      %shift_right_logical3A_138 = arith.shrui %bitcast_convert_type3A, %shift_right_logical3A_137 : vector<16xi32>
      %bitcast_convert_type3A_139 = tpu.bitcast %get3A_112 : vector<16xf32> -> vector<16xi32>
      %shift_right_logical3A_140 = arith.constant 16 : i32
      %shift_right_logical3A_141 = vector.broadcast %shift_right_logical3A_140 : i32 to vector<16xi32>
      %shift_right_logical3A_142 = arith.shrui %bitcast_convert_type3A_139, %shift_right_logical3A_141 : vector<16xi32>
      %bitcast_convert_type3A_143 = tpu.bitcast %get3A_116 : vector<16xf32> -> vector<16xi32>
      %shift_right_logical3A_144 = arith.constant 16 : i32
      %shift_right_logical3A_145 = vector.broadcast %shift_right_logical3A_144 : i32 to vector<16xi32>
      %shift_right_logical3A_146 = arith.shrui %bitcast_convert_type3A_143, %shift_right_logical3A_145 : vector<16xi32>
      %bitcast_convert_type3A_147 = tpu.bitcast %get3A_120 : vector<16xf32> -> vector<16xi32>
      %shift_right_logical3A_148 = arith.constant 16 : i32
      %shift_right_logical3A_149 = vector.broadcast %shift_right_logical3A_148 : i32 to vector<16xi32>
      %shift_right_logical3A_150 = arith.shrui %bitcast_convert_type3A_147, %shift_right_logical3A_149 : vector<16xi32>
      %bitcast_convert_type3A_151 = tpu.bitcast %get3A_124 : vector<16xf32> -> vector<16xi32>
      %shift_right_logical3A_152 = arith.constant 16 : i32
      %shift_right_logical3A_153 = vector.broadcast %shift_right_logical3A_152 : i32 to vector<16xi32>
      %shift_right_logical3A_154 = arith.shrui %bitcast_convert_type3A_151, %shift_right_logical3A_153 : vector<16xi32>
      %bitcast_convert_type3A_155 = tpu.bitcast %get3A_128 : vector<16xf32> -> vector<16xi32>
      %shift_right_logical3A_156 = arith.constant 16 : i32
      %shift_right_logical3A_157 = vector.broadcast %shift_right_logical3A_156 : i32 to vector<16xi32>
      %shift_right_logical3A_158 = arith.shrui %bitcast_convert_type3A_155, %shift_right_logical3A_157 : vector<16xi32>
      %bitcast_convert_type3A_159 = tpu.bitcast %get3A_132 : vector<16xf32> -> vector<16xi32>
      %shift_right_logical3A_160 = arith.constant 16 : i32
      %shift_right_logical3A_161 = vector.broadcast %shift_right_logical3A_160 : i32 to vector<16xi32>
      %shift_right_logical3A_162 = arith.shrui %bitcast_convert_type3A_159, %shift_right_logical3A_161 : vector<16xi32>
      %bitcast_convert_type3A_163 = tpu.bitcast %get3A_136 : vector<16xf32> -> vector<16xi32>
      %shift_right_logical3A_164 = arith.constant 16 : i32
      %shift_right_logical3A_165 = vector.broadcast %shift_right_logical3A_164 : i32 to vector<16xi32>
      %shift_right_logical3A_166 = arith.shrui %bitcast_convert_type3A_163, %shift_right_logical3A_165 : vector<16xi32>
      %shift_right_logical3A_167 = arith.constant 7 : i32
      %shift_right_logical3A_168 = vector.broadcast %shift_right_logical3A_167 : i32 to vector<16xi32>
      %shift_right_logical3A_169 = arith.shrui %shift_right_logical3A_138, %shift_right_logical3A_168 : vector<16xi32>
      %shift_right_logical3A_170 = arith.constant 7 : i32
      %shift_right_logical3A_171 = vector.broadcast %shift_right_logical3A_170 : i32 to vector<16xi32>
      %shift_right_logical3A_172 = arith.shrui %shift_right_logical3A_142, %shift_right_logical3A_171 : vector<16xi32>
      %shift_right_logical3A_173 = arith.constant 7 : i32
      %shift_right_logical3A_174 = vector.broadcast %shift_right_logical3A_173 : i32 to vector<16xi32>
      %shift_right_logical3A_175 = arith.shrui %shift_right_logical3A_146, %shift_right_logical3A_174 : vector<16xi32>
      %shift_right_logical3A_176 = arith.constant 7 : i32
      %shift_right_logical3A_177 = vector.broadcast %shift_right_logical3A_176 : i32 to vector<16xi32>
      %shift_right_logical3A_178 = arith.shrui %shift_right_logical3A_150, %shift_right_logical3A_177 : vector<16xi32>
      %shift_right_logical3A_179 = arith.constant 7 : i32
      %shift_right_logical3A_180 = vector.broadcast %shift_right_logical3A_179 : i32 to vector<16xi32>
      %shift_right_logical3A_181 = arith.shrui %shift_right_logical3A_154, %shift_right_logical3A_180 : vector<16xi32>
      %shift_right_logical3A_182 = arith.constant 7 : i32
      %shift_right_logical3A_183 = vector.broadcast %shift_right_logical3A_182 : i32 to vector<16xi32>
      %shift_right_logical3A_184 = arith.shrui %shift_right_logical3A_158, %shift_right_logical3A_183 : vector<16xi32>
      %shift_right_logical3A_185 = arith.constant 7 : i32
      %shift_right_logical3A_186 = vector.broadcast %shift_right_logical3A_185 : i32 to vector<16xi32>
      %shift_right_logical3A_187 = arith.shrui %shift_right_logical3A_162, %shift_right_logical3A_186 : vector<16xi32>
      %shift_right_logical3A_188 = arith.constant 7 : i32
      %shift_right_logical3A_189 = vector.broadcast %shift_right_logical3A_188 : i32 to vector<16xi32>
      %shift_right_logical3A_190 = arith.shrui %shift_right_logical3A_166, %shift_right_logical3A_189 : vector<16xi32>
      %and3A = arith.constant 127 : i32
      %and3A_191 = vector.broadcast %and3A : i32 to vector<16xi32>
      %and3A_192 = arith.andi %shift_right_logical3A_138, %and3A_191 : vector<16xi32>
      %and3A_193 = arith.constant 127 : i32
      %and3A_194 = vector.broadcast %and3A_193 : i32 to vector<16xi32>
      %and3A_195 = arith.andi %shift_right_logical3A_142, %and3A_194 : vector<16xi32>
      %and3A_196 = arith.constant 127 : i32
      %and3A_197 = vector.broadcast %and3A_196 : i32 to vector<16xi32>
      %and3A_198 = arith.andi %shift_right_logical3A_146, %and3A_197 : vector<16xi32>
      %and3A_199 = arith.constant 127 : i32
      %and3A_200 = vector.broadcast %and3A_199 : i32 to vector<16xi32>
      %and3A_201 = arith.andi %shift_right_logical3A_150, %and3A_200 : vector<16xi32>
      %and3A_202 = arith.constant 127 : i32
      %and3A_203 = vector.broadcast %and3A_202 : i32 to vector<16xi32>
      %and3A_204 = arith.andi %shift_right_logical3A_154, %and3A_203 : vector<16xi32>
      %and3A_205 = arith.constant 127 : i32
      %and3A_206 = vector.broadcast %and3A_205 : i32 to vector<16xi32>
      %and3A_207 = arith.andi %shift_right_logical3A_158, %and3A_206 : vector<16xi32>
      %and3A_208 = arith.constant 127 : i32
      %and3A_209 = vector.broadcast %and3A_208 : i32 to vector<16xi32>
      %and3A_210 = arith.andi %shift_right_logical3A_162, %and3A_209 : vector<16xi32>
      %and3A_211 = arith.constant 127 : i32
      %and3A_212 = vector.broadcast %and3A_211 : i32 to vector<16xi32>
      %and3A_213 = arith.andi %shift_right_logical3A_166, %and3A_212 : vector<16xi32>
      tpu.vector_store_idx %arg6[%shift_right_logical3A_169, %and3A_192], %broadcast_in_dim3A_10 {add = true} : memref<256x128xi32, #tpu.memory_space<vmem>>[vector<16xi32>, vector<16xi32>], vector<16xi32>,
      tpu.vector_store_idx %arg6[%shift_right_logical3A_172, %and3A_195], %broadcast_in_dim3A_10 {add = true} : memref<256x128xi32, #tpu.memory_space<vmem>>[vector<16xi32>, vector<16xi32>], vector<16xi32>,
      tpu.vector_store_idx %arg6[%shift_right_logical3A_175, %and3A_198], %broadcast_in_dim3A_10 {add = true} : memref<256x128xi32, #tpu.memory_space<vmem>>[vector<16xi32>, vector<16xi32>], vector<16xi32>,
      tpu.vector_store_idx %arg6[%shift_right_logical3A_178, %and3A_201], %broadcast_in_dim3A_10 {add = true} : memref<256x128xi32, #tpu.memory_space<vmem>>[vector<16xi32>, vector<16xi32>], vector<16xi32>,
      tpu.vector_store_idx %arg6[%shift_right_logical3A_181, %and3A_204], %broadcast_in_dim3A_10 {add = true} : memref<256x128xi32, #tpu.memory_space<vmem>>[vector<16xi32>, vector<16xi32>], vector<16xi32>,
      tpu.vector_store_idx %arg6[%shift_right_logical3A_184, %and3A_207], %broadcast_in_dim3A_10 {add = true} : memref<256x128xi32, #tpu.memory_space<vmem>>[vector<16xi32>, vector<16xi32>], vector<16xi32>,
      tpu.vector_store_idx %arg6[%shift_right_logical3A_187, %and3A_210], %broadcast_in_dim3A_10 {add = true} : memref<256x128xi32, #tpu.memory_space<vmem>>[vector<16xi32>, vector<16xi32>], vector<16xi32>,
      tpu.vector_store_idx %arg6[%shift_right_logical3A_190, %and3A_213], %broadcast_in_dim3A_10 {add = true} : memref<256x128xi32, #tpu.memory_space<vmem>>[vector<16xi32>, vector<16xi32>], vector<16xi32>,
    }
    %scan3A_70 = arith.constant 128 : i32
    %add3A_71 = arith.constant 98304 : i32
    %add3A_72 = arith.addi %mul3A_8, %add3A_71 : i32
    %dma_start3A_73 = tpu.memref_slice %arg2[%add3A_72] : memref<4194304xf32, #tpu.memory_space<hbm>> -> memref<16384xf32, #tpu.memory_space<hbm>>
    %dma_start3A_74 = tpu.memref_slice %arg2[%add3A_72] : memref<4194304xf32, #tpu.memory_space<hbm>> -> memref<16384xf32, #tpu.memory_space<hbm>>
    tpu.enqueue_dma source(%dma_start3A_74 : memref<16384xf32, #tpu.memory_space<hbm>>) target(%arg4 : memref<16384xf32, #tpu.memory_space<vmem>>) target_semaphore(%arg7 : memref<!tpu.dma_semaphore, #tpu.memory_space<semaphore_mem>>)
    %dma_wait3A_75 = tpu.memref_slice %arg2[%add3A_60] : memref<4194304xf32, #tpu.memory_space<hbm>> -> memref<16384xf32, #tpu.memory_space<hbm>>
    %dma_wait3A_76 = tpu.memref_slice %arg2[%add3A_60] : memref<4194304xf32, #tpu.memory_space<hbm>> -> memref<16384xf32, #tpu.memory_space<hbm>>
    tpu.wait_dma2 semaphore(%arg8 : memref<!tpu.dma_semaphore, #tpu.memory_space<semaphore_mem>>) src(%dma_wait3A_76 : memref<16384xf32, #tpu.memory_space<hbm>>) dst(%arg5 : memref<16384xf32, #tpu.memory_space<vmem>>)
    %scan3A_77 = arith.constant 0 : i32
    %scan3A_78 = arith.constant 0 : i32
    %scan3A_79 = arith.constant 128 : i32
    %scan3A_80 = arith.addi %scan3A_78, %scan3A_79 : i32
    %scan3A_81 = arith.constant 1 : i32
    scf.for %scan3A_103 = %scan3A_78 to %scan3A_80 step %scan3A_81  : i32 {
      %mul3A_104 = arith.constant 128 : i32
      %mul3A_105 = arith.muli %scan3A_103, %mul3A_104 : i32
      %add3A_106 = arith.constant 0 : i32
      %add3A_107 = arith.addi %mul3A_105, %add3A_106 : i32
      %get3A = arith.index_cast %add3A_107 : i32 to index
      %get3A_108 = tpu.vector_load %arg5[%get3A] {strides = array<i32>} : memref<16384xf32, #tpu.memory_space<vmem>>, vector<16xf32>,
      %add3A_109 = arith.constant 16 : i32
      %add3A_110 = arith.addi %mul3A_105, %add3A_109 : i32
      %get3A_111 = arith.index_cast %add3A_110 : i32 to index
      %get3A_112 = tpu.vector_load %arg5[%get3A_111] {strides = array<i32>} : memref<16384xf32, #tpu.memory_space<vmem>>, vector<16xf32>,
      %add3A_113 = arith.constant 32 : i32
      %add3A_114 = arith.addi %mul3A_105, %add3A_113 : i32
      %get3A_115 = arith.index_cast %add3A_114 : i32 to index
      %get3A_116 = tpu.vector_load %arg5[%get3A_115] {strides = array<i32>} : memref<16384xf32, #tpu.memory_space<vmem>>, vector<16xf32>,
      %add3A_117 = arith.constant 48 : i32
      %add3A_118 = arith.addi %mul3A_105, %add3A_117 : i32
      %get3A_119 = arith.index_cast %add3A_118 : i32 to index
      %get3A_120 = tpu.vector_load %arg5[%get3A_119] {strides = array<i32>} : memref<16384xf32, #tpu.memory_space<vmem>>, vector<16xf32>,
      %add3A_121 = arith.constant 64 : i32
      %add3A_122 = arith.addi %mul3A_105, %add3A_121 : i32
      %get3A_123 = arith.index_cast %add3A_122 : i32 to index
      %get3A_124 = tpu.vector_load %arg5[%get3A_123] {strides = array<i32>} : memref<16384xf32, #tpu.memory_space<vmem>>, vector<16xf32>,
      %add3A_125 = arith.constant 80 : i32
      %add3A_126 = arith.addi %mul3A_105, %add3A_125 : i32
      %get3A_127 = arith.index_cast %add3A_126 : i32 to index
      %get3A_128 = tpu.vector_load %arg5[%get3A_127] {strides = array<i32>} : memref<16384xf32, #tpu.memory_space<vmem>>, vector<16xf32>,
      %add3A_129 = arith.constant 96 : i32
      %add3A_130 = arith.addi %mul3A_105, %add3A_129 : i32
      %get3A_131 = arith.index_cast %add3A_130 : i32 to index
      %get3A_132 = tpu.vector_load %arg5[%get3A_131] {strides = array<i32>} : memref<16384xf32, #tpu.memory_space<vmem>>, vector<16xf32>,
      %add3A_133 = arith.constant 112 : i32
      %add3A_134 = arith.addi %mul3A_105, %add3A_133 : i32
      %get3A_135 = arith.index_cast %add3A_134 : i32 to index
      %get3A_136 = tpu.vector_load %arg5[%get3A_135] {strides = array<i32>} : memref<16384xf32, #tpu.memory_space<vmem>>, vector<16xf32>,
      %bitcast_convert_type3A = tpu.bitcast %get3A_108 : vector<16xf32> -> vector<16xi32>
      %shift_right_logical3A = arith.constant 16 : i32
      %shift_right_logical3A_137 = vector.broadcast %shift_right_logical3A : i32 to vector<16xi32>
      %shift_right_logical3A_138 = arith.shrui %bitcast_convert_type3A, %shift_right_logical3A_137 : vector<16xi32>
      %bitcast_convert_type3A_139 = tpu.bitcast %get3A_112 : vector<16xf32> -> vector<16xi32>
      %shift_right_logical3A_140 = arith.constant 16 : i32
      %shift_right_logical3A_141 = vector.broadcast %shift_right_logical3A_140 : i32 to vector<16xi32>
      %shift_right_logical3A_142 = arith.shrui %bitcast_convert_type3A_139, %shift_right_logical3A_141 : vector<16xi32>
      %bitcast_convert_type3A_143 = tpu.bitcast %get3A_116 : vector<16xf32> -> vector<16xi32>
      %shift_right_logical3A_144 = arith.constant 16 : i32
      %shift_right_logical3A_145 = vector.broadcast %shift_right_logical3A_144 : i32 to vector<16xi32>
      %shift_right_logical3A_146 = arith.shrui %bitcast_convert_type3A_143, %shift_right_logical3A_145 : vector<16xi32>
      %bitcast_convert_type3A_147 = tpu.bitcast %get3A_120 : vector<16xf32> -> vector<16xi32>
      %shift_right_logical3A_148 = arith.constant 16 : i32
      %shift_right_logical3A_149 = vector.broadcast %shift_right_logical3A_148 : i32 to vector<16xi32>
      %shift_right_logical3A_150 = arith.shrui %bitcast_convert_type3A_147, %shift_right_logical3A_149 : vector<16xi32>
      %bitcast_convert_type3A_151 = tpu.bitcast %get3A_124 : vector<16xf32> -> vector<16xi32>
      %shift_right_logical3A_152 = arith.constant 16 : i32
      %shift_right_logical3A_153 = vector.broadcast %shift_right_logical3A_152 : i32 to vector<16xi32>
      %shift_right_logical3A_154 = arith.shrui %bitcast_convert_type3A_151, %shift_right_logical3A_153 : vector<16xi32>
      %bitcast_convert_type3A_155 = tpu.bitcast %get3A_128 : vector<16xf32> -> vector<16xi32>
      %shift_right_logical3A_156 = arith.constant 16 : i32
      %shift_right_logical3A_157 = vector.broadcast %shift_right_logical3A_156 : i32 to vector<16xi32>
      %shift_right_logical3A_158 = arith.shrui %bitcast_convert_type3A_155, %shift_right_logical3A_157 : vector<16xi32>
      %bitcast_convert_type3A_159 = tpu.bitcast %get3A_132 : vector<16xf32> -> vector<16xi32>
      %shift_right_logical3A_160 = arith.constant 16 : i32
      %shift_right_logical3A_161 = vector.broadcast %shift_right_logical3A_160 : i32 to vector<16xi32>
      %shift_right_logical3A_162 = arith.shrui %bitcast_convert_type3A_159, %shift_right_logical3A_161 : vector<16xi32>
      %bitcast_convert_type3A_163 = tpu.bitcast %get3A_136 : vector<16xf32> -> vector<16xi32>
      %shift_right_logical3A_164 = arith.constant 16 : i32
      %shift_right_logical3A_165 = vector.broadcast %shift_right_logical3A_164 : i32 to vector<16xi32>
      %shift_right_logical3A_166 = arith.shrui %bitcast_convert_type3A_163, %shift_right_logical3A_165 : vector<16xi32>
      %shift_right_logical3A_167 = arith.constant 7 : i32
      %shift_right_logical3A_168 = vector.broadcast %shift_right_logical3A_167 : i32 to vector<16xi32>
      %shift_right_logical3A_169 = arith.shrui %shift_right_logical3A_138, %shift_right_logical3A_168 : vector<16xi32>
      %shift_right_logical3A_170 = arith.constant 7 : i32
      %shift_right_logical3A_171 = vector.broadcast %shift_right_logical3A_170 : i32 to vector<16xi32>
      %shift_right_logical3A_172 = arith.shrui %shift_right_logical3A_142, %shift_right_logical3A_171 : vector<16xi32>
      %shift_right_logical3A_173 = arith.constant 7 : i32
      %shift_right_logical3A_174 = vector.broadcast %shift_right_logical3A_173 : i32 to vector<16xi32>
      %shift_right_logical3A_175 = arith.shrui %shift_right_logical3A_146, %shift_right_logical3A_174 : vector<16xi32>
      %shift_right_logical3A_176 = arith.constant 7 : i32
      %shift_right_logical3A_177 = vector.broadcast %shift_right_logical3A_176 : i32 to vector<16xi32>
      %shift_right_logical3A_178 = arith.shrui %shift_right_logical3A_150, %shift_right_logical3A_177 : vector<16xi32>
      %shift_right_logical3A_179 = arith.constant 7 : i32
      %shift_right_logical3A_180 = vector.broadcast %shift_right_logical3A_179 : i32 to vector<16xi32>
      %shift_right_logical3A_181 = arith.shrui %shift_right_logical3A_154, %shift_right_logical3A_180 : vector<16xi32>
      %shift_right_logical3A_182 = arith.constant 7 : i32
      %shift_right_logical3A_183 = vector.broadcast %shift_right_logical3A_182 : i32 to vector<16xi32>
      %shift_right_logical3A_184 = arith.shrui %shift_right_logical3A_158, %shift_right_logical3A_183 : vector<16xi32>
      %shift_right_logical3A_185 = arith.constant 7 : i32
      %shift_right_logical3A_186 = vector.broadcast %shift_right_logical3A_185 : i32 to vector<16xi32>
      %shift_right_logical3A_187 = arith.shrui %shift_right_logical3A_162, %shift_right_logical3A_186 : vector<16xi32>
      %shift_right_logical3A_188 = arith.constant 7 : i32
      %shift_right_logical3A_189 = vector.broadcast %shift_right_logical3A_188 : i32 to vector<16xi32>
      %shift_right_logical3A_190 = arith.shrui %shift_right_logical3A_166, %shift_right_logical3A_189 : vector<16xi32>
      %and3A = arith.constant 127 : i32
      %and3A_191 = vector.broadcast %and3A : i32 to vector<16xi32>
      %and3A_192 = arith.andi %shift_right_logical3A_138, %and3A_191 : vector<16xi32>
      %and3A_193 = arith.constant 127 : i32
      %and3A_194 = vector.broadcast %and3A_193 : i32 to vector<16xi32>
      %and3A_195 = arith.andi %shift_right_logical3A_142, %and3A_194 : vector<16xi32>
      %and3A_196 = arith.constant 127 : i32
      %and3A_197 = vector.broadcast %and3A_196 : i32 to vector<16xi32>
      %and3A_198 = arith.andi %shift_right_logical3A_146, %and3A_197 : vector<16xi32>
      %and3A_199 = arith.constant 127 : i32
      %and3A_200 = vector.broadcast %and3A_199 : i32 to vector<16xi32>
      %and3A_201 = arith.andi %shift_right_logical3A_150, %and3A_200 : vector<16xi32>
      %and3A_202 = arith.constant 127 : i32
      %and3A_203 = vector.broadcast %and3A_202 : i32 to vector<16xi32>
      %and3A_204 = arith.andi %shift_right_logical3A_154, %and3A_203 : vector<16xi32>
      %and3A_205 = arith.constant 127 : i32
      %and3A_206 = vector.broadcast %and3A_205 : i32 to vector<16xi32>
      %and3A_207 = arith.andi %shift_right_logical3A_158, %and3A_206 : vector<16xi32>
      %and3A_208 = arith.constant 127 : i32
      %and3A_209 = vector.broadcast %and3A_208 : i32 to vector<16xi32>
      %and3A_210 = arith.andi %shift_right_logical3A_162, %and3A_209 : vector<16xi32>
      %and3A_211 = arith.constant 127 : i32
      %and3A_212 = vector.broadcast %and3A_211 : i32 to vector<16xi32>
      %and3A_213 = arith.andi %shift_right_logical3A_166, %and3A_212 : vector<16xi32>
      tpu.vector_store_idx %arg6[%shift_right_logical3A_169, %and3A_192], %broadcast_in_dim3A_10 {add = true} : memref<256x128xi32, #tpu.memory_space<vmem>>[vector<16xi32>, vector<16xi32>], vector<16xi32>,
      tpu.vector_store_idx %arg6[%shift_right_logical3A_172, %and3A_195], %broadcast_in_dim3A_10 {add = true} : memref<256x128xi32, #tpu.memory_space<vmem>>[vector<16xi32>, vector<16xi32>], vector<16xi32>,
      tpu.vector_store_idx %arg6[%shift_right_logical3A_175, %and3A_198], %broadcast_in_dim3A_10 {add = true} : memref<256x128xi32, #tpu.memory_space<vmem>>[vector<16xi32>, vector<16xi32>], vector<16xi32>,
      tpu.vector_store_idx %arg6[%shift_right_logical3A_178, %and3A_201], %broadcast_in_dim3A_10 {add = true} : memref<256x128xi32, #tpu.memory_space<vmem>>[vector<16xi32>, vector<16xi32>], vector<16xi32>,
      tpu.vector_store_idx %arg6[%shift_right_logical3A_181, %and3A_204], %broadcast_in_dim3A_10 {add = true} : memref<256x128xi32, #tpu.memory_space<vmem>>[vector<16xi32>, vector<16xi32>], vector<16xi32>,
      tpu.vector_store_idx %arg6[%shift_right_logical3A_184, %and3A_207], %broadcast_in_dim3A_10 {add = true} : memref<256x128xi32, #tpu.memory_space<vmem>>[vector<16xi32>, vector<16xi32>], vector<16xi32>,
      tpu.vector_store_idx %arg6[%shift_right_logical3A_187, %and3A_210], %broadcast_in_dim3A_10 {add = true} : memref<256x128xi32, #tpu.memory_space<vmem>>[vector<16xi32>, vector<16xi32>], vector<16xi32>,
      tpu.vector_store_idx %arg6[%shift_right_logical3A_190, %and3A_213], %broadcast_in_dim3A_10 {add = true} : memref<256x128xi32, #tpu.memory_space<vmem>>[vector<16xi32>, vector<16xi32>], vector<16xi32>,
    }
    %scan3A_82 = arith.constant 128 : i32
    %add3A_83 = arith.constant 114688 : i32
    %add3A_84 = arith.addi %mul3A_8, %add3A_83 : i32
    %dma_start3A_85 = tpu.memref_slice %arg2[%add3A_84] : memref<4194304xf32, #tpu.memory_space<hbm>> -> memref<16384xf32, #tpu.memory_space<hbm>>
    %dma_start3A_86 = tpu.memref_slice %arg2[%add3A_84] : memref<4194304xf32, #tpu.memory_space<hbm>> -> memref<16384xf32, #tpu.memory_space<hbm>>
    tpu.enqueue_dma source(%dma_start3A_86 : memref<16384xf32, #tpu.memory_space<hbm>>) target(%arg5 : memref<16384xf32, #tpu.memory_space<vmem>>) target_semaphore(%arg8 : memref<!tpu.dma_semaphore, #tpu.memory_space<semaphore_mem>>)
    %dma_wait3A_87 = tpu.memref_slice %arg2[%add3A_72] : memref<4194304xf32, #tpu.memory_space<hbm>> -> memref<16384xf32, #tpu.memory_space<hbm>>
    %dma_wait3A_88 = tpu.memref_slice %arg2[%add3A_72] : memref<4194304xf32, #tpu.memory_space<hbm>> -> memref<16384xf32, #tpu.memory_space<hbm>>
    tpu.wait_dma2 semaphore(%arg7 : memref<!tpu.dma_semaphore, #tpu.memory_space<semaphore_mem>>) src(%dma_wait3A_88 : memref<16384xf32, #tpu.memory_space<hbm>>) dst(%arg4 : memref<16384xf32, #tpu.memory_space<vmem>>)
    %scan3A_89 = arith.constant 0 : i32
    %scan3A_90 = arith.constant 0 : i32
    %scan3A_91 = arith.constant 128 : i32
    %scan3A_92 = arith.addi %scan3A_90, %scan3A_91 : i32
    %scan3A_93 = arith.constant 1 : i32
    scf.for %scan3A_103 = %scan3A_90 to %scan3A_92 step %scan3A_93  : i32 {
      %mul3A_104 = arith.constant 128 : i32
      %mul3A_105 = arith.muli %scan3A_103, %mul3A_104 : i32
      %add3A_106 = arith.constant 0 : i32
      %add3A_107 = arith.addi %mul3A_105, %add3A_106 : i32
      %get3A = arith.index_cast %add3A_107 : i32 to index
      %get3A_108 = tpu.vector_load %arg4[%get3A] {strides = array<i32>} : memref<16384xf32, #tpu.memory_space<vmem>>, vector<16xf32>,
      %add3A_109 = arith.constant 16 : i32
      %add3A_110 = arith.addi %mul3A_105, %add3A_109 : i32
      %get3A_111 = arith.index_cast %add3A_110 : i32 to index
      %get3A_112 = tpu.vector_load %arg4[%get3A_111] {strides = array<i32>} : memref<16384xf32, #tpu.memory_space<vmem>>, vector<16xf32>,
      %add3A_113 = arith.constant 32 : i32
      %add3A_114 = arith.addi %mul3A_105, %add3A_113 : i32
      %get3A_115 = arith.index_cast %add3A_114 : i32 to index
      %get3A_116 = tpu.vector_load %arg4[%get3A_115] {strides = array<i32>} : memref<16384xf32, #tpu.memory_space<vmem>>, vector<16xf32>,
      %add3A_117 = arith.constant 48 : i32
      %add3A_118 = arith.addi %mul3A_105, %add3A_117 : i32
      %get3A_119 = arith.index_cast %add3A_118 : i32 to index
      %get3A_120 = tpu.vector_load %arg4[%get3A_119] {strides = array<i32>} : memref<16384xf32, #tpu.memory_space<vmem>>, vector<16xf32>,
      %add3A_121 = arith.constant 64 : i32
      %add3A_122 = arith.addi %mul3A_105, %add3A_121 : i32
      %get3A_123 = arith.index_cast %add3A_122 : i32 to index
      %get3A_124 = tpu.vector_load %arg4[%get3A_123] {strides = array<i32>} : memref<16384xf32, #tpu.memory_space<vmem>>, vector<16xf32>,
      %add3A_125 = arith.constant 80 : i32
      %add3A_126 = arith.addi %mul3A_105, %add3A_125 : i32
      %get3A_127 = arith.index_cast %add3A_126 : i32 to index
      %get3A_128 = tpu.vector_load %arg4[%get3A_127] {strides = array<i32>} : memref<16384xf32, #tpu.memory_space<vmem>>, vector<16xf32>,
      %add3A_129 = arith.constant 96 : i32
      %add3A_130 = arith.addi %mul3A_105, %add3A_129 : i32
      %get3A_131 = arith.index_cast %add3A_130 : i32 to index
      %get3A_132 = tpu.vector_load %arg4[%get3A_131] {strides = array<i32>} : memref<16384xf32, #tpu.memory_space<vmem>>, vector<16xf32>,
      %add3A_133 = arith.constant 112 : i32
      %add3A_134 = arith.addi %mul3A_105, %add3A_133 : i32
      %get3A_135 = arith.index_cast %add3A_134 : i32 to index
      %get3A_136 = tpu.vector_load %arg4[%get3A_135] {strides = array<i32>} : memref<16384xf32, #tpu.memory_space<vmem>>, vector<16xf32>,
      %bitcast_convert_type3A = tpu.bitcast %get3A_108 : vector<16xf32> -> vector<16xi32>
      %shift_right_logical3A = arith.constant 16 : i32
      %shift_right_logical3A_137 = vector.broadcast %shift_right_logical3A : i32 to vector<16xi32>
      %shift_right_logical3A_138 = arith.shrui %bitcast_convert_type3A, %shift_right_logical3A_137 : vector<16xi32>
      %bitcast_convert_type3A_139 = tpu.bitcast %get3A_112 : vector<16xf32> -> vector<16xi32>
      %shift_right_logical3A_140 = arith.constant 16 : i32
      %shift_right_logical3A_141 = vector.broadcast %shift_right_logical3A_140 : i32 to vector<16xi32>
      %shift_right_logical3A_142 = arith.shrui %bitcast_convert_type3A_139, %shift_right_logical3A_141 : vector<16xi32>
      %bitcast_convert_type3A_143 = tpu.bitcast %get3A_116 : vector<16xf32> -> vector<16xi32>
      %shift_right_logical3A_144 = arith.constant 16 : i32
      %shift_right_logical3A_145 = vector.broadcast %shift_right_logical3A_144 : i32 to vector<16xi32>
      %shift_right_logical3A_146 = arith.shrui %bitcast_convert_type3A_143, %shift_right_logical3A_145 : vector<16xi32>
      %bitcast_convert_type3A_147 = tpu.bitcast %get3A_120 : vector<16xf32> -> vector<16xi32>
      %shift_right_logical3A_148 = arith.constant 16 : i32
      %shift_right_logical3A_149 = vector.broadcast %shift_right_logical3A_148 : i32 to vector<16xi32>
      %shift_right_logical3A_150 = arith.shrui %bitcast_convert_type3A_147, %shift_right_logical3A_149 : vector<16xi32>
      %bitcast_convert_type3A_151 = tpu.bitcast %get3A_124 : vector<16xf32> -> vector<16xi32>
      %shift_right_logical3A_152 = arith.constant 16 : i32
      %shift_right_logical3A_153 = vector.broadcast %shift_right_logical3A_152 : i32 to vector<16xi32>
      %shift_right_logical3A_154 = arith.shrui %bitcast_convert_type3A_151, %shift_right_logical3A_153 : vector<16xi32>
      %bitcast_convert_type3A_155 = tpu.bitcast %get3A_128 : vector<16xf32> -> vector<16xi32>
      %shift_right_logical3A_156 = arith.constant 16 : i32
      %shift_right_logical3A_157 = vector.broadcast %shift_right_logical3A_156 : i32 to vector<16xi32>
      %shift_right_logical3A_158 = arith.shrui %bitcast_convert_type3A_155, %shift_right_logical3A_157 : vector<16xi32>
      %bitcast_convert_type3A_159 = tpu.bitcast %get3A_132 : vector<16xf32> -> vector<16xi32>
      %shift_right_logical3A_160 = arith.constant 16 : i32
      %shift_right_logical3A_161 = vector.broadcast %shift_right_logical3A_160 : i32 to vector<16xi32>
      %shift_right_logical3A_162 = arith.shrui %bitcast_convert_type3A_159, %shift_right_logical3A_161 : vector<16xi32>
      %bitcast_convert_type3A_163 = tpu.bitcast %get3A_136 : vector<16xf32> -> vector<16xi32>
      %shift_right_logical3A_164 = arith.constant 16 : i32
      %shift_right_logical3A_165 = vector.broadcast %shift_right_logical3A_164 : i32 to vector<16xi32>
      %shift_right_logical3A_166 = arith.shrui %bitcast_convert_type3A_163, %shift_right_logical3A_165 : vector<16xi32>
      %shift_right_logical3A_167 = arith.constant 7 : i32
      %shift_right_logical3A_168 = vector.broadcast %shift_right_logical3A_167 : i32 to vector<16xi32>
      %shift_right_logical3A_169 = arith.shrui %shift_right_logical3A_138, %shift_right_logical3A_168 : vector<16xi32>
      %shift_right_logical3A_170 = arith.constant 7 : i32
      %shift_right_logical3A_171 = vector.broadcast %shift_right_logical3A_170 : i32 to vector<16xi32>
      %shift_right_logical3A_172 = arith.shrui %shift_right_logical3A_142, %shift_right_logical3A_171 : vector<16xi32>
      %shift_right_logical3A_173 = arith.constant 7 : i32
      %shift_right_logical3A_174 = vector.broadcast %shift_right_logical3A_173 : i32 to vector<16xi32>
      %shift_right_logical3A_175 = arith.shrui %shift_right_logical3A_146, %shift_right_logical3A_174 : vector<16xi32>
      %shift_right_logical3A_176 = arith.constant 7 : i32
      %shift_right_logical3A_177 = vector.broadcast %shift_right_logical3A_176 : i32 to vector<16xi32>
      %shift_right_logical3A_178 = arith.shrui %shift_right_logical3A_150, %shift_right_logical3A_177 : vector<16xi32>
      %shift_right_logical3A_179 = arith.constant 7 : i32
      %shift_right_logical3A_180 = vector.broadcast %shift_right_logical3A_179 : i32 to vector<16xi32>
      %shift_right_logical3A_181 = arith.shrui %shift_right_logical3A_154, %shift_right_logical3A_180 : vector<16xi32>
      %shift_right_logical3A_182 = arith.constant 7 : i32
      %shift_right_logical3A_183 = vector.broadcast %shift_right_logical3A_182 : i32 to vector<16xi32>
      %shift_right_logical3A_184 = arith.shrui %shift_right_logical3A_158, %shift_right_logical3A_183 : vector<16xi32>
      %shift_right_logical3A_185 = arith.constant 7 : i32
      %shift_right_logical3A_186 = vector.broadcast %shift_right_logical3A_185 : i32 to vector<16xi32>
      %shift_right_logical3A_187 = arith.shrui %shift_right_logical3A_162, %shift_right_logical3A_186 : vector<16xi32>
      %shift_right_logical3A_188 = arith.constant 7 : i32
      %shift_right_logical3A_189 = vector.broadcast %shift_right_logical3A_188 : i32 to vector<16xi32>
      %shift_right_logical3A_190 = arith.shrui %shift_right_logical3A_166, %shift_right_logical3A_189 : vector<16xi32>
      %and3A = arith.constant 127 : i32
      %and3A_191 = vector.broadcast %and3A : i32 to vector<16xi32>
      %and3A_192 = arith.andi %shift_right_logical3A_138, %and3A_191 : vector<16xi32>
      %and3A_193 = arith.constant 127 : i32
      %and3A_194 = vector.broadcast %and3A_193 : i32 to vector<16xi32>
      %and3A_195 = arith.andi %shift_right_logical3A_142, %and3A_194 : vector<16xi32>
      %and3A_196 = arith.constant 127 : i32
      %and3A_197 = vector.broadcast %and3A_196 : i32 to vector<16xi32>
      %and3A_198 = arith.andi %shift_right_logical3A_146, %and3A_197 : vector<16xi32>
      %and3A_199 = arith.constant 127 : i32
      %and3A_200 = vector.broadcast %and3A_199 : i32 to vector<16xi32>
      %and3A_201 = arith.andi %shift_right_logical3A_150, %and3A_200 : vector<16xi32>
      %and3A_202 = arith.constant 127 : i32
      %and3A_203 = vector.broadcast %and3A_202 : i32 to vector<16xi32>
      %and3A_204 = arith.andi %shift_right_logical3A_154, %and3A_203 : vector<16xi32>
      %and3A_205 = arith.constant 127 : i32
      %and3A_206 = vector.broadcast %and3A_205 : i32 to vector<16xi32>
      %and3A_207 = arith.andi %shift_right_logical3A_158, %and3A_206 : vector<16xi32>
      %and3A_208 = arith.constant 127 : i32
      %and3A_209 = vector.broadcast %and3A_208 : i32 to vector<16xi32>
      %and3A_210 = arith.andi %shift_right_logical3A_162, %and3A_209 : vector<16xi32>
      %and3A_211 = arith.constant 127 : i32
      %and3A_212 = vector.broadcast %and3A_211 : i32 to vector<16xi32>
      %and3A_213 = arith.andi %shift_right_logical3A_166, %and3A_212 : vector<16xi32>
      tpu.vector_store_idx %arg6[%shift_right_logical3A_169, %and3A_192], %broadcast_in_dim3A_10 {add = true} : memref<256x128xi32, #tpu.memory_space<vmem>>[vector<16xi32>, vector<16xi32>], vector<16xi32>,
      tpu.vector_store_idx %arg6[%shift_right_logical3A_172, %and3A_195], %broadcast_in_dim3A_10 {add = true} : memref<256x128xi32, #tpu.memory_space<vmem>>[vector<16xi32>, vector<16xi32>], vector<16xi32>,
      tpu.vector_store_idx %arg6[%shift_right_logical3A_175, %and3A_198], %broadcast_in_dim3A_10 {add = true} : memref<256x128xi32, #tpu.memory_space<vmem>>[vector<16xi32>, vector<16xi32>], vector<16xi32>,
      tpu.vector_store_idx %arg6[%shift_right_logical3A_178, %and3A_201], %broadcast_in_dim3A_10 {add = true} : memref<256x128xi32, #tpu.memory_space<vmem>>[vector<16xi32>, vector<16xi32>], vector<16xi32>,
      tpu.vector_store_idx %arg6[%shift_right_logical3A_181, %and3A_204], %broadcast_in_dim3A_10 {add = true} : memref<256x128xi32, #tpu.memory_space<vmem>>[vector<16xi32>, vector<16xi32>], vector<16xi32>,
      tpu.vector_store_idx %arg6[%shift_right_logical3A_184, %and3A_207], %broadcast_in_dim3A_10 {add = true} : memref<256x128xi32, #tpu.memory_space<vmem>>[vector<16xi32>, vector<16xi32>], vector<16xi32>,
      tpu.vector_store_idx %arg6[%shift_right_logical3A_187, %and3A_210], %broadcast_in_dim3A_10 {add = true} : memref<256x128xi32, #tpu.memory_space<vmem>>[vector<16xi32>, vector<16xi32>], vector<16xi32>,
      tpu.vector_store_idx %arg6[%shift_right_logical3A_190, %and3A_213], %broadcast_in_dim3A_10 {add = true} : memref<256x128xi32, #tpu.memory_space<vmem>>[vector<16xi32>, vector<16xi32>], vector<16xi32>,
    }
    %scan3A_94 = arith.constant 128 : i32
    %dma_wait3A_95 = tpu.memref_slice %arg2[%add3A_84] : memref<4194304xf32, #tpu.memory_space<hbm>> -> memref<16384xf32, #tpu.memory_space<hbm>>
    %dma_wait3A_96 = tpu.memref_slice %arg2[%add3A_84] : memref<4194304xf32, #tpu.memory_space<hbm>> -> memref<16384xf32, #tpu.memory_space<hbm>>
    tpu.wait_dma2 semaphore(%arg8 : memref<!tpu.dma_semaphore, #tpu.memory_space<semaphore_mem>>) src(%dma_wait3A_96 : memref<16384xf32, #tpu.memory_space<hbm>>) dst(%arg5 : memref<16384xf32, #tpu.memory_space<vmem>>)
    %scan3A_97 = arith.constant 0 : i32
    %scan3A_98 = arith.constant 0 : i32
    %scan3A_99 = arith.constant 128 : i32
    %scan3A_100 = arith.addi %scan3A_98, %scan3A_99 : i32
    %scan3A_101 = arith.constant 1 : i32
    scf.for %scan3A_103 = %scan3A_98 to %scan3A_100 step %scan3A_101  : i32 {
      %mul3A_104 = arith.constant 128 : i32
      %mul3A_105 = arith.muli %scan3A_103, %mul3A_104 : i32
      %add3A_106 = arith.constant 0 : i32
      %add3A_107 = arith.addi %mul3A_105, %add3A_106 : i32
      %get3A = arith.index_cast %add3A_107 : i32 to index
      %get3A_108 = tpu.vector_load %arg5[%get3A] {strides = array<i32>} : memref<16384xf32, #tpu.memory_space<vmem>>, vector<16xf32>,
      %add3A_109 = arith.constant 16 : i32
      %add3A_110 = arith.addi %mul3A_105, %add3A_109 : i32
      %get3A_111 = arith.index_cast %add3A_110 : i32 to index
      %get3A_112 = tpu.vector_load %arg5[%get3A_111] {strides = array<i32>} : memref<16384xf32, #tpu.memory_space<vmem>>, vector<16xf32>,
      %add3A_113 = arith.constant 32 : i32
      %add3A_114 = arith.addi %mul3A_105, %add3A_113 : i32
      %get3A_115 = arith.index_cast %add3A_114 : i32 to index
      %get3A_116 = tpu.vector_load %arg5[%get3A_115] {strides = array<i32>} : memref<16384xf32, #tpu.memory_space<vmem>>, vector<16xf32>,
      %add3A_117 = arith.constant 48 : i32
      %add3A_118 = arith.addi %mul3A_105, %add3A_117 : i32
      %get3A_119 = arith.index_cast %add3A_118 : i32 to index
      %get3A_120 = tpu.vector_load %arg5[%get3A_119] {strides = array<i32>} : memref<16384xf32, #tpu.memory_space<vmem>>, vector<16xf32>,
      %add3A_121 = arith.constant 64 : i32
      %add3A_122 = arith.addi %mul3A_105, %add3A_121 : i32
      %get3A_123 = arith.index_cast %add3A_122 : i32 to index
      %get3A_124 = tpu.vector_load %arg5[%get3A_123] {strides = array<i32>} : memref<16384xf32, #tpu.memory_space<vmem>>, vector<16xf32>,
      %add3A_125 = arith.constant 80 : i32
      %add3A_126 = arith.addi %mul3A_105, %add3A_125 : i32
      %get3A_127 = arith.index_cast %add3A_126 : i32 to index
      %get3A_128 = tpu.vector_load %arg5[%get3A_127] {strides = array<i32>} : memref<16384xf32, #tpu.memory_space<vmem>>, vector<16xf32>,
      %add3A_129 = arith.constant 96 : i32
      %add3A_130 = arith.addi %mul3A_105, %add3A_129 : i32
      %get3A_131 = arith.index_cast %add3A_130 : i32 to index
      %get3A_132 = tpu.vector_load %arg5[%get3A_131] {strides = array<i32>} : memref<16384xf32, #tpu.memory_space<vmem>>, vector<16xf32>,
      %add3A_133 = arith.constant 112 : i32
      %add3A_134 = arith.addi %mul3A_105, %add3A_133 : i32
      %get3A_135 = arith.index_cast %add3A_134 : i32 to index
      %get3A_136 = tpu.vector_load %arg5[%get3A_135] {strides = array<i32>} : memref<16384xf32, #tpu.memory_space<vmem>>, vector<16xf32>,
      %bitcast_convert_type3A = tpu.bitcast %get3A_108 : vector<16xf32> -> vector<16xi32>
      %shift_right_logical3A = arith.constant 16 : i32
      %shift_right_logical3A_137 = vector.broadcast %shift_right_logical3A : i32 to vector<16xi32>
      %shift_right_logical3A_138 = arith.shrui %bitcast_convert_type3A, %shift_right_logical3A_137 : vector<16xi32>
      %bitcast_convert_type3A_139 = tpu.bitcast %get3A_112 : vector<16xf32> -> vector<16xi32>
      %shift_right_logical3A_140 = arith.constant 16 : i32
      %shift_right_logical3A_141 = vector.broadcast %shift_right_logical3A_140 : i32 to vector<16xi32>
      %shift_right_logical3A_142 = arith.shrui %bitcast_convert_type3A_139, %shift_right_logical3A_141 : vector<16xi32>
      %bitcast_convert_type3A_143 = tpu.bitcast %get3A_116 : vector<16xf32> -> vector<16xi32>
      %shift_right_logical3A_144 = arith.constant 16 : i32
      %shift_right_logical3A_145 = vector.broadcast %shift_right_logical3A_144 : i32 to vector<16xi32>
      %shift_right_logical3A_146 = arith.shrui %bitcast_convert_type3A_143, %shift_right_logical3A_145 : vector<16xi32>
      %bitcast_convert_type3A_147 = tpu.bitcast %get3A_120 : vector<16xf32> -> vector<16xi32>
      %shift_right_logical3A_148 = arith.constant 16 : i32
      %shift_right_logical3A_149 = vector.broadcast %shift_right_logical3A_148 : i32 to vector<16xi32>
      %shift_right_logical3A_150 = arith.shrui %bitcast_convert_type3A_147, %shift_right_logical3A_149 : vector<16xi32>
      %bitcast_convert_type3A_151 = tpu.bitcast %get3A_124 : vector<16xf32> -> vector<16xi32>
      %shift_right_logical3A_152 = arith.constant 16 : i32
      %shift_right_logical3A_153 = vector.broadcast %shift_right_logical3A_152 : i32 to vector<16xi32>
      %shift_right_logical3A_154 = arith.shrui %bitcast_convert_type3A_151, %shift_right_logical3A_153 : vector<16xi32>
      %bitcast_convert_type3A_155 = tpu.bitcast %get3A_128 : vector<16xf32> -> vector<16xi32>
      %shift_right_logical3A_156 = arith.constant 16 : i32
      %shift_right_logical3A_157 = vector.broadcast %shift_right_logical3A_156 : i32 to vector<16xi32>
      %shift_right_logical3A_158 = arith.shrui %bitcast_convert_type3A_155, %shift_right_logical3A_157 : vector<16xi32>
      %bitcast_convert_type3A_159 = tpu.bitcast %get3A_132 : vector<16xf32> -> vector<16xi32>
      %shift_right_logical3A_160 = arith.constant 16 : i32
      %shift_right_logical3A_161 = vector.broadcast %shift_right_logical3A_160 : i32 to vector<16xi32>
      %shift_right_logical3A_162 = arith.shrui %bitcast_convert_type3A_159, %shift_right_logical3A_161 : vector<16xi32>
      %bitcast_convert_type3A_163 = tpu.bitcast %get3A_136 : vector<16xf32> -> vector<16xi32>
      %shift_right_logical3A_164 = arith.constant 16 : i32
      %shift_right_logical3A_165 = vector.broadcast %shift_right_logical3A_164 : i32 to vector<16xi32>
      %shift_right_logical3A_166 = arith.shrui %bitcast_convert_type3A_163, %shift_right_logical3A_165 : vector<16xi32>
      %shift_right_logical3A_167 = arith.constant 7 : i32
      %shift_right_logical3A_168 = vector.broadcast %shift_right_logical3A_167 : i32 to vector<16xi32>
      %shift_right_logical3A_169 = arith.shrui %shift_right_logical3A_138, %shift_right_logical3A_168 : vector<16xi32>
      %shift_right_logical3A_170 = arith.constant 7 : i32
      %shift_right_logical3A_171 = vector.broadcast %shift_right_logical3A_170 : i32 to vector<16xi32>
      %shift_right_logical3A_172 = arith.shrui %shift_right_logical3A_142, %shift_right_logical3A_171 : vector<16xi32>
      %shift_right_logical3A_173 = arith.constant 7 : i32
      %shift_right_logical3A_174 = vector.broadcast %shift_right_logical3A_173 : i32 to vector<16xi32>
      %shift_right_logical3A_175 = arith.shrui %shift_right_logical3A_146, %shift_right_logical3A_174 : vector<16xi32>
      %shift_right_logical3A_176 = arith.constant 7 : i32
      %shift_right_logical3A_177 = vector.broadcast %shift_right_logical3A_176 : i32 to vector<16xi32>
      %shift_right_logical3A_178 = arith.shrui %shift_right_logical3A_150, %shift_right_logical3A_177 : vector<16xi32>
      %shift_right_logical3A_179 = arith.constant 7 : i32
      %shift_right_logical3A_180 = vector.broadcast %shift_right_logical3A_179 : i32 to vector<16xi32>
      %shift_right_logical3A_181 = arith.shrui %shift_right_logical3A_154, %shift_right_logical3A_180 : vector<16xi32>
      %shift_right_logical3A_182 = arith.constant 7 : i32
      %shift_right_logical3A_183 = vector.broadcast %shift_right_logical3A_182 : i32 to vector<16xi32>
      %shift_right_logical3A_184 = arith.shrui %shift_right_logical3A_158, %shift_right_logical3A_183 : vector<16xi32>
      %shift_right_logical3A_185 = arith.constant 7 : i32
      %shift_right_logical3A_186 = vector.broadcast %shift_right_logical3A_185 : i32 to vector<16xi32>
      %shift_right_logical3A_187 = arith.shrui %shift_right_logical3A_162, %shift_right_logical3A_186 : vector<16xi32>
      %shift_right_logical3A_188 = arith.constant 7 : i32
      %shift_right_logical3A_189 = vector.broadcast %shift_right_logical3A_188 : i32 to vector<16xi32>
      %shift_right_logical3A_190 = arith.shrui %shift_right_logical3A_166, %shift_right_logical3A_189 : vector<16xi32>
      %and3A = arith.constant 127 : i32
      %and3A_191 = vector.broadcast %and3A : i32 to vector<16xi32>
      %and3A_192 = arith.andi %shift_right_logical3A_138, %and3A_191 : vector<16xi32>
      %and3A_193 = arith.constant 127 : i32
      %and3A_194 = vector.broadcast %and3A_193 : i32 to vector<16xi32>
      %and3A_195 = arith.andi %shift_right_logical3A_142, %and3A_194 : vector<16xi32>
      %and3A_196 = arith.constant 127 : i32
      %and3A_197 = vector.broadcast %and3A_196 : i32 to vector<16xi32>
      %and3A_198 = arith.andi %shift_right_logical3A_146, %and3A_197 : vector<16xi32>
      %and3A_199 = arith.constant 127 : i32
      %and3A_200 = vector.broadcast %and3A_199 : i32 to vector<16xi32>
      %and3A_201 = arith.andi %shift_right_logical3A_150, %and3A_200 : vector<16xi32>
      %and3A_202 = arith.constant 127 : i32
      %and3A_203 = vector.broadcast %and3A_202 : i32 to vector<16xi32>
      %and3A_204 = arith.andi %shift_right_logical3A_154, %and3A_203 : vector<16xi32>
      %and3A_205 = arith.constant 127 : i32
      %and3A_206 = vector.broadcast %and3A_205 : i32 to vector<16xi32>
      %and3A_207 = arith.andi %shift_right_logical3A_158, %and3A_206 : vector<16xi32>
      %and3A_208 = arith.constant 127 : i32
      %and3A_209 = vector.broadcast %and3A_208 : i32 to vector<16xi32>
      %and3A_210 = arith.andi %shift_right_logical3A_162, %and3A_209 : vector<16xi32>
      %and3A_211 = arith.constant 127 : i32
      %and3A_212 = vector.broadcast %and3A_211 : i32 to vector<16xi32>
      %and3A_213 = arith.andi %shift_right_logical3A_166, %and3A_212 : vector<16xi32>
      tpu.vector_store_idx %arg6[%shift_right_logical3A_169, %and3A_192], %broadcast_in_dim3A_10 {add = true} : memref<256x128xi32, #tpu.memory_space<vmem>>[vector<16xi32>, vector<16xi32>], vector<16xi32>,
      tpu.vector_store_idx %arg6[%shift_right_logical3A_172, %and3A_195], %broadcast_in_dim3A_10 {add = true} : memref<256x128xi32, #tpu.memory_space<vmem>>[vector<16xi32>, vector<16xi32>], vector<16xi32>,
      tpu.vector_store_idx %arg6[%shift_right_logical3A_175, %and3A_198], %broadcast_in_dim3A_10 {add = true} : memref<256x128xi32, #tpu.memory_space<vmem>>[vector<16xi32>, vector<16xi32>], vector<16xi32>,
      tpu.vector_store_idx %arg6[%shift_right_logical3A_178, %and3A_201], %broadcast_in_dim3A_10 {add = true} : memref<256x128xi32, #tpu.memory_space<vmem>>[vector<16xi32>, vector<16xi32>], vector<16xi32>,
      tpu.vector_store_idx %arg6[%shift_right_logical3A_181, %and3A_204], %broadcast_in_dim3A_10 {add = true} : memref<256x128xi32, #tpu.memory_space<vmem>>[vector<16xi32>, vector<16xi32>], vector<16xi32>,
      tpu.vector_store_idx %arg6[%shift_right_logical3A_184, %and3A_207], %broadcast_in_dim3A_10 {add = true} : memref<256x128xi32, #tpu.memory_space<vmem>>[vector<16xi32>, vector<16xi32>], vector<16xi32>,
      tpu.vector_store_idx %arg6[%shift_right_logical3A_187, %and3A_210], %broadcast_in_dim3A_10 {add = true} : memref<256x128xi32, #tpu.memory_space<vmem>>[vector<16xi32>, vector<16xi32>], vector<16xi32>,
      tpu.vector_store_idx %arg6[%shift_right_logical3A_190, %and3A_213], %broadcast_in_dim3A_10 {add = true} : memref<256x128xi32, #tpu.memory_space<vmem>>[vector<16xi32>, vector<16xi32>], vector<16xi32>,
    }
    %scan3A_102 = arith.constant 128 : i32
    "tpu.region"() ({
      %run_scoped3A = tpu.sem_alloc : memref<!tpu.dma_semaphore, #tpu.memory_space<semaphore_mem>>
      %dma_start3A_103 = arith.constant 0 : i32
      %dma_start3A_104 = arith.constant 0 : i32
      %dma_start3A_105 = tpu.memref_slice %arg3[%add3A, %dma_start3A_103, %dma_start3A_104] : memref<32x256x128xi32, #tpu.memory_space<hbm>> -> memref<1x256x128xi32, #tpu.memory_space<hbm>>
      %dma_start3A_106 = tpu.memref_squeeze %dma_start3A_105 : memref<1x256x128xi32, #tpu.memory_space<hbm>> -> memref<256x128xi32, #tpu.memory_space<hbm>>
      %dma_start3A_107 = arith.constant 0 : i32
      %dma_start3A_108 = arith.constant 0 : i32
      %dma_start3A_109 = tpu.memref_slice %arg3[%add3A, %dma_start3A_107, %dma_start3A_108] : memref<32x256x128xi32, #tpu.memory_space<hbm>> -> memref<1x256x128xi32, #tpu.memory_space<hbm>>
      %dma_start3A_110 = tpu.memref_squeeze %dma_start3A_109 : memref<1x256x128xi32, #tpu.memory_space<hbm>> -> memref<256x128xi32, #tpu.memory_space<hbm>>
      tpu.enqueue_dma source(%arg6 : memref<256x128xi32, #tpu.memory_space<vmem>>) target(%dma_start3A_110 : memref<256x128xi32, #tpu.memory_space<hbm>>) target_semaphore(%run_scoped3A : memref<!tpu.dma_semaphore, #tpu.memory_space<semaphore_mem>>)
      %dma_wait3A_111 = arith.constant 0 : i32
      %dma_wait3A_112 = arith.constant 0 : i32
      %dma_wait3A_113 = tpu.memref_slice %arg3[%add3A, %dma_wait3A_111, %dma_wait3A_112] : memref<32x256x128xi32, #tpu.memory_space<hbm>> -> memref<1x256x128xi32, #tpu.memory_space<hbm>>
      %dma_wait3A_114 = tpu.memref_squeeze %dma_wait3A_113 : memref<1x256x128xi32, #tpu.memory_space<hbm>> -> memref<256x128xi32, #tpu.memory_space<hbm>>
      %dma_wait3A_115 = arith.constant 0 : i32
      %dma_wait3A_116 = arith.constant 0 : i32
      %dma_wait3A_117 = tpu.memref_slice %arg3[%add3A, %dma_wait3A_115, %dma_wait3A_116] : memref<32x256x128xi32, #tpu.memory_space<hbm>> -> memref<1x256x128xi32, #tpu.memory_space<hbm>>
      %dma_wait3A_118 = tpu.memref_squeeze %dma_wait3A_117 : memref<1x256x128xi32, #tpu.memory_space<hbm>> -> memref<256x128xi32, #tpu.memory_space<hbm>>
      tpu.wait_dma2 semaphore(%run_scoped3A : memref<!tpu.dma_semaphore, #tpu.memory_space<semaphore_mem>>) src(%arg6 : memref<256x128xi32, #tpu.memory_space<vmem>>) dst(%dma_wait3A_118 : memref<256x128xi32, #tpu.memory_space<hbm>>)
      tpu.yield
    }) : () -> ()
    return
  }
}

module attributes {stable_mosaic.version = 14 : i64} {
  func.func @_p1_body(%arg0: i32, %arg1: i32, %arg2: memref<4x1x512x128xf32, #tpu.memory_space<vmem>>, %arg3: memref<4x1x512x128xf32, #tpu.memory_space<vmem>>, %arg4: memref<4x1x512x128xf32, #tpu.memory_space<vmem>>, %arg5: memref<1x1x128xf32, #tpu.memory_space<vmem>>, %arg6: memref<1x1x128xf32, #tpu.memory_space<vmem>>) attributes {dimension_semantics = [#tpu.dimension_semantics<arbitrary>, #tpu.dimension_semantics<arbitrary>], iteration_bounds = array<i64: 4, 4>, scalar_prefetch = 0 : i64, scratch_operands = 0 : i64, tpu.core_type = #tpu.core_type<tc>, window_params = [{transform_indices = @transform_0, window_bounds = array<i64: 4, 1, 512, 128>}, {transform_indices = @transform_1, window_bounds = array<i64: 4, 1, 512, 128>}, {transform_indices = @transform_2, window_bounds = array<i64: 4, 1, 512, 128>}, {transform_indices = @transform_3, window_bounds = array<i64: 1, 1, 128>}, {transform_indices = @transform_4, window_bounds = array<i64: 1, 1, 128>}]} {
    %get3A = arith.constant 0 : index
    %get3A_0 = arith.constant 0 : index
    %get3A_1 = arith.constant 0 : index
    %get3A_2 = arith.constant 0 : index
    %get3A_3 = vector.load %arg2[%get3A, %get3A_0, %get3A_1, %get3A_2] : memref<4x1x512x128xf32, #tpu.memory_space<vmem>>, vector<4x1x512x128xf32>
    %get3A_4 = arith.constant 0 : index
    %get3A_5 = arith.constant 0 : index
    %get3A_6 = arith.constant 0 : index
    %get3A_7 = arith.constant 0 : index
    %get3A_8 = vector.load %arg3[%get3A_4, %get3A_5, %get3A_6, %get3A_7] : memref<4x1x512x128xf32, #tpu.memory_space<vmem>>, vector<4x1x512x128xf32>
    %max3A = arith.constant 0.000000e+00 : f32
    %max3A_9 = vector.broadcast %max3A : f32 to vector<4x1x512x128xf32>
    %max3A_10 = arith.maximumf %get3A_3, %max3A_9 : vector<4x1x512x128xf32>
    %mul3A = arith.mulf %get3A_3, %get3A_8 : vector<4x1x512x128xf32>
    %sub3A = arith.subf %max3A_10, %mul3A : vector<4x1x512x128xf32>
    %abs3A = math.absf %get3A_3 : vector<4x1x512x128xf32>
    %neg3A = arith.constant 0.000000e+00 : f32
    %neg3A_11 = vector.broadcast %neg3A : f32 to vector<4x1x512x128xf32>
    %neg3A_12 = arith.subf %neg3A_11, %abs3A : vector<4x1x512x128xf32>
    %exp3A = math.exp %neg3A_12 : vector<4x1x512x128xf32>
    %add3A = arith.constant 1.000000e+00 : f32
    %add3A_13 = vector.broadcast %add3A : f32 to vector<4x1x512x128xf32>
    %add3A_14 = arith.addf %add3A_13, %exp3A : vector<4x1x512x128xf32>
    %log3A = math.log %add3A_14 : vector<4x1x512x128xf32>
    %add3A_15 = arith.addf %sub3A, %log3A : vector<4x1x512x128xf32>
    %swap3A = arith.constant 0 : index
    %swap3A_16 = arith.constant 0 : index
    %swap3A_17 = arith.constant 0 : index
    %swap3A_18 = arith.constant 0 : index
    %swap3A_19 = vector.load %arg4[%swap3A, %swap3A_16, %swap3A_17, %swap3A_18] : memref<4x1x512x128xf32, #tpu.memory_space<vmem>>, vector<4x1x512x128xf32>
    tpu.vector_store %arg4[%swap3A, %swap3A_16, %swap3A_17, %swap3A_18], %add3A_15 {strides = array<i32>} : memref<4x1x512x128xf32, #tpu.memory_space<vmem>>, vector<4x1x512x128xf32>,
    %gt3A = arith.constant 0.356674939 : f32
    %gt3A_20 = vector.broadcast %gt3A : f32 to vector<4x1x512x128xf32>
    %gt3A_21 = arith.cmpf ogt, %add3A_15, %gt3A_20 : vector<4x1x512x128xf32>
    %convert_element_type3A = arith.extui %gt3A_21 : vector<4x1x512x128xi1> to vector<4x1x512x128xi32>
    %convert_element_type3A_22 = arith.sitofp %convert_element_type3A : vector<4x1x512x128xi32> to vector<4x1x512x128xf32>
    %reduce_sum3A = vector.shape_cast %convert_element_type3A_22 : vector<4x1x512x128xf32> to vector<1x4x1x512x128xf32>
    %reduce_sum3A_23 = arith.constant dense<0.000000e+00> : vector<1xf32>
    %reduce_sum3A_24 = vector.multi_reduction <add>, %reduce_sum3A, %reduce_sum3A_23 [1, 2, 3, 4] : vector<1x4x1x512x128xf32> to vector<1xf32>
    %reduce_sum3A_25 = vector.shape_cast %reduce_sum3A_24 : vector<1xf32> to vector<1x1x1x1x1xf32>
    %reduce_sum3A_26 = vector.extract %reduce_sum3A_25[0, 0, 0, 0, 0] : f32 from vector<1x1x1x1x1xf32>
    %sub3A_27 = arith.constant 0.356674939 : f32
    %sub3A_28 = vector.broadcast %sub3A_27 : f32 to vector<4x1x512x128xf32>
    %sub3A_29 = arith.subf %add3A_15, %sub3A_28 : vector<4x1x512x128xf32>
    %max3A_30 = arith.constant 0.000000e+00 : f32
    %max3A_31 = vector.broadcast %max3A_30 : f32 to vector<4x1x512x128xf32>
    %max3A_32 = arith.maximumf %sub3A_29, %max3A_31 : vector<4x1x512x128xf32>
    %reduce_sum3A_33 = vector.shape_cast %max3A_32 : vector<4x1x512x128xf32> to vector<1x4x1x512x128xf32>
    %reduce_sum3A_34 = arith.constant dense<0.000000e+00> : vector<1xf32>
    %reduce_sum3A_35 = vector.multi_reduction <add>, %reduce_sum3A_33, %reduce_sum3A_34 [1, 2, 3, 4] : vector<1x4x1x512x128xf32> to vector<1xf32>
    %reduce_sum3A_36 = vector.shape_cast %reduce_sum3A_35 : vector<1xf32> to vector<1x1x1x1x1xf32>
    %reduce_sum3A_37 = vector.extract %reduce_sum3A_36[0, 0, 0, 0, 0] : f32 from vector<1x1x1x1x1xf32>
    %mul3A_38 = arith.constant 0.356674939 : f32
    %mul3A_39 = arith.mulf %mul3A_38, %reduce_sum3A_26 : f32
    %add3A_40 = arith.addf %reduce_sum3A_37, %mul3A_39 : f32
    %broadcast_in_dim3A = vector.broadcast %add3A_40 : f32 to vector<1x1x128xf32>
    %swap3A_41 = arith.constant 0 : index
    %swap3A_42 = arith.constant 0 : index
    %swap3A_43 = arith.constant 0 : index
    %swap3A_44 = vector.load %arg5[%swap3A_41, %swap3A_42, %swap3A_43] : memref<1x1x128xf32, #tpu.memory_space<vmem>>, vector<1x1x128xf32>
    tpu.vector_store %arg5[%swap3A_41, %swap3A_42, %swap3A_43], %broadcast_in_dim3A {strides = array<i32>} : memref<1x1x128xf32, #tpu.memory_space<vmem>>, vector<1x1x128xf32>,
    %broadcast_in_dim3A_45 = vector.broadcast %reduce_sum3A_26 : f32 to vector<1x1x128xf32>
    %swap3A_46 = arith.constant 0 : index
    %swap3A_47 = arith.constant 0 : index
    %swap3A_48 = arith.constant 0 : index
    %swap3A_49 = vector.load %arg6[%swap3A_46, %swap3A_47, %swap3A_48] : memref<1x1x128xf32, #tpu.memory_space<vmem>>, vector<1x1x128xf32>
    tpu.vector_store %arg6[%swap3A_46, %swap3A_47, %swap3A_48], %broadcast_in_dim3A_45 {strides = array<i32>} : memref<1x1x128xf32, #tpu.memory_space<vmem>>, vector<1x1x128xf32>,
    return
  }
  func.func @transform_0(%arg0: i32, %arg1: i32) -> (i32, i32, i32, i32) {
    %c0_i32 = arith.constant 0 : i32
    %c0_i32_0 = arith.constant 0 : i32
    %c0_i32_1 = arith.constant 0 : i32
    return %arg0, %c0_i32, %c0_i32_0, %arg1 : i32, i32, i32, i32
  }
  func.func @transform_1(%arg0: i32, %arg1: i32) -> (i32, i32, i32, i32) {
    %c0_i32 = arith.constant 0 : i32
    %c0_i32_0 = arith.constant 0 : i32
    %c0_i32_1 = arith.constant 0 : i32
    return %arg0, %c0_i32, %c0_i32_0, %arg1 : i32, i32, i32, i32
  }
  func.func @transform_2(%arg0: i32, %arg1: i32) -> (i32, i32, i32, i32) {
    %c0_i32 = arith.constant 0 : i32
    %c0_i32_0 = arith.constant 0 : i32
    %c0_i32_1 = arith.constant 0 : i32
    return %arg0, %arg1, %c0_i32, %c0_i32_0 : i32, i32, i32, i32
  }
  func.func @transform_3(%arg0: i32, %arg1: i32) -> (i32, i32, i32) {
    %mul3A = arith.constant 4 : i32
    %mul3A_0 = arith.muli %arg0, %mul3A : i32
    %add3A = arith.addi %mul3A_0, %arg1 : i32
    %c0_i32 = arith.constant 0 : i32
    %c0_i32_1 = arith.constant 0 : i32
    %c0_i32_2 = arith.constant 0 : i32
    return %add3A, %c0_i32, %c0_i32_1 : i32, i32, i32
  }
  func.func @transform_4(%arg0: i32, %arg1: i32) -> (i32, i32, i32) {
    %mul3A = arith.constant 4 : i32
    %mul3A_0 = arith.muli %arg0, %mul3A : i32
    %add3A = arith.addi %mul3A_0, %arg1 : i32
    %c0_i32 = arith.constant 0 : i32
    %c0_i32_1 = arith.constant 0 : i32
    %c0_i32_2 = arith.constant 0 : i32
    return %add3A, %c0_i32, %c0_i32_1 : i32, i32, i32
  }
}

module attributes {stable_mosaic.version = 14 : i64} {
  func.func @_p3_body(%arg0: memref<32x256x128xi32, #tpu.memory_space<vmem>>, %arg1: memref<16x1x128xf32, #tpu.memory_space<vmem>>, %arg2: memref<16x1x128xf32, #tpu.memory_space<vmem>>, %arg3: memref<1x128xf32, #tpu.memory_space<vmem>>, %arg4: memref<8x128xi32, #tpu.memory_space<vmem>>) attributes {dimension_semantics = [], scalar_prefetch = 0 : i64, scratch_operands = 0 : i64, tpu.core_type = #tpu.core_type<tc>} {
    %get3A = arith.constant 0 : index
    %get3A_0 = arith.constant 0 : index
    %get3A_1 = arith.constant 0 : index
    %get3A_2 = vector.load %arg0[%get3A, %get3A_0, %get3A_1] : memref<32x256x128xi32, #tpu.memory_space<vmem>>, vector<1x256x128xi32>
    %get3A_3 = vector.shape_cast %get3A_2 : vector<1x256x128xi32> to vector<256x128xi32>
    %convert_element_type3A = arith.sitofp %get3A_3 : vector<256x128xi32> to vector<256x128xf32>
    %get3A_4 = arith.constant 1 : index
    %get3A_5 = arith.constant 0 : index
    %get3A_6 = arith.constant 0 : index
    %get3A_7 = vector.load %arg0[%get3A_4, %get3A_5, %get3A_6] : memref<32x256x128xi32, #tpu.memory_space<vmem>>, vector<1x256x128xi32>
    %get3A_8 = vector.shape_cast %get3A_7 : vector<1x256x128xi32> to vector<256x128xi32>
    %convert_element_type3A_9 = arith.sitofp %get3A_8 : vector<256x128xi32> to vector<256x128xf32>
    %add3A = arith.addf %convert_element_type3A, %convert_element_type3A_9 : vector<256x128xf32>
    %get3A_10 = arith.constant 2 : index
    %get3A_11 = arith.constant 0 : index
    %get3A_12 = arith.constant 0 : index
    %get3A_13 = vector.load %arg0[%get3A_10, %get3A_11, %get3A_12] : memref<32x256x128xi32, #tpu.memory_space<vmem>>, vector<1x256x128xi32>
    %get3A_14 = vector.shape_cast %get3A_13 : vector<1x256x128xi32> to vector<256x128xi32>
    %convert_element_type3A_15 = arith.sitofp %get3A_14 : vector<256x128xi32> to vector<256x128xf32>
    %add3A_16 = arith.addf %add3A, %convert_element_type3A_15 : vector<256x128xf32>
    %get3A_17 = arith.constant 3 : index
    %get3A_18 = arith.constant 0 : index
    %get3A_19 = arith.constant 0 : index
    %get3A_20 = vector.load %arg0[%get3A_17, %get3A_18, %get3A_19] : memref<32x256x128xi32, #tpu.memory_space<vmem>>, vector<1x256x128xi32>
    %get3A_21 = vector.shape_cast %get3A_20 : vector<1x256x128xi32> to vector<256x128xi32>
    %convert_element_type3A_22 = arith.sitofp %get3A_21 : vector<256x128xi32> to vector<256x128xf32>
    %add3A_23 = arith.addf %add3A_16, %convert_element_type3A_22 : vector<256x128xf32>
    %get3A_24 = arith.constant 4 : index
    %get3A_25 = arith.constant 0 : index
    %get3A_26 = arith.constant 0 : index
    %get3A_27 = vector.load %arg0[%get3A_24, %get3A_25, %get3A_26] : memref<32x256x128xi32, #tpu.memory_space<vmem>>, vector<1x256x128xi32>
    %get3A_28 = vector.shape_cast %get3A_27 : vector<1x256x128xi32> to vector<256x128xi32>
    %convert_element_type3A_29 = arith.sitofp %get3A_28 : vector<256x128xi32> to vector<256x128xf32>
    %add3A_30 = arith.addf %add3A_23, %convert_element_type3A_29 : vector<256x128xf32>
    %get3A_31 = arith.constant 5 : index
    %get3A_32 = arith.constant 0 : index
    %get3A_33 = arith.constant 0 : index
    %get3A_34 = vector.load %arg0[%get3A_31, %get3A_32, %get3A_33] : memref<32x256x128xi32, #tpu.memory_space<vmem>>, vector<1x256x128xi32>
    %get3A_35 = vector.shape_cast %get3A_34 : vector<1x256x128xi32> to vector<256x128xi32>
    %convert_element_type3A_36 = arith.sitofp %get3A_35 : vector<256x128xi32> to vector<256x128xf32>
    %add3A_37 = arith.addf %add3A_30, %convert_element_type3A_36 : vector<256x128xf32>
    %get3A_38 = arith.constant 6 : index
    %get3A_39 = arith.constant 0 : index
    %get3A_40 = arith.constant 0 : index
    %get3A_41 = vector.load %arg0[%get3A_38, %get3A_39, %get3A_40] : memref<32x256x128xi32, #tpu.memory_space<vmem>>, vector<1x256x128xi32>
    %get3A_42 = vector.shape_cast %get3A_41 : vector<1x256x128xi32> to vector<256x128xi32>
    %convert_element_type3A_43 = arith.sitofp %get3A_42 : vector<256x128xi32> to vector<256x128xf32>
    %add3A_44 = arith.addf %add3A_37, %convert_element_type3A_43 : vector<256x128xf32>
    %get3A_45 = arith.constant 7 : index
    %get3A_46 = arith.constant 0 : index
    %get3A_47 = arith.constant 0 : index
    %get3A_48 = vector.load %arg0[%get3A_45, %get3A_46, %get3A_47] : memref<32x256x128xi32, #tpu.memory_space<vmem>>, vector<1x256x128xi32>
    %get3A_49 = vector.shape_cast %get3A_48 : vector<1x256x128xi32> to vector<256x128xi32>
    %convert_element_type3A_50 = arith.sitofp %get3A_49 : vector<256x128xi32> to vector<256x128xf32>
    %add3A_51 = arith.addf %add3A_44, %convert_element_type3A_50 : vector<256x128xf32>
    %get3A_52 = arith.constant 8 : index
    %get3A_53 = arith.constant 0 : index
    %get3A_54 = arith.constant 0 : index
    %get3A_55 = vector.load %arg0[%get3A_52, %get3A_53, %get3A_54] : memref<32x256x128xi32, #tpu.memory_space<vmem>>, vector<1x256x128xi32>
    %get3A_56 = vector.shape_cast %get3A_55 : vector<1x256x128xi32> to vector<256x128xi32>
    %convert_element_type3A_57 = arith.sitofp %get3A_56 : vector<256x128xi32> to vector<256x128xf32>
    %add3A_58 = arith.addf %add3A_51, %convert_element_type3A_57 : vector<256x128xf32>
    %get3A_59 = arith.constant 9 : index
    %get3A_60 = arith.constant 0 : index
    %get3A_61 = arith.constant 0 : index
    %get3A_62 = vector.load %arg0[%get3A_59, %get3A_60, %get3A_61] : memref<32x256x128xi32, #tpu.memory_space<vmem>>, vector<1x256x128xi32>
    %get3A_63 = vector.shape_cast %get3A_62 : vector<1x256x128xi32> to vector<256x128xi32>
    %convert_element_type3A_64 = arith.sitofp %get3A_63 : vector<256x128xi32> to vector<256x128xf32>
    %add3A_65 = arith.addf %add3A_58, %convert_element_type3A_64 : vector<256x128xf32>
    %get3A_66 = arith.constant 10 : index
    %get3A_67 = arith.constant 0 : index
    %get3A_68 = arith.constant 0 : index
    %get3A_69 = vector.load %arg0[%get3A_66, %get3A_67, %get3A_68] : memref<32x256x128xi32, #tpu.memory_space<vmem>>, vector<1x256x128xi32>
    %get3A_70 = vector.shape_cast %get3A_69 : vector<1x256x128xi32> to vector<256x128xi32>
    %convert_element_type3A_71 = arith.sitofp %get3A_70 : vector<256x128xi32> to vector<256x128xf32>
    %add3A_72 = arith.addf %add3A_65, %convert_element_type3A_71 : vector<256x128xf32>
    %get3A_73 = arith.constant 11 : index
    %get3A_74 = arith.constant 0 : index
    %get3A_75 = arith.constant 0 : index
    %get3A_76 = vector.load %arg0[%get3A_73, %get3A_74, %get3A_75] : memref<32x256x128xi32, #tpu.memory_space<vmem>>, vector<1x256x128xi32>
    %get3A_77 = vector.shape_cast %get3A_76 : vector<1x256x128xi32> to vector<256x128xi32>
    %convert_element_type3A_78 = arith.sitofp %get3A_77 : vector<256x128xi32> to vector<256x128xf32>
    %add3A_79 = arith.addf %add3A_72, %convert_element_type3A_78 : vector<256x128xf32>
    %get3A_80 = arith.constant 12 : index
    %get3A_81 = arith.constant 0 : index
    %get3A_82 = arith.constant 0 : index
    %get3A_83 = vector.load %arg0[%get3A_80, %get3A_81, %get3A_82] : memref<32x256x128xi32, #tpu.memory_space<vmem>>, vector<1x256x128xi32>
    %get3A_84 = vector.shape_cast %get3A_83 : vector<1x256x128xi32> to vector<256x128xi32>
    %convert_element_type3A_85 = arith.sitofp %get3A_84 : vector<256x128xi32> to vector<256x128xf32>
    %add3A_86 = arith.addf %add3A_79, %convert_element_type3A_85 : vector<256x128xf32>
    %get3A_87 = arith.constant 13 : index
    %get3A_88 = arith.constant 0 : index
    %get3A_89 = arith.constant 0 : index
    %get3A_90 = vector.load %arg0[%get3A_87, %get3A_88, %get3A_89] : memref<32x256x128xi32, #tpu.memory_space<vmem>>, vector<1x256x128xi32>
    %get3A_91 = vector.shape_cast %get3A_90 : vector<1x256x128xi32> to vector<256x128xi32>
    %convert_element_type3A_92 = arith.sitofp %get3A_91 : vector<256x128xi32> to vector<256x128xf32>
    %add3A_93 = arith.addf %add3A_86, %convert_element_type3A_92 : vector<256x128xf32>
    %get3A_94 = arith.constant 14 : index
    %get3A_95 = arith.constant 0 : index
    %get3A_96 = arith.constant 0 : index
    %get3A_97 = vector.load %arg0[%get3A_94, %get3A_95, %get3A_96] : memref<32x256x128xi32, #tpu.memory_space<vmem>>, vector<1x256x128xi32>
    %get3A_98 = vector.shape_cast %get3A_97 : vector<1x256x128xi32> to vector<256x128xi32>
    %convert_element_type3A_99 = arith.sitofp %get3A_98 : vector<256x128xi32> to vector<256x128xf32>
    %add3A_100 = arith.addf %add3A_93, %convert_element_type3A_99 : vector<256x128xf32>
    %get3A_101 = arith.constant 15 : index
    %get3A_102 = arith.constant 0 : index
    %get3A_103 = arith.constant 0 : index
    %get3A_104 = vector.load %arg0[%get3A_101, %get3A_102, %get3A_103] : memref<32x256x128xi32, #tpu.memory_space<vmem>>, vector<1x256x128xi32>
    %get3A_105 = vector.shape_cast %get3A_104 : vector<1x256x128xi32> to vector<256x128xi32>
    %convert_element_type3A_106 = arith.sitofp %get3A_105 : vector<256x128xi32> to vector<256x128xf32>
    %add3A_107 = arith.addf %add3A_100, %convert_element_type3A_106 : vector<256x128xf32>
    %get3A_108 = arith.constant 16 : index
    %get3A_109 = arith.constant 0 : index
    %get3A_110 = arith.constant 0 : index
    %get3A_111 = vector.load %arg0[%get3A_108, %get3A_109, %get3A_110] : memref<32x256x128xi32, #tpu.memory_space<vmem>>, vector<1x256x128xi32>
    %get3A_112 = vector.shape_cast %get3A_111 : vector<1x256x128xi32> to vector<256x128xi32>
    %convert_element_type3A_113 = arith.sitofp %get3A_112 : vector<256x128xi32> to vector<256x128xf32>
    %add3A_114 = arith.addf %add3A_107, %convert_element_type3A_113 : vector<256x128xf32>
    %get3A_115 = arith.constant 17 : index
    %get3A_116 = arith.constant 0 : index
    %get3A_117 = arith.constant 0 : index
    %get3A_118 = vector.load %arg0[%get3A_115, %get3A_116, %get3A_117] : memref<32x256x128xi32, #tpu.memory_space<vmem>>, vector<1x256x128xi32>
    %get3A_119 = vector.shape_cast %get3A_118 : vector<1x256x128xi32> to vector<256x128xi32>
    %convert_element_type3A_120 = arith.sitofp %get3A_119 : vector<256x128xi32> to vector<256x128xf32>
    %add3A_121 = arith.addf %add3A_114, %convert_element_type3A_120 : vector<256x128xf32>
    %get3A_122 = arith.constant 18 : index
    %get3A_123 = arith.constant 0 : index
    %get3A_124 = arith.constant 0 : index
    %get3A_125 = vector.load %arg0[%get3A_122, %get3A_123, %get3A_124] : memref<32x256x128xi32, #tpu.memory_space<vmem>>, vector<1x256x128xi32>
    %get3A_126 = vector.shape_cast %get3A_125 : vector<1x256x128xi32> to vector<256x128xi32>
    %convert_element_type3A_127 = arith.sitofp %get3A_126 : vector<256x128xi32> to vector<256x128xf32>
    %add3A_128 = arith.addf %add3A_121, %convert_element_type3A_127 : vector<256x128xf32>
    %get3A_129 = arith.constant 19 : index
    %get3A_130 = arith.constant 0 : index
    %get3A_131 = arith.constant 0 : index
    %get3A_132 = vector.load %arg0[%get3A_129, %get3A_130, %get3A_131] : memref<32x256x128xi32, #tpu.memory_space<vmem>>, vector<1x256x128xi32>
    %get3A_133 = vector.shape_cast %get3A_132 : vector<1x256x128xi32> to vector<256x128xi32>
    %convert_element_type3A_134 = arith.sitofp %get3A_133 : vector<256x128xi32> to vector<256x128xf32>
    %add3A_135 = arith.addf %add3A_128, %convert_element_type3A_134 : vector<256x128xf32>
    %get3A_136 = arith.constant 20 : index
    %get3A_137 = arith.constant 0 : index
    %get3A_138 = arith.constant 0 : index
    %get3A_139 = vector.load %arg0[%get3A_136, %get3A_137, %get3A_138] : memref<32x256x128xi32, #tpu.memory_space<vmem>>, vector<1x256x128xi32>
    %get3A_140 = vector.shape_cast %get3A_139 : vector<1x256x128xi32> to vector<256x128xi32>
    %convert_element_type3A_141 = arith.sitofp %get3A_140 : vector<256x128xi32> to vector<256x128xf32>
    %add3A_142 = arith.addf %add3A_135, %convert_element_type3A_141 : vector<256x128xf32>
    %get3A_143 = arith.constant 21 : index
    %get3A_144 = arith.constant 0 : index
    %get3A_145 = arith.constant 0 : index
    %get3A_146 = vector.load %arg0[%get3A_143, %get3A_144, %get3A_145] : memref<32x256x128xi32, #tpu.memory_space<vmem>>, vector<1x256x128xi32>
    %get3A_147 = vector.shape_cast %get3A_146 : vector<1x256x128xi32> to vector<256x128xi32>
    %convert_element_type3A_148 = arith.sitofp %get3A_147 : vector<256x128xi32> to vector<256x128xf32>
    %add3A_149 = arith.addf %add3A_142, %convert_element_type3A_148 : vector<256x128xf32>
    %get3A_150 = arith.constant 22 : index
    %get3A_151 = arith.constant 0 : index
    %get3A_152 = arith.constant 0 : index
    %get3A_153 = vector.load %arg0[%get3A_150, %get3A_151, %get3A_152] : memref<32x256x128xi32, #tpu.memory_space<vmem>>, vector<1x256x128xi32>
    %get3A_154 = vector.shape_cast %get3A_153 : vector<1x256x128xi32> to vector<256x128xi32>
    %convert_element_type3A_155 = arith.sitofp %get3A_154 : vector<256x128xi32> to vector<256x128xf32>
    %add3A_156 = arith.addf %add3A_149, %convert_element_type3A_155 : vector<256x128xf32>
    %get3A_157 = arith.constant 23 : index
    %get3A_158 = arith.constant 0 : index
    %get3A_159 = arith.constant 0 : index
    %get3A_160 = vector.load %arg0[%get3A_157, %get3A_158, %get3A_159] : memref<32x256x128xi32, #tpu.memory_space<vmem>>, vector<1x256x128xi32>
    %get3A_161 = vector.shape_cast %get3A_160 : vector<1x256x128xi32> to vector<256x128xi32>
    %convert_element_type3A_162 = arith.sitofp %get3A_161 : vector<256x128xi32> to vector<256x128xf32>
    %add3A_163 = arith.addf %add3A_156, %convert_element_type3A_162 : vector<256x128xf32>
    %get3A_164 = arith.constant 24 : index
    %get3A_165 = arith.constant 0 : index
    %get3A_166 = arith.constant 0 : index
    %get3A_167 = vector.load %arg0[%get3A_164, %get3A_165, %get3A_166] : memref<32x256x128xi32, #tpu.memory_space<vmem>>, vector<1x256x128xi32>
    %get3A_168 = vector.shape_cast %get3A_167 : vector<1x256x128xi32> to vector<256x128xi32>
    %convert_element_type3A_169 = arith.sitofp %get3A_168 : vector<256x128xi32> to vector<256x128xf32>
    %add3A_170 = arith.addf %add3A_163, %convert_element_type3A_169 : vector<256x128xf32>
    %get3A_171 = arith.constant 25 : index
    %get3A_172 = arith.constant 0 : index
    %get3A_173 = arith.constant 0 : index
    %get3A_174 = vector.load %arg0[%get3A_171, %get3A_172, %get3A_173] : memref<32x256x128xi32, #tpu.memory_space<vmem>>, vector<1x256x128xi32>
    %get3A_175 = vector.shape_cast %get3A_174 : vector<1x256x128xi32> to vector<256x128xi32>
    %convert_element_type3A_176 = arith.sitofp %get3A_175 : vector<256x128xi32> to vector<256x128xf32>
    %add3A_177 = arith.addf %add3A_170, %convert_element_type3A_176 : vector<256x128xf32>
    %get3A_178 = arith.constant 26 : index
    %get3A_179 = arith.constant 0 : index
    %get3A_180 = arith.constant 0 : index
    %get3A_181 = vector.load %arg0[%get3A_178, %get3A_179, %get3A_180] : memref<32x256x128xi32, #tpu.memory_space<vmem>>, vector<1x256x128xi32>
    %get3A_182 = vector.shape_cast %get3A_181 : vector<1x256x128xi32> to vector<256x128xi32>
    %convert_element_type3A_183 = arith.sitofp %get3A_182 : vector<256x128xi32> to vector<256x128xf32>
    %add3A_184 = arith.addf %add3A_177, %convert_element_type3A_183 : vector<256x128xf32>
    %get3A_185 = arith.constant 27 : index
    %get3A_186 = arith.constant 0 : index
    %get3A_187 = arith.constant 0 : index
    %get3A_188 = vector.load %arg0[%get3A_185, %get3A_186, %get3A_187] : memref<32x256x128xi32, #tpu.memory_space<vmem>>, vector<1x256x128xi32>
    %get3A_189 = vector.shape_cast %get3A_188 : vector<1x256x128xi32> to vector<256x128xi32>
    %convert_element_type3A_190 = arith.sitofp %get3A_189 : vector<256x128xi32> to vector<256x128xf32>
    %add3A_191 = arith.addf %add3A_184, %convert_element_type3A_190 : vector<256x128xf32>
    %get3A_192 = arith.constant 28 : index
    %get3A_193 = arith.constant 0 : index
    %get3A_194 = arith.constant 0 : index
    %get3A_195 = vector.load %arg0[%get3A_192, %get3A_193, %get3A_194] : memref<32x256x128xi32, #tpu.memory_space<vmem>>, vector<1x256x128xi32>
    %get3A_196 = vector.shape_cast %get3A_195 : vector<1x256x128xi32> to vector<256x128xi32>
    %convert_element_type3A_197 = arith.sitofp %get3A_196 : vector<256x128xi32> to vector<256x128xf32>
    %add3A_198 = arith.addf %add3A_191, %convert_element_type3A_197 : vector<256x128xf32>
    %get3A_199 = arith.constant 29 : index
    %get3A_200 = arith.constant 0 : index
    %get3A_201 = arith.constant 0 : index
    %get3A_202 = vector.load %arg0[%get3A_199, %get3A_200, %get3A_201] : memref<32x256x128xi32, #tpu.memory_space<vmem>>, vector<1x256x128xi32>
    %get3A_203 = vector.shape_cast %get3A_202 : vector<1x256x128xi32> to vector<256x128xi32>
    %convert_element_type3A_204 = arith.sitofp %get3A_203 : vector<256x128xi32> to vector<256x128xf32>
    %add3A_205 = arith.addf %add3A_198, %convert_element_type3A_204 : vector<256x128xf32>
    %get3A_206 = arith.constant 30 : index
    %get3A_207 = arith.constant 0 : index
    %get3A_208 = arith.constant 0 : index
    %get3A_209 = vector.load %arg0[%get3A_206, %get3A_207, %get3A_208] : memref<32x256x128xi32, #tpu.memory_space<vmem>>, vector<1x256x128xi32>
    %get3A_210 = vector.shape_cast %get3A_209 : vector<1x256x128xi32> to vector<256x128xi32>
    %convert_element_type3A_211 = arith.sitofp %get3A_210 : vector<256x128xi32> to vector<256x128xf32>
    %add3A_212 = arith.addf %add3A_205, %convert_element_type3A_211 : vector<256x128xf32>
    %get3A_213 = arith.constant 31 : index
    %get3A_214 = arith.constant 0 : index
    %get3A_215 = arith.constant 0 : index
    %get3A_216 = vector.load %arg0[%get3A_213, %get3A_214, %get3A_215] : memref<32x256x128xi32, #tpu.memory_space<vmem>>, vector<1x256x128xi32>
    %get3A_217 = vector.shape_cast %get3A_216 : vector<1x256x128xi32> to vector<256x128xi32>
    %convert_element_type3A_218 = arith.sitofp %get3A_217 : vector<256x128xi32> to vector<256x128xf32>
    %add3A_219 = arith.addf %add3A_212, %convert_element_type3A_218 : vector<256x128xf32>
    %slice3A = vector.extract_strided_slice %add3A_219 {offsets = [0, 1], sizes = [256, 127], strides = [1, 1]} : vector<256x128xf32> to vector<256x127xf32>
    %broadcast_in_dim3A = arith.constant 0.000000e+00 : f32
    %broadcast_in_dim3A_220 = vector.broadcast %broadcast_in_dim3A : f32 to vector<256x1xf32>
    %concatenate3A = tpu.concatenate %slice3A, %broadcast_in_dim3A_220 in 1 : vector<256x127xf32>, vector<256x1xf32> -> vector<256x128xf32>
    %add3A_221 = arith.addf %add3A_219, %concatenate3A : vector<256x128xf32>
    %slice3A_222 = vector.extract_strided_slice %add3A_221 {offsets = [0, 2], sizes = [256, 126], strides = [1, 1]} : vector<256x128xf32> to vector<256x126xf32>
    %broadcast_in_dim3A_223 = arith.constant 0.000000e+00 : f32
    %broadcast_in_dim3A_224 = vector.broadcast %broadcast_in_dim3A_223 : f32 to vector<256x2xf32>
    %concatenate3A_225 = tpu.concatenate %slice3A_222, %broadcast_in_dim3A_224 in 1 : vector<256x126xf32>, vector<256x2xf32> -> vector<256x128xf32>
    %add3A_226 = arith.addf %add3A_221, %concatenate3A_225 : vector<256x128xf32>
    %slice3A_227 = vector.extract_strided_slice %add3A_226 {offsets = [0, 4], sizes = [256, 124], strides = [1, 1]} : vector<256x128xf32> to vector<256x124xf32>
    %broadcast_in_dim3A_228 = arith.constant 0.000000e+00 : f32
    %broadcast_in_dim3A_229 = vector.broadcast %broadcast_in_dim3A_228 : f32 to vector<256x4xf32>
    %concatenate3A_230 = tpu.concatenate %slice3A_227, %broadcast_in_dim3A_229 in 1 : vector<256x124xf32>, vector<256x4xf32> -> vector<256x128xf32>
    %add3A_231 = arith.addf %add3A_226, %concatenate3A_230 : vector<256x128xf32>
    %slice3A_232 = vector.extract_strided_slice %add3A_231 {offsets = [0, 8], sizes = [256, 120], strides = [1, 1]} : vector<256x128xf32> to vector<256x120xf32>
    %broadcast_in_dim3A_233 = arith.constant 0.000000e+00 : f32
    %broadcast_in_dim3A_234 = vector.broadcast %broadcast_in_dim3A_233 : f32 to vector<256x8xf32>
    %concatenate3A_235 = tpu.concatenate %slice3A_232, %broadcast_in_dim3A_234 in 1 : vector<256x120xf32>, vector<256x8xf32> -> vector<256x128xf32>
    %add3A_236 = arith.addf %add3A_231, %concatenate3A_235 : vector<256x128xf32>
    %slice3A_237 = vector.extract_strided_slice %add3A_236 {offsets = [0, 16], sizes = [256, 112], strides = [1, 1]} : vector<256x128xf32> to vector<256x112xf32>
    %broadcast_in_dim3A_238 = arith.constant 0.000000e+00 : f32
    %broadcast_in_dim3A_239 = vector.broadcast %broadcast_in_dim3A_238 : f32 to vector<256x16xf32>
    %concatenate3A_240 = tpu.concatenate %slice3A_237, %broadcast_in_dim3A_239 in 1 : vector<256x112xf32>, vector<256x16xf32> -> vector<256x128xf32>
    %add3A_241 = arith.addf %add3A_236, %concatenate3A_240 : vector<256x128xf32>
    %slice3A_242 = vector.extract_strided_slice %add3A_241 {offsets = [0, 32], sizes = [256, 96], strides = [1, 1]} : vector<256x128xf32> to vector<256x96xf32>
    %broadcast_in_dim3A_243 = arith.constant 0.000000e+00 : f32
    %broadcast_in_dim3A_244 = vector.broadcast %broadcast_in_dim3A_243 : f32 to vector<256x32xf32>
    %concatenate3A_245 = tpu.concatenate %slice3A_242, %broadcast_in_dim3A_244 in 1 : vector<256x96xf32>, vector<256x32xf32> -> vector<256x128xf32>
    %add3A_246 = arith.addf %add3A_241, %concatenate3A_245 : vector<256x128xf32>
    %slice3A_247 = vector.extract_strided_slice %add3A_246 {offsets = [0, 64], sizes = [256, 64], strides = [1, 1]} : vector<256x128xf32> to vector<256x64xf32>
    %broadcast_in_dim3A_248 = arith.constant 0.000000e+00 : f32
    %broadcast_in_dim3A_249 = vector.broadcast %broadcast_in_dim3A_248 : f32 to vector<256x64xf32>
    %concatenate3A_250 = tpu.concatenate %slice3A_247, %broadcast_in_dim3A_249 in 1 : vector<256x64xf32>, vector<256x64xf32> -> vector<256x128xf32>
    %add3A_251 = arith.addf %add3A_246, %concatenate3A_250 : vector<256x128xf32>
    %slice3A_252 = vector.extract_strided_slice %add3A_251 {offsets = [0, 0], sizes = [256, 1], strides = [1, 1]} : vector<256x128xf32> to vector<256x1xf32>
    %slice3A_253 = vector.extract_strided_slice %slice3A_252 {offsets = [1, 0], sizes = [255, 1], strides = [1, 1]} : vector<256x1xf32> to vector<255x1xf32>
    %broadcast_in_dim3A_254 = arith.constant 0.000000e+00 : f32
    %broadcast_in_dim3A_255 = vector.broadcast %broadcast_in_dim3A_254 : f32 to vector<1x1xf32>
    %concatenate3A_256 = tpu.concatenate %slice3A_253, %broadcast_in_dim3A_255 in 0 : vector<255x1xf32>, vector<1x1xf32> -> vector<256x1xf32>
    %add3A_257 = arith.addf %slice3A_252, %concatenate3A_256 : vector<256x1xf32>
    %slice3A_258 = vector.extract_strided_slice %add3A_257 {offsets = [2, 0], sizes = [254, 1], strides = [1, 1]} : vector<256x1xf32> to vector<254x1xf32>
    %broadcast_in_dim3A_259 = arith.constant 0.000000e+00 : f32
    %broadcast_in_dim3A_260 = vector.broadcast %broadcast_in_dim3A_259 : f32 to vector<2x1xf32>
    %concatenate3A_261 = tpu.concatenate %slice3A_258, %broadcast_in_dim3A_260 in 0 : vector<254x1xf32>, vector<2x1xf32> -> vector<256x1xf32>
    %add3A_262 = arith.addf %add3A_257, %concatenate3A_261 : vector<256x1xf32>
    %slice3A_263 = vector.extract_strided_slice %add3A_262 {offsets = [4, 0], sizes = [252, 1], strides = [1, 1]} : vector<256x1xf32> to vector<252x1xf32>
    %broadcast_in_dim3A_264 = arith.constant 0.000000e+00 : f32
    %broadcast_in_dim3A_265 = vector.broadcast %broadcast_in_dim3A_264 : f32 to vector<4x1xf32>
    %concatenate3A_266 = tpu.concatenate %slice3A_263, %broadcast_in_dim3A_265 in 0 : vector<252x1xf32>, vector<4x1xf32> -> vector<256x1xf32>
    %add3A_267 = arith.addf %add3A_262, %concatenate3A_266 : vector<256x1xf32>
    %slice3A_268 = vector.extract_strided_slice %add3A_267 {offsets = [8, 0], sizes = [248, 1], strides = [1, 1]} : vector<256x1xf32> to vector<248x1xf32>
    %broadcast_in_dim3A_269 = arith.constant 0.000000e+00 : f32
    %broadcast_in_dim3A_270 = vector.broadcast %broadcast_in_dim3A_269 : f32 to vector<8x1xf32>
    %concatenate3A_271 = tpu.concatenate %slice3A_268, %broadcast_in_dim3A_270 in 0 : vector<248x1xf32>, vector<8x1xf32> -> vector<256x1xf32>
    %add3A_272 = arith.addf %add3A_267, %concatenate3A_271 : vector<256x1xf32>
    %slice3A_273 = vector.extract_strided_slice %add3A_272 {offsets = [16, 0], sizes = [240, 1], strides = [1, 1]} : vector<256x1xf32> to vector<240x1xf32>
    %broadcast_in_dim3A_274 = arith.constant 0.000000e+00 : f32
    %broadcast_in_dim3A_275 = vector.broadcast %broadcast_in_dim3A_274 : f32 to vector<16x1xf32>
    %concatenate3A_276 = tpu.concatenate %slice3A_273, %broadcast_in_dim3A_275 in 0 : vector<240x1xf32>, vector<16x1xf32> -> vector<256x1xf32>
    %add3A_277 = arith.addf %add3A_272, %concatenate3A_276 : vector<256x1xf32>
    %slice3A_278 = vector.extract_strided_slice %add3A_277 {offsets = [32, 0], sizes = [224, 1], strides = [1, 1]} : vector<256x1xf32> to vector<224x1xf32>
    %broadcast_in_dim3A_279 = arith.constant 0.000000e+00 : f32
    %broadcast_in_dim3A_280 = vector.broadcast %broadcast_in_dim3A_279 : f32 to vector<32x1xf32>
    %concatenate3A_281 = tpu.concatenate %slice3A_278, %broadcast_in_dim3A_280 in 0 : vector<224x1xf32>, vector<32x1xf32> -> vector<256x1xf32>
    %add3A_282 = arith.addf %add3A_277, %concatenate3A_281 : vector<256x1xf32>
    %slice3A_283 = vector.extract_strided_slice %add3A_282 {offsets = [64, 0], sizes = [192, 1], strides = [1, 1]} : vector<256x1xf32> to vector<192x1xf32>
    %broadcast_in_dim3A_284 = arith.constant 0.000000e+00 : f32
    %broadcast_in_dim3A_285 = vector.broadcast %broadcast_in_dim3A_284 : f32 to vector<64x1xf32>
    %concatenate3A_286 = tpu.concatenate %slice3A_283, %broadcast_in_dim3A_285 in 0 : vector<192x1xf32>, vector<64x1xf32> -> vector<256x1xf32>
    %add3A_287 = arith.addf %add3A_282, %concatenate3A_286 : vector<256x1xf32>
    %slice3A_288 = vector.extract_strided_slice %add3A_287 {offsets = [128, 0], sizes = [128, 1], strides = [1, 1]} : vector<256x1xf32> to vector<128x1xf32>
    %broadcast_in_dim3A_289 = arith.constant 0.000000e+00 : f32
    %broadcast_in_dim3A_290 = vector.broadcast %broadcast_in_dim3A_289 : f32 to vector<128x1xf32>
    %concatenate3A_291 = tpu.concatenate %slice3A_288, %broadcast_in_dim3A_290 in 0 : vector<128x1xf32>, vector<128x1xf32> -> vector<256x1xf32>
    %add3A_292 = arith.addf %add3A_287, %concatenate3A_291 : vector<256x1xf32>
    %sub3A = arith.subf %add3A_292, %slice3A_252 : vector<256x1xf32>
    %add3A_293 = vector.broadcast %sub3A : vector<256x1xf32> to vector<256x128xf32>
    %add3A_294 = arith.addf %add3A_251, %add3A_293 : vector<256x128xf32>
    %iota3A = tpu.iota {dimensions = array<i32: 0>} : vector<256x128xi32>
    %iota3A_295 = tpu.iota {dimensions = array<i32: 1>} : vector<256x128xi32>
    %mul3A = arith.constant 128 : i32
    %mul3A_296 = vector.broadcast %mul3A : i32 to vector<256x128xi32>
    %mul3A_297 = arith.muli %iota3A, %mul3A_296 : vector<256x128xi32>
    %add3A_298 = arith.addi %mul3A_297, %iota3A_295 : vector<256x128xi32>
    %convert_element_type3A_299 = arith.sitofp %add3A_298 : vector<256x128xi32> to vector<256x128xf32>
    %ge3A = arith.constant 2.621440e+05 : f32
    %ge3A_300 = vector.broadcast %ge3A : f32 to vector<256x128xf32>
    %ge3A_301 = arith.cmpf oge, %add3A_294, %ge3A_300 : vector<256x128xf32>
    %jit3A = arith.constant -1.000000e+00 : f32
    %broadcast_in_dim3A_302 = vector.broadcast %jit3A : f32 to vector<256x128xf32>
    %select_n3A = arith.select %ge3A_301, %convert_element_type3A_299, %broadcast_in_dim3A_302 : vector<256x128xi1>, vector<256x128xf32>
    %reduce_max3A = vector.shape_cast %select_n3A : vector<256x128xf32> to vector<1x256x128xf32>
    %reduce_max3A_303 = arith.constant dense<0xFF800000> : vector<1xf32>
    %reduce_max3A_304 = vector.multi_reduction <maximumf>, %reduce_max3A, %reduce_max3A_303 [1, 2] : vector<1x256x128xf32> to vector<1xf32>
    %reduce_max3A_305 = vector.shape_cast %reduce_max3A_304 : vector<1xf32> to vector<1x1x1xf32>
    %reduce_max3A_306 = vector.extract %reduce_max3A_305[0, 0, 0] : f32 from vector<1x1x1xf32>
    %eq3A = vector.broadcast %reduce_max3A_306 : f32 to vector<256x128xf32>
    %eq3A_307 = arith.cmpf oeq, %convert_element_type3A_299, %eq3A : vector<256x128xf32>
    %jit3A_308 = arith.constant 0.000000e+00 : f32
    %broadcast_in_dim3A_309 = vector.broadcast %jit3A_308 : f32 to vector<256x128xf32>
    %select_n3A_310 = arith.select %eq3A_307, %add3A_219, %broadcast_in_dim3A_309 : vector<256x128xi1>, vector<256x128xf32>
    %reduce_sum3A = vector.shape_cast %select_n3A_310 : vector<256x128xf32> to vector<1x256x128xf32>
    %reduce_sum3A_311 = arith.constant dense<0.000000e+00> : vector<1xf32>
    %reduce_sum3A_312 = vector.multi_reduction <add>, %reduce_sum3A, %reduce_sum3A_311 [1, 2] : vector<1x256x128xf32> to vector<1xf32>
    %reduce_sum3A_313 = vector.shape_cast %reduce_sum3A_312 : vector<1xf32> to vector<1x1x1xf32>
    %reduce_sum3A_314 = vector.extract %reduce_sum3A_313[0, 0, 0] : f32 from vector<1x1x1xf32>
    %eq3A_315 = vector.broadcast %reduce_max3A_306 : f32 to vector<256x128xf32>
    %eq3A_316 = arith.cmpf oeq, %convert_element_type3A_299, %eq3A_315 : vector<256x128xf32>
    %jit3A_317 = arith.constant 0.000000e+00 : f32
    %broadcast_in_dim3A_318 = vector.broadcast %jit3A_317 : f32 to vector<256x128xf32>
    %select_n3A_319 = arith.select %eq3A_316, %add3A_294, %broadcast_in_dim3A_318 : vector<256x128xi1>, vector<256x128xf32>
    %reduce_sum3A_320 = vector.shape_cast %select_n3A_319 : vector<256x128xf32> to vector<1x256x128xf32>
    %reduce_sum3A_321 = arith.constant dense<0.000000e+00> : vector<1xf32>
    %reduce_sum3A_322 = vector.multi_reduction <add>, %reduce_sum3A_320, %reduce_sum3A_321 [1, 2] : vector<1x256x128xf32> to vector<1xf32>
    %reduce_sum3A_323 = vector.shape_cast %reduce_sum3A_322 : vector<1xf32> to vector<1x1x1xf32>
    %reduce_sum3A_324 = vector.extract %reduce_sum3A_323[0, 0, 0] : f32 from vector<1x1x1xf32>
    %sub3A_325 = arith.subf %reduce_sum3A_324, %reduce_sum3A_314 : f32
    %sub3A_326 = arith.constant 2.621440e+05 : f32
    %sub3A_327 = arith.subf %sub3A_326, %sub3A_325 : f32
    %get3A_328 = arith.constant 0 : index
    %get3A_329 = arith.constant 0 : index
    %get3A_330 = arith.constant 0 : index
    %get3A_331 = vector.load %arg1[%get3A_328, %get3A_329, %get3A_330] : memref<16x1x128xf32, #tpu.memory_space<vmem>>, vector<16x1x1xf32>
    %get3A_332 = vector.shape_cast %get3A_331 : vector<16x1x1xf32> to vector<16x1xf32>
    %reduce_sum3A_333 = vector.shape_cast %get3A_332 : vector<16x1xf32> to vector<1x16x1xf32>
    %reduce_sum3A_334 = arith.constant dense<0.000000e+00> : vector<1xf32>
    %reduce_sum3A_335 = vector.multi_reduction <add>, %reduce_sum3A_333, %reduce_sum3A_334 [1, 2] : vector<1x16x1xf32> to vector<1xf32>
    %reduce_sum3A_336 = vector.shape_cast %reduce_sum3A_335 : vector<1xf32> to vector<1x1x1xf32>
    %reduce_sum3A_337 = vector.extract %reduce_sum3A_336[0, 0, 0] : f32 from vector<1x1x1xf32>
    %get3A_338 = arith.constant 0 : index
    %get3A_339 = arith.constant 0 : index
    %get3A_340 = arith.constant 0 : index
    %get3A_341 = vector.load %arg2[%get3A_338, %get3A_339, %get3A_340] : memref<16x1x128xf32, #tpu.memory_space<vmem>>, vector<16x1x1xf32>
    %get3A_342 = vector.shape_cast %get3A_341 : vector<16x1x1xf32> to vector<16x1xf32>
    %reduce_sum3A_343 = vector.shape_cast %get3A_342 : vector<16x1xf32> to vector<1x16x1xf32>
    %reduce_sum3A_344 = arith.constant dense<0.000000e+00> : vector<1xf32>
    %reduce_sum3A_345 = vector.multi_reduction <add>, %reduce_sum3A_343, %reduce_sum3A_344 [1, 2] : vector<1x16x1xf32> to vector<1xf32>
    %reduce_sum3A_346 = vector.shape_cast %reduce_sum3A_345 : vector<1xf32> to vector<1x1x1xf32>
    %reduce_sum3A_347 = vector.extract %reduce_sum3A_346[0, 0, 0] : f32 from vector<1x1x1xf32>
    %iota3A_348 = tpu.iota {dimensions = array<i32: 1>} : vector<1x128xi32>
    %eq3A_349 = arith.constant 0 : i32
    %eq3A_350 = vector.broadcast %eq3A_349 : i32 to vector<1x128xi32>
    %eq3A_351 = arith.cmpi eq, %iota3A_348, %eq3A_350 : vector<1x128xi32>
    %jit3A_352 = arith.constant 0.000000e+00 : f32
    %broadcast_in_dim3A_353 = vector.broadcast %reduce_max3A_306 : f32 to vector<1x128xf32>
    %broadcast_in_dim3A_354 = vector.broadcast %jit3A_352 : f32 to vector<1x128xf32>
    %select_n3A_355 = arith.select %eq3A_351, %broadcast_in_dim3A_353, %broadcast_in_dim3A_354 : vector<1x128xi1>, vector<1x128xf32>
    %eq3A_356 = arith.constant 1 : i32
    %eq3A_357 = vector.broadcast %eq3A_356 : i32 to vector<1x128xi32>
    %eq3A_358 = arith.cmpi eq, %iota3A_348, %eq3A_357 : vector<1x128xi32>
    %jit3A_359 = arith.constant 0.000000e+00 : f32
    %broadcast_in_dim3A_360 = vector.broadcast %sub3A_325 : f32 to vector<1x128xf32>
    %broadcast_in_dim3A_361 = vector.broadcast %jit3A_359 : f32 to vector<1x128xf32>
    %select_n3A_362 = arith.select %eq3A_358, %broadcast_in_dim3A_360, %broadcast_in_dim3A_361 : vector<1x128xi1>, vector<1x128xf32>
    %add3A_363 = arith.addf %select_n3A_355, %select_n3A_362 : vector<1x128xf32>
    %eq3A_364 = arith.constant 2 : i32
    %eq3A_365 = vector.broadcast %eq3A_364 : i32 to vector<1x128xi32>
    %eq3A_366 = arith.cmpi eq, %iota3A_348, %eq3A_365 : vector<1x128xi32>
    %jit3A_367 = arith.constant 0.000000e+00 : f32
    %broadcast_in_dim3A_368 = vector.broadcast %sub3A_327 : f32 to vector<1x128xf32>
    %broadcast_in_dim3A_369 = vector.broadcast %jit3A_367 : f32 to vector<1x128xf32>
    %select_n3A_370 = arith.select %eq3A_366, %broadcast_in_dim3A_368, %broadcast_in_dim3A_369 : vector<1x128xi1>, vector<1x128xf32>
    %add3A_371 = arith.addf %add3A_363, %select_n3A_370 : vector<1x128xf32>
    %eq3A_372 = arith.constant 4 : i32
    %eq3A_373 = vector.broadcast %eq3A_372 : i32 to vector<1x128xi32>
    %eq3A_374 = arith.cmpi eq, %iota3A_348, %eq3A_373 : vector<1x128xi32>
    %jit3A_375 = arith.constant 0.000000e+00 : f32
    %broadcast_in_dim3A_376 = vector.broadcast %reduce_sum3A_347 : f32 to vector<1x128xf32>
    %broadcast_in_dim3A_377 = vector.broadcast %jit3A_375 : f32 to vector<1x128xf32>
    %select_n3A_378 = arith.select %eq3A_374, %broadcast_in_dim3A_376, %broadcast_in_dim3A_377 : vector<1x128xi1>, vector<1x128xf32>
    %add3A_379 = arith.addf %add3A_371, %select_n3A_378 : vector<1x128xf32>
    %eq3A_380 = arith.constant 5 : i32
    %eq3A_381 = vector.broadcast %eq3A_380 : i32 to vector<1x128xi32>
    %eq3A_382 = arith.cmpi eq, %iota3A_348, %eq3A_381 : vector<1x128xi32>
    %jit3A_383 = arith.constant 0.000000e+00 : f32
    %broadcast_in_dim3A_384 = vector.broadcast %reduce_sum3A_337 : f32 to vector<1x128xf32>
    %broadcast_in_dim3A_385 = vector.broadcast %jit3A_383 : f32 to vector<1x128xf32>
    %select_n3A_386 = arith.select %eq3A_382, %broadcast_in_dim3A_384, %broadcast_in_dim3A_385 : vector<1x128xi1>, vector<1x128xf32>
    %add3A_387 = arith.addf %add3A_379, %select_n3A_386 : vector<1x128xf32>
    %swap3A = arith.constant 0 : index
    %swap3A_388 = arith.constant 0 : index
    %swap3A_389 = vector.load %arg3[%swap3A, %swap3A_388] : memref<1x128xf32, #tpu.memory_space<vmem>>, vector<1x128xf32>
    tpu.vector_store %arg3[%swap3A, %swap3A_388], %add3A_387 {strides = array<i32>} : memref<1x128xf32, #tpu.memory_space<vmem>>, vector<1x128xf32>,
    %broadcast_in_dim3A_390 = vector.broadcast %reduce_max3A_306 : f32 to vector<8x128xf32>
    %convert_element_type3A_391 = arith.fptosi %broadcast_in_dim3A_390 : vector<8x128xf32> to vector<8x128xi32>
    %swap3A_392 = arith.constant 0 : index
    %swap3A_393 = arith.constant 0 : index
    %swap3A_394 = vector.load %arg4[%swap3A_392, %swap3A_393] : memref<8x128xi32, #tpu.memory_space<vmem>>, vector<8x128xi32>
    tpu.vector_store %arg4[%swap3A_392, %swap3A_393], %convert_element_type3A_391 {strides = array<i32>} : memref<8x128xi32, #tpu.memory_space<vmem>>, vector<8x128xi32>,
    return
  }
}

module attributes {stable_mosaic.version = 14 : i64} {
  func.func @_p5_body(%arg0: memref<32x512x128xi32, #tpu.memory_space<vmem>>, %arg1: memref<32x128xf32, #tpu.memory_space<vmem>>, %arg2: memref<1x128xf32, #tpu.memory_space<vmem>>, %arg3: memref<1x128xf32, #tpu.memory_space<vmem>>) attributes {dimension_semantics = [], scalar_prefetch = 0 : i64, scratch_operands = 0 : i64, tpu.core_type = #tpu.core_type<tc>} {
    %get3A = arith.constant 0 : index
    %get3A_0 = arith.constant 0 : index
    %get3A_1 = vector.load %arg2[%get3A, %get3A_0] : memref<1x128xf32, #tpu.memory_space<vmem>>, vector<1x128xf32>
    %iota3A = tpu.iota {dimensions = array<i32: 1>} : vector<1x128xi32>
    %eq3A = arith.constant 0 : i32
    %eq3A_2 = vector.broadcast %eq3A : i32 to vector<1x128xi32>
    %eq3A_3 = arith.cmpi eq, %iota3A, %eq3A_2 : vector<1x128xi32>
    %jit3A = arith.constant 0.000000e+00 : f32
    %broadcast_in_dim3A = vector.broadcast %jit3A : f32 to vector<1x128xf32>
    %select_n3A = arith.select %eq3A_3, %get3A_1, %broadcast_in_dim3A : vector<1x128xi1>, vector<1x128xf32>
    %reduce_sum3A = vector.shape_cast %select_n3A : vector<1x128xf32> to vector<1x1x128xf32>
    %reduce_sum3A_4 = arith.constant dense<0.000000e+00> : vector<1xf32>
    %reduce_sum3A_5 = vector.multi_reduction <add>, %reduce_sum3A, %reduce_sum3A_4 [1, 2] : vector<1x1x128xf32> to vector<1xf32>
    %reduce_sum3A_6 = vector.shape_cast %reduce_sum3A_5 : vector<1xf32> to vector<1x1x1xf32>
    %reduce_sum3A_7 = vector.extract %reduce_sum3A_6[0, 0, 0] : f32 from vector<1x1x1xf32>
    %eq3A_8 = arith.constant 1 : i32
    %eq3A_9 = vector.broadcast %eq3A_8 : i32 to vector<1x128xi32>
    %eq3A_10 = arith.cmpi eq, %iota3A, %eq3A_9 : vector<1x128xi32>
    %jit3A_11 = arith.constant 0.000000e+00 : f32
    %broadcast_in_dim3A_12 = vector.broadcast %jit3A_11 : f32 to vector<1x128xf32>
    %select_n3A_13 = arith.select %eq3A_10, %get3A_1, %broadcast_in_dim3A_12 : vector<1x128xi1>, vector<1x128xf32>
    %reduce_sum3A_14 = vector.shape_cast %select_n3A_13 : vector<1x128xf32> to vector<1x1x128xf32>
    %reduce_sum3A_15 = arith.constant dense<0.000000e+00> : vector<1xf32>
    %reduce_sum3A_16 = vector.multi_reduction <add>, %reduce_sum3A_14, %reduce_sum3A_15 [1, 2] : vector<1x1x128xf32> to vector<1xf32>
    %reduce_sum3A_17 = vector.shape_cast %reduce_sum3A_16 : vector<1xf32> to vector<1x1x1xf32>
    %reduce_sum3A_18 = vector.extract %reduce_sum3A_17[0, 0, 0] : f32 from vector<1x1x1xf32>
    %eq3A_19 = arith.constant 2 : i32
    %eq3A_20 = vector.broadcast %eq3A_19 : i32 to vector<1x128xi32>
    %eq3A_21 = arith.cmpi eq, %iota3A, %eq3A_20 : vector<1x128xi32>
    %jit3A_22 = arith.constant 0.000000e+00 : f32
    %broadcast_in_dim3A_23 = vector.broadcast %jit3A_22 : f32 to vector<1x128xf32>
    %select_n3A_24 = arith.select %eq3A_21, %get3A_1, %broadcast_in_dim3A_23 : vector<1x128xi1>, vector<1x128xf32>
    %reduce_sum3A_25 = vector.shape_cast %select_n3A_24 : vector<1x128xf32> to vector<1x1x128xf32>
    %reduce_sum3A_26 = arith.constant dense<0.000000e+00> : vector<1xf32>
    %reduce_sum3A_27 = vector.multi_reduction <add>, %reduce_sum3A_25, %reduce_sum3A_26 [1, 2] : vector<1x1x128xf32> to vector<1xf32>
    %reduce_sum3A_28 = vector.shape_cast %reduce_sum3A_27 : vector<1xf32> to vector<1x1x1xf32>
    %reduce_sum3A_29 = vector.extract %reduce_sum3A_28[0, 0, 0] : f32 from vector<1x1x1xf32>
    %eq3A_30 = arith.constant 4 : i32
    %eq3A_31 = vector.broadcast %eq3A_30 : i32 to vector<1x128xi32>
    %eq3A_32 = arith.cmpi eq, %iota3A, %eq3A_31 : vector<1x128xi32>
    %jit3A_33 = arith.constant 0.000000e+00 : f32
    %broadcast_in_dim3A_34 = vector.broadcast %jit3A_33 : f32 to vector<1x128xf32>
    %select_n3A_35 = arith.select %eq3A_32, %get3A_1, %broadcast_in_dim3A_34 : vector<1x128xi1>, vector<1x128xf32>
    %reduce_sum3A_36 = vector.shape_cast %select_n3A_35 : vector<1x128xf32> to vector<1x1x128xf32>
    %reduce_sum3A_37 = arith.constant dense<0.000000e+00> : vector<1xf32>
    %reduce_sum3A_38 = vector.multi_reduction <add>, %reduce_sum3A_36, %reduce_sum3A_37 [1, 2] : vector<1x1x128xf32> to vector<1xf32>
    %reduce_sum3A_39 = vector.shape_cast %reduce_sum3A_38 : vector<1xf32> to vector<1x1x1xf32>
    %reduce_sum3A_40 = vector.extract %reduce_sum3A_39[0, 0, 0] : f32 from vector<1x1x1xf32>
    %eq3A_41 = arith.constant 5 : i32
    %eq3A_42 = vector.broadcast %eq3A_41 : i32 to vector<1x128xi32>
    %eq3A_43 = arith.cmpi eq, %iota3A, %eq3A_42 : vector<1x128xi32>
    %jit3A_44 = arith.constant 0.000000e+00 : f32
    %broadcast_in_dim3A_45 = vector.broadcast %jit3A_44 : f32 to vector<1x128xf32>
    %select_n3A_46 = arith.select %eq3A_43, %get3A_1, %broadcast_in_dim3A_45 : vector<1x128xi1>, vector<1x128xf32>
    %reduce_sum3A_47 = vector.shape_cast %select_n3A_46 : vector<1x128xf32> to vector<1x1x128xf32>
    %reduce_sum3A_48 = arith.constant dense<0.000000e+00> : vector<1xf32>
    %reduce_sum3A_49 = vector.multi_reduction <add>, %reduce_sum3A_47, %reduce_sum3A_48 [1, 2] : vector<1x1x128xf32> to vector<1xf32>
    %reduce_sum3A_50 = vector.shape_cast %reduce_sum3A_49 : vector<1xf32> to vector<1x1x1xf32>
    %reduce_sum3A_51 = vector.extract %reduce_sum3A_50[0, 0, 0] : f32 from vector<1x1x1xf32>
    %get3A_52 = arith.constant 0 : index
    %get3A_53 = arith.constant 0 : index
    %get3A_54 = vector.load %arg1[%get3A_52, %get3A_53] : memref<32x128xf32, #tpu.memory_space<vmem>>, vector<32x128xf32>
    %reduce_sum3A_55 = vector.shape_cast %get3A_54 : vector<32x128xf32> to vector<1x32x128xf32>
    %reduce_sum3A_56 = arith.constant dense<0.000000e+00> : vector<1xf32>
    %reduce_sum3A_57 = vector.multi_reduction <add>, %reduce_sum3A_55, %reduce_sum3A_56 [1, 2] : vector<1x32x128xf32> to vector<1xf32>
    %reduce_sum3A_58 = vector.shape_cast %reduce_sum3A_57 : vector<1xf32> to vector<1x1x1xf32>
    %reduce_sum3A_59 = vector.extract %reduce_sum3A_58[0, 0, 0] : f32 from vector<1x1x1xf32>
    %get3A_60 = arith.constant 0 : index
    %get3A_61 = arith.constant 0 : index
    %get3A_62 = arith.constant 0 : index
    %get3A_63 = vector.load %arg0[%get3A_60, %get3A_61, %get3A_62] : memref<32x512x128xi32, #tpu.memory_space<vmem>>, vector<1x512x128xi32>
    %get3A_64 = vector.shape_cast %get3A_63 : vector<1x512x128xi32> to vector<512x128xi32>
    %convert_element_type3A = arith.sitofp %get3A_64 : vector<512x128xi32> to vector<512x128xf32>
    %get3A_65 = arith.constant 1 : index
    %get3A_66 = arith.constant 0 : index
    %get3A_67 = arith.constant 0 : index
    %get3A_68 = vector.load %arg0[%get3A_65, %get3A_66, %get3A_67] : memref<32x512x128xi32, #tpu.memory_space<vmem>>, vector<1x512x128xi32>
    %get3A_69 = vector.shape_cast %get3A_68 : vector<1x512x128xi32> to vector<512x128xi32>
    %convert_element_type3A_70 = arith.sitofp %get3A_69 : vector<512x128xi32> to vector<512x128xf32>
    %add3A = arith.addf %convert_element_type3A, %convert_element_type3A_70 : vector<512x128xf32>
    %get3A_71 = arith.constant 2 : index
    %get3A_72 = arith.constant 0 : index
    %get3A_73 = arith.constant 0 : index
    %get3A_74 = vector.load %arg0[%get3A_71, %get3A_72, %get3A_73] : memref<32x512x128xi32, #tpu.memory_space<vmem>>, vector<1x512x128xi32>
    %get3A_75 = vector.shape_cast %get3A_74 : vector<1x512x128xi32> to vector<512x128xi32>
    %convert_element_type3A_76 = arith.sitofp %get3A_75 : vector<512x128xi32> to vector<512x128xf32>
    %add3A_77 = arith.addf %add3A, %convert_element_type3A_76 : vector<512x128xf32>
    %get3A_78 = arith.constant 3 : index
    %get3A_79 = arith.constant 0 : index
    %get3A_80 = arith.constant 0 : index
    %get3A_81 = vector.load %arg0[%get3A_78, %get3A_79, %get3A_80] : memref<32x512x128xi32, #tpu.memory_space<vmem>>, vector<1x512x128xi32>
    %get3A_82 = vector.shape_cast %get3A_81 : vector<1x512x128xi32> to vector<512x128xi32>
    %convert_element_type3A_83 = arith.sitofp %get3A_82 : vector<512x128xi32> to vector<512x128xf32>
    %add3A_84 = arith.addf %add3A_77, %convert_element_type3A_83 : vector<512x128xf32>
    %get3A_85 = arith.constant 4 : index
    %get3A_86 = arith.constant 0 : index
    %get3A_87 = arith.constant 0 : index
    %get3A_88 = vector.load %arg0[%get3A_85, %get3A_86, %get3A_87] : memref<32x512x128xi32, #tpu.memory_space<vmem>>, vector<1x512x128xi32>
    %get3A_89 = vector.shape_cast %get3A_88 : vector<1x512x128xi32> to vector<512x128xi32>
    %convert_element_type3A_90 = arith.sitofp %get3A_89 : vector<512x128xi32> to vector<512x128xf32>
    %add3A_91 = arith.addf %add3A_84, %convert_element_type3A_90 : vector<512x128xf32>
    %get3A_92 = arith.constant 5 : index
    %get3A_93 = arith.constant 0 : index
    %get3A_94 = arith.constant 0 : index
    %get3A_95 = vector.load %arg0[%get3A_92, %get3A_93, %get3A_94] : memref<32x512x128xi32, #tpu.memory_space<vmem>>, vector<1x512x128xi32>
    %get3A_96 = vector.shape_cast %get3A_95 : vector<1x512x128xi32> to vector<512x128xi32>
    %convert_element_type3A_97 = arith.sitofp %get3A_96 : vector<512x128xi32> to vector<512x128xf32>
    %add3A_98 = arith.addf %add3A_91, %convert_element_type3A_97 : vector<512x128xf32>
    %get3A_99 = arith.constant 6 : index
    %get3A_100 = arith.constant 0 : index
    %get3A_101 = arith.constant 0 : index
    %get3A_102 = vector.load %arg0[%get3A_99, %get3A_100, %get3A_101] : memref<32x512x128xi32, #tpu.memory_space<vmem>>, vector<1x512x128xi32>
    %get3A_103 = vector.shape_cast %get3A_102 : vector<1x512x128xi32> to vector<512x128xi32>
    %convert_element_type3A_104 = arith.sitofp %get3A_103 : vector<512x128xi32> to vector<512x128xf32>
    %add3A_105 = arith.addf %add3A_98, %convert_element_type3A_104 : vector<512x128xf32>
    %get3A_106 = arith.constant 7 : index
    %get3A_107 = arith.constant 0 : index
    %get3A_108 = arith.constant 0 : index
    %get3A_109 = vector.load %arg0[%get3A_106, %get3A_107, %get3A_108] : memref<32x512x128xi32, #tpu.memory_space<vmem>>, vector<1x512x128xi32>
    %get3A_110 = vector.shape_cast %get3A_109 : vector<1x512x128xi32> to vector<512x128xi32>
    %convert_element_type3A_111 = arith.sitofp %get3A_110 : vector<512x128xi32> to vector<512x128xf32>
    %add3A_112 = arith.addf %add3A_105, %convert_element_type3A_111 : vector<512x128xf32>
    %get3A_113 = arith.constant 8 : index
    %get3A_114 = arith.constant 0 : index
    %get3A_115 = arith.constant 0 : index
    %get3A_116 = vector.load %arg0[%get3A_113, %get3A_114, %get3A_115] : memref<32x512x128xi32, #tpu.memory_space<vmem>>, vector<1x512x128xi32>
    %get3A_117 = vector.shape_cast %get3A_116 : vector<1x512x128xi32> to vector<512x128xi32>
    %convert_element_type3A_118 = arith.sitofp %get3A_117 : vector<512x128xi32> to vector<512x128xf32>
    %add3A_119 = arith.addf %add3A_112, %convert_element_type3A_118 : vector<512x128xf32>
    %get3A_120 = arith.constant 9 : index
    %get3A_121 = arith.constant 0 : index
    %get3A_122 = arith.constant 0 : index
    %get3A_123 = vector.load %arg0[%get3A_120, %get3A_121, %get3A_122] : memref<32x512x128xi32, #tpu.memory_space<vmem>>, vector<1x512x128xi32>
    %get3A_124 = vector.shape_cast %get3A_123 : vector<1x512x128xi32> to vector<512x128xi32>
    %convert_element_type3A_125 = arith.sitofp %get3A_124 : vector<512x128xi32> to vector<512x128xf32>
    %add3A_126 = arith.addf %add3A_119, %convert_element_type3A_125 : vector<512x128xf32>
    %get3A_127 = arith.constant 10 : index
    %get3A_128 = arith.constant 0 : index
    %get3A_129 = arith.constant 0 : index
    %get3A_130 = vector.load %arg0[%get3A_127, %get3A_128, %get3A_129] : memref<32x512x128xi32, #tpu.memory_space<vmem>>, vector<1x512x128xi32>
    %get3A_131 = vector.shape_cast %get3A_130 : vector<1x512x128xi32> to vector<512x128xi32>
    %convert_element_type3A_132 = arith.sitofp %get3A_131 : vector<512x128xi32> to vector<512x128xf32>
    %add3A_133 = arith.addf %add3A_126, %convert_element_type3A_132 : vector<512x128xf32>
    %get3A_134 = arith.constant 11 : index
    %get3A_135 = arith.constant 0 : index
    %get3A_136 = arith.constant 0 : index
    %get3A_137 = vector.load %arg0[%get3A_134, %get3A_135, %get3A_136] : memref<32x512x128xi32, #tpu.memory_space<vmem>>, vector<1x512x128xi32>
    %get3A_138 = vector.shape_cast %get3A_137 : vector<1x512x128xi32> to vector<512x128xi32>
    %convert_element_type3A_139 = arith.sitofp %get3A_138 : vector<512x128xi32> to vector<512x128xf32>
    %add3A_140 = arith.addf %add3A_133, %convert_element_type3A_139 : vector<512x128xf32>
    %get3A_141 = arith.constant 12 : index
    %get3A_142 = arith.constant 0 : index
    %get3A_143 = arith.constant 0 : index
    %get3A_144 = vector.load %arg0[%get3A_141, %get3A_142, %get3A_143] : memref<32x512x128xi32, #tpu.memory_space<vmem>>, vector<1x512x128xi32>
    %get3A_145 = vector.shape_cast %get3A_144 : vector<1x512x128xi32> to vector<512x128xi32>
    %convert_element_type3A_146 = arith.sitofp %get3A_145 : vector<512x128xi32> to vector<512x128xf32>
    %add3A_147 = arith.addf %add3A_140, %convert_element_type3A_146 : vector<512x128xf32>
    %get3A_148 = arith.constant 13 : index
    %get3A_149 = arith.constant 0 : index
    %get3A_150 = arith.constant 0 : index
    %get3A_151 = vector.load %arg0[%get3A_148, %get3A_149, %get3A_150] : memref<32x512x128xi32, #tpu.memory_space<vmem>>, vector<1x512x128xi32>
    %get3A_152 = vector.shape_cast %get3A_151 : vector<1x512x128xi32> to vector<512x128xi32>
    %convert_element_type3A_153 = arith.sitofp %get3A_152 : vector<512x128xi32> to vector<512x128xf32>
    %add3A_154 = arith.addf %add3A_147, %convert_element_type3A_153 : vector<512x128xf32>
    %get3A_155 = arith.constant 14 : index
    %get3A_156 = arith.constant 0 : index
    %get3A_157 = arith.constant 0 : index
    %get3A_158 = vector.load %arg0[%get3A_155, %get3A_156, %get3A_157] : memref<32x512x128xi32, #tpu.memory_space<vmem>>, vector<1x512x128xi32>
    %get3A_159 = vector.shape_cast %get3A_158 : vector<1x512x128xi32> to vector<512x128xi32>
    %convert_element_type3A_160 = arith.sitofp %get3A_159 : vector<512x128xi32> to vector<512x128xf32>
    %add3A_161 = arith.addf %add3A_154, %convert_element_type3A_160 : vector<512x128xf32>
    %get3A_162 = arith.constant 15 : index
    %get3A_163 = arith.constant 0 : index
    %get3A_164 = arith.constant 0 : index
    %get3A_165 = vector.load %arg0[%get3A_162, %get3A_163, %get3A_164] : memref<32x512x128xi32, #tpu.memory_space<vmem>>, vector<1x512x128xi32>
    %get3A_166 = vector.shape_cast %get3A_165 : vector<1x512x128xi32> to vector<512x128xi32>
    %convert_element_type3A_167 = arith.sitofp %get3A_166 : vector<512x128xi32> to vector<512x128xf32>
    %add3A_168 = arith.addf %add3A_161, %convert_element_type3A_167 : vector<512x128xf32>
    %get3A_169 = arith.constant 16 : index
    %get3A_170 = arith.constant 0 : index
    %get3A_171 = arith.constant 0 : index
    %get3A_172 = vector.load %arg0[%get3A_169, %get3A_170, %get3A_171] : memref<32x512x128xi32, #tpu.memory_space<vmem>>, vector<1x512x128xi32>
    %get3A_173 = vector.shape_cast %get3A_172 : vector<1x512x128xi32> to vector<512x128xi32>
    %convert_element_type3A_174 = arith.sitofp %get3A_173 : vector<512x128xi32> to vector<512x128xf32>
    %add3A_175 = arith.addf %add3A_168, %convert_element_type3A_174 : vector<512x128xf32>
    %get3A_176 = arith.constant 17 : index
    %get3A_177 = arith.constant 0 : index
    %get3A_178 = arith.constant 0 : index
    %get3A_179 = vector.load %arg0[%get3A_176, %get3A_177, %get3A_178] : memref<32x512x128xi32, #tpu.memory_space<vmem>>, vector<1x512x128xi32>
    %get3A_180 = vector.shape_cast %get3A_179 : vector<1x512x128xi32> to vector<512x128xi32>
    %convert_element_type3A_181 = arith.sitofp %get3A_180 : vector<512x128xi32> to vector<512x128xf32>
    %add3A_182 = arith.addf %add3A_175, %convert_element_type3A_181 : vector<512x128xf32>
    %get3A_183 = arith.constant 18 : index
    %get3A_184 = arith.constant 0 : index
    %get3A_185 = arith.constant 0 : index
    %get3A_186 = vector.load %arg0[%get3A_183, %get3A_184, %get3A_185] : memref<32x512x128xi32, #tpu.memory_space<vmem>>, vector<1x512x128xi32>
    %get3A_187 = vector.shape_cast %get3A_186 : vector<1x512x128xi32> to vector<512x128xi32>
    %convert_element_type3A_188 = arith.sitofp %get3A_187 : vector<512x128xi32> to vector<512x128xf32>
    %add3A_189 = arith.addf %add3A_182, %convert_element_type3A_188 : vector<512x128xf32>
    %get3A_190 = arith.constant 19 : index
    %get3A_191 = arith.constant 0 : index
    %get3A_192 = arith.constant 0 : index
    %get3A_193 = vector.load %arg0[%get3A_190, %get3A_191, %get3A_192] : memref<32x512x128xi32, #tpu.memory_space<vmem>>, vector<1x512x128xi32>
    %get3A_194 = vector.shape_cast %get3A_193 : vector<1x512x128xi32> to vector<512x128xi32>
    %convert_element_type3A_195 = arith.sitofp %get3A_194 : vector<512x128xi32> to vector<512x128xf32>
    %add3A_196 = arith.addf %add3A_189, %convert_element_type3A_195 : vector<512x128xf32>
    %get3A_197 = arith.constant 20 : index
    %get3A_198 = arith.constant 0 : index
    %get3A_199 = arith.constant 0 : index
    %get3A_200 = vector.load %arg0[%get3A_197, %get3A_198, %get3A_199] : memref<32x512x128xi32, #tpu.memory_space<vmem>>, vector<1x512x128xi32>
    %get3A_201 = vector.shape_cast %get3A_200 : vector<1x512x128xi32> to vector<512x128xi32>
    %convert_element_type3A_202 = arith.sitofp %get3A_201 : vector<512x128xi32> to vector<512x128xf32>
    %add3A_203 = arith.addf %add3A_196, %convert_element_type3A_202 : vector<512x128xf32>
    %get3A_204 = arith.constant 21 : index
    %get3A_205 = arith.constant 0 : index
    %get3A_206 = arith.constant 0 : index
    %get3A_207 = vector.load %arg0[%get3A_204, %get3A_205, %get3A_206] : memref<32x512x128xi32, #tpu.memory_space<vmem>>, vector<1x512x128xi32>
    %get3A_208 = vector.shape_cast %get3A_207 : vector<1x512x128xi32> to vector<512x128xi32>
    %convert_element_type3A_209 = arith.sitofp %get3A_208 : vector<512x128xi32> to vector<512x128xf32>
    %add3A_210 = arith.addf %add3A_203, %convert_element_type3A_209 : vector<512x128xf32>
    %get3A_211 = arith.constant 22 : index
    %get3A_212 = arith.constant 0 : index
    %get3A_213 = arith.constant 0 : index
    %get3A_214 = vector.load %arg0[%get3A_211, %get3A_212, %get3A_213] : memref<32x512x128xi32, #tpu.memory_space<vmem>>, vector<1x512x128xi32>
    %get3A_215 = vector.shape_cast %get3A_214 : vector<1x512x128xi32> to vector<512x128xi32>
    %convert_element_type3A_216 = arith.sitofp %get3A_215 : vector<512x128xi32> to vector<512x128xf32>
    %add3A_217 = arith.addf %add3A_210, %convert_element_type3A_216 : vector<512x128xf32>
    %get3A_218 = arith.constant 23 : index
    %get3A_219 = arith.constant 0 : index
    %get3A_220 = arith.constant 0 : index
    %get3A_221 = vector.load %arg0[%get3A_218, %get3A_219, %get3A_220] : memref<32x512x128xi32, #tpu.memory_space<vmem>>, vector<1x512x128xi32>
    %get3A_222 = vector.shape_cast %get3A_221 : vector<1x512x128xi32> to vector<512x128xi32>
    %convert_element_type3A_223 = arith.sitofp %get3A_222 : vector<512x128xi32> to vector<512x128xf32>
    %add3A_224 = arith.addf %add3A_217, %convert_element_type3A_223 : vector<512x128xf32>
    %get3A_225 = arith.constant 24 : index
    %get3A_226 = arith.constant 0 : index
    %get3A_227 = arith.constant 0 : index
    %get3A_228 = vector.load %arg0[%get3A_225, %get3A_226, %get3A_227] : memref<32x512x128xi32, #tpu.memory_space<vmem>>, vector<1x512x128xi32>
    %get3A_229 = vector.shape_cast %get3A_228 : vector<1x512x128xi32> to vector<512x128xi32>
    %convert_element_type3A_230 = arith.sitofp %get3A_229 : vector<512x128xi32> to vector<512x128xf32>
    %add3A_231 = arith.addf %add3A_224, %convert_element_type3A_230 : vector<512x128xf32>
    %get3A_232 = arith.constant 25 : index
    %get3A_233 = arith.constant 0 : index
    %get3A_234 = arith.constant 0 : index
    %get3A_235 = vector.load %arg0[%get3A_232, %get3A_233, %get3A_234] : memref<32x512x128xi32, #tpu.memory_space<vmem>>, vector<1x512x128xi32>
    %get3A_236 = vector.shape_cast %get3A_235 : vector<1x512x128xi32> to vector<512x128xi32>
    %convert_element_type3A_237 = arith.sitofp %get3A_236 : vector<512x128xi32> to vector<512x128xf32>
    %add3A_238 = arith.addf %add3A_231, %convert_element_type3A_237 : vector<512x128xf32>
    %get3A_239 = arith.constant 26 : index
    %get3A_240 = arith.constant 0 : index
    %get3A_241 = arith.constant 0 : index
    %get3A_242 = vector.load %arg0[%get3A_239, %get3A_240, %get3A_241] : memref<32x512x128xi32, #tpu.memory_space<vmem>>, vector<1x512x128xi32>
    %get3A_243 = vector.shape_cast %get3A_242 : vector<1x512x128xi32> to vector<512x128xi32>
    %convert_element_type3A_244 = arith.sitofp %get3A_243 : vector<512x128xi32> to vector<512x128xf32>
    %add3A_245 = arith.addf %add3A_238, %convert_element_type3A_244 : vector<512x128xf32>
    %get3A_246 = arith.constant 27 : index
    %get3A_247 = arith.constant 0 : index
    %get3A_248 = arith.constant 0 : index
    %get3A_249 = vector.load %arg0[%get3A_246, %get3A_247, %get3A_248] : memref<32x512x128xi32, #tpu.memory_space<vmem>>, vector<1x512x128xi32>
    %get3A_250 = vector.shape_cast %get3A_249 : vector<1x512x128xi32> to vector<512x128xi32>
    %convert_element_type3A_251 = arith.sitofp %get3A_250 : vector<512x128xi32> to vector<512x128xf32>
    %add3A_252 = arith.addf %add3A_245, %convert_element_type3A_251 : vector<512x128xf32>
    %get3A_253 = arith.constant 28 : index
    %get3A_254 = arith.constant 0 : index
    %get3A_255 = arith.constant 0 : index
    %get3A_256 = vector.load %arg0[%get3A_253, %get3A_254, %get3A_255] : memref<32x512x128xi32, #tpu.memory_space<vmem>>, vector<1x512x128xi32>
    %get3A_257 = vector.shape_cast %get3A_256 : vector<1x512x128xi32> to vector<512x128xi32>
    %convert_element_type3A_258 = arith.sitofp %get3A_257 : vector<512x128xi32> to vector<512x128xf32>
    %add3A_259 = arith.addf %add3A_252, %convert_element_type3A_258 : vector<512x128xf32>
    %get3A_260 = arith.constant 29 : index
    %get3A_261 = arith.constant 0 : index
    %get3A_262 = arith.constant 0 : index
    %get3A_263 = vector.load %arg0[%get3A_260, %get3A_261, %get3A_262] : memref<32x512x128xi32, #tpu.memory_space<vmem>>, vector<1x512x128xi32>
    %get3A_264 = vector.shape_cast %get3A_263 : vector<1x512x128xi32> to vector<512x128xi32>
    %convert_element_type3A_265 = arith.sitofp %get3A_264 : vector<512x128xi32> to vector<512x128xf32>
    %add3A_266 = arith.addf %add3A_259, %convert_element_type3A_265 : vector<512x128xf32>
    %get3A_267 = arith.constant 30 : index
    %get3A_268 = arith.constant 0 : index
    %get3A_269 = arith.constant 0 : index
    %get3A_270 = vector.load %arg0[%get3A_267, %get3A_268, %get3A_269] : memref<32x512x128xi32, #tpu.memory_space<vmem>>, vector<1x512x128xi32>
    %get3A_271 = vector.shape_cast %get3A_270 : vector<1x512x128xi32> to vector<512x128xi32>
    %convert_element_type3A_272 = arith.sitofp %get3A_271 : vector<512x128xi32> to vector<512x128xf32>
    %add3A_273 = arith.addf %add3A_266, %convert_element_type3A_272 : vector<512x128xf32>
    %get3A_274 = arith.constant 31 : index
    %get3A_275 = arith.constant 0 : index
    %get3A_276 = arith.constant 0 : index
    %get3A_277 = vector.load %arg0[%get3A_274, %get3A_275, %get3A_276] : memref<32x512x128xi32, #tpu.memory_space<vmem>>, vector<1x512x128xi32>
    %get3A_278 = vector.shape_cast %get3A_277 : vector<1x512x128xi32> to vector<512x128xi32>
    %convert_element_type3A_279 = arith.sitofp %get3A_278 : vector<512x128xi32> to vector<512x128xf32>
    %add3A_280 = arith.addf %add3A_273, %convert_element_type3A_279 : vector<512x128xf32>
    %slice3A = vector.extract_strided_slice %add3A_280 {offsets = [0, 1], sizes = [512, 127], strides = [1, 1]} : vector<512x128xf32> to vector<512x127xf32>
    %broadcast_in_dim3A_281 = arith.constant 0.000000e+00 : f32
    %broadcast_in_dim3A_282 = vector.broadcast %broadcast_in_dim3A_281 : f32 to vector<512x1xf32>
    %concatenate3A = tpu.concatenate %slice3A, %broadcast_in_dim3A_282 in 1 : vector<512x127xf32>, vector<512x1xf32> -> vector<512x128xf32>
    %add3A_283 = arith.addf %add3A_280, %concatenate3A : vector<512x128xf32>
    %slice3A_284 = vector.extract_strided_slice %add3A_283 {offsets = [0, 2], sizes = [512, 126], strides = [1, 1]} : vector<512x128xf32> to vector<512x126xf32>
    %broadcast_in_dim3A_285 = arith.constant 0.000000e+00 : f32
    %broadcast_in_dim3A_286 = vector.broadcast %broadcast_in_dim3A_285 : f32 to vector<512x2xf32>
    %concatenate3A_287 = tpu.concatenate %slice3A_284, %broadcast_in_dim3A_286 in 1 : vector<512x126xf32>, vector<512x2xf32> -> vector<512x128xf32>
    %add3A_288 = arith.addf %add3A_283, %concatenate3A_287 : vector<512x128xf32>
    %slice3A_289 = vector.extract_strided_slice %add3A_288 {offsets = [0, 4], sizes = [512, 124], strides = [1, 1]} : vector<512x128xf32> to vector<512x124xf32>
    %broadcast_in_dim3A_290 = arith.constant 0.000000e+00 : f32
    %broadcast_in_dim3A_291 = vector.broadcast %broadcast_in_dim3A_290 : f32 to vector<512x4xf32>
    %concatenate3A_292 = tpu.concatenate %slice3A_289, %broadcast_in_dim3A_291 in 1 : vector<512x124xf32>, vector<512x4xf32> -> vector<512x128xf32>
    %add3A_293 = arith.addf %add3A_288, %concatenate3A_292 : vector<512x128xf32>
    %slice3A_294 = vector.extract_strided_slice %add3A_293 {offsets = [0, 8], sizes = [512, 120], strides = [1, 1]} : vector<512x128xf32> to vector<512x120xf32>
    %broadcast_in_dim3A_295 = arith.constant 0.000000e+00 : f32
    %broadcast_in_dim3A_296 = vector.broadcast %broadcast_in_dim3A_295 : f32 to vector<512x8xf32>
    %concatenate3A_297 = tpu.concatenate %slice3A_294, %broadcast_in_dim3A_296 in 1 : vector<512x120xf32>, vector<512x8xf32> -> vector<512x128xf32>
    %add3A_298 = arith.addf %add3A_293, %concatenate3A_297 : vector<512x128xf32>
    %slice3A_299 = vector.extract_strided_slice %add3A_298 {offsets = [0, 16], sizes = [512, 112], strides = [1, 1]} : vector<512x128xf32> to vector<512x112xf32>
    %broadcast_in_dim3A_300 = arith.constant 0.000000e+00 : f32
    %broadcast_in_dim3A_301 = vector.broadcast %broadcast_in_dim3A_300 : f32 to vector<512x16xf32>
    %concatenate3A_302 = tpu.concatenate %slice3A_299, %broadcast_in_dim3A_301 in 1 : vector<512x112xf32>, vector<512x16xf32> -> vector<512x128xf32>
    %add3A_303 = arith.addf %add3A_298, %concatenate3A_302 : vector<512x128xf32>
    %slice3A_304 = vector.extract_strided_slice %add3A_303 {offsets = [0, 32], sizes = [512, 96], strides = [1, 1]} : vector<512x128xf32> to vector<512x96xf32>
    %broadcast_in_dim3A_305 = arith.constant 0.000000e+00 : f32
    %broadcast_in_dim3A_306 = vector.broadcast %broadcast_in_dim3A_305 : f32 to vector<512x32xf32>
    %concatenate3A_307 = tpu.concatenate %slice3A_304, %broadcast_in_dim3A_306 in 1 : vector<512x96xf32>, vector<512x32xf32> -> vector<512x128xf32>
    %add3A_308 = arith.addf %add3A_303, %concatenate3A_307 : vector<512x128xf32>
    %slice3A_309 = vector.extract_strided_slice %add3A_308 {offsets = [0, 64], sizes = [512, 64], strides = [1, 1]} : vector<512x128xf32> to vector<512x64xf32>
    %broadcast_in_dim3A_310 = arith.constant 0.000000e+00 : f32
    %broadcast_in_dim3A_311 = vector.broadcast %broadcast_in_dim3A_310 : f32 to vector<512x64xf32>
    %concatenate3A_312 = tpu.concatenate %slice3A_309, %broadcast_in_dim3A_311 in 1 : vector<512x64xf32>, vector<512x64xf32> -> vector<512x128xf32>
    %add3A_313 = arith.addf %add3A_308, %concatenate3A_312 : vector<512x128xf32>
    %slice3A_314 = vector.extract_strided_slice %add3A_313 {offsets = [0, 0], sizes = [512, 1], strides = [1, 1]} : vector<512x128xf32> to vector<512x1xf32>
    %slice3A_315 = vector.extract_strided_slice %slice3A_314 {offsets = [1, 0], sizes = [511, 1], strides = [1, 1]} : vector<512x1xf32> to vector<511x1xf32>
    %broadcast_in_dim3A_316 = arith.constant 0.000000e+00 : f32
    %broadcast_in_dim3A_317 = vector.broadcast %broadcast_in_dim3A_316 : f32 to vector<1x1xf32>
    %concatenate3A_318 = tpu.concatenate %slice3A_315, %broadcast_in_dim3A_317 in 0 : vector<511x1xf32>, vector<1x1xf32> -> vector<512x1xf32>
    %add3A_319 = arith.addf %slice3A_314, %concatenate3A_318 : vector<512x1xf32>
    %slice3A_320 = vector.extract_strided_slice %add3A_319 {offsets = [2, 0], sizes = [510, 1], strides = [1, 1]} : vector<512x1xf32> to vector<510x1xf32>
    %broadcast_in_dim3A_321 = arith.constant 0.000000e+00 : f32
    %broadcast_in_dim3A_322 = vector.broadcast %broadcast_in_dim3A_321 : f32 to vector<2x1xf32>
    %concatenate3A_323 = tpu.concatenate %slice3A_320, %broadcast_in_dim3A_322 in 0 : vector<510x1xf32>, vector<2x1xf32> -> vector<512x1xf32>
    %add3A_324 = arith.addf %add3A_319, %concatenate3A_323 : vector<512x1xf32>
    %slice3A_325 = vector.extract_strided_slice %add3A_324 {offsets = [4, 0], sizes = [508, 1], strides = [1, 1]} : vector<512x1xf32> to vector<508x1xf32>
    %broadcast_in_dim3A_326 = arith.constant 0.000000e+00 : f32
    %broadcast_in_dim3A_327 = vector.broadcast %broadcast_in_dim3A_326 : f32 to vector<4x1xf32>
    %concatenate3A_328 = tpu.concatenate %slice3A_325, %broadcast_in_dim3A_327 in 0 : vector<508x1xf32>, vector<4x1xf32> -> vector<512x1xf32>
    %add3A_329 = arith.addf %add3A_324, %concatenate3A_328 : vector<512x1xf32>
    %slice3A_330 = vector.extract_strided_slice %add3A_329 {offsets = [8, 0], sizes = [504, 1], strides = [1, 1]} : vector<512x1xf32> to vector<504x1xf32>
    %broadcast_in_dim3A_331 = arith.constant 0.000000e+00 : f32
    %broadcast_in_dim3A_332 = vector.broadcast %broadcast_in_dim3A_331 : f32 to vector<8x1xf32>
    %concatenate3A_333 = tpu.concatenate %slice3A_330, %broadcast_in_dim3A_332 in 0 : vector<504x1xf32>, vector<8x1xf32> -> vector<512x1xf32>
    %add3A_334 = arith.addf %add3A_329, %concatenate3A_333 : vector<512x1xf32>
    %slice3A_335 = vector.extract_strided_slice %add3A_334 {offsets = [16, 0], sizes = [496, 1], strides = [1, 1]} : vector<512x1xf32> to vector<496x1xf32>
    %broadcast_in_dim3A_336 = arith.constant 0.000000e+00 : f32
    %broadcast_in_dim3A_337 = vector.broadcast %broadcast_in_dim3A_336 : f32 to vector<16x1xf32>
    %concatenate3A_338 = tpu.concatenate %slice3A_335, %broadcast_in_dim3A_337 in 0 : vector<496x1xf32>, vector<16x1xf32> -> vector<512x1xf32>
    %add3A_339 = arith.addf %add3A_334, %concatenate3A_338 : vector<512x1xf32>
    %slice3A_340 = vector.extract_strided_slice %add3A_339 {offsets = [32, 0], sizes = [480, 1], strides = [1, 1]} : vector<512x1xf32> to vector<480x1xf32>
    %broadcast_in_dim3A_341 = arith.constant 0.000000e+00 : f32
    %broadcast_in_dim3A_342 = vector.broadcast %broadcast_in_dim3A_341 : f32 to vector<32x1xf32>
    %concatenate3A_343 = tpu.concatenate %slice3A_340, %broadcast_in_dim3A_342 in 0 : vector<480x1xf32>, vector<32x1xf32> -> vector<512x1xf32>
    %add3A_344 = arith.addf %add3A_339, %concatenate3A_343 : vector<512x1xf32>
    %slice3A_345 = vector.extract_strided_slice %add3A_344 {offsets = [64, 0], sizes = [448, 1], strides = [1, 1]} : vector<512x1xf32> to vector<448x1xf32>
    %broadcast_in_dim3A_346 = arith.constant 0.000000e+00 : f32
    %broadcast_in_dim3A_347 = vector.broadcast %broadcast_in_dim3A_346 : f32 to vector<64x1xf32>
    %concatenate3A_348 = tpu.concatenate %slice3A_345, %broadcast_in_dim3A_347 in 0 : vector<448x1xf32>, vector<64x1xf32> -> vector<512x1xf32>
    %add3A_349 = arith.addf %add3A_344, %concatenate3A_348 : vector<512x1xf32>
    %slice3A_350 = vector.extract_strided_slice %add3A_349 {offsets = [128, 0], sizes = [384, 1], strides = [1, 1]} : vector<512x1xf32> to vector<384x1xf32>
    %broadcast_in_dim3A_351 = arith.constant 0.000000e+00 : f32
    %broadcast_in_dim3A_352 = vector.broadcast %broadcast_in_dim3A_351 : f32 to vector<128x1xf32>
    %concatenate3A_353 = tpu.concatenate %slice3A_350, %broadcast_in_dim3A_352 in 0 : vector<384x1xf32>, vector<128x1xf32> -> vector<512x1xf32>
    %add3A_354 = arith.addf %add3A_349, %concatenate3A_353 : vector<512x1xf32>
    %slice3A_355 = vector.extract_strided_slice %add3A_354 {offsets = [256, 0], sizes = [256, 1], strides = [1, 1]} : vector<512x1xf32> to vector<256x1xf32>
    %broadcast_in_dim3A_356 = arith.constant 0.000000e+00 : f32
    %broadcast_in_dim3A_357 = vector.broadcast %broadcast_in_dim3A_356 : f32 to vector<256x1xf32>
    %concatenate3A_358 = tpu.concatenate %slice3A_355, %broadcast_in_dim3A_357 in 0 : vector<256x1xf32>, vector<256x1xf32> -> vector<512x1xf32>
    %add3A_359 = arith.addf %add3A_354, %concatenate3A_358 : vector<512x1xf32>
    %sub3A = arith.subf %add3A_359, %slice3A_314 : vector<512x1xf32>
    %add3A_360 = vector.broadcast %sub3A : vector<512x1xf32> to vector<512x128xf32>
    %add3A_361 = arith.addf %add3A_313, %add3A_360 : vector<512x128xf32>
    %iota3A_362 = tpu.iota {dimensions = array<i32: 0>} : vector<512x128xi32>
    %iota3A_363 = tpu.iota {dimensions = array<i32: 1>} : vector<512x128xi32>
    %mul3A = arith.constant 128 : i32
    %mul3A_364 = vector.broadcast %mul3A : i32 to vector<512x128xi32>
    %mul3A_365 = arith.muli %iota3A_362, %mul3A_364 : vector<512x128xi32>
    %add3A_366 = arith.addi %mul3A_365, %iota3A_363 : vector<512x128xi32>
    %convert_element_type3A_367 = arith.sitofp %add3A_366 : vector<512x128xi32> to vector<512x128xf32>
    %ge3A = vector.broadcast %reduce_sum3A_29 : f32 to vector<512x128xf32>
    %ge3A_368 = arith.cmpf oge, %add3A_361, %ge3A : vector<512x128xf32>
    %jit3A_369 = arith.constant -1.000000e+00 : f32
    %broadcast_in_dim3A_370 = vector.broadcast %jit3A_369 : f32 to vector<512x128xf32>
    %select_n3A_371 = arith.select %ge3A_368, %convert_element_type3A_367, %broadcast_in_dim3A_370 : vector<512x128xi1>, vector<512x128xf32>
    %reduce_max3A = vector.shape_cast %select_n3A_371 : vector<512x128xf32> to vector<1x512x128xf32>
    %reduce_max3A_372 = arith.constant dense<0xFF800000> : vector<1xf32>
    %reduce_max3A_373 = vector.multi_reduction <maximumf>, %reduce_max3A, %reduce_max3A_372 [1, 2] : vector<1x512x128xf32> to vector<1xf32>
    %reduce_max3A_374 = vector.shape_cast %reduce_max3A_373 : vector<1xf32> to vector<1x1x1xf32>
    %reduce_max3A_375 = vector.extract %reduce_max3A_374[0, 0, 0] : f32 from vector<1x1x1xf32>
    %eq3A_376 = vector.broadcast %reduce_max3A_375 : f32 to vector<512x128xf32>
    %eq3A_377 = arith.cmpf oeq, %convert_element_type3A_367, %eq3A_376 : vector<512x128xf32>
    %jit3A_378 = arith.constant 0.000000e+00 : f32
    %broadcast_in_dim3A_379 = vector.broadcast %jit3A_378 : f32 to vector<512x128xf32>
    %select_n3A_380 = arith.select %eq3A_377, %add3A_280, %broadcast_in_dim3A_379 : vector<512x128xi1>, vector<512x128xf32>
    %reduce_sum3A_381 = vector.shape_cast %select_n3A_380 : vector<512x128xf32> to vector<1x512x128xf32>
    %reduce_sum3A_382 = arith.constant dense<0.000000e+00> : vector<1xf32>
    %reduce_sum3A_383 = vector.multi_reduction <add>, %reduce_sum3A_381, %reduce_sum3A_382 [1, 2] : vector<1x512x128xf32> to vector<1xf32>
    %reduce_sum3A_384 = vector.shape_cast %reduce_sum3A_383 : vector<1xf32> to vector<1x1x1xf32>
    %reduce_sum3A_385 = vector.extract %reduce_sum3A_384[0, 0, 0] : f32 from vector<1x1x1xf32>
    %eq3A_386 = vector.broadcast %reduce_max3A_375 : f32 to vector<512x128xf32>
    %eq3A_387 = arith.cmpf oeq, %convert_element_type3A_367, %eq3A_386 : vector<512x128xf32>
    %jit3A_388 = arith.constant 0.000000e+00 : f32
    %broadcast_in_dim3A_389 = vector.broadcast %jit3A_388 : f32 to vector<512x128xf32>
    %select_n3A_390 = arith.select %eq3A_387, %add3A_361, %broadcast_in_dim3A_389 : vector<512x128xi1>, vector<512x128xf32>
    %reduce_sum3A_391 = vector.shape_cast %select_n3A_390 : vector<512x128xf32> to vector<1x512x128xf32>
    %reduce_sum3A_392 = arith.constant dense<0.000000e+00> : vector<1xf32>
    %reduce_sum3A_393 = vector.multi_reduction <add>, %reduce_sum3A_391, %reduce_sum3A_392 [1, 2] : vector<1x512x128xf32> to vector<1xf32>
    %reduce_sum3A_394 = vector.shape_cast %reduce_sum3A_393 : vector<1xf32> to vector<1x1x1xf32>
    %reduce_sum3A_395 = vector.extract %reduce_sum3A_394[0, 0, 0] : f32 from vector<1x1x1xf32>
    %sub3A_396 = arith.subf %reduce_sum3A_395, %reduce_sum3A_385 : f32
    %add3A_397 = arith.addf %reduce_sum3A_18, %sub3A_396 : f32
    %convert_element_type3A_398 = arith.fptosi %reduce_sum3A_7 : f32 to i32
    %shift_left3A = arith.constant 16 : i32
    %shift_left3A_399 = arith.shli %convert_element_type3A_398, %shift_left3A : i32
    %or3A = vector.broadcast %shift_left3A_399 : i32 to vector<512x128xi32>
    %or3A_400 = arith.ori %or3A, %add3A_366 : vector<512x128xi32>
    %bitcast_convert_type3A = tpu.bitcast %or3A_400 : vector<512x128xi32> -> vector<512x128xf32>
    %eq3A_401 = vector.broadcast %reduce_max3A_375 : f32 to vector<512x128xf32>
    %eq3A_402 = arith.cmpf oeq, %convert_element_type3A_367, %eq3A_401 : vector<512x128xf32>
    %jit3A_403 = arith.constant 0.000000e+00 : f32
    %broadcast_in_dim3A_404 = vector.broadcast %jit3A_403 : f32 to vector<512x128xf32>
    %select_n3A_405 = arith.select %eq3A_402, %bitcast_convert_type3A, %broadcast_in_dim3A_404 : vector<512x128xi1>, vector<512x128xf32>
    %reduce_sum3A_406 = vector.shape_cast %select_n3A_405 : vector<512x128xf32> to vector<1x512x128xf32>
    %reduce_sum3A_407 = arith.constant dense<0.000000e+00> : vector<1xf32>
    %reduce_sum3A_408 = vector.multi_reduction <add>, %reduce_sum3A_406, %reduce_sum3A_407 [1, 2] : vector<1x512x128xf32> to vector<1xf32>
    %reduce_sum3A_409 = vector.shape_cast %reduce_sum3A_408 : vector<1xf32> to vector<1x1x1xf32>
    %reduce_sum3A_410 = vector.extract %reduce_sum3A_409[0, 0, 0] : f32 from vector<1x1x1xf32>
    %gt3A = vector.broadcast %reduce_max3A_375 : f32 to vector<512x128xf32>
    %gt3A_411 = arith.cmpf ogt, %convert_element_type3A_367, %gt3A : vector<512x128xf32>
    %mul3A_412 = arith.mulf %add3A_280, %bitcast_convert_type3A : vector<512x128xf32>
    %jit3A_413 = arith.constant 0.000000e+00 : f32
    %broadcast_in_dim3A_414 = vector.broadcast %jit3A_413 : f32 to vector<512x128xf32>
    %select_n3A_415 = arith.select %gt3A_411, %mul3A_412, %broadcast_in_dim3A_414 : vector<512x128xi1>, vector<512x128xf32>
    %reduce_sum3A_416 = vector.shape_cast %select_n3A_415 : vector<512x128xf32> to vector<1x512x128xf32>
    %reduce_sum3A_417 = arith.constant dense<0.000000e+00> : vector<1xf32>
    %reduce_sum3A_418 = vector.multi_reduction <add>, %reduce_sum3A_416, %reduce_sum3A_417 [1, 2] : vector<1x512x128xf32> to vector<1xf32>
    %reduce_sum3A_419 = vector.shape_cast %reduce_sum3A_418 : vector<1xf32> to vector<1x1x1xf32>
    %reduce_sum3A_420 = vector.extract %reduce_sum3A_419[0, 0, 0] : f32 from vector<1x1x1xf32>
    %add3A_421 = arith.addf %reduce_sum3A_59, %reduce_sum3A_420 : f32
    %sub3A_422 = arith.constant 2.621440e+05 : f32
    %sub3A_423 = arith.subf %sub3A_422, %add3A_397 : f32
    %mul3A_424 = arith.mulf %sub3A_423, %reduce_sum3A_410 : f32
    %add3A_425 = arith.addf %add3A_421, %mul3A_424 : f32
    %div3A = arith.constant 2.621440e+05 : f32
    %div3A_426 = arith.divf %add3A_425, %div3A : f32
    %max3A = arith.constant 1.000000e+00 : f32
    %max3A_427 = arith.maximumf %reduce_sum3A_40, %max3A : f32
    %div3A_428 = arith.divf %reduce_sum3A_51, %max3A_427 : f32
    %gt3A_429 = arith.constant 2.621440e+05 : f32
    %gt3A_430 = arith.cmpf ogt, %reduce_sum3A_40, %gt3A_429 : f32
    %select_n3A_431 = arith.select %gt3A_430, %div3A_428, %div3A_426 : f32
    %broadcast_in_dim3A_432 = vector.broadcast %select_n3A_431 : f32 to vector<1x128xf32>
    %swap3A = arith.constant 0 : index
    %swap3A_433 = arith.constant 0 : index
    %swap3A_434 = vector.load %arg3[%swap3A, %swap3A_433] : memref<1x128xf32, #tpu.memory_space<vmem>>, vector<1x128xf32>
    tpu.vector_store %arg3[%swap3A, %swap3A_433], %broadcast_in_dim3A_432 {strides = array<i32>} : memref<1x128xf32, #tpu.memory_space<vmem>>, vector<1x128xf32>,
    return
  }
}

</mosaic_0001>

<sc_bundles>
// kernel: kernel.10.cloned.1.call-start
scs
__scs_entry_jumppad:
0x0: {  	(pc) =	sbr.rel $0x88, $3  }
0x1: {  	(tag) =	ssettag $0x0;
	lr =	simm.s32 $0x1  }
0x2: {  	[smem:$0x3F9F] =	sst lr;
	_ =	strace $0xD0000000  }
0x3: {  	_ = 	snop  }
0x4: {  	_ = 	snop  }
0x5: {  	_ = 	snop  }
0x6: {  	_ = 	snop  }
0x7: {  	_ = 	snop  }
__scs_overlays_trampoline_lowered:
0x8: {  	[smem:$0x3FAE] =	sst s0  }
0x9: {  	[smem:$0x3FAF] =	sst s1  }
0xa: {  	[smem:$0x3FB0] =	sst s2  }
0xb: {  	[smem:$0x3FB1] =	sst s3  }
0xc: {  	[smem:$0x3FB2] =	sst s4  }
0xd: {  	[smem:$0x3FB3] =	sst s5  }
0xe: {  	[smem:$0x3FB4] =	sst s6  }
0xf: {  	[smem:$0x3FB5] =	sst s7  }
0x10: {  	[smem:$0x3FB6] =	sst s8  }
0x11: {  	[smem:$0x3FB7] =	sst s9;
	s0 =	simm.s32 @!p0 $0x0  }
0x12: {  	s1 =	sld [smem:$0x3F9D];
	s0 =	simm.s32 @p0 $0x1  }
0x13: {  	[smem:$0x3FB8] =	sst s0;
	s0 =	simm.s32 @!p1 $0x0  }
0x14: {  	s2 =	sld [smem:$0x3F9C];
	s0 =	simm.s32 @p1 $0x1  }
0x15: {  	[smem:$0x3FB9] =	sst s0;
	s0 =	simm.s32 @!p2 $0x0  }
0x16: {  	s3 =	sld [smem:$0x3FDB];
	s0 =	simm.s32 @p2 $0x1  }
0x17: {  	s4 =	simm.s32 $0x1BF5;
	[smem:$0x3FBB] =	sst s0  }
0x18: {  	s0 =	sld [smem:$0x3F9E];
	_ =	swait.ge [sflag:s4], $0x0  }
0x19: {  	s7 =	sld [smem:$0x3F9F]  }
0x1a: {  	s8 =	sadd.s32 $0xFFFFE003, lr  }
0x1b: {  	s9 =	sadd.s32 $0xFFFFFEF7, lr;
	s5 =	simm.s32 $0xFFFFFFFF;
	p2 =	slt.u32 s8, $0xFFFFF086  }
0x1c: {  	p1 =	slt.u32 s9, $0xF7A;
	s5 =	simm.s32 @!p2 $0x0  }
0x1d: {  	s5 =	simm.s32 @p1 $0x1;
	p0 =	seq.s32 s7, s2  }
0x1e: {  	s7 =	smul.u32 @!p0 $0xF7A, s2;
	p2 =	seq.s32 @!p0 s5, $0x0  }
0x1f: {  	s9 =	smul.u32 $0xF7A, s1;
	s8 =	simm.s32 @!p0 $0x1BF5;
	p2 =	por !p2, p0  }
0x20: {  	[sflag:s8] =	ssyncset.s32 @!p0 $0xFFFFF086;
	s6 =	sadd.s32 @!p0 s3, s7;
	s7 =	simm.s32 @!p0 $0x108  }
0x21: {  	s3 =	sadd.s32 s3, s9;
	s6 =	sadd.s32 @!p0 $0x88, s6;
	s7 =	simm.s32 @p2 $0x1082  }
0x22: {  	[simem:s7], [sflag:s8] =	dma.local @!p0 [hbm:s6], $0xF7A  }
0x23: {  	s9 =	sor.u32 $0xD0000000, s2;
	s6 =	simm.s32 $0x108;
	_ =	swait.ge @!p0 [sflag:s8], $0x0  }
0x24: {  	s3 =	sadd.s32 $0x88, s3;
	s6 =	simm.s32 @!p1 $0x1082;
	[sflag:s4] =	ssyncset.s32 $0xFFFFF086  }
0x25: {  	[simem:s6], [sflag:s4] =	dma.local [hbm:s3], $0xF7A  }
0x26: {  	[smem:$0x3F9F] =	sst s1;
	(tag) =	ssettag s2;
	_ =	strace s9  }
0x27: {  	s1 =	sld [smem:$0x3FAF]  }
0x28: {  	s2 =	sld [smem:$0x3FB0]  }
0x29: {  	s4 =	sld [smem:$0x3FB2]  }
0x2a: {  	p0 =	seq.s32 s5, $0x0;
	s5 =	sld [smem:$0x3FB3]  }
0x2b: {  	s6 =	sld [smem:$0x3FB4]  }
0x2c: {  	s7 =	sld [smem:$0x3FB5]  }
0x2d: {  	s3 =	simm.s32 $0x108;
	s8 =	sld [smem:$0x3FB6]  }
0x2e: {  	s3 =	simm.s32 @!p0 $0x1082;
	s9 =	sld [smem:$0x3FB7]  }
0x2f: {  	lr =	sadd.s32 s0, s3;
	s0 =	sld [smem:$0x3FAE]  }
0x30: {  	s3 =	sld [smem:$0x3FB1]  }
0x31: {  	[smem:$0x3FBA] =	sst s10  }
0x32: {  	s10 =	sld [smem:$0x3FB8];
	_ =	sdelay $0x3  }
0x33: {  	p0 =	seq.s32 s10, $0x1;
	s10 =	sld [smem:$0x3FBA];
	_ =	sdelay $0x3  }
0x34: {  	[smem:$0x3FBA] =	sst s10  }
0x35: {  	s10 =	sld [smem:$0x3FB9];
	_ =	sdelay $0x3  }
0x36: {  	p1 =	seq.s32 s10, $0x1;
	s10 =	sld [smem:$0x3FBA];
	_ =	sdelay $0x3  }
0x37: {  	[smem:$0x3FBA] =	sst s10  }
0x38: {  	s10 =	sld [smem:$0x3FBB]  }
0x39: {  	_ = 	snop;
	(pc) =	sbr.ind lr, $3  }
0x3a: {  	_ = 	snop  }
0x3b: {  	_ = 	snop  }
0x3c: {  	p2 =	seq.s32 s10, $0x1;
	s10 =	sld [smem:$0x3FBA]  }
0x3d: {  	_ =	shalt  }
0x3e: {  	_ =	shalt  }
0x3f: {  	_ =	shalt  }
0x40: {  	_ =	shalt  }
0x41: {  	_ =	shalt  }
0x42: {  	_ =	shalt  }
0x43: {  	_ =	shalt  }
0x44: {  	_ =	shalt  }
0x45: {  	_ =	shalt  }
0x46: {  	_ =	shalt  }
0x47: {  	_ =	shalt  }
0x48: {  	_ =	shalt  }
0x49: {  	_ =	shalt  }
0x4a: {  	_ =	shalt  }
0x4b: {  	_ =	shalt  }
0x4c: {  	_ =	shalt  }
0x4d: {  	_ =	shalt  }
0x4e: {  	_ =	shalt  }
0x4f: {  	_ =	shalt  }
0x50: {  	_ =	shalt  }
0x51: {  	_ =	shalt  }
0x52: {  	_ =	shalt  }
0x53: {  	_ =	shalt  }
0x54: {  	_ =	shalt  }
0x55: {  	_ =	shalt  }
0x56: {  	_ =	shalt  }
0x57: {  	_ =	shalt  }
0x58: {  	_ =	shalt  }
0x59: {  	_ =	shalt  }
0x5a: {  	_ =	shalt  }
0x5b: {  	_ =	shalt  }
0x5c: {  	_ =	shalt  }
0x5d: {  	_ =	shalt  }
0x5e: {  	_ =	shalt  }
0x5f: {  	_ =	shalt  }
0x60: {  	_ =	shalt  }
0x61: {  	_ =	shalt  }
0x62: {  	_ =	shalt  }
0x63: {  	_ =	shalt  }
0x64: {  	_ =	shalt  }
0x65: {  	_ =	shalt  }
0x66: {  	_ =	shalt  }
0x67: {  	_ =	shalt  }
0x68: {  	_ =	shalt  }
0x69: {  	_ =	shalt  }
0x6a: {  	_ =	shalt  }
0x6b: {  	_ =	shalt  }
0x6c: {  	_ =	shalt  }
0x6d: {  	_ =	shalt  }
0x6e: {  	_ =	shalt  }
0x6f: {  	_ =	shalt  }
0x70: {  	_ =	shalt  }
0x71: {  	_ =	shalt  }
0x72: {  	_ =	shalt  }
0x73: {  	_ =	shalt  }
0x74: {  	_ =	shalt  }
0x75: {  	_ =	shalt  }
0x76: {  	_ =	shalt  }
0x77: {  	_ =	shalt  }
0x78: {  	_ =	shalt  }
0x79: {  	_ =	shalt  }
0x7a: {  	_ =	shalt  }
0x7b: {  	_ =	shalt  }
0x7c: {  	_ =	shalt  }
0x7d: {  	_ =	shalt  }
0x7e: {  	_ =	shalt  }
0x7f: {  	_ =	shalt  }
0x80: {  	_ =	shalt  }
0x81: {  	_ =	shalt  }
0x82: {  	_ =	shalt  }
0x83: {  	_ =	shalt  }
0x84: {  	_ =	shalt  }
0x85: {  	_ =	shalt  }
0x86: {  	_ =	shalt  }
0x87: {  	_ =	shalt  }
.Lfunc_end0:
.L_simem_size_0:
called_computation.1_lowered:
.L_overlay_start_0:
0x88: {  	s2 =	sld [smem:$0x3FD9]  }
0x89: {  	s3 =	sld [smem:$0x3FFE];
	_ =	sdelay $0x1  }
0x8a: {  	s1 =	srdreg.scid  }
0x8b: {  	s0 =	sand.u32 $0x1, s1  }
0x8c: {  	s16 =	sshll.u32 s0, $0xA;
	s2 =	sadd.s32 s3, s2  }
0x8d: {  	s2 =	sadd.s32 s2, s16  }
0x8e: {  	[smem:$0x3FC6] =	sst s2  }
0x8f: {  	_ = 	snop  }
0x90: {  	(tm) =	ssettm $0x1  }
0x91: {  	s17 =	sld [smem:$0x3FFB];
	_ =	sdelay $0x3  }
0x92: {  	_ =	strace s17  }
0x93: {  	s2 =	sld [smem:$0x3FFC];
	_ =	sdelay $0x3  }
0x94: {  	_ =	strace s2  }
0x95: {  	s2 =	sld [smem:$0x3FFD];
	_ =	sdelay $0x3  }
0x96: {  	_ =	strace s2  }
0x97: {  	_ =	strace $0x8FFFFFFF  }
0x98: {  	s18 =	sld [smem:$0x3FDB];
	_ =	sdelay $0x1  }
0x99: {  	s19 =	simm.s32 $_scs_section_size  }
0x9a: {  	s4 =	simm.s32 $_size__tile_overlayer_lowered;
	s5 =	simm.s32 $_tile_overlayer_lowered  }
0x9b: {  	s22 =	simm.s32 $0x1BFF;
	s21 =	sshll.u32 s5, $0x1;
	s2 =	sadd.s32 s19, s18  }
0x9c: {  	s6 =	simm.s32 $0x0;
	s20 =	sshll.u32 s4, $0x1;
	s4 =	sadd.s32 s21, s2  }
0x9d: {  	[timem:s6], [sflag:s22] =	dma.local [hbm:s4], s20  }
0x9e: {  	_ =	swait.ge [sflag:s22], s20  }
0x9f: {  	s3 =	ssub.s32 $0x0, s20;
	[sflag:s22] =	ssyncset.done $0x0  }
0xa0: {  	[sflag:s22] =	ssyncadd.s32 s3;
	_ =	sdelay $0x1  }
0xa1: {  	s23 =	simm.s32 $0x1B8B  }
0xa2: {  	_ =	swait.ge [sflag:s23], $0x1  }
0xa3: {  	[sflag:s23] =	ssyncset.done $0x0  }
0xa4: {  	s25 =	simm.s32 $0x1B8E;
	s24 =	sld [smem:$0x3FFE];
	[sflag:s23] =	ssyncadd.s32 $0xFFFFFFFF  }
0xa5: {  	s26 =	simm.s32 $execute0_lowered;
	[smem:$0x3FD2] =	sst s25  }
0xa6: {  	s4 =	sshll.u32 s26, $0x1;
	_ =	strace $0x80000049;
	[dreg:$0x1] =	wrdreg $0xFFFFFFFF  }
0xa7: {  	s28 =	simm.s32 $_size_execute0_lowered;
	s2 =	sadd.s32 s2, s4;
	[dreg:$0x0] =	wrdreg $0x0  }
0xa8: {  	s4 =	sshll.u32 s28, $0x1;
	[dreg:$0x2] =	wrdreg s2  }
0xa9: {  	[dreg:$0x3] =	wrdreg s4  }
0xaa: {  	[dreg:$0x4] =	wrdreg $0xC0  }
0xab: {  	_ =	task [dreg:s6], $0x5FFFF  }
0xac: {  	[dreg:$0x1] =	wrdreg $0xFFFFFFFF  }
0xad: {  	[dreg:$0x0] =	wrdreg $0x60  }
0xae: {  	[dreg:$0x2] =	wrdreg s24  }
0xaf: {  	[dreg:$0x3] =	wrdreg $0x9  }
0xb0: {  	_ =	task.clear_ibuf [dreg:s6], $0x4FFFF;
	_ =	strace $0x90000049  }
0xb1: {  	s29 =	simm.s32 $0x9;
	_ =	strace $0x8000004B  }
0xb2: {  	_ =	swait.ge [sflag:s29], $0x1  }
0xb3: {  	[sflag:s29] =	ssyncadd.s32 $0xFFFFFFFF  }
0xb4: {  	_ =	strace $0x9000004B  }
0xb5: {  	_ =	sfence  }
0xb6: {  	s30 =	sld [smem:$0x0];
	_ =	sdelay $0x2  }
0xb7: {  	s31 =	sshll.u32 s1, $0xD;
	s1 =	sshrl.u32 s1, $0x2  }
0xb8: {  	s3 =	sand.u32 $0x4000, s31;
	s1 =	sadd.s32 s1, s30  }
0xb9: {  	s0 =	sor.u32 s3, s0;
	s1 =	sshll.u32 s1, $0x11  }
0xba: {  	s0 =	sor.u32 s1, s0  }
0xbb: {  	s0 =	sadd.s32 $0x8F2B, s0  }
0xbc: {  	[sflag:s0] =	ssyncadd.remote.s32 $0x1  }
0xbd: {  	_ =	sfence.sel $0xFFFF  }
0xbe: {  	[dreg:$0x0] =	wrdreg $0xFFFFFFFF;
	(pc) =	sbr.abs _section_cstart, $3  }
0xbf: {  	[dreg:$0x1] =	wrdreg $0xFFFFFFFF  }
0xc0: {  	_ =	task.clear_ibuf [dreg:s6], $0x2FFFF;
	_ =	strace $0x9FFFFFFF  }
0xc1: {  	(tm) =	ssettm $0x7FFFFFFF  }
tec
execute0_lowered:
.L_overlay_start_1:
0x0: {  	(tag) =	ssettag $0x1  }
0x1: {  	s1 =	srdreg.scid  }
0x2: {  	s0 =	stileid.u32;
	s4 =	rddreg [dreg:$0x0]  }
0x3: {  	s2 =	simm.s32 $0x0;
	s15 =	simm.s32 $0x18000;
	s16 =	simm.s32 $0x3  }
0x4: {  	s17 =	simm.s32 $0x4000;
	s18 =	simm.s32 $0x1;
	s19 =	simm.s32 $0x8000  }
0x5: {  	s20 =	simm.s32 $0x2;
	s21 =	simm.s32 $0x18080;
	s22 =	simm.s32 $0x0  }
0x6: {  	s5 =	sand.u32 $0x1, s1;
	s3 =	sshll.u32 s0, $0x1;
	[smem:$0x7FF] =	sst s2  }
0x7: {  	s1 =	rddreg [dreg:$0x1];
	s6 =	sor.u32 s5, s3;
	_ =	strace $0x8000004A  }
0x8: {  	s5 =	ssub.s32 $0x2, s5;
	s3 =	sshll.u32 s6, $0xE;
	s7 =	sshll.u32 s6, $0xD  }
0x9: {  	s6 =	sshll.u32 s6, $0x4;
	s31 =	sshrl.u32 s5, $0x1;
	s11 =	sadd.s32 s3, s4  }
0xa: {  	s3 =	sadd.s32 $0x81A00, s4;
	s12 =	sadd.s32 s7, s4;
	s13 =	sadd.s32 s6, s4  }
0xb: {  	s14 =	ssub.s32 s5, s31;
	s4 =	sadd.s32 $0x1A00, s11;
	s5 =	sadd.s32 $0x2200, s11  }
0xc: {  	s6 =	sadd.s32 $0x2A00, s11;
	s7 =	sadd.s32 $0x3200, s11;
	s8 =	sadd.s32 $0x3A00, s11  }
0xd: {  	s9 =	sadd.s32 $0x4200, s11;
	s10 =	sadd.s32 $0x4A00, s11;
	s11 =	sadd.s32 $0x5200, s11  }
0xe: {  	v0 =	vimm.s32 $0x0;
	v1 =	vimm.s32 $0x1;
	v2 =	vimm.f32 $0.0e+00;
	s12 =	sadd.s32 $0x81C00, s12;
	s13 =	sadd.s32 $0xC1C00, s13;
	s14 =	smax.u32 s14, $0x1  }
.LBB2_1:
0xf: {  	[tilespmem:s15], [sflag:$0x3] =	stream.linear.gather [hbm4b:s3+s2], $0x80, $0x38;
	[tilespmem:$0x18100] =	vst v63  }
0x10: {  	_ =	swait.ge [sflag:s16], $0x80  }
0x11: {  	[sflag:s16] =	ssyncset.done $0x0  }
0x12: {  	[sflag:s16] =	ssyncadd.s32 $0xFFFFFF80  }
0x13: {  	s23 =	simm.s32 $0x0;
	s24 =	simm.s32 $0x200;
	v3 =	vld [tilespmem:$0x18000]  }
.LBB2_2:
0x14: {  	p0 =	sne.s32 s24, $0x3FE00;
	[tilespmem:s23+$0x8070] =	vst v0  }
0x15: {  	[tilespmem:s23+$0x8000] =	vst v0  }
0x16: {  	[tilespmem:s23+$0x8010] =	vst v0  }
.Ltmp0:
0x17: {  	[tilespmem:s23+$0x8020] =	vst v0;
	(pc) =	sbr.rel @p0 .LBB2_2-.Ltmp0, $4  }
0x18: {  	[tilespmem:s23+$0x8030] =	vst v0  }
0x19: {  	[tilespmem:s23+$0x8040] =	vst v0  }
0x1a: {  	[tilespmem:s23+$0x8050] =	vst v0  }
0x1b: {  	[tilespmem:s23+$0x8060] =	vst v0;
	s23 =	sshra.s32 s24, $0x2;
	s24 =	sadd.s32 $0x200, s24  }
0x1c: {  	[tilespmem:s23+$0x8070] =	vst v0  }
0x1d: {  	[tilespmem:s23+$0x8000] =	vst v0  }
0x1e: {  	[tilespmem:s23+$0x8010] =	vst v0  }
0x1f: {  	[tilespmem:s23+$0x8020] =	vst v0  }
0x20: {  	[tilespmem:s23+$0x8030] =	vst v0  }
0x21: {  	[tilespmem:s23+$0x8040] =	vst v0  }
0x22: {  	[tilespmem:s23+$0x8050] =	vst v0  }
0x23: {  	[tilespmem:s23+$0x8060] =	vst v0;
	s30 =	simm.s32 $0x0  }
0x24: {  	[tilespmem:s30], [sflag:$0x1] =	stream.linear.gather [hbm4b:s4+s30], $0x4000, $0x38;
	[tilespmem:$0x18100] =	vst v63  }
0x25: {  	_ = 	snop  }
0x26: {  	[tilespmem:s17], [sflag:$0x2] =	stream.linear.gather [hbm4b:s5+s30], $0x4000, $0x38;
	[tilespmem:$0x18100] =	vst v63  }
0x27: {  	_ =	swait.ge [sflag:s18], $0x4000  }
0x28: {  	[sflag:s18] =	ssyncset.done $0x0  }
0x29: {  	s31 =	simm.s32 $0x0;
	[sflag:s18] =	ssyncadd.s32 $0xFFFFC000  }
0x2a: {  	v4 =	vld [tilespmem:s31+$0x0]  }
0x2b: {  	v5 =	vld [tilespmem:s31+$0x10]  }
0x2c: {  	v6 =	vld [tilespmem:s31+$0x20]  }
0x2d: {  	v7 =	vld [tilespmem:s31+$0x30]  }
0x2e: {  	v8 =	vld [tilespmem:s31+$0x40];
	_ =	sdelay $0x1  }
0x2f: {  	v9 =	vimm.f32 $0.0e+00;
	v10 =	vld [tilespmem:s31+$0x50];
	v11 =	vshrl.u32 v4, $0x10  }
0x30: {  	v14 =	vld [tilespmem:s31+$0x60];
	v12 =	vshrl.u32 v5, $0x10;
	v13 =	vand.u32 $0xFFFF, v5;
	vm0 =	veq.s32 v11, v3  }
0x31: {  	v16 =	vld [tilespmem:s31+$0x70];
	v15 =	vand.u32 $0xFFFF, v4;
	v17 =	vshrl.u32 v6, $0x10;
	vm1 =	veq.s32 v12, v3  }
0x32: {  	v18 =	vshrl.u32 v7, $0x10;
	v19 =	vshrl.u32 v8, $0x10;
	vm3 =	veq.s32 v17, v3  }
0x33: {  	vm2 =	vgt.s32 v11, v3;
	vm4 =	veq.s32 v18, v3;
	v11 =	vand.u32 $0xFFFF, v6  }
0x34: {  	v20 =	vshrl.u32 v10, $0x10;
	v21 =	vand.u32 $0xFFFF, v7;
	vm5 =	veq.s32 v19, v3  }
0x35: {  	v22 =	vshrl.u32 v14, $0x10;
	v23 =	vand.u32 $0xFFFF, v8;
	vm6 =	veq.s32 v20, v3  }
0x36: {  	v24 =	vshrl.u32 v16, $0x10;
	v61 =	vand.u32 $0xFFFF, v10;
	vm7 =	veq.s32 v22, v3;
	[tilespmem:v15+s19+$0x0] =	vst.idx.add.s32.msk vm0, v1  }
0x37: {  	v62 =	vand.u32 $0xFFFF, v14;
	vm8 =	veq.s32 v24, v3;
	v4 =	vnsel vm2, $0x0, v4;
	[tilespmem:v13+s19+$0x0] =	vst.idx.add.s32.msk vm1, v1  }
0x38: {  	vm9 =	vgt.s32 v12, v3;
	v4 =	vadd.f32 v4, v9;
	[tilespmem:v11+s19+$0x0] =	vst.idx.add.s32.msk vm3, v1;
	v11 =	vand.u32 $0xFFFF, v16  }
0x39: {  	v5 =	vnsel vm9, $0x0, v5;
	[tilespmem:v21+s19+$0x0] =	vst.idx.add.s32.msk vm4, v1  }
0x3a: {  	vm10 =	vgt.s32 v17, v3;
	v4 =	vadd.f32 v5, v4;
	[tilespmem:v23+s19+$0x0] =	vst.idx.add.s32.msk vm5, v1  }
0x3b: {  	v5 =	vnsel vm10, $0x0, v6;
	[tilespmem:v61+s19+$0x0] =	vst.idx.add.s32.msk vm6, v1  }
0x3c: {  	vm11 =	vgt.s32 v18, v3;
	v5 =	vadd.f32 v5, v4;
	[tilespmem:v62+s19+$0x0] =	vst.idx.add.s32.msk vm7, v1  }
0x3d: {  	s25 =	simm.s32 $0x80;
	vm12 =	vgt.s32 v19, v3;
	v6 =	vnsel vm11, $0x0, v7;
	[tilespmem:v11+s19+$0x0] =	vst.idx.add.s32.msk vm8, v1  }
0x3e: {  	vm13 =	vgt.s32 v20, v3;
	vm14 =	vgt.s32 v22, v3;
	v63 =	vadd.f32 v6, v5;
	v4 =	vld [tilespmem:s25+$0x10]  }
0x3f: {  	vm15 =	vgt.s32 v24, v3;
	v9 =	vnsel vm13, $0x0, v10;
	v11 =	vnsel vm12, $0x0, v8;
	v6 =	vld [tilespmem:s25+$0x0]  }
0x40: {  	s24 =	simm.s32 $0x100;
	s26 =	simm.s32 $0x800;
	s23 =	simm.s32 $0x180;
	v7 =	vnsel vm15, $0x0, v16;
	v8 =	vnsel vm14, $0x0, v14;
	v5 =	vld [tilespmem:s25+$0x30];
	v10 =	vadd.f32 v11, v63  }
.LBB2_4:
0x41: {  	p0 =	sne.s32 s26, $0xFE00;
	v11 =	vld [tilespmem:s25+$0x20];
	s28 =	smov.u32 s26;
	s26 =	sadd.s32 $0x200, s26  }
0x42: {  	v12 =	vld [tilespmem:s25+$0x40];
	v9 =	vadd.f32 v9, v10  }
0x43: {  	v10 =	vld [tilespmem:s25+$0x50];
	v13 =	vshrl.u32 v4, $0x10;
	v14 =	vand.u32 $0xFFFF, v4  }
0x44: {  	v15 =	vld [tilespmem:s25+$0x60];
	v16 =	vshrl.u32 v6, $0x10;
	v17 =	vand.u32 $0xFFFF, v6;
	v8 =	vadd.f32 v8, v9  }
0x45: {  	v9 =	vshrl.u32 v5, $0x10;
	vm1 =	veq.s32 v16, v3;
	vm2 =	vgt.s32 v16, v3  }
0x46: {  	vm3 =	veq.s32 v13, v3;
	v16 =	vld [tilespmem:s25+$0x70];
	v18 =	vshrl.u32 v11, $0x10;
	vm0 =	veq.s32 v9, v3;
	s25 =	smov.u32 s24;
	s24 =	smov.u32 s23  }
0x47: {  	v19 =	vand.u32 $0xFFFF, v11;
	v7 =	vadd.f32 v7, v8;
	vm4 =	veq.s32 v18, v3  }
0x48: {  	vm5 =	vgt.s32 v13, v3;
	v8 =	vshrl.u32 v12, $0x10;
	v20 =	vshrl.u32 v10, $0x10  }
0x49: {  	v21 =	vand.u32 $0xFFFF, v5;
	vm6 =	veq.s32 v8, v3;
	v13 =	vshrl.u32 v15, $0x10  }
0x4a: {  	v6 =	vnsel vm2, $0x0, v6;
	v22 =	vand.u32 $0xFFFF, v12;
	vm7 =	veq.s32 v20, v3  }
0x4b: {  	vm2 =	veq.s32 v13, v3;
	v23 =	vshrl.u32 v16, $0x10;
	[tilespmem:v17+s19+$0x0] =	vst.idx.add.s32.msk vm1, v1;
	v17 =	vand.u32 $0xFFFF, v10  }
0x4c: {  	vm1 =	veq.s32 v23, v3;
	[tilespmem:v14+s19+$0x0] =	vst.idx.add.s32.msk vm3, v1;
	v14 =	vand.u32 $0xFFFF, v15;
	vm3 =	vgt.s32 v18, v3  }
0x4d: {  	v6 =	vadd.f32 v6, v7;
	v18 =	vand.u32 $0xFFFF, v16;
	[tilespmem:v19+s19+$0x0] =	vst.idx.add.s32.msk vm4, v1;
	v7 =	vnsel vm3, $0x0, v11  }
0x4e: {  	v4 =	vnsel vm5, $0x0, v4;
	vm3 =	vgt.s32 v8, v3;
	[tilespmem:v21+s19+$0x0] =	vst.idx.add.s32.msk vm0, v1;
	vm0 =	vgt.s32 v9, v3  }
0x4f: {  	v4 =	vadd.f32 v4, v6;
	v11 =	vnsel vm3, $0x0, v12;
	[tilespmem:v22+s19+$0x0] =	vst.idx.add.s32.msk vm6, v1;
	v5 =	vnsel vm0, $0x0, v5  }
0x50: {  	vm3 =	vgt.s32 v13, v3;
	vm0 =	vgt.s32 v20, v3;
	[tilespmem:v17+s19+$0x0] =	vst.idx.add.s32.msk vm7, v1  }
.Ltmp1:
0x51: {  	v6 =	vadd.f32 v7, v4;
	v8 =	vnsel vm3, $0x0, v15;
	v9 =	vnsel vm0, $0x0, v10;
	[tilespmem:v14+s19+$0x0] =	vst.idx.add.s32.msk vm2, v1;
	(pc) =	sbr.rel @p0 .LBB2_4-.Ltmp1, $4  }
0x52: {  	vm0 =	vgt.s32 v23, v3;
	[tilespmem:v18+s19+$0x0] =	vst.idx.add.s32.msk vm1, v1  }
0x53: {  	v10 =	vadd.f32 v5, v6;
	v7 =	vnsel vm0, $0x0, v16;
	v4 =	vld [tilespmem:s25+$0x10]  }
0x54: {  	s23 =	sshra.s32 s28, $0x2;
	v6 =	vld [tilespmem:s25+$0x0]  }
0x55: {  	v10 =	vadd.f32 v11, v10;
	v5 =	vld [tilespmem:s25+$0x30]  }
0x56: {  	v11 =	vld [tilespmem:s25+$0x20]  }
0x57: {  	v12 =	vld [tilespmem:s25+$0x40]  }
0x58: {  	v16 =	vld [tilespmem:s25+$0x60];
	v9 =	vadd.f32 v9, v10  }
0x59: {  	v10 =	vld [tilespmem:s25+$0x50];
	v13 =	vshrl.u32 v4, $0x10;
	v15 =	vand.u32 $0xFFFF, v4;
	v14 =	vshrl.u32 v6, $0x10  }
0x5a: {  	v17 =	vand.u32 $0xFFFF, v6;
	v8 =	vadd.f32 v8, v9;
	vm0 =	veq.s32 v14, v3  }
0x5b: {  	v9 =	vld [tilespmem:s25+$0x70];
	vm1 =	veq.s32 v13, v3;
	v19 =	vshrl.u32 v5, $0x10;
	v18 =	vshrl.u32 v11, $0x10  }
0x5c: {  	vm2 =	vgt.s32 v14, v3;
	v22 =	vand.u32 $0xFFFF, v5;
	vm3 =	veq.s32 v18, v3  }
0x5d: {  	vm4 =	veq.s32 v19, v3;
	v49 =	vand.u32 $0xFFFF, v11;
	v20 =	vshrl.u32 v12, $0x10  }
0x5e: {  	v23 =	vshrl.u32 v16, $0x10;
	v21 =	vshrl.u32 v10, $0x10;
	vm5 =	veq.s32 v20, v3  }
0x5f: {  	v24 =	vand.u32 $0xFFFF, v12;
	v7 =	vadd.f32 v7, v8;
	vm6 =	veq.s32 v21, v3  }
0x60: {  	vm7 =	veq.s32 v23, v3;
	v50 =	vand.u32 $0xFFFF, v10;
	v25 =	vshrl.u32 v9, $0x10;
	[tilespmem:v17+s19+$0x0] =	vst.idx.add.s32.msk vm0, v1  }
0x61: {  	v8 =	vand.u32 $0xFFFF, v16;
	v6 =	vnsel vm2, $0x0, v6;
	vm15 =	veq.s32 v25, v3;
	[tilespmem:v15+s19+$0x0] =	vst.idx.add.s32.msk vm1, v1  }
0x62: {  	vm8 =	vgt.s32 v13, v3;
	v6 =	vadd.f32 v6, v7;
	v51 =	vand.u32 $0xFFFF, v9;
	[tilespmem:v49+s19+$0x0] =	vst.idx.add.s32.msk vm3, v1  }
0x63: {  	v4 =	vnsel vm8, $0x0, v4;
	[tilespmem:v22+s19+$0x0] =	vst.idx.add.s32.msk vm4, v1  }
0x64: {  	vm9 =	vgt.s32 v18, v3;
	v4 =	vadd.f32 v4, v6;
	[tilespmem:v24+s19+$0x0] =	vst.idx.add.s32.msk vm5, v1  }
0x65: {  	v6 =	vnsel vm9, $0x0, v11;
	[tilespmem:v50+s19+$0x0] =	vst.idx.add.s32.msk vm6, v1  }
0x66: {  	vm10 =	vgt.s32 v19, v3;
	v4 =	vadd.f32 v6, v4;
	[tilespmem:v8+s19+$0x0] =	vst.idx.add.s32.msk vm7, v1  }
0x67: {  	v5 =	vnsel vm10, $0x0, v5;
	[tilespmem:v51+s19+$0x0] =	vst.idx.add.s32.msk vm15, v1  }
0x68: {  	vm11 =	vgt.s32 v20, v3;
	v4 =	vadd.f32 v5, v4;
	v6 =	vld [tilespmem:s24+$0x0]  }
0x69: {  	v5 =	vnsel vm11, $0x0, v12;
	v7 =	vld [tilespmem:s24+$0x10]  }
0x6a: {  	vm12 =	vgt.s32 v21, v3;
	v4 =	vadd.f32 v5, v4;
	v8 =	vld [tilespmem:s24+$0x20]  }
0x6b: {  	v5 =	vnsel vm12, $0x0, v10;
	v11 =	vld [tilespmem:s24+$0x30]  }
0x6c: {  	vm13 =	vgt.s32 v23, v3;
	v4 =	vadd.f32 v5, v4;
	v52 =	vld [tilespmem:s24+$0x40]  }
0x6d: {  	vm0 =	vgt.s32 v25, v3;
	v10 =	vnsel vm13, $0x0, v16;
	v5 =	vld [tilespmem:s24+$0x50];
	v53 =	vshrl.u32 v6, $0x10  }
0x6e: {  	v56 =	vld [tilespmem:s24+$0x60];
	v4 =	vadd.f32 v10, v4;
	v54 =	vshrl.u32 v7, $0x10;
	vm14 =	veq.s32 v53, v3  }
0x6f: {  	v58 =	vld [tilespmem:s24+$0x70];
	v57 =	vand.u32 $0xFFFF, v6;
	v59 =	vshrl.u32 v8, $0x10;
	vm15 =	veq.s32 v54, v3  }
0x70: {  	v55 =	vand.u32 $0xFFFF, v7;
	v10 =	vshrl.u32 v11, $0x10;
	vm9 =	veq.s32 v59, v3  }
0x71: {  	v60 =	vand.u32 $0xFFFF, v8;
	v61 =	vshrl.u32 v52, $0x10;
	vm10 =	veq.s32 v10, v3  }
0x72: {  	v62 =	vshrl.u32 v5, $0x10;
	v63 =	vand.u32 $0xFFFF, v11;
	vm11 =	veq.s32 v61, v3  }
0x73: {  	v28 =	vshrl.u32 v56, $0x10;
	v29 =	vand.u32 $0xFFFF, v52;
	vm12 =	veq.s32 v62, v3  }
0x74: {  	v26 =	vshrl.u32 v58, $0x10;
	v30 =	vand.u32 $0xFFFF, v5;
	vm13 =	veq.s32 v28, v3;
	[tilespmem:v57+s19+$0x0] =	vst.idx.add.s32.msk vm14, v1  }
0x75: {  	v9 =	vnsel vm0, $0x0, v9;
	v31 =	vand.u32 $0xFFFF, v56;
	vm14 =	veq.s32 v26, v3;
	[tilespmem:v55+s19+$0x0] =	vst.idx.add.s32.msk vm15, v1  }
0x76: {  	v4 =	vadd.f32 v9, v4;
	v9 =	vand.u32 $0xFFFF, v58;
	vm15 =	vgt.s32 v53, v3;
	[tilespmem:v60+s19+$0x0] =	vst.idx.add.s32.msk vm9, v1  }
0x77: {  	v6 =	vnsel vm15, $0x0, v6;
	[tilespmem:v63+s19+$0x0] =	vst.idx.add.s32.msk vm10, v1  }
0x78: {  	vm4 =	vgt.s32 v54, v3;
	v4 =	vadd.f32 v6, v4;
	[tilespmem:v29+s19+$0x0] =	vst.idx.add.s32.msk vm11, v1  }
0x79: {  	v6 =	vnsel vm4, $0x0, v7;
	[tilespmem:v30+s19+$0x0] =	vst.idx.add.s32.msk vm12, v1  }
0x7a: {  	vm6 =	vgt.s32 v59, v3;
	v4 =	vadd.f32 v6, v4;
	[tilespmem:v31+s19+$0x0] =	vst.idx.add.s32.msk vm13, v1  }
0x7b: {  	v6 =	vnsel vm6, $0x0, v8;
	[tilespmem:v9+s19+$0x0] =	vst.idx.add.s32.msk vm14, v1  }
0x7c: {  	vm7 =	vgt.s32 v10, v3;
	v4 =	vadd.f32 v6, v4;
	v6 =	vld [tilespmem:s23+$0x10]  }
0x7d: {  	v7 =	vnsel vm7, $0x0, v11;
	v8 =	vld [tilespmem:s23+$0x0]  }
0x7e: {  	vm8 =	vgt.s32 v61, v3;
	v9 =	vld [tilespmem:s23+$0x20];
	v4 =	vadd.f32 v7, v4  }
0x7f: {  	vm9 =	vgt.s32 v62, v3;
	v10 =	vld [tilespmem:s23+$0x30];
	v7 =	vnsel vm8, $0x0, v52  }
0x80: {  	vm10 =	vgt.s32 v28, v3;
	vm11 =	vgt.s32 v26, v3;
	v32 =	vld [tilespmem:s23+$0x40];
	v4 =	vadd.f32 v7, v4  }
0x81: {  	v5 =	vnsel vm9, $0x0, v5;
	v11 =	vnsel vm11, $0x0, v58;
	v36 =	vld [tilespmem:s23+$0x60];
	v7 =	vnsel vm10, $0x0, v56  }
0x82: {  	v4 =	vadd.f32 v5, v4;
	v5 =	vld [tilespmem:s23+$0x50];
	v33 =	vshrl.u32 v6, $0x10;
	v34 =	vshrl.u32 v8, $0x10  }
0x83: {  	v35 =	vand.u32 $0xFFFF, v6;
	v37 =	vand.u32 $0xFFFF, v8;
	vm12 =	veq.s32 v34, v3  }
0x84: {  	v38 =	vshrl.u32 v9, $0x10;
	vm13 =	veq.s32 v33, v3;
	v4 =	vadd.f32 v7, v4;
	v7 =	vld [tilespmem:s23+$0x70]  }
0x85: {  	v39 =	vshrl.u32 v10, $0x10;
	v40 =	vand.u32 $0xFFFF, v9;
	vm15 =	veq.s32 v38, v3  }
0x86: {  	v41 =	vshrl.u32 v32, $0x10;
	v43 =	vand.u32 $0xFFFF, v10;
	vm9 =	veq.s32 v39, v3  }
0x87: {  	v44 =	vshrl.u32 v36, $0x10;
	vm10 =	veq.s32 v41, v3;
	v42 =	vshrl.u32 v5, $0x10  }
0x88: {  	v45 =	vand.u32 $0xFFFF, v32;
	vm14 =	vgt.s32 v34, v3;
	vm11 =	veq.s32 v42, v3  }
0x89: {  	v47 =	vand.u32 $0xFFFF, v5;
	v46 =	vshrl.u32 v7, $0x10;
	[tilespmem:v37+s19+$0x0] =	vst.idx.add.s32.msk vm12, v1;
	vm12 =	veq.s32 v44, v3  }
0x8a: {  	v4 =	vadd.f32 v11, v4;
	v11 =	vand.u32 $0xFFFF, v36;
	[tilespmem:v35+s19+$0x0] =	vst.idx.add.s32.msk vm13, v1;
	vm13 =	veq.s32 v46, v3  }
0x8b: {  	v8 =	vnsel vm14, $0x0, v8;
	v48 =	vand.u32 $0xFFFF, v7;
	[tilespmem:v40+s19+$0x0] =	vst.idx.add.s32.msk vm15, v1  }
0x8c: {  	vm14 =	vgt.s32 v33, v3;
	v4 =	vadd.f32 v8, v4;
	[tilespmem:v43+s19+$0x0] =	vst.idx.add.s32.msk vm9, v1  }
0x8d: {  	v6 =	vnsel vm14, $0x0, v6;
	[tilespmem:v45+s19+$0x0] =	vst.idx.add.s32.msk vm10, v1  }
0x8e: {  	v4 =	vadd.f32 v6, v4;
	vm15 =	vgt.s32 v38, v3;
	[tilespmem:v47+s19+$0x0] =	vst.idx.add.s32.msk vm11, v1  }
0x8f: {  	v6 =	vnsel vm15, $0x0, v9;
	[tilespmem:v11+s19+$0x0] =	vst.idx.add.s32.msk vm12, v1  }
0x90: {  	s30 =	simm.s32 $0x0;
	vm4 =	vgt.s32 v39, v3;
	v4 =	vadd.f32 v6, v4;
	[tilespmem:v48+s19+$0x0] =	vst.idx.add.s32.msk vm13, v1  }
0x91: {  	v6 =	vnsel vm4, $0x0, v10;
	[tilespmem:s30], [sflag:$0x1] =	stream.linear.gather [hbm4b:s6+s30], $0x4000, $0x38;
	[tilespmem:$0x18100] =	vst v63  }
0x92: {  	vm5 =	vgt.s32 v41, v3;
	v4 =	vadd.f32 v6, v4;
	_ =	swait.ge [sflag:s20], $0x4000  }
0x93: {  	v6 =	vnsel vm5, $0x0, v32;
	[sflag:s20] =	ssyncset.done $0x0  }
0x94: {  	s31 =	simm.s32 $0x0;
	vm6 =	vgt.s32 v42, v3;
	v4 =	vadd.f32 v6, v4;
	[sflag:s20] =	ssyncadd.s32 $0xFFFFC000  }
0x95: {  	v5 =	vnsel vm6, $0x0, v5;
	v6 =	vld [tilespmem:s31+$0x4000]  }
0x96: {  	vm7 =	vgt.s32 v44, v3;
	v4 =	vadd.f32 v5, v4;
	v5 =	vld [tilespmem:s31+$0x4010]  }
0x97: {  	v8 =	vnsel vm7, $0x0, v36;
	v9 =	vld [tilespmem:s31+$0x4020]  }
0x98: {  	v4 =	vadd.f32 v8, v4;
	v8 =	vld [tilespmem:s31+$0x4030]  }
0x99: {  	vm8 =	vgt.s32 v46, v3;
	v10 =	vld [tilespmem:s31+$0x4040]  }
0x9a: {  	v7 =	vnsel vm8, $0x0, v7  }
0x9b: {  	v4 =	vadd.f32 v7, v4;
	v7 =	vld [tilespmem:s31+$0x4050];
	v11 =	vshrl.u32 v6, $0x10  }
0x9c: {  	v51 =	vld [tilespmem:s31+$0x4060];
	v49 =	vshrl.u32 v5, $0x10;
	v50 =	vand.u32 $0xFFFF, v5;
	vm9 =	veq.s32 v11, v3  }
0x9d: {  	v53 =	vld [tilespmem:s31+$0x4070];
	v52 =	vand.u32 $0xFFFF, v6;
	v54 =	vshrl.u32 v9, $0x10;
	vm10 =	veq.s32 v49, v3  }
0x9e: {  	v55 =	vshrl.u32 v8, $0x10;
	v56 =	vshrl.u32 v10, $0x10;
	vm12 =	veq.s32 v54, v3  }
0x9f: {  	vm11 =	vgt.s32 v11, v3;
	vm13 =	veq.s32 v55, v3;
	v11 =	vand.u32 $0xFFFF, v9  }
0xa0: {  	v58 =	vand.u32 $0xFFFF, v8;
	vm14 =	veq.s32 v56, v3;
	v57 =	vshrl.u32 v7, $0x10  }
0xa1: {  	v59 =	vshrl.u32 v51, $0x10;
	v60 =	vand.u32 $0xFFFF, v10;
	vm15 =	veq.s32 v57, v3  }
0xa2: {  	v61 =	vshrl.u32 v53, $0x10;
	vm7 =	veq.s32 v59, v3;
	v62 =	vand.u32 $0xFFFF, v7;
	[tilespmem:v52+s19+$0x0] =	vst.idx.add.s32.msk vm9, v1  }
0xa3: {  	v63 =	vand.u32 $0xFFFF, v51;
	vm8 =	veq.s32 v61, v3;
	v6 =	vnsel vm11, $0x0, v6;
	[tilespmem:v50+s19+$0x0] =	vst.idx.add.s32.msk vm10, v1  }
0xa4: {  	v4 =	vadd.f32 v6, v4;
	vm9 =	vgt.s32 v49, v3;
	[tilespmem:v11+s19+$0x0] =	vst.idx.add.s32.msk vm12, v1;
	v11 =	vand.u32 $0xFFFF, v53  }
0xa5: {  	v5 =	vnsel vm9, $0x0, v5;
	[tilespmem:v58+s19+$0x0] =	vst.idx.add.s32.msk vm13, v1  }
0xa6: {  	vm10 =	vgt.s32 v54, v3;
	v4 =	vadd.f32 v5, v4;
	[tilespmem:v60+s19+$0x0] =	vst.idx.add.s32.msk vm14, v1  }
0xa7: {  	v5 =	vnsel vm10, $0x0, v9;
	[tilespmem:v62+s19+$0x0] =	vst.idx.add.s32.msk vm15, v1  }
0xa8: {  	vm11 =	vgt.s32 v55, v3;
	v5 =	vadd.f32 v5, v4;
	[tilespmem:v63+s19+$0x0] =	vst.idx.add.s32.msk vm7, v1  }
0xa9: {  	s25 =	simm.s32 $0x80;
	v6 =	vnsel vm11, $0x0, v8;
	vm12 =	vgt.s32 v56, v3;
	[tilespmem:v11+s19+$0x0] =	vst.idx.add.s32.msk vm8, v1  }
0xaa: {  	v10 =	vnsel vm12, $0x0, v10;
	vm13 =	vgt.s32 v57, v3;
	v11 =	vadd.f32 v6, v5;
	v4 =	vld [tilespmem:s25+$0x4010]  }
0xab: {  	vm14 =	vgt.s32 v59, v3;
	v9 =	vnsel vm13, $0x0, v7;
	vm15 =	vgt.s32 v61, v3;
	v6 =	vld [tilespmem:s25+$0x4000]  }
0xac: {  	s26 =	simm.s32 $0x800;
	s24 =	simm.s32 $0x100;
	s23 =	simm.s32 $0x180;
	v8 =	vnsel vm14, $0x0, v51;
	v7 =	vnsel vm15, $0x0, v53;
	v5 =	vld [tilespmem:s25+$0x4030];
	v10 =	vadd.f32 v10, v11  }
.LBB2_6:
0xad: {  	p0 =	sne.s32 s26, $0xFE00;
	v11 =	vld [tilespmem:s25+$0x4020];
	s28 =	smov.u32 s26;
	s26 =	sadd.s32 $0x200, s26  }
0xae: {  	v12 =	vld [tilespmem:s25+$0x4040];
	v9 =	vadd.f32 v9, v10  }
0xaf: {  	v10 =	vld [tilespmem:s25+$0x4050];
	v13 =	vshrl.u32 v4, $0x10;
	v14 =	vand.u32 $0xFFFF, v4  }
0xb0: {  	v15 =	vld [tilespmem:s25+$0x4060];
	v16 =	vshrl.u32 v6, $0x10;
	v17 =	vand.u32 $0xFFFF, v6;
	v8 =	vadd.f32 v8, v9  }
0xb1: {  	v9 =	vshrl.u32 v5, $0x10;
	vm1 =	veq.s32 v16, v3;
	vm2 =	vgt.s32 v16, v3  }
0xb2: {  	vm3 =	veq.s32 v13, v3;
	v16 =	vld [tilespmem:s25+$0x4070];
	v18 =	vshrl.u32 v11, $0x10;
	vm0 =	veq.s32 v9, v3;
	s25 =	smov.u32 s24;
	s24 =	smov.u32 s23  }
0xb3: {  	v19 =	vand.u32 $0xFFFF, v11;
	v7 =	vadd.f32 v7, v8;
	vm4 =	veq.s32 v18, v3  }
0xb4: {  	vm5 =	vgt.s32 v13, v3;
	v8 =	vshrl.u32 v12, $0x10;
	v20 =	vshrl.u32 v10, $0x10  }
0xb5: {  	v21 =	vand.u32 $0xFFFF, v5;
	vm6 =	veq.s32 v8, v3;
	v13 =	vshrl.u32 v15, $0x10  }
0xb6: {  	v6 =	vnsel vm2, $0x0, v6;
	v22 =	vand.u32 $0xFFFF, v12;
	vm7 =	veq.s32 v20, v3  }
0xb7: {  	vm2 =	veq.s32 v13, v3;
	v23 =	vshrl.u32 v16, $0x10;
	[tilespmem:v17+s19+$0x0] =	vst.idx.add.s32.msk vm1, v1;
	v17 =	vand.u32 $0xFFFF, v10  }
0xb8: {  	vm1 =	veq.s32 v23, v3;
	[tilespmem:v14+s19+$0x0] =	vst.idx.add.s32.msk vm3, v1;
	v14 =	vand.u32 $0xFFFF, v15;
	vm3 =	vgt.s32 v18, v3  }
0xb9: {  	v6 =	vadd.f32 v6, v7;
	v18 =	vand.u32 $0xFFFF, v16;
	[tilespmem:v19+s19+$0x0] =	vst.idx.add.s32.msk vm4, v1;
	v7 =	vnsel vm3, $0x0, v11  }
0xba: {  	v4 =	vnsel vm5, $0x0, v4;
	vm3 =	vgt.s32 v8, v3;
	[tilespmem:v21+s19+$0x0] =	vst.idx.add.s32.msk vm0, v1;
	vm0 =	vgt.s32 v9, v3  }
0xbb: {  	v4 =	vadd.f32 v4, v6;
	v11 =	vnsel vm3, $0x0, v12;
	[tilespmem:v22+s19+$0x0] =	vst.idx.add.s32.msk vm6, v1;
	v5 =	vnsel vm0, $0x0, v5  }
0xbc: {  	vm3 =	vgt.s32 v13, v3;
	vm0 =	vgt.s32 v20, v3;
	[tilespmem:v17+s19+$0x0] =	vst.idx.add.s32.msk vm7, v1  }
.Ltmp2:
0xbd: {  	v6 =	vadd.f32 v7, v4;
	v8 =	vnsel vm3, $0x0, v15;
	v9 =	vnsel vm0, $0x0, v10;
	[tilespmem:v14+s19+$0x0] =	vst.idx.add.s32.msk vm2, v1;
	(pc) =	sbr.rel @p0 .LBB2_6-.Ltmp2, $4  }
0xbe: {  	vm0 =	vgt.s32 v23, v3;
	[tilespmem:v18+s19+$0x0] =	vst.idx.add.s32.msk vm1, v1  }
0xbf: {  	v10 =	vadd.f32 v5, v6;
	v7 =	vnsel vm0, $0x0, v16;
	v4 =	vld [tilespmem:s25+$0x4010]  }
0xc0: {  	s23 =	sshra.s32 s28, $0x2;
	v6 =	vld [tilespmem:s25+$0x4000]  }
0xc1: {  	v10 =	vadd.f32 v11, v10;
	v5 =	vld [tilespmem:s25+$0x4030]  }
0xc2: {  	v11 =	vld [tilespmem:s25+$0x4020]  }
0xc3: {  	v12 =	vld [tilespmem:s25+$0x4040]  }
0xc4: {  	v16 =	vld [tilespmem:s25+$0x4060];
	v9 =	vadd.f32 v9, v10  }
0xc5: {  	v10 =	vld [tilespmem:s25+$0x4050];
	v13 =	vshrl.u32 v4, $0x10;
	v15 =	vand.u32 $0xFFFF, v4;
	v14 =	vshrl.u32 v6, $0x10  }
0xc6: {  	v17 =	vand.u32 $0xFFFF, v6;
	v8 =	vadd.f32 v8, v9;
	vm0 =	veq.s32 v14, v3  }
0xc7: {  	v9 =	vld [tilespmem:s25+$0x4070];
	vm1 =	veq.s32 v13, v3;
	v19 =	vshrl.u32 v5, $0x10;
	v18 =	vshrl.u32 v11, $0x10  }
0xc8: {  	vm2 =	vgt.s32 v14, v3;
	v22 =	vand.u32 $0xFFFF, v5;
	vm3 =	veq.s32 v18, v3  }
0xc9: {  	vm4 =	veq.s32 v19, v3;
	v49 =	vand.u32 $0xFFFF, v11;
	v20 =	vshrl.u32 v12, $0x10  }
0xca: {  	v23 =	vshrl.u32 v16, $0x10;
	v21 =	vshrl.u32 v10, $0x10;
	vm5 =	veq.s32 v20, v3  }
0xcb: {  	v24 =	vand.u32 $0xFFFF, v12;
	v7 =	vadd.f32 v7, v8;
	vm6 =	veq.s32 v21, v3  }
0xcc: {  	vm7 =	veq.s32 v23, v3;
	v50 =	vand.u32 $0xFFFF, v10;
	v25 =	vshrl.u32 v9, $0x10;
	[tilespmem:v17+s19+$0x0] =	vst.idx.add.s32.msk vm0, v1  }
0xcd: {  	v8 =	vand.u32 $0xFFFF, v16;
	v6 =	vnsel vm2, $0x0, v6;
	vm15 =	veq.s32 v25, v3;
	[tilespmem:v15+s19+$0x0] =	vst.idx.add.s32.msk vm1, v1  }
0xce: {  	vm8 =	vgt.s32 v13, v3;
	v6 =	vadd.f32 v6, v7;
	v51 =	vand.u32 $0xFFFF, v9;
	[tilespmem:v49+s19+$0x0] =	vst.idx.add.s32.msk vm3, v1  }
0xcf: {  	v4 =	vnsel vm8, $0x0, v4;
	[tilespmem:v22+s19+$0x0] =	vst.idx.add.s32.msk vm4, v1  }
0xd0: {  	vm9 =	vgt.s32 v18, v3;
	v4 =	vadd.f32 v4, v6;
	[tilespmem:v24+s19+$0x0] =	vst.idx.add.s32.msk vm5, v1  }
0xd1: {  	v6 =	vnsel vm9, $0x0, v11;
	[tilespmem:v50+s19+$0x0] =	vst.idx.add.s32.msk vm6, v1  }
0xd2: {  	vm10 =	vgt.s32 v19, v3;
	v4 =	vadd.f32 v6, v4;
	[tilespmem:v8+s19+$0x0] =	vst.idx.add.s32.msk vm7, v1  }
0xd3: {  	v5 =	vnsel vm10, $0x0, v5;
	[tilespmem:v51+s19+$0x0] =	vst.idx.add.s32.msk vm15, v1  }
0xd4: {  	vm11 =	vgt.s32 v20, v3;
	v4 =	vadd.f32 v5, v4;
	v6 =	vld [tilespmem:s24+$0x4000]  }
0xd5: {  	v5 =	vnsel vm11, $0x0, v12;
	v7 =	vld [tilespmem:s24+$0x4010]  }
0xd6: {  	vm12 =	vgt.s32 v21, v3;
	v4 =	vadd.f32 v5, v4;
	v8 =	vld [tilespmem:s24+$0x4020]  }
0xd7: {  	v5 =	vnsel vm12, $0x0, v10;
	v11 =	vld [tilespmem:s24+$0x4030]  }
0xd8: {  	vm13 =	vgt.s32 v23, v3;
	v4 =	vadd.f32 v5, v4;
	v52 =	vld [tilespmem:s24+$0x4040]  }
0xd9: {  	vm0 =	vgt.s32 v25, v3;
	v10 =	vnsel vm13, $0x0, v16;
	v5 =	vld [tilespmem:s24+$0x4050];
	v53 =	vshrl.u32 v6, $0x10  }
0xda: {  	v56 =	vld [tilespmem:s24+$0x4060];
	v4 =	vadd.f32 v10, v4;
	v54 =	vshrl.u32 v7, $0x10;
	vm14 =	veq.s32 v53, v3  }
0xdb: {  	v58 =	vld [tilespmem:s24+$0x4070];
	v57 =	vand.u32 $0xFFFF, v6;
	v59 =	vshrl.u32 v8, $0x10;
	vm15 =	veq.s32 v54, v3  }
0xdc: {  	v55 =	vand.u32 $0xFFFF, v7;
	v10 =	vshrl.u32 v11, $0x10;
	vm9 =	veq.s32 v59, v3  }
0xdd: {  	v60 =	vand.u32 $0xFFFF, v8;
	v61 =	vshrl.u32 v52, $0x10;
	vm10 =	veq.s32 v10, v3  }
0xde: {  	v62 =	vshrl.u32 v5, $0x10;
	v63 =	vand.u32 $0xFFFF, v11;
	vm11 =	veq.s32 v61, v3  }
0xdf: {  	v28 =	vshrl.u32 v56, $0x10;
	v29 =	vand.u32 $0xFFFF, v52;
	vm12 =	veq.s32 v62, v3  }
0xe0: {  	v26 =	vshrl.u32 v58, $0x10;
	v30 =	vand.u32 $0xFFFF, v5;
	vm13 =	veq.s32 v28, v3;
	[tilespmem:v57+s19+$0x0] =	vst.idx.add.s32.msk vm14, v1  }
0xe1: {  	v9 =	vnsel vm0, $0x0, v9;
	v31 =	vand.u32 $0xFFFF, v56;
	vm14 =	veq.s32 v26, v3;
	[tilespmem:v55+s19+$0x0] =	vst.idx.add.s32.msk vm15, v1  }
0xe2: {  	v4 =	vadd.f32 v9, v4;
	v9 =	vand.u32 $0xFFFF, v58;
	vm15 =	vgt.s32 v53, v3;
	[tilespmem:v60+s19+$0x0] =	vst.idx.add.s32.msk vm9, v1  }
0xe3: {  	v6 =	vnsel vm15, $0x0, v6;
	[tilespmem:v63+s19+$0x0] =	vst.idx.add.s32.msk vm10, v1  }
0xe4: {  	vm4 =	vgt.s32 v54, v3;
	v4 =	vadd.f32 v6, v4;
	[tilespmem:v29+s19+$0x0] =	vst.idx.add.s32.msk vm11, v1  }
0xe5: {  	v6 =	vnsel vm4, $0x0, v7;
	[tilespmem:v30+s19+$0x0] =	vst.idx.add.s32.msk vm12, v1  }
0xe6: {  	vm6 =	vgt.s32 v59, v3;
	v4 =	vadd.f32 v6, v4;
	[tilespmem:v31+s19+$0x0] =	vst.idx.add.s32.msk vm13, v1  }
0xe7: {  	v6 =	vnsel vm6, $0x0, v8;
	[tilespmem:v9+s19+$0x0] =	vst.idx.add.s32.msk vm14, v1  }
0xe8: {  	vm7 =	vgt.s32 v10, v3;
	v4 =	vadd.f32 v6, v4;
	v6 =	vld [tilespmem:s23+$0x4010]  }
0xe9: {  	v7 =	vnsel vm7, $0x0, v11;
	v8 =	vld [tilespmem:s23+$0x4000]  }
0xea: {  	vm8 =	vgt.s32 v61, v3;
	v9 =	vld [tilespmem:s23+$0x4020];
	v4 =	vadd.f32 v7, v4  }
0xeb: {  	vm9 =	vgt.s32 v62, v3;
	v10 =	vld [tilespmem:s23+$0x4030];
	v7 =	vnsel vm8, $0x0, v52  }
0xec: {  	vm10 =	vgt.s32 v28, v3;
	vm11 =	vgt.s32 v26, v3;
	v32 =	vld [tilespmem:s23+$0x4040];
	v4 =	vadd.f32 v7, v4  }
0xed: {  	v5 =	vnsel vm9, $0x0, v5;
	v11 =	vnsel vm11, $0x0, v58;
	v36 =	vld [tilespmem:s23+$0x4060];
	v7 =	vnsel vm10, $0x0, v56  }
0xee: {  	v4 =	vadd.f32 v5, v4;
	v5 =	vld [tilespmem:s23+$0x4050];
	v33 =	vshrl.u32 v6, $0x10;
	v34 =	vshrl.u32 v8, $0x10  }
0xef: {  	v35 =	vand.u32 $0xFFFF, v6;
	v37 =	vand.u32 $0xFFFF, v8;
	vm12 =	veq.s32 v34, v3  }
0xf0: {  	v38 =	vshrl.u32 v9, $0x10;
	vm13 =	veq.s32 v33, v3;
	v4 =	vadd.f32 v7, v4;
	v7 =	vld [tilespmem:s23+$0x4070]  }
0xf1: {  	v39 =	vshrl.u32 v10, $0x10;
	v40 =	vand.u32 $0xFFFF, v9;
	vm15 =	veq.s32 v38, v3  }
0xf2: {  	v41 =	vshrl.u32 v32, $0x10;
	v43 =	vand.u32 $0xFFFF, v10;
	vm9 =	veq.s32 v39, v3  }
0xf3: {  	v44 =	vshrl.u32 v36, $0x10;
	vm10 =	veq.s32 v41, v3;
	v42 =	vshrl.u32 v5, $0x10  }
0xf4: {  	v45 =	vand.u32 $0xFFFF, v32;
	vm14 =	vgt.s32 v34, v3;
	vm11 =	veq.s32 v42, v3  }
0xf5: {  	v47 =	vand.u32 $0xFFFF, v5;
	v46 =	vshrl.u32 v7, $0x10;
	[tilespmem:v37+s19+$0x0] =	vst.idx.add.s32.msk vm12, v1;
	vm12 =	veq.s32 v44, v3  }
0xf6: {  	v4 =	vadd.f32 v11, v4;
	v11 =	vand.u32 $0xFFFF, v36;
	[tilespmem:v35+s19+$0x0] =	vst.idx.add.s32.msk vm13, v1;
	vm13 =	veq.s32 v46, v3  }
0xf7: {  	v8 =	vnsel vm14, $0x0, v8;
	v48 =	vand.u32 $0xFFFF, v7;
	[tilespmem:v40+s19+$0x0] =	vst.idx.add.s32.msk vm15, v1  }
0xf8: {  	vm14 =	vgt.s32 v33, v3;
	v4 =	vadd.f32 v8, v4;
	[tilespmem:v43+s19+$0x0] =	vst.idx.add.s32.msk vm9, v1  }
0xf9: {  	v6 =	vnsel vm14, $0x0, v6;
	[tilespmem:v45+s19+$0x0] =	vst.idx.add.s32.msk vm10, v1  }
0xfa: {  	v4 =	vadd.f32 v6, v4;
	vm15 =	vgt.s32 v38, v3;
	[tilespmem:v47+s19+$0x0] =	vst.idx.add.s32.msk vm11, v1  }
0xfb: {  	v6 =	vnsel vm15, $0x0, v9;
	[tilespmem:v11+s19+$0x0] =	vst.idx.add.s32.msk vm12, v1  }
0xfc: {  	s30 =	simm.s32 $0x0;
	vm4 =	vgt.s32 v39, v3;
	v4 =	vadd.f32 v6, v4;
	[tilespmem:v48+s19+$0x0] =	vst.idx.add.s32.msk vm13, v1  }
0xfd: {  	v6 =	vnsel vm4, $0x0, v10;
	[tilespmem:s17], [sflag:$0x2] =	stream.linear.gather [hbm4b:s7+s30], $0x4000, $0x38;
	[tilespmem:$0x18100] =	vst v63  }
0xfe: {  	vm5 =	vgt.s32 v41, v3;
	v4 =	vadd.f32 v6, v4;
	_ =	swait.ge [sflag:s18], $0x4000  }
0xff: {  	v6 =	vnsel vm5, $0x0, v32;
	[sflag:s18] =	ssyncset.done $0x0  }
0x100: {  	s31 =	simm.s32 $0x0;
	vm6 =	vgt.s32 v42, v3;
	v4 =	vadd.f32 v6, v4;
	[sflag:s18] =	ssyncadd.s32 $0xFFFFC000  }
0x101: {  	v5 =	vnsel vm6, $0x0, v5;
	v6 =	vld [tilespmem:s31+$0x0]  }
0x102: {  	vm7 =	vgt.s32 v44, v3;
	v4 =	vadd.f32 v5, v4;
	v5 =	vld [tilespmem:s31+$0x10]  }
0x103: {  	v8 =	vnsel vm7, $0x0, v36;
	v9 =	vld [tilespmem:s31+$0x20]  }
0x104: {  	v4 =	vadd.f32 v8, v4;
	v8 =	vld [tilespmem:s31+$0x30]  }
0x105: {  	vm8 =	vgt.s32 v46, v3;
	v10 =	vld [tilespmem:s31+$0x40]  }
0x106: {  	v7 =	vnsel vm8, $0x0, v7  }
0x107: {  	v4 =	vadd.f32 v7, v4;
	v7 =	vld [tilespmem:s31+$0x50];
	v11 =	vshrl.u32 v6, $0x10  }
0x108: {  	v51 =	vld [tilespmem:s31+$0x60];
	v49 =	vshrl.u32 v5, $0x10;
	v50 =	vand.u32 $0xFFFF, v5;
	vm9 =	veq.s32 v11, v3  }
0x109: {  	v53 =	vld [tilespmem:s31+$0x70];
	v52 =	vand.u32 $0xFFFF, v6;
	v54 =	vshrl.u32 v9, $0x10;
	vm10 =	veq.s32 v49, v3  }
0x10a: {  	v55 =	vshrl.u32 v8, $0x10;
	v56 =	vshrl.u32 v10, $0x10;
	vm12 =	veq.s32 v54, v3  }
0x10b: {  	vm11 =	vgt.s32 v11, v3;
	vm13 =	veq.s32 v55, v3;
	v11 =	vand.u32 $0xFFFF, v9  }
0x10c: {  	v58 =	vand.u32 $0xFFFF, v8;
	vm14 =	veq.s32 v56, v3;
	v57 =	vshrl.u32 v7, $0x10  }
0x10d: {  	v59 =	vshrl.u32 v51, $0x10;
	v60 =	vand.u32 $0xFFFF, v10;
	vm15 =	veq.s32 v57, v3  }
0x10e: {  	v61 =	vshrl.u32 v53, $0x10;
	vm7 =	veq.s32 v59, v3;
	v62 =	vand.u32 $0xFFFF, v7;
	[tilespmem:v52+s19+$0x0] =	vst.idx.add.s32.msk vm9, v1  }
0x10f: {  	v63 =	vand.u32 $0xFFFF, v51;
	vm8 =	veq.s32 v61, v3;
	v6 =	vnsel vm11, $0x0, v6;
	[tilespmem:v50+s19+$0x0] =	vst.idx.add.s32.msk vm10, v1  }
0x110: {  	v4 =	vadd.f32 v6, v4;
	vm9 =	vgt.s32 v49, v3;
	[tilespmem:v11+s19+$0x0] =	vst.idx.add.s32.msk vm12, v1;
	v11 =	vand.u32 $0xFFFF, v53  }
0x111: {  	v5 =	vnsel vm9, $0x0, v5;
	[tilespmem:v58+s19+$0x0] =	vst.idx.add.s32.msk vm13, v1  }
0x112: {  	vm10 =	vgt.s32 v54, v3;
	v4 =	vadd.f32 v5, v4;
	[tilespmem:v60+s19+$0x0] =	vst.idx.add.s32.msk vm14, v1  }
0x113: {  	v5 =	vnsel vm10, $0x0, v9;
	[tilespmem:v62+s19+$0x0] =	vst.idx.add.s32.msk vm15, v1  }
0x114: {  	vm11 =	vgt.s32 v55, v3;
	v5 =	vadd.f32 v5, v4;
	[tilespmem:v63+s19+$0x0] =	vst.idx.add.s32.msk vm7, v1  }
0x115: {  	s25 =	simm.s32 $0x80;
	v6 =	vnsel vm11, $0x0, v8;
	vm12 =	vgt.s32 v56, v3;
	[tilespmem:v11+s19+$0x0] =	vst.idx.add.s32.msk vm8, v1  }
0x116: {  	v10 =	vnsel vm12, $0x0, v10;
	vm13 =	vgt.s32 v57, v3;
	v11 =	vadd.f32 v6, v5;
	v4 =	vld [tilespmem:s25+$0x10]  }
0x117: {  	vm14 =	vgt.s32 v59, v3;
	v9 =	vnsel vm13, $0x0, v7;
	vm15 =	vgt.s32 v61, v3;
	v6 =	vld [tilespmem:s25+$0x0]  }
0x118: {  	s26 =	simm.s32 $0x800;
	s24 =	simm.s32 $0x100;
	s23 =	simm.s32 $0x180;
	v8 =	vnsel vm14, $0x0, v51;
	v7 =	vnsel vm15, $0x0, v53;
	v5 =	vld [tilespmem:s25+$0x30];
	v10 =	vadd.f32 v10, v11  }
.LBB2_8:
0x119: {  	p0 =	sne.s32 s26, $0xFE00;
	v11 =	vld [tilespmem:s25+$0x20];
	s28 =	smov.u32 s26;
	s26 =	sadd.s32 $0x200, s26  }
0x11a: {  	v12 =	vld [tilespmem:s25+$0x40];
	v9 =	vadd.f32 v9, v10  }
0x11b: {  	v10 =	vld [tilespmem:s25+$0x50];
	v13 =	vshrl.u32 v4, $0x10;
	v14 =	vand.u32 $0xFFFF, v4  }
0x11c: {  	v15 =	vld [tilespmem:s25+$0x60];
	v16 =	vshrl.u32 v6, $0x10;
	v17 =	vand.u32 $0xFFFF, v6;
	v8 =	vadd.f32 v8, v9  }
0x11d: {  	v9 =	vshrl.u32 v5, $0x10;
	vm1 =	veq.s32 v16, v3;
	vm2 =	vgt.s32 v16, v3  }
0x11e: {  	vm3 =	veq.s32 v13, v3;
	v16 =	vld [tilespmem:s25+$0x70];
	v18 =	vshrl.u32 v11, $0x10;
	vm0 =	veq.s32 v9, v3;
	s25 =	smov.u32 s24;
	s24 =	smov.u32 s23  }
0x11f: {  	v19 =	vand.u32 $0xFFFF, v11;
	v7 =	vadd.f32 v7, v8;
	vm4 =	veq.s32 v18, v3  }
0x120: {  	vm5 =	vgt.s32 v13, v3;
	v8 =	vshrl.u32 v12, $0x10;
	v20 =	vshrl.u32 v10, $0x10  }
0x121: {  	v21 =	vand.u32 $0xFFFF, v5;
	vm6 =	veq.s32 v8, v3;
	v13 =	vshrl.u32 v15, $0x10  }
0x122: {  	v6 =	vnsel vm2, $0x0, v6;
	v22 =	vand.u32 $0xFFFF, v12;
	vm7 =	veq.s32 v20, v3  }
0x123: {  	vm2 =	veq.s32 v13, v3;
	v23 =	vshrl.u32 v16, $0x10;
	[tilespmem:v17+s19+$0x0] =	vst.idx.add.s32.msk vm1, v1;
	v17 =	vand.u32 $0xFFFF, v10  }
0x124: {  	vm1 =	veq.s32 v23, v3;
	[tilespmem:v14+s19+$0x0] =	vst.idx.add.s32.msk vm3, v1;
	v14 =	vand.u32 $0xFFFF, v15;
	vm3 =	vgt.s32 v18, v3  }
0x125: {  	v6 =	vadd.f32 v6, v7;
	v18 =	vand.u32 $0xFFFF, v16;
	[tilespmem:v19+s19+$0x0] =	vst.idx.add.s32.msk vm4, v1;
	v7 =	vnsel vm3, $0x0, v11  }
0x126: {  	v4 =	vnsel vm5, $0x0, v4;
	vm3 =	vgt.s32 v8, v3;
	[tilespmem:v21+s19+$0x0] =	vst.idx.add.s32.msk vm0, v1;
	vm0 =	vgt.s32 v9, v3  }
0x127: {  	v4 =	vadd.f32 v4, v6;
	v11 =	vnsel vm3, $0x0, v12;
	[tilespmem:v22+s19+$0x0] =	vst.idx.add.s32.msk vm6, v1;
	v5 =	vnsel vm0, $0x0, v5  }
0x128: {  	vm3 =	vgt.s32 v13, v3;
	vm0 =	vgt.s32 v20, v3;
	[tilespmem:v17+s19+$0x0] =	vst.idx.add.s32.msk vm7, v1  }
.Ltmp3:
0x129: {  	v6 =	vadd.f32 v7, v4;
	v8 =	vnsel vm3, $0x0, v15;
	v9 =	vnsel vm0, $0x0, v10;
	[tilespmem:v14+s19+$0x0] =	vst.idx.add.s32.msk vm2, v1;
	(pc) =	sbr.rel @p0 .LBB2_8-.Ltmp3, $4  }
0x12a: {  	vm0 =	vgt.s32 v23, v3;
	[tilespmem:v18+s19+$0x0] =	vst.idx.add.s32.msk vm1, v1  }
0x12b: {  	v10 =	vadd.f32 v5, v6;
	v7 =	vnsel vm0, $0x0, v16;
	v4 =	vld [tilespmem:s25+$0x10]  }
0x12c: {  	s23 =	sshra.s32 s28, $0x2;
	v6 =	vld [tilespmem:s25+$0x0]  }
0x12d: {  	v10 =	vadd.f32 v11, v10;
	v5 =	vld [tilespmem:s25+$0x30]  }
0x12e: {  	v11 =	vld [tilespmem:s25+$0x20]  }
0x12f: {  	v12 =	vld [tilespmem:s25+$0x40]  }
0x130: {  	v16 =	vld [tilespmem:s25+$0x60];
	v9 =	vadd.f32 v9, v10  }
0x131: {  	v10 =	vld [tilespmem:s25+$0x50];
	v13 =	vshrl.u32 v4, $0x10;
	v15 =	vand.u32 $0xFFFF, v4;
	v14 =	vshrl.u32 v6, $0x10  }
0x132: {  	v17 =	vand.u32 $0xFFFF, v6;
	v8 =	vadd.f32 v8, v9;
	vm0 =	veq.s32 v14, v3  }
0x133: {  	v9 =	vld [tilespmem:s25+$0x70];
	vm1 =	veq.s32 v13, v3;
	v19 =	vshrl.u32 v5, $0x10;
	v18 =	vshrl.u32 v11, $0x10  }
0x134: {  	vm2 =	vgt.s32 v14, v3;
	v22 =	vand.u32 $0xFFFF, v5;
	vm3 =	veq.s32 v18, v3  }
0x135: {  	vm4 =	veq.s32 v19, v3;
	v49 =	vand.u32 $0xFFFF, v11;
	v20 =	vshrl.u32 v12, $0x10  }
0x136: {  	v23 =	vshrl.u32 v16, $0x10;
	v21 =	vshrl.u32 v10, $0x10;
	vm5 =	veq.s32 v20, v3  }
0x137: {  	v24 =	vand.u32 $0xFFFF, v12;
	v7 =	vadd.f32 v7, v8;
	vm6 =	veq.s32 v21, v3  }
0x138: {  	vm7 =	veq.s32 v23, v3;
	v50 =	vand.u32 $0xFFFF, v10;
	v25 =	vshrl.u32 v9, $0x10;
	[tilespmem:v17+s19+$0x0] =	vst.idx.add.s32.msk vm0, v1  }
0x139: {  	v8 =	vand.u32 $0xFFFF, v16;
	v6 =	vnsel vm2, $0x0, v6;
	vm15 =	veq.s32 v25, v3;
	[tilespmem:v15+s19+$0x0] =	vst.idx.add.s32.msk vm1, v1  }
0x13a: {  	vm8 =	vgt.s32 v13, v3;
	v6 =	vadd.f32 v6, v7;
	v51 =	vand.u32 $0xFFFF, v9;
	[tilespmem:v49+s19+$0x0] =	vst.idx.add.s32.msk vm3, v1  }
0x13b: {  	v4 =	vnsel vm8, $0x0, v4;
	[tilespmem:v22+s19+$0x0] =	vst.idx.add.s32.msk vm4, v1  }
0x13c: {  	vm9 =	vgt.s32 v18, v3;
	v4 =	vadd.f32 v4, v6;
	[tilespmem:v24+s19+$0x0] =	vst.idx.add.s32.msk vm5, v1  }
0x13d: {  	v6 =	vnsel vm9, $0x0, v11;
	[tilespmem:v50+s19+$0x0] =	vst.idx.add.s32.msk vm6, v1  }
0x13e: {  	vm10 =	vgt.s32 v19, v3;
	v4 =	vadd.f32 v6, v4;
	[tilespmem:v8+s19+$0x0] =	vst.idx.add.s32.msk vm7, v1  }
0x13f: {  	v5 =	vnsel vm10, $0x0, v5;
	[tilespmem:v51+s19+$0x0] =	vst.idx.add.s32.msk vm15, v1  }
0x140: {  	vm11 =	vgt.s32 v20, v3;
	v4 =	vadd.f32 v5, v4;
	v6 =	vld [tilespmem:s24+$0x0]  }
0x141: {  	v5 =	vnsel vm11, $0x0, v12;
	v7 =	vld [tilespmem:s24+$0x10]  }
0x142: {  	vm12 =	vgt.s32 v21, v3;
	v4 =	vadd.f32 v5, v4;
	v8 =	vld [tilespmem:s24+$0x20]  }
0x143: {  	v5 =	vnsel vm12, $0x0, v10;
	v11 =	vld [tilespmem:s24+$0x30]  }
0x144: {  	vm13 =	vgt.s32 v23, v3;
	v4 =	vadd.f32 v5, v4;
	v52 =	vld [tilespmem:s24+$0x40]  }
0x145: {  	vm0 =	vgt.s32 v25, v3;
	v10 =	vnsel vm13, $0x0, v16;
	v5 =	vld [tilespmem:s24+$0x50];
	v53 =	vshrl.u32 v6, $0x10  }
0x146: {  	v56 =	vld [tilespmem:s24+$0x60];
	v4 =	vadd.f32 v10, v4;
	v54 =	vshrl.u32 v7, $0x10;
	vm14 =	veq.s32 v53, v3  }
0x147: {  	v58 =	vld [tilespmem:s24+$0x70];
	v57 =	vand.u32 $0xFFFF, v6;
	v59 =	vshrl.u32 v8, $0x10;
	vm15 =	veq.s32 v54, v3  }
0x148: {  	v55 =	vand.u32 $0xFFFF, v7;
	v10 =	vshrl.u32 v11, $0x10;
	vm9 =	veq.s32 v59, v3  }
0x149: {  	v60 =	vand.u32 $0xFFFF, v8;
	v61 =	vshrl.u32 v52, $0x10;
	vm10 =	veq.s32 v10, v3  }
0x14a: {  	v62 =	vshrl.u32 v5, $0x10;
	v63 =	vand.u32 $0xFFFF, v11;
	vm11 =	veq.s32 v61, v3  }
0x14b: {  	v28 =	vshrl.u32 v56, $0x10;
	v29 =	vand.u32 $0xFFFF, v52;
	vm12 =	veq.s32 v62, v3  }
0x14c: {  	v26 =	vshrl.u32 v58, $0x10;
	v30 =	vand.u32 $0xFFFF, v5;
	vm13 =	veq.s32 v28, v3;
	[tilespmem:v57+s19+$0x0] =	vst.idx.add.s32.msk vm14, v1  }
0x14d: {  	v9 =	vnsel vm0, $0x0, v9;
	v31 =	vand.u32 $0xFFFF, v56;
	vm14 =	veq.s32 v26, v3;
	[tilespmem:v55+s19+$0x0] =	vst.idx.add.s32.msk vm15, v1  }
0x14e: {  	v4 =	vadd.f32 v9, v4;
	v9 =	vand.u32 $0xFFFF, v58;
	vm15 =	vgt.s32 v53, v3;
	[tilespmem:v60+s19+$0x0] =	vst.idx.add.s32.msk vm9, v1  }
0x14f: {  	v6 =	vnsel vm15, $0x0, v6;
	[tilespmem:v63+s19+$0x0] =	vst.idx.add.s32.msk vm10, v1  }
0x150: {  	vm4 =	vgt.s32 v54, v3;
	v4 =	vadd.f32 v6, v4;
	[tilespmem:v29+s19+$0x0] =	vst.idx.add.s32.msk vm11, v1  }
0x151: {  	v6 =	vnsel vm4, $0x0, v7;
	[tilespmem:v30+s19+$0x0] =	vst.idx.add.s32.msk vm12, v1  }
0x152: {  	vm6 =	vgt.s32 v59, v3;
	v4 =	vadd.f32 v6, v4;
	[tilespmem:v31+s19+$0x0] =	vst.idx.add.s32.msk vm13, v1  }
0x153: {  	v6 =	vnsel vm6, $0x0, v8;
	[tilespmem:v9+s19+$0x0] =	vst.idx.add.s32.msk vm14, v1  }
0x154: {  	vm7 =	vgt.s32 v10, v3;
	v4 =	vadd.f32 v6, v4;
	v6 =	vld [tilespmem:s23+$0x10]  }
0x155: {  	v7 =	vnsel vm7, $0x0, v11;
	v8 =	vld [tilespmem:s23+$0x0]  }
0x156: {  	vm8 =	vgt.s32 v61, v3;
	v9 =	vld [tilespmem:s23+$0x20];
	v4 =	vadd.f32 v7, v4  }
0x157: {  	vm9 =	vgt.s32 v62, v3;
	v10 =	vld [tilespmem:s23+$0x30];
	v7 =	vnsel vm8, $0x0, v52  }
0x158: {  	vm10 =	vgt.s32 v28, v3;
	vm11 =	vgt.s32 v26, v3;
	v32 =	vld [tilespmem:s23+$0x40];
	v4 =	vadd.f32 v7, v4  }
0x159: {  	v5 =	vnsel vm9, $0x0, v5;
	v11 =	vnsel vm11, $0x0, v58;
	v36 =	vld [tilespmem:s23+$0x60];
	v7 =	vnsel vm10, $0x0, v56  }
0x15a: {  	v4 =	vadd.f32 v5, v4;
	v5 =	vld [tilespmem:s23+$0x50];
	v33 =	vshrl.u32 v6, $0x10;
	v34 =	vshrl.u32 v8, $0x10  }
0x15b: {  	v35 =	vand.u32 $0xFFFF, v6;
	v37 =	vand.u32 $0xFFFF, v8;
	vm12 =	veq.s32 v34, v3  }
0x15c: {  	v38 =	vshrl.u32 v9, $0x10;
	vm13 =	veq.s32 v33, v3;
	v4 =	vadd.f32 v7, v4;
	v7 =	vld [tilespmem:s23+$0x70]  }
0x15d: {  	v39 =	vshrl.u32 v10, $0x10;
	v40 =	vand.u32 $0xFFFF, v9;
	vm15 =	veq.s32 v38, v3  }
0x15e: {  	v41 =	vshrl.u32 v32, $0x10;
	v43 =	vand.u32 $0xFFFF, v10;
	vm9 =	veq.s32 v39, v3  }
0x15f: {  	v44 =	vshrl.u32 v36, $0x10;
	vm10 =	veq.s32 v41, v3;
	v42 =	vshrl.u32 v5, $0x10  }
0x160: {  	v45 =	vand.u32 $0xFFFF, v32;
	vm14 =	vgt.s32 v34, v3;
	vm11 =	veq.s32 v42, v3  }
0x161: {  	v47 =	vand.u32 $0xFFFF, v5;
	v46 =	vshrl.u32 v7, $0x10;
	[tilespmem:v37+s19+$0x0] =	vst.idx.add.s32.msk vm12, v1;
	vm12 =	veq.s32 v44, v3  }
0x162: {  	v4 =	vadd.f32 v11, v4;
	v11 =	vand.u32 $0xFFFF, v36;
	[tilespmem:v35+s19+$0x0] =	vst.idx.add.s32.msk vm13, v1;
	vm13 =	veq.s32 v46, v3  }
0x163: {  	v8 =	vnsel vm14, $0x0, v8;
	v48 =	vand.u32 $0xFFFF, v7;
	[tilespmem:v40+s19+$0x0] =	vst.idx.add.s32.msk vm15, v1  }
0x164: {  	vm14 =	vgt.s32 v33, v3;
	v4 =	vadd.f32 v8, v4;
	[tilespmem:v43+s19+$0x0] =	vst.idx.add.s32.msk vm9, v1  }
0x165: {  	v6 =	vnsel vm14, $0x0, v6;
	[tilespmem:v45+s19+$0x0] =	vst.idx.add.s32.msk vm10, v1  }
0x166: {  	v4 =	vadd.f32 v6, v4;
	vm15 =	vgt.s32 v38, v3;
	[tilespmem:v47+s19+$0x0] =	vst.idx.add.s32.msk vm11, v1  }
0x167: {  	v6 =	vnsel vm15, $0x0, v9;
	[tilespmem:v11+s19+$0x0] =	vst.idx.add.s32.msk vm12, v1  }
0x168: {  	s30 =	simm.s32 $0x0;
	vm4 =	vgt.s32 v39, v3;
	v4 =	vadd.f32 v6, v4;
	[tilespmem:v48+s19+$0x0] =	vst.idx.add.s32.msk vm13, v1  }
0x169: {  	v6 =	vnsel vm4, $0x0, v10;
	[tilespmem:s30], [sflag:$0x1] =	stream.linear.gather [hbm4b:s8+s30], $0x4000, $0x38;
	[tilespmem:$0x18100] =	vst v63  }
0x16a: {  	vm5 =	vgt.s32 v41, v3;
	v4 =	vadd.f32 v6, v4;
	_ =	swait.ge [sflag:s20], $0x4000  }
0x16b: {  	v6 =	vnsel vm5, $0x0, v32;
	[sflag:s20] =	ssyncset.done $0x0  }
0x16c: {  	s31 =	simm.s32 $0x0;
	vm6 =	vgt.s32 v42, v3;
	v4 =	vadd.f32 v6, v4;
	[sflag:s20] =	ssyncadd.s32 $0xFFFFC000  }
0x16d: {  	v5 =	vnsel vm6, $0x0, v5;
	v6 =	vld [tilespmem:s31+$0x4000]  }
0x16e: {  	vm7 =	vgt.s32 v44, v3;
	v4 =	vadd.f32 v5, v4;
	v5 =	vld [tilespmem:s31+$0x4010]  }
0x16f: {  	v8 =	vnsel vm7, $0x0, v36;
	v9 =	vld [tilespmem:s31+$0x4020]  }
0x170: {  	v4 =	vadd.f32 v8, v4;
	v8 =	vld [tilespmem:s31+$0x4030]  }
0x171: {  	vm8 =	vgt.s32 v46, v3;
	v10 =	vld [tilespmem:s31+$0x4040]  }
0x172: {  	v7 =	vnsel vm8, $0x0, v7  }
0x173: {  	v4 =	vadd.f32 v7, v4;
	v7 =	vld [tilespmem:s31+$0x4050];
	v11 =	vshrl.u32 v6, $0x10  }
0x174: {  	v51 =	vld [tilespmem:s31+$0x4060];
	v49 =	vshrl.u32 v5, $0x10;
	v50 =	vand.u32 $0xFFFF, v5;
	vm9 =	veq.s32 v11, v3  }
0x175: {  	v53 =	vld [tilespmem:s31+$0x4070];
	v52 =	vand.u32 $0xFFFF, v6;
	v54 =	vshrl.u32 v9, $0x10;
	vm10 =	veq.s32 v49, v3  }
0x176: {  	v55 =	vshrl.u32 v8, $0x10;
	v56 =	vshrl.u32 v10, $0x10;
	vm12 =	veq.s32 v54, v3  }
0x177: {  	vm11 =	vgt.s32 v11, v3;
	vm13 =	veq.s32 v55, v3;
	v11 =	vand.u32 $0xFFFF, v9  }
0x178: {  	v58 =	vand.u32 $0xFFFF, v8;
	vm14 =	veq.s32 v56, v3;
	v57 =	vshrl.u32 v7, $0x10  }
0x179: {  	v59 =	vshrl.u32 v51, $0x10;
	v60 =	vand.u32 $0xFFFF, v10;
	vm15 =	veq.s32 v57, v3  }
0x17a: {  	v61 =	vshrl.u32 v53, $0x10;
	vm7 =	veq.s32 v59, v3;
	v62 =	vand.u32 $0xFFFF, v7;
	[tilespmem:v52+s19+$0x0] =	vst.idx.add.s32.msk vm9, v1  }
0x17b: {  	v63 =	vand.u32 $0xFFFF, v51;
	vm8 =	veq.s32 v61, v3;
	v6 =	vnsel vm11, $0x0, v6;
	[tilespmem:v50+s19+$0x0] =	vst.idx.add.s32.msk vm10, v1  }
0x17c: {  	v4 =	vadd.f32 v6, v4;
	vm9 =	vgt.s32 v49, v3;
	[tilespmem:v11+s19+$0x0] =	vst.idx.add.s32.msk vm12, v1;
	v11 =	vand.u32 $0xFFFF, v53  }
0x17d: {  	v5 =	vnsel vm9, $0x0, v5;
	[tilespmem:v58+s19+$0x0] =	vst.idx.add.s32.msk vm13, v1  }
0x17e: {  	vm10 =	vgt.s32 v54, v3;
	v4 =	vadd.f32 v5, v4;
	[tilespmem:v60+s19+$0x0] =	vst.idx.add.s32.msk vm14, v1  }
0x17f: {  	v5 =	vnsel vm10, $0x0, v9;
	[tilespmem:v62+s19+$0x0] =	vst.idx.add.s32.msk vm15, v1  }
0x180: {  	vm11 =	vgt.s32 v55, v3;
	v5 =	vadd.f32 v5, v4;
	[tilespmem:v63+s19+$0x0] =	vst.idx.add.s32.msk vm7, v1  }
0x181: {  	s25 =	simm.s32 $0x80;
	v6 =	vnsel vm11, $0x0, v8;
	vm12 =	vgt.s32 v56, v3;
	[tilespmem:v11+s19+$0x0] =	vst.idx.add.s32.msk vm8, v1  }
0x182: {  	v10 =	vnsel vm12, $0x0, v10;
	vm13 =	vgt.s32 v57, v3;
	v11 =	vadd.f32 v6, v5;
	v4 =	vld [tilespmem:s25+$0x4010]  }
0x183: {  	vm14 =	vgt.s32 v59, v3;
	v9 =	vnsel vm13, $0x0, v7;
	vm15 =	vgt.s32 v61, v3;
	v6 =	vld [tilespmem:s25+$0x4000]  }
0x184: {  	s26 =	simm.s32 $0x800;
	s24 =	simm.s32 $0x100;
	s23 =	simm.s32 $0x180;
	v8 =	vnsel vm14, $0x0, v51;
	v7 =	vnsel vm15, $0x0, v53;
	v5 =	vld [tilespmem:s25+$0x4030];
	v10 =	vadd.f32 v10, v11  }
.LBB2_10:
0x185: {  	p0 =	sne.s32 s26, $0xFE00;
	v11 =	vld [tilespmem:s25+$0x4020];
	s28 =	smov.u32 s26;
	s26 =	sadd.s32 $0x200, s26  }
0x186: {  	v12 =	vld [tilespmem:s25+$0x4040];
	v9 =	vadd.f32 v9, v10  }
0x187: {  	v10 =	vld [tilespmem:s25+$0x4050];
	v13 =	vshrl.u32 v4, $0x10;
	v14 =	vand.u32 $0xFFFF, v4  }
0x188: {  	v15 =	vld [tilespmem:s25+$0x4060];
	v16 =	vshrl.u32 v6, $0x10;
	v17 =	vand.u32 $0xFFFF, v6;
	v8 =	vadd.f32 v8, v9  }
0x189: {  	v9 =	vshrl.u32 v5, $0x10;
	vm1 =	veq.s32 v16, v3;
	vm2 =	vgt.s32 v16, v3  }
0x18a: {  	vm3 =	veq.s32 v13, v3;
	v16 =	vld [tilespmem:s25+$0x4070];
	v18 =	vshrl.u32 v11, $0x10;
	vm0 =	veq.s32 v9, v3;
	s25 =	smov.u32 s24;
	s24 =	smov.u32 s23  }
0x18b: {  	v19 =	vand.u32 $0xFFFF, v11;
	v7 =	vadd.f32 v7, v8;
	vm4 =	veq.s32 v18, v3  }
0x18c: {  	vm5 =	vgt.s32 v13, v3;
	v8 =	vshrl.u32 v12, $0x10;
	v20 =	vshrl.u32 v10, $0x10  }
0x18d: {  	v21 =	vand.u32 $0xFFFF, v5;
	vm6 =	veq.s32 v8, v3;
	v13 =	vshrl.u32 v15, $0x10  }
0x18e: {  	v6 =	vnsel vm2, $0x0, v6;
	v22 =	vand.u32 $0xFFFF, v12;
	vm7 =	veq.s32 v20, v3  }
0x18f: {  	vm2 =	veq.s32 v13, v3;
	v23 =	vshrl.u32 v16, $0x10;
	[tilespmem:v17+s19+$0x0] =	vst.idx.add.s32.msk vm1, v1;
	v17 =	vand.u32 $0xFFFF, v10  }
0x190: {  	vm1 =	veq.s32 v23, v3;
	[tilespmem:v14+s19+$0x0] =	vst.idx.add.s32.msk vm3, v1;
	v14 =	vand.u32 $0xFFFF, v15;
	vm3 =	vgt.s32 v18, v3  }
0x191: {  	v6 =	vadd.f32 v6, v7;
	v18 =	vand.u32 $0xFFFF, v16;
	[tilespmem:v19+s19+$0x0] =	vst.idx.add.s32.msk vm4, v1;
	v7 =	vnsel vm3, $0x0, v11  }
0x192: {  	v4 =	vnsel vm5, $0x0, v4;
	vm3 =	vgt.s32 v8, v3;
	[tilespmem:v21+s19+$0x0] =	vst.idx.add.s32.msk vm0, v1;
	vm0 =	vgt.s32 v9, v3  }
0x193: {  	v4 =	vadd.f32 v4, v6;
	v11 =	vnsel vm3, $0x0, v12;
	[tilespmem:v22+s19+$0x0] =	vst.idx.add.s32.msk vm6, v1;
	v5 =	vnsel vm0, $0x0, v5  }
0x194: {  	vm3 =	vgt.s32 v13, v3;
	vm0 =	vgt.s32 v20, v3;
	[tilespmem:v17+s19+$0x0] =	vst.idx.add.s32.msk vm7, v1  }
.Ltmp4:
0x195: {  	v6 =	vadd.f32 v7, v4;
	v8 =	vnsel vm3, $0x0, v15;
	v9 =	vnsel vm0, $0x0, v10;
	[tilespmem:v14+s19+$0x0] =	vst.idx.add.s32.msk vm2, v1;
	(pc) =	sbr.rel @p0 .LBB2_10-.Ltmp4, $4  }
0x196: {  	vm0 =	vgt.s32 v23, v3;
	[tilespmem:v18+s19+$0x0] =	vst.idx.add.s32.msk vm1, v1  }
0x197: {  	v10 =	vadd.f32 v5, v6;
	v7 =	vnsel vm0, $0x0, v16;
	v4 =	vld [tilespmem:s25+$0x4010]  }
0x198: {  	s23 =	sshra.s32 s28, $0x2;
	v6 =	vld [tilespmem:s25+$0x4000]  }
0x199: {  	v10 =	vadd.f32 v11, v10;
	v5 =	vld [tilespmem:s25+$0x4030]  }
0x19a: {  	v11 =	vld [tilespmem:s25+$0x4020]  }
0x19b: {  	v12 =	vld [tilespmem:s25+$0x4040]  }
0x19c: {  	v16 =	vld [tilespmem:s25+$0x4060];
	v9 =	vadd.f32 v9, v10  }
0x19d: {  	v10 =	vld [tilespmem:s25+$0x4050];
	v13 =	vshrl.u32 v4, $0x10;
	v15 =	vand.u32 $0xFFFF, v4;
	v14 =	vshrl.u32 v6, $0x10  }
0x19e: {  	v17 =	vand.u32 $0xFFFF, v6;
	v8 =	vadd.f32 v8, v9;
	vm0 =	veq.s32 v14, v3  }
0x19f: {  	v9 =	vld [tilespmem:s25+$0x4070];
	vm1 =	veq.s32 v13, v3;
	v19 =	vshrl.u32 v5, $0x10;
	v18 =	vshrl.u32 v11, $0x10  }
0x1a0: {  	vm2 =	vgt.s32 v14, v3;
	v22 =	vand.u32 $0xFFFF, v5;
	vm3 =	veq.s32 v18, v3  }
0x1a1: {  	vm4 =	veq.s32 v19, v3;
	v49 =	vand.u32 $0xFFFF, v11;
	v20 =	vshrl.u32 v12, $0x10  }
0x1a2: {  	v23 =	vshrl.u32 v16, $0x10;
	v21 =	vshrl.u32 v10, $0x10;
	vm5 =	veq.s32 v20, v3  }
0x1a3: {  	v24 =	vand.u32 $0xFFFF, v12;
	v7 =	vadd.f32 v7, v8;
	vm6 =	veq.s32 v21, v3  }
0x1a4: {  	vm7 =	veq.s32 v23, v3;
	v50 =	vand.u32 $0xFFFF, v10;
	v25 =	vshrl.u32 v9, $0x10;
	[tilespmem:v17+s19+$0x0] =	vst.idx.add.s32.msk vm0, v1  }
0x1a5: {  	v8 =	vand.u32 $0xFFFF, v16;
	v6 =	vnsel vm2, $0x0, v6;
	vm15 =	veq.s32 v25, v3;
	[tilespmem:v15+s19+$0x0] =	vst.idx.add.s32.msk vm1, v1  }
0x1a6: {  	vm8 =	vgt.s32 v13, v3;
	v6 =	vadd.f32 v6, v7;
	v51 =	vand.u32 $0xFFFF, v9;
	[tilespmem:v49+s19+$0x0] =	vst.idx.add.s32.msk vm3, v1  }
0x1a7: {  	v4 =	vnsel vm8, $0x0, v4;
	[tilespmem:v22+s19+$0x0] =	vst.idx.add.s32.msk vm4, v1  }
0x1a8: {  	vm9 =	vgt.s32 v18, v3;
	v4 =	vadd.f32 v4, v6;
	[tilespmem:v24+s19+$0x0] =	vst.idx.add.s32.msk vm5, v1  }
0x1a9: {  	v6 =	vnsel vm9, $0x0, v11;
	[tilespmem:v50+s19+$0x0] =	vst.idx.add.s32.msk vm6, v1  }
0x1aa: {  	vm10 =	vgt.s32 v19, v3;
	v4 =	vadd.f32 v6, v4;
	[tilespmem:v8+s19+$0x0] =	vst.idx.add.s32.msk vm7, v1  }
0x1ab: {  	v5 =	vnsel vm10, $0x0, v5;
	[tilespmem:v51+s19+$0x0] =	vst.idx.add.s32.msk vm15, v1  }
0x1ac: {  	vm11 =	vgt.s32 v20, v3;
	v4 =	vadd.f32 v5, v4;
	v6 =	vld [tilespmem:s24+$0x4000]  }
0x1ad: {  	v5 =	vnsel vm11, $0x0, v12;
	v7 =	vld [tilespmem:s24+$0x4010]  }
0x1ae: {  	vm12 =	vgt.s32 v21, v3;
	v4 =	vadd.f32 v5, v4;
	v8 =	vld [tilespmem:s24+$0x4020]  }
0x1af: {  	v5 =	vnsel vm12, $0x0, v10;
	v11 =	vld [tilespmem:s24+$0x4030]  }
0x1b0: {  	vm13 =	vgt.s32 v23, v3;
	v4 =	vadd.f32 v5, v4;
	v52 =	vld [tilespmem:s24+$0x4040]  }
0x1b1: {  	vm0 =	vgt.s32 v25, v3;
	v10 =	vnsel vm13, $0x0, v16;
	v5 =	vld [tilespmem:s24+$0x4050];
	v53 =	vshrl.u32 v6, $0x10  }
0x1b2: {  	v56 =	vld [tilespmem:s24+$0x4060];
	v4 =	vadd.f32 v10, v4;
	v54 =	vshrl.u32 v7, $0x10;
	vm14 =	veq.s32 v53, v3  }
0x1b3: {  	v58 =	vld [tilespmem:s24+$0x4070];
	v57 =	vand.u32 $0xFFFF, v6;
	v59 =	vshrl.u32 v8, $0x10;
	vm15 =	veq.s32 v54, v3  }
0x1b4: {  	v55 =	vand.u32 $0xFFFF, v7;
	v10 =	vshrl.u32 v11, $0x10;
	vm9 =	veq.s32 v59, v3  }
0x1b5: {  	v60 =	vand.u32 $0xFFFF, v8;
	v61 =	vshrl.u32 v52, $0x10;
	vm10 =	veq.s32 v10, v3  }
0x1b6: {  	v62 =	vshrl.u32 v5, $0x10;
	v63 =	vand.u32 $0xFFFF, v11;
	vm11 =	veq.s32 v61, v3  }
0x1b7: {  	v28 =	vshrl.u32 v56, $0x10;
	v29 =	vand.u32 $0xFFFF, v52;
	vm12 =	veq.s32 v62, v3  }
0x1b8: {  	v26 =	vshrl.u32 v58, $0x10;
	v30 =	vand.u32 $0xFFFF, v5;
	vm13 =	veq.s32 v28, v3;
	[tilespmem:v57+s19+$0x0] =	vst.idx.add.s32.msk vm14, v1  }
0x1b9: {  	v9 =	vnsel vm0, $0x0, v9;
	v31 =	vand.u32 $0xFFFF, v56;
	vm14 =	veq.s32 v26, v3;
	[tilespmem:v55+s19+$0x0] =	vst.idx.add.s32.msk vm15, v1  }
0x1ba: {  	v4 =	vadd.f32 v9, v4;
	v9 =	vand.u32 $0xFFFF, v58;
	vm15 =	vgt.s32 v53, v3;
	[tilespmem:v60+s19+$0x0] =	vst.idx.add.s32.msk vm9, v1  }
0x1bb: {  	v6 =	vnsel vm15, $0x0, v6;
	[tilespmem:v63+s19+$0x0] =	vst.idx.add.s32.msk vm10, v1  }
0x1bc: {  	vm4 =	vgt.s32 v54, v3;
	v4 =	vadd.f32 v6, v4;
	[tilespmem:v29+s19+$0x0] =	vst.idx.add.s32.msk vm11, v1  }
0x1bd: {  	v6 =	vnsel vm4, $0x0, v7;
	[tilespmem:v30+s19+$0x0] =	vst.idx.add.s32.msk vm12, v1  }
0x1be: {  	vm6 =	vgt.s32 v59, v3;
	v4 =	vadd.f32 v6, v4;
	[tilespmem:v31+s19+$0x0] =	vst.idx.add.s32.msk vm13, v1  }
0x1bf: {  	v6 =	vnsel vm6, $0x0, v8;
	[tilespmem:v9+s19+$0x0] =	vst.idx.add.s32.msk vm14, v1  }
0x1c0: {  	vm7 =	vgt.s32 v10, v3;
	v4 =	vadd.f32 v6, v4;
	v6 =	vld [tilespmem:s23+$0x4010]  }
0x1c1: {  	v7 =	vnsel vm7, $0x0, v11;
	v8 =	vld [tilespmem:s23+$0x4000]  }
0x1c2: {  	vm8 =	vgt.s32 v61, v3;
	v9 =	vld [tilespmem:s23+$0x4020];
	v4 =	vadd.f32 v7, v4  }
0x1c3: {  	vm9 =	vgt.s32 v62, v3;
	v10 =	vld [tilespmem:s23+$0x4030];
	v7 =	vnsel vm8, $0x0, v52  }
0x1c4: {  	vm10 =	vgt.s32 v28, v3;
	vm11 =	vgt.s32 v26, v3;
	v32 =	vld [tilespmem:s23+$0x4040];
	v4 =	vadd.f32 v7, v4  }
0x1c5: {  	v5 =	vnsel vm9, $0x0, v5;
	v11 =	vnsel vm11, $0x0, v58;
	v36 =	vld [tilespmem:s23+$0x4060];
	v7 =	vnsel vm10, $0x0, v56  }
0x1c6: {  	v4 =	vadd.f32 v5, v4;
	v5 =	vld [tilespmem:s23+$0x4050];
	v33 =	vshrl.u32 v6, $0x10;
	v34 =	vshrl.u32 v8, $0x10  }
0x1c7: {  	v35 =	vand.u32 $0xFFFF, v6;
	v37 =	vand.u32 $0xFFFF, v8;
	vm12 =	veq.s32 v34, v3  }
0x1c8: {  	v38 =	vshrl.u32 v9, $0x10;
	vm13 =	veq.s32 v33, v3;
	v4 =	vadd.f32 v7, v4;
	v7 =	vld [tilespmem:s23+$0x4070]  }
0x1c9: {  	v39 =	vshrl.u32 v10, $0x10;
	v40 =	vand.u32 $0xFFFF, v9;
	vm15 =	veq.s32 v38, v3  }
0x1ca: {  	v41 =	vshrl.u32 v32, $0x10;
	v43 =	vand.u32 $0xFFFF, v10;
	vm9 =	veq.s32 v39, v3  }
0x1cb: {  	v44 =	vshrl.u32 v36, $0x10;
	vm10 =	veq.s32 v41, v3;
	v42 =	vshrl.u32 v5, $0x10  }
0x1cc: {  	v45 =	vand.u32 $0xFFFF, v32;
	vm14 =	vgt.s32 v34, v3;
	vm11 =	veq.s32 v42, v3  }
0x1cd: {  	v47 =	vand.u32 $0xFFFF, v5;
	v46 =	vshrl.u32 v7, $0x10;
	[tilespmem:v37+s19+$0x0] =	vst.idx.add.s32.msk vm12, v1;
	vm12 =	veq.s32 v44, v3  }
0x1ce: {  	v4 =	vadd.f32 v11, v4;
	v11 =	vand.u32 $0xFFFF, v36;
	[tilespmem:v35+s19+$0x0] =	vst.idx.add.s32.msk vm13, v1;
	vm13 =	veq.s32 v46, v3  }
0x1cf: {  	v8 =	vnsel vm14, $0x0, v8;
	v48 =	vand.u32 $0xFFFF, v7;
	[tilespmem:v40+s19+$0x0] =	vst.idx.add.s32.msk vm15, v1  }
0x1d0: {  	vm14 =	vgt.s32 v33, v3;
	v4 =	vadd.f32 v8, v4;
	[tilespmem:v43+s19+$0x0] =	vst.idx.add.s32.msk vm9, v1  }
0x1d1: {  	v6 =	vnsel vm14, $0x0, v6;
	[tilespmem:v45+s19+$0x0] =	vst.idx.add.s32.msk vm10, v1  }
0x1d2: {  	v4 =	vadd.f32 v6, v4;
	vm15 =	vgt.s32 v38, v3;
	[tilespmem:v47+s19+$0x0] =	vst.idx.add.s32.msk vm11, v1  }
0x1d3: {  	v6 =	vnsel vm15, $0x0, v9;
	[tilespmem:v11+s19+$0x0] =	vst.idx.add.s32.msk vm12, v1  }
0x1d4: {  	s30 =	simm.s32 $0x0;
	vm4 =	vgt.s32 v39, v3;
	v4 =	vadd.f32 v6, v4;
	[tilespmem:v48+s19+$0x0] =	vst.idx.add.s32.msk vm13, v1  }
0x1d5: {  	v6 =	vnsel vm4, $0x0, v10;
	[tilespmem:s17], [sflag:$0x2] =	stream.linear.gather [hbm4b:s9+s30], $0x4000, $0x38;
	[tilespmem:$0x18100] =	vst v63  }
0x1d6: {  	vm5 =	vgt.s32 v41, v3;
	v4 =	vadd.f32 v6, v4;
	_ =	swait.ge [sflag:s18], $0x4000  }
0x1d7: {  	v6 =	vnsel vm5, $0x0, v32;
	[sflag:s18] =	ssyncset.done $0x0  }
0x1d8: {  	s31 =	simm.s32 $0x0;
	vm6 =	vgt.s32 v42, v3;
	v4 =	vadd.f32 v6, v4;
	[sflag:s18] =	ssyncadd.s32 $0xFFFFC000  }
0x1d9: {  	v5 =	vnsel vm6, $0x0, v5;
	v6 =	vld [tilespmem:s31+$0x0]  }
0x1da: {  	vm7 =	vgt.s32 v44, v3;
	v4 =	vadd.f32 v5, v4;
	v5 =	vld [tilespmem:s31+$0x10]  }
0x1db: {  	v8 =	vnsel vm7, $0x0, v36;
	v9 =	vld [tilespmem:s31+$0x20]  }
0x1dc: {  	v4 =	vadd.f32 v8, v4;
	v8 =	vld [tilespmem:s31+$0x30]  }
0x1dd: {  	vm8 =	vgt.s32 v46, v3;
	v10 =	vld [tilespmem:s31+$0x40]  }
0x1de: {  	v7 =	vnsel vm8, $0x0, v7  }
0x1df: {  	v4 =	vadd.f32 v7, v4;
	v7 =	vld [tilespmem:s31+$0x50];
	v11 =	vshrl.u32 v6, $0x10  }
0x1e0: {  	v51 =	vld [tilespmem:s31+$0x60];
	v49 =	vshrl.u32 v5, $0x10;
	v50 =	vand.u32 $0xFFFF, v5;
	vm9 =	veq.s32 v11, v3  }
0x1e1: {  	v53 =	vld [tilespmem:s31+$0x70];
	v52 =	vand.u32 $0xFFFF, v6;
	v54 =	vshrl.u32 v9, $0x10;
	vm10 =	veq.s32 v49, v3  }
0x1e2: {  	v55 =	vshrl.u32 v8, $0x10;
	v56 =	vshrl.u32 v10, $0x10;
	vm12 =	veq.s32 v54, v3  }
0x1e3: {  	vm11 =	vgt.s32 v11, v3;
	vm13 =	veq.s32 v55, v3;
	v11 =	vand.u32 $0xFFFF, v9  }
0x1e4: {  	v58 =	vand.u32 $0xFFFF, v8;
	vm14 =	veq.s32 v56, v3;
	v57 =	vshrl.u32 v7, $0x10  }
0x1e5: {  	v59 =	vshrl.u32 v51, $0x10;
	v60 =	vand.u32 $0xFFFF, v10;
	vm15 =	veq.s32 v57, v3  }
0x1e6: {  	v61 =	vshrl.u32 v53, $0x10;
	vm7 =	veq.s32 v59, v3;
	v62 =	vand.u32 $0xFFFF, v7;
	[tilespmem:v52+s19+$0x0] =	vst.idx.add.s32.msk vm9, v1  }
0x1e7: {  	v63 =	vand.u32 $0xFFFF, v51;
	vm8 =	veq.s32 v61, v3;
	v6 =	vnsel vm11, $0x0, v6;
	[tilespmem:v50+s19+$0x0] =	vst.idx.add.s32.msk vm10, v1  }
0x1e8: {  	v4 =	vadd.f32 v6, v4;
	vm9 =	vgt.s32 v49, v3;
	[tilespmem:v11+s19+$0x0] =	vst.idx.add.s32.msk vm12, v1;
	v11 =	vand.u32 $0xFFFF, v53  }
0x1e9: {  	v5 =	vnsel vm9, $0x0, v5;
	[tilespmem:v58+s19+$0x0] =	vst.idx.add.s32.msk vm13, v1  }
0x1ea: {  	vm10 =	vgt.s32 v54, v3;
	v4 =	vadd.f32 v5, v4;
	[tilespmem:v60+s19+$0x0] =	vst.idx.add.s32.msk vm14, v1  }
0x1eb: {  	v5 =	vnsel vm10, $0x0, v9;
	[tilespmem:v62+s19+$0x0] =	vst.idx.add.s32.msk vm15, v1  }
0x1ec: {  	vm11 =	vgt.s32 v55, v3;
	v5 =	vadd.f32 v5, v4;
	[tilespmem:v63+s19+$0x0] =	vst.idx.add.s32.msk vm7, v1  }
0x1ed: {  	s25 =	simm.s32 $0x80;
	v6 =	vnsel vm11, $0x0, v8;
	vm12 =	vgt.s32 v56, v3;
	[tilespmem:v11+s19+$0x0] =	vst.idx.add.s32.msk vm8, v1  }
0x1ee: {  	v10 =	vnsel vm12, $0x0, v10;
	vm13 =	vgt.s32 v57, v3;
	v11 =	vadd.f32 v6, v5;
	v4 =	vld [tilespmem:s25+$0x10]  }
0x1ef: {  	vm14 =	vgt.s32 v59, v3;
	v9 =	vnsel vm13, $0x0, v7;
	vm15 =	vgt.s32 v61, v3;
	v6 =	vld [tilespmem:s25+$0x0]  }
0x1f0: {  	s26 =	simm.s32 $0x800;
	s24 =	simm.s32 $0x100;
	s23 =	simm.s32 $0x180;
	v8 =	vnsel vm14, $0x0, v51;
	v7 =	vnsel vm15, $0x0, v53;
	v5 =	vld [tilespmem:s25+$0x30];
	v10 =	vadd.f32 v10, v11  }
.LBB2_12:
0x1f1: {  	p0 =	sne.s32 s26, $0xFE00;
	v11 =	vld [tilespmem:s25+$0x20];
	s28 =	smov.u32 s26;
	s26 =	sadd.s32 $0x200, s26  }
0x1f2: {  	v12 =	vld [tilespmem:s25+$0x40];
	v9 =	vadd.f32 v9, v10  }
0x1f3: {  	v10 =	vld [tilespmem:s25+$0x50];
	v13 =	vshrl.u32 v4, $0x10;
	v14 =	vand.u32 $0xFFFF, v4  }
0x1f4: {  	v15 =	vld [tilespmem:s25+$0x60];
	v16 =	vshrl.u32 v6, $0x10;
	v17 =	vand.u32 $0xFFFF, v6;
	v8 =	vadd.f32 v8, v9  }
0x1f5: {  	v9 =	vshrl.u32 v5, $0x10;
	vm1 =	veq.s32 v16, v3;
	vm2 =	vgt.s32 v16, v3  }
0x1f6: {  	vm3 =	veq.s32 v13, v3;
	v16 =	vld [tilespmem:s25+$0x70];
	v18 =	vshrl.u32 v11, $0x10;
	vm0 =	veq.s32 v9, v3;
	s25 =	smov.u32 s24;
	s24 =	smov.u32 s23  }
0x1f7: {  	v19 =	vand.u32 $0xFFFF, v11;
	v7 =	vadd.f32 v7, v8;
	vm4 =	veq.s32 v18, v3  }
0x1f8: {  	vm5 =	vgt.s32 v13, v3;
	v8 =	vshrl.u32 v12, $0x10;
	v20 =	vshrl.u32 v10, $0x10  }
0x1f9: {  	v21 =	vand.u32 $0xFFFF, v5;
	vm6 =	veq.s32 v8, v3;
	v13 =	vshrl.u32 v15, $0x10  }
0x1fa: {  	v6 =	vnsel vm2, $0x0, v6;
	v22 =	vand.u32 $0xFFFF, v12;
	vm7 =	veq.s32 v20, v3  }
0x1fb: {  	vm2 =	veq.s32 v13, v3;
	v23 =	vshrl.u32 v16, $0x10;
	[tilespmem:v17+s19+$0x0] =	vst.idx.add.s32.msk vm1, v1;
	v17 =	vand.u32 $0xFFFF, v10  }
0x1fc: {  	vm1 =	veq.s32 v23, v3;
	[tilespmem:v14+s19+$0x0] =	vst.idx.add.s32.msk vm3, v1;
	v14 =	vand.u32 $0xFFFF, v15;
	vm3 =	vgt.s32 v18, v3  }
0x1fd: {  	v6 =	vadd.f32 v6, v7;
	v18 =	vand.u32 $0xFFFF, v16;
	[tilespmem:v19+s19+$0x0] =	vst.idx.add.s32.msk vm4, v1;
	v7 =	vnsel vm3, $0x0, v11  }
0x1fe: {  	v4 =	vnsel vm5, $0x0, v4;
	vm3 =	vgt.s32 v8, v3;
	[tilespmem:v21+s19+$0x0] =	vst.idx.add.s32.msk vm0, v1;
	vm0 =	vgt.s32 v9, v3  }
0x1ff: {  	v4 =	vadd.f32 v4, v6;
	v11 =	vnsel vm3, $0x0, v12;
	[tilespmem:v22+s19+$0x0] =	vst.idx.add.s32.msk vm6, v1;
	v5 =	vnsel vm0, $0x0, v5  }
0x200: {  	vm3 =	vgt.s32 v13, v3;
	vm0 =	vgt.s32 v20, v3;
	[tilespmem:v17+s19+$0x0] =	vst.idx.add.s32.msk vm7, v1  }
.Ltmp5:
0x201: {  	v6 =	vadd.f32 v7, v4;
	v8 =	vnsel vm3, $0x0, v15;
	v9 =	vnsel vm0, $0x0, v10;
	[tilespmem:v14+s19+$0x0] =	vst.idx.add.s32.msk vm2, v1;
	(pc) =	sbr.rel @p0 .LBB2_12-.Ltmp5, $4  }
0x202: {  	vm0 =	vgt.s32 v23, v3;
	[tilespmem:v18+s19+$0x0] =	vst.idx.add.s32.msk vm1, v1  }
0x203: {  	v10 =	vadd.f32 v5, v6;
	v7 =	vnsel vm0, $0x0, v16;
	v4 =	vld [tilespmem:s25+$0x10]  }
0x204: {  	s23 =	sshra.s32 s28, $0x2;
	v6 =	vld [tilespmem:s25+$0x0]  }
0x205: {  	v10 =	vadd.f32 v11, v10;
	v5 =	vld [tilespmem:s25+$0x30]  }
0x206: {  	v11 =	vld [tilespmem:s25+$0x20]  }
0x207: {  	v12 =	vld [tilespmem:s25+$0x40]  }
0x208: {  	v16 =	vld [tilespmem:s25+$0x60];
	v9 =	vadd.f32 v9, v10  }
0x209: {  	v10 =	vld [tilespmem:s25+$0x50];
	v13 =	vshrl.u32 v4, $0x10;
	v15 =	vand.u32 $0xFFFF, v4;
	v14 =	vshrl.u32 v6, $0x10  }
0x20a: {  	v17 =	vand.u32 $0xFFFF, v6;
	v8 =	vadd.f32 v8, v9;
	vm0 =	veq.s32 v14, v3  }
0x20b: {  	v9 =	vld [tilespmem:s25+$0x70];
	vm1 =	veq.s32 v13, v3;
	v19 =	vshrl.u32 v5, $0x10;
	v18 =	vshrl.u32 v11, $0x10  }
0x20c: {  	vm2 =	vgt.s32 v14, v3;
	v22 =	vand.u32 $0xFFFF, v5;
	vm3 =	veq.s32 v18, v3  }
0x20d: {  	vm4 =	veq.s32 v19, v3;
	v49 =	vand.u32 $0xFFFF, v11;
	v20 =	vshrl.u32 v12, $0x10  }
0x20e: {  	v23 =	vshrl.u32 v16, $0x10;
	v21 =	vshrl.u32 v10, $0x10;
	vm5 =	veq.s32 v20, v3  }
0x20f: {  	v24 =	vand.u32 $0xFFFF, v12;
	v7 =	vadd.f32 v7, v8;
	vm6 =	veq.s32 v21, v3  }
0x210: {  	vm7 =	veq.s32 v23, v3;
	v50 =	vand.u32 $0xFFFF, v10;
	v25 =	vshrl.u32 v9, $0x10;
	[tilespmem:v17+s19+$0x0] =	vst.idx.add.s32.msk vm0, v1  }
0x211: {  	v8 =	vand.u32 $0xFFFF, v16;
	v6 =	vnsel vm2, $0x0, v6;
	vm15 =	veq.s32 v25, v3;
	[tilespmem:v15+s19+$0x0] =	vst.idx.add.s32.msk vm1, v1  }
0x212: {  	vm8 =	vgt.s32 v13, v3;
	v6 =	vadd.f32 v6, v7;
	v51 =	vand.u32 $0xFFFF, v9;
	[tilespmem:v49+s19+$0x0] =	vst.idx.add.s32.msk vm3, v1  }
0x213: {  	v4 =	vnsel vm8, $0x0, v4;
	[tilespmem:v22+s19+$0x0] =	vst.idx.add.s32.msk vm4, v1  }
0x214: {  	vm9 =	vgt.s32 v18, v3;
	v4 =	vadd.f32 v4, v6;
	[tilespmem:v24+s19+$0x0] =	vst.idx.add.s32.msk vm5, v1  }
0x215: {  	v6 =	vnsel vm9, $0x0, v11;
	[tilespmem:v50+s19+$0x0] =	vst.idx.add.s32.msk vm6, v1  }
0x216: {  	vm10 =	vgt.s32 v19, v3;
	v4 =	vadd.f32 v6, v4;
	[tilespmem:v8+s19+$0x0] =	vst.idx.add.s32.msk vm7, v1  }
0x217: {  	v5 =	vnsel vm10, $0x0, v5;
	[tilespmem:v51+s19+$0x0] =	vst.idx.add.s32.msk vm15, v1  }
0x218: {  	vm11 =	vgt.s32 v20, v3;
	v4 =	vadd.f32 v5, v4;
	v6 =	vld [tilespmem:s24+$0x0]  }
0x219: {  	v5 =	vnsel vm11, $0x0, v12;
	v7 =	vld [tilespmem:s24+$0x10]  }
0x21a: {  	vm12 =	vgt.s32 v21, v3;
	v4 =	vadd.f32 v5, v4;
	v8 =	vld [tilespmem:s24+$0x20]  }
0x21b: {  	v5 =	vnsel vm12, $0x0, v10;
	v11 =	vld [tilespmem:s24+$0x30]  }
0x21c: {  	vm13 =	vgt.s32 v23, v3;
	v4 =	vadd.f32 v5, v4;
	v52 =	vld [tilespmem:s24+$0x40]  }
0x21d: {  	vm0 =	vgt.s32 v25, v3;
	v10 =	vnsel vm13, $0x0, v16;
	v5 =	vld [tilespmem:s24+$0x50];
	v53 =	vshrl.u32 v6, $0x10  }
0x21e: {  	v56 =	vld [tilespmem:s24+$0x60];
	v4 =	vadd.f32 v10, v4;
	v54 =	vshrl.u32 v7, $0x10;
	vm14 =	veq.s32 v53, v3  }
0x21f: {  	v58 =	vld [tilespmem:s24+$0x70];
	v57 =	vand.u32 $0xFFFF, v6;
	v59 =	vshrl.u32 v8, $0x10;
	vm15 =	veq.s32 v54, v3  }
0x220: {  	v55 =	vand.u32 $0xFFFF, v7;
	v10 =	vshrl.u32 v11, $0x10;
	vm9 =	veq.s32 v59, v3  }
0x221: {  	v60 =	vand.u32 $0xFFFF, v8;
	v61 =	vshrl.u32 v52, $0x10;
	vm10 =	veq.s32 v10, v3  }
0x222: {  	v62 =	vshrl.u32 v5, $0x10;
	v63 =	vand.u32 $0xFFFF, v11;
	vm11 =	veq.s32 v61, v3  }
0x223: {  	v28 =	vshrl.u32 v56, $0x10;
	v29 =	vand.u32 $0xFFFF, v52;
	vm12 =	veq.s32 v62, v3  }
0x224: {  	v26 =	vshrl.u32 v58, $0x10;
	v30 =	vand.u32 $0xFFFF, v5;
	vm13 =	veq.s32 v28, v3;
	[tilespmem:v57+s19+$0x0] =	vst.idx.add.s32.msk vm14, v1  }
0x225: {  	v9 =	vnsel vm0, $0x0, v9;
	v31 =	vand.u32 $0xFFFF, v56;
	vm14 =	veq.s32 v26, v3;
	[tilespmem:v55+s19+$0x0] =	vst.idx.add.s32.msk vm15, v1  }
0x226: {  	v4 =	vadd.f32 v9, v4;
	v9 =	vand.u32 $0xFFFF, v58;
	vm15 =	vgt.s32 v53, v3;
	[tilespmem:v60+s19+$0x0] =	vst.idx.add.s32.msk vm9, v1  }
0x227: {  	v6 =	vnsel vm15, $0x0, v6;
	[tilespmem:v63+s19+$0x0] =	vst.idx.add.s32.msk vm10, v1  }
0x228: {  	vm4 =	vgt.s32 v54, v3;
	v4 =	vadd.f32 v6, v4;
	[tilespmem:v29+s19+$0x0] =	vst.idx.add.s32.msk vm11, v1  }
0x229: {  	v6 =	vnsel vm4, $0x0, v7;
	[tilespmem:v30+s19+$0x0] =	vst.idx.add.s32.msk vm12, v1  }
0x22a: {  	vm6 =	vgt.s32 v59, v3;
	v4 =	vadd.f32 v6, v4;
	[tilespmem:v31+s19+$0x0] =	vst.idx.add.s32.msk vm13, v1  }
0x22b: {  	v6 =	vnsel vm6, $0x0, v8;
	[tilespmem:v9+s19+$0x0] =	vst.idx.add.s32.msk vm14, v1  }
0x22c: {  	vm7 =	vgt.s32 v10, v3;
	v4 =	vadd.f32 v6, v4;
	v6 =	vld [tilespmem:s23+$0x10]  }
0x22d: {  	v7 =	vnsel vm7, $0x0, v11;
	v8 =	vld [tilespmem:s23+$0x0]  }
0x22e: {  	vm8 =	vgt.s32 v61, v3;
	v9 =	vld [tilespmem:s23+$0x20];
	v4 =	vadd.f32 v7, v4  }
0x22f: {  	vm9 =	vgt.s32 v62, v3;
	v10 =	vld [tilespmem:s23+$0x30];
	v7 =	vnsel vm8, $0x0, v52  }
0x230: {  	vm10 =	vgt.s32 v28, v3;
	vm11 =	vgt.s32 v26, v3;
	v32 =	vld [tilespmem:s23+$0x40];
	v4 =	vadd.f32 v7, v4  }
0x231: {  	v5 =	vnsel vm9, $0x0, v5;
	v11 =	vnsel vm11, $0x0, v58;
	v36 =	vld [tilespmem:s23+$0x60];
	v7 =	vnsel vm10, $0x0, v56  }
0x232: {  	v4 =	vadd.f32 v5, v4;
	v5 =	vld [tilespmem:s23+$0x50];
	v33 =	vshrl.u32 v6, $0x10;
	v34 =	vshrl.u32 v8, $0x10  }
0x233: {  	v35 =	vand.u32 $0xFFFF, v6;
	v37 =	vand.u32 $0xFFFF, v8;
	vm12 =	veq.s32 v34, v3  }
0x234: {  	v38 =	vshrl.u32 v9, $0x10;
	vm13 =	veq.s32 v33, v3;
	v4 =	vadd.f32 v7, v4;
	v7 =	vld [tilespmem:s23+$0x70]  }
0x235: {  	v39 =	vshrl.u32 v10, $0x10;
	v40 =	vand.u32 $0xFFFF, v9;
	vm15 =	veq.s32 v38, v3  }
0x236: {  	v41 =	vshrl.u32 v32, $0x10;
	v43 =	vand.u32 $0xFFFF, v10;
	vm9 =	veq.s32 v39, v3  }
0x237: {  	v44 =	vshrl.u32 v36, $0x10;
	vm10 =	veq.s32 v41, v3;
	v42 =	vshrl.u32 v5, $0x10  }
0x238: {  	v45 =	vand.u32 $0xFFFF, v32;
	vm14 =	vgt.s32 v34, v3;
	vm11 =	veq.s32 v42, v3  }
0x239: {  	v47 =	vand.u32 $0xFFFF, v5;
	v46 =	vshrl.u32 v7, $0x10;
	[tilespmem:v37+s19+$0x0] =	vst.idx.add.s32.msk vm12, v1;
	vm12 =	veq.s32 v44, v3  }
0x23a: {  	v4 =	vadd.f32 v11, v4;
	v11 =	vand.u32 $0xFFFF, v36;
	[tilespmem:v35+s19+$0x0] =	vst.idx.add.s32.msk vm13, v1;
	vm13 =	veq.s32 v46, v3  }
0x23b: {  	v8 =	vnsel vm14, $0x0, v8;
	v48 =	vand.u32 $0xFFFF, v7;
	[tilespmem:v40+s19+$0x0] =	vst.idx.add.s32.msk vm15, v1  }
0x23c: {  	vm14 =	vgt.s32 v33, v3;
	v4 =	vadd.f32 v8, v4;
	[tilespmem:v43+s19+$0x0] =	vst.idx.add.s32.msk vm9, v1  }
0x23d: {  	v6 =	vnsel vm14, $0x0, v6;
	[tilespmem:v45+s19+$0x0] =	vst.idx.add.s32.msk vm10, v1  }
0x23e: {  	v4 =	vadd.f32 v6, v4;
	vm15 =	vgt.s32 v38, v3;
	[tilespmem:v47+s19+$0x0] =	vst.idx.add.s32.msk vm11, v1  }
0x23f: {  	v6 =	vnsel vm15, $0x0, v9;
	[tilespmem:v11+s19+$0x0] =	vst.idx.add.s32.msk vm12, v1  }
0x240: {  	s30 =	simm.s32 $0x0;
	vm4 =	vgt.s32 v39, v3;
	v4 =	vadd.f32 v6, v4;
	[tilespmem:v48+s19+$0x0] =	vst.idx.add.s32.msk vm13, v1  }
0x241: {  	v6 =	vnsel vm4, $0x0, v10;
	[tilespmem:s30], [sflag:$0x1] =	stream.linear.gather [hbm4b:s10+s30], $0x4000, $0x38;
	[tilespmem:$0x18100] =	vst v63  }
0x242: {  	vm5 =	vgt.s32 v41, v3;
	v4 =	vadd.f32 v6, v4;
	_ =	swait.ge [sflag:s20], $0x4000  }
0x243: {  	v6 =	vnsel vm5, $0x0, v32;
	[sflag:s20] =	ssyncset.done $0x0  }
0x244: {  	s31 =	simm.s32 $0x0;
	vm6 =	vgt.s32 v42, v3;
	v4 =	vadd.f32 v6, v4;
	[sflag:s20] =	ssyncadd.s32 $0xFFFFC000  }
0x245: {  	v5 =	vnsel vm6, $0x0, v5;
	v6 =	vld [tilespmem:s31+$0x4000]  }
0x246: {  	vm7 =	vgt.s32 v44, v3;
	v4 =	vadd.f32 v5, v4;
	v5 =	vld [tilespmem:s31+$0x4010]  }
0x247: {  	v8 =	vnsel vm7, $0x0, v36;
	v9 =	vld [tilespmem:s31+$0x4020]  }
0x248: {  	v4 =	vadd.f32 v8, v4;
	v8 =	vld [tilespmem:s31+$0x4030]  }
0x249: {  	vm8 =	vgt.s32 v46, v3;
	v10 =	vld [tilespmem:s31+$0x4040]  }
0x24a: {  	v7 =	vnsel vm8, $0x0, v7  }
0x24b: {  	v4 =	vadd.f32 v7, v4;
	v7 =	vld [tilespmem:s31+$0x4050];
	v11 =	vshrl.u32 v6, $0x10  }
0x24c: {  	v51 =	vld [tilespmem:s31+$0x4060];
	v49 =	vshrl.u32 v5, $0x10;
	v50 =	vand.u32 $0xFFFF, v5;
	vm9 =	veq.s32 v11, v3  }
0x24d: {  	v53 =	vld [tilespmem:s31+$0x4070];
	v52 =	vand.u32 $0xFFFF, v6;
	v54 =	vshrl.u32 v9, $0x10;
	vm10 =	veq.s32 v49, v3  }
0x24e: {  	v55 =	vshrl.u32 v8, $0x10;
	v56 =	vshrl.u32 v10, $0x10;
	vm12 =	veq.s32 v54, v3  }
0x24f: {  	vm11 =	vgt.s32 v11, v3;
	vm13 =	veq.s32 v55, v3;
	v11 =	vand.u32 $0xFFFF, v9  }
0x250: {  	v58 =	vand.u32 $0xFFFF, v8;
	vm14 =	veq.s32 v56, v3;
	v57 =	vshrl.u32 v7, $0x10  }
0x251: {  	v59 =	vshrl.u32 v51, $0x10;
	v60 =	vand.u32 $0xFFFF, v10;
	vm15 =	veq.s32 v57, v3  }
0x252: {  	v61 =	vshrl.u32 v53, $0x10;
	vm7 =	veq.s32 v59, v3;
	v62 =	vand.u32 $0xFFFF, v7;
	[tilespmem:v52+s19+$0x0] =	vst.idx.add.s32.msk vm9, v1  }
0x253: {  	v63 =	vand.u32 $0xFFFF, v51;
	vm8 =	veq.s32 v61, v3;
	v6 =	vnsel vm11, $0x0, v6;
	[tilespmem:v50+s19+$0x0] =	vst.idx.add.s32.msk vm10, v1  }
0x254: {  	v4 =	vadd.f32 v6, v4;
	vm9 =	vgt.s32 v49, v3;
	[tilespmem:v11+s19+$0x0] =	vst.idx.add.s32.msk vm12, v1;
	v11 =	vand.u32 $0xFFFF, v53  }
0x255: {  	v5 =	vnsel vm9, $0x0, v5;
	[tilespmem:v58+s19+$0x0] =	vst.idx.add.s32.msk vm13, v1  }
0x256: {  	vm10 =	vgt.s32 v54, v3;
	v4 =	vadd.f32 v5, v4;
	[tilespmem:v60+s19+$0x0] =	vst.idx.add.s32.msk vm14, v1  }
0x257: {  	v5 =	vnsel vm10, $0x0, v9;
	[tilespmem:v62+s19+$0x0] =	vst.idx.add.s32.msk vm15, v1  }
0x258: {  	vm11 =	vgt.s32 v55, v3;
	v5 =	vadd.f32 v5, v4;
	[tilespmem:v63+s19+$0x0] =	vst.idx.add.s32.msk vm7, v1  }
0x259: {  	s25 =	simm.s32 $0x80;
	v6 =	vnsel vm11, $0x0, v8;
	vm12 =	vgt.s32 v56, v3;
	[tilespmem:v11+s19+$0x0] =	vst.idx.add.s32.msk vm8, v1  }
0x25a: {  	v10 =	vnsel vm12, $0x0, v10;
	vm13 =	vgt.s32 v57, v3;
	v11 =	vadd.f32 v6, v5;
	v4 =	vld [tilespmem:s25+$0x4010]  }
0x25b: {  	vm14 =	vgt.s32 v59, v3;
	v9 =	vnsel vm13, $0x0, v7;
	vm15 =	vgt.s32 v61, v3;
	v6 =	vld [tilespmem:s25+$0x4000]  }
0x25c: {  	s26 =	simm.s32 $0x800;
	s24 =	simm.s32 $0x100;
	s23 =	simm.s32 $0x180;
	v8 =	vnsel vm14, $0x0, v51;
	v7 =	vnsel vm15, $0x0, v53;
	v5 =	vld [tilespmem:s25+$0x4030];
	v10 =	vadd.f32 v10, v11  }
.LBB2_14:
0x25d: {  	p0 =	sne.s32 s26, $0xFE00;
	v11 =	vld [tilespmem:s25+$0x4020];
	s28 =	smov.u32 s26;
	s26 =	sadd.s32 $0x200, s26  }
0x25e: {  	v12 =	vld [tilespmem:s25+$0x4040];
	v9 =	vadd.f32 v9, v10  }
0x25f: {  	v10 =	vld [tilespmem:s25+$0x4050];
	v13 =	vshrl.u32 v4, $0x10;
	v14 =	vand.u32 $0xFFFF, v4  }
0x260: {  	v15 =	vld [tilespmem:s25+$0x4060];
	v16 =	vshrl.u32 v6, $0x10;
	v17 =	vand.u32 $0xFFFF, v6;
	v8 =	vadd.f32 v8, v9  }
0x261: {  	v9 =	vshrl.u32 v5, $0x10;
	vm1 =	veq.s32 v16, v3;
	vm2 =	vgt.s32 v16, v3  }
0x262: {  	vm3 =	veq.s32 v13, v3;
	v16 =	vld [tilespmem:s25+$0x4070];
	v18 =	vshrl.u32 v11, $0x10;
	vm0 =	veq.s32 v9, v3;
	s25 =	smov.u32 s24;
	s24 =	smov.u32 s23  }
0x263: {  	v19 =	vand.u32 $0xFFFF, v11;
	v7 =	vadd.f32 v7, v8;
	vm4 =	veq.s32 v18, v3  }
0x264: {  	vm5 =	vgt.s32 v13, v3;
	v8 =	vshrl.u32 v12, $0x10;
	v20 =	vshrl.u32 v10, $0x10  }
0x265: {  	v21 =	vand.u32 $0xFFFF, v5;
	vm6 =	veq.s32 v8, v3;
	v13 =	vshrl.u32 v15, $0x10  }
0x266: {  	v6 =	vnsel vm2, $0x0, v6;
	v22 =	vand.u32 $0xFFFF, v12;
	vm7 =	veq.s32 v20, v3  }
0x267: {  	vm2 =	veq.s32 v13, v3;
	v23 =	vshrl.u32 v16, $0x10;
	[tilespmem:v17+s19+$0x0] =	vst.idx.add.s32.msk vm1, v1;
	v17 =	vand.u32 $0xFFFF, v10  }
0x268: {  	vm1 =	veq.s32 v23, v3;
	[tilespmem:v14+s19+$0x0] =	vst.idx.add.s32.msk vm3, v1;
	v14 =	vand.u32 $0xFFFF, v15;
	vm3 =	vgt.s32 v18, v3  }
0x269: {  	v6 =	vadd.f32 v6, v7;
	v18 =	vand.u32 $0xFFFF, v16;
	[tilespmem:v19+s19+$0x0] =	vst.idx.add.s32.msk vm4, v1;
	v7 =	vnsel vm3, $0x0, v11  }
0x26a: {  	v4 =	vnsel vm5, $0x0, v4;
	vm3 =	vgt.s32 v8, v3;
	[tilespmem:v21+s19+$0x0] =	vst.idx.add.s32.msk vm0, v1;
	vm0 =	vgt.s32 v9, v3  }
0x26b: {  	v4 =	vadd.f32 v4, v6;
	v11 =	vnsel vm3, $0x0, v12;
	[tilespmem:v22+s19+$0x0] =	vst.idx.add.s32.msk vm6, v1;
	v5 =	vnsel vm0, $0x0, v5  }
0x26c: {  	vm3 =	vgt.s32 v13, v3;
	vm0 =	vgt.s32 v20, v3;
	[tilespmem:v17+s19+$0x0] =	vst.idx.add.s32.msk vm7, v1  }
.Ltmp6:
0x26d: {  	v6 =	vadd.f32 v7, v4;
	v8 =	vnsel vm3, $0x0, v15;
	v9 =	vnsel vm0, $0x0, v10;
	[tilespmem:v14+s19+$0x0] =	vst.idx.add.s32.msk vm2, v1;
	(pc) =	sbr.rel @p0 .LBB2_14-.Ltmp6, $4  }
0x26e: {  	vm0 =	vgt.s32 v23, v3;
	[tilespmem:v18+s19+$0x0] =	vst.idx.add.s32.msk vm1, v1  }
0x26f: {  	v10 =	vadd.f32 v5, v6;
	v7 =	vnsel vm0, $0x0, v16;
	v4 =	vld [tilespmem:s25+$0x4010]  }
0x270: {  	s23 =	sshra.s32 s28, $0x2;
	v6 =	vld [tilespmem:s25+$0x4000]  }
0x271: {  	v10 =	vadd.f32 v11, v10;
	v5 =	vld [tilespmem:s25+$0x4030]  }
0x272: {  	v11 =	vld [tilespmem:s25+$0x4020]  }
0x273: {  	v12 =	vld [tilespmem:s25+$0x4040]  }
0x274: {  	v16 =	vld [tilespmem:s25+$0x4060];
	v9 =	vadd.f32 v9, v10  }
0x275: {  	v10 =	vld [tilespmem:s25+$0x4050];
	v13 =	vshrl.u32 v4, $0x10;
	v15 =	vand.u32 $0xFFFF, v4;
	v14 =	vshrl.u32 v6, $0x10  }
0x276: {  	v17 =	vand.u32 $0xFFFF, v6;
	v8 =	vadd.f32 v8, v9;
	vm0 =	veq.s32 v14, v3  }
0x277: {  	v9 =	vld [tilespmem:s25+$0x4070];
	vm1 =	veq.s32 v13, v3;
	v19 =	vshrl.u32 v5, $0x10;
	v18 =	vshrl.u32 v11, $0x10  }
0x278: {  	vm2 =	vgt.s32 v14, v3;
	v22 =	vand.u32 $0xFFFF, v5;
	vm3 =	veq.s32 v18, v3  }
0x279: {  	vm4 =	veq.s32 v19, v3;
	v49 =	vand.u32 $0xFFFF, v11;
	v20 =	vshrl.u32 v12, $0x10  }
0x27a: {  	v23 =	vshrl.u32 v16, $0x10;
	v21 =	vshrl.u32 v10, $0x10;
	vm5 =	veq.s32 v20, v3  }
0x27b: {  	v24 =	vand.u32 $0xFFFF, v12;
	v7 =	vadd.f32 v7, v8;
	vm6 =	veq.s32 v21, v3  }
0x27c: {  	vm7 =	veq.s32 v23, v3;
	v50 =	vand.u32 $0xFFFF, v10;
	v25 =	vshrl.u32 v9, $0x10;
	[tilespmem:v17+s19+$0x0] =	vst.idx.add.s32.msk vm0, v1  }
0x27d: {  	v8 =	vand.u32 $0xFFFF, v16;
	v6 =	vnsel vm2, $0x0, v6;
	vm15 =	veq.s32 v25, v3;
	[tilespmem:v15+s19+$0x0] =	vst.idx.add.s32.msk vm1, v1  }
0x27e: {  	vm8 =	vgt.s32 v13, v3;
	v6 =	vadd.f32 v6, v7;
	v51 =	vand.u32 $0xFFFF, v9;
	[tilespmem:v49+s19+$0x0] =	vst.idx.add.s32.msk vm3, v1  }
0x27f: {  	v4 =	vnsel vm8, $0x0, v4;
	[tilespmem:v22+s19+$0x0] =	vst.idx.add.s32.msk vm4, v1  }
0x280: {  	vm9 =	vgt.s32 v18, v3;
	v4 =	vadd.f32 v4, v6;
	[tilespmem:v24+s19+$0x0] =	vst.idx.add.s32.msk vm5, v1  }
0x281: {  	v6 =	vnsel vm9, $0x0, v11;
	[tilespmem:v50+s19+$0x0] =	vst.idx.add.s32.msk vm6, v1  }
0x282: {  	vm10 =	vgt.s32 v19, v3;
	v4 =	vadd.f32 v6, v4;
	[tilespmem:v8+s19+$0x0] =	vst.idx.add.s32.msk vm7, v1  }
0x283: {  	v5 =	vnsel vm10, $0x0, v5;
	[tilespmem:v51+s19+$0x0] =	vst.idx.add.s32.msk vm15, v1  }
0x284: {  	vm11 =	vgt.s32 v20, v3;
	v4 =	vadd.f32 v5, v4;
	v6 =	vld [tilespmem:s24+$0x4000]  }
0x285: {  	v5 =	vnsel vm11, $0x0, v12;
	v7 =	vld [tilespmem:s24+$0x4010]  }
0x286: {  	vm12 =	vgt.s32 v21, v3;
	v4 =	vadd.f32 v5, v4;
	v8 =	vld [tilespmem:s24+$0x4020]  }
0x287: {  	v5 =	vnsel vm12, $0x0, v10;
	v11 =	vld [tilespmem:s24+$0x4030]  }
0x288: {  	vm13 =	vgt.s32 v23, v3;
	v4 =	vadd.f32 v5, v4;
	v52 =	vld [tilespmem:s24+$0x4040]  }
0x289: {  	vm0 =	vgt.s32 v25, v3;
	v10 =	vnsel vm13, $0x0, v16;
	v5 =	vld [tilespmem:s24+$0x4050];
	v53 =	vshrl.u32 v6, $0x10  }
0x28a: {  	v56 =	vld [tilespmem:s24+$0x4060];
	v4 =	vadd.f32 v10, v4;
	v54 =	vshrl.u32 v7, $0x10;
	vm14 =	veq.s32 v53, v3  }
0x28b: {  	v58 =	vld [tilespmem:s24+$0x4070];
	v57 =	vand.u32 $0xFFFF, v6;
	v59 =	vshrl.u32 v8, $0x10;
	vm15 =	veq.s32 v54, v3  }
0x28c: {  	v55 =	vand.u32 $0xFFFF, v7;
	v10 =	vshrl.u32 v11, $0x10;
	vm9 =	veq.s32 v59, v3  }
0x28d: {  	v60 =	vand.u32 $0xFFFF, v8;
	v61 =	vshrl.u32 v52, $0x10;
	vm10 =	veq.s32 v10, v3  }
0x28e: {  	v62 =	vshrl.u32 v5, $0x10;
	v63 =	vand.u32 $0xFFFF, v11;
	vm11 =	veq.s32 v61, v3  }
0x28f: {  	v28 =	vshrl.u32 v56, $0x10;
	v29 =	vand.u32 $0xFFFF, v52;
	vm12 =	veq.s32 v62, v3  }
0x290: {  	v26 =	vshrl.u32 v58, $0x10;
	v30 =	vand.u32 $0xFFFF, v5;
	vm13 =	veq.s32 v28, v3;
	[tilespmem:v57+s19+$0x0] =	vst.idx.add.s32.msk vm14, v1  }
0x291: {  	v9 =	vnsel vm0, $0x0, v9;
	v31 =	vand.u32 $0xFFFF, v56;
	vm14 =	veq.s32 v26, v3;
	[tilespmem:v55+s19+$0x0] =	vst.idx.add.s32.msk vm15, v1  }
0x292: {  	v4 =	vadd.f32 v9, v4;
	v9 =	vand.u32 $0xFFFF, v58;
	vm15 =	vgt.s32 v53, v3;
	[tilespmem:v60+s19+$0x0] =	vst.idx.add.s32.msk vm9, v1  }
0x293: {  	v6 =	vnsel vm15, $0x0, v6;
	[tilespmem:v63+s19+$0x0] =	vst.idx.add.s32.msk vm10, v1  }
0x294: {  	vm4 =	vgt.s32 v54, v3;
	v4 =	vadd.f32 v6, v4;
	[tilespmem:v29+s19+$0x0] =	vst.idx.add.s32.msk vm11, v1  }
0x295: {  	v6 =	vnsel vm4, $0x0, v7;
	[tilespmem:v30+s19+$0x0] =	vst.idx.add.s32.msk vm12, v1  }
0x296: {  	vm6 =	vgt.s32 v59, v3;
	v4 =	vadd.f32 v6, v4;
	[tilespmem:v31+s19+$0x0] =	vst.idx.add.s32.msk vm13, v1  }
0x297: {  	v6 =	vnsel vm6, $0x0, v8;
	[tilespmem:v9+s19+$0x0] =	vst.idx.add.s32.msk vm14, v1  }
0x298: {  	vm7 =	vgt.s32 v10, v3;
	v4 =	vadd.f32 v6, v4;
	v6 =	vld [tilespmem:s23+$0x4010]  }
0x299: {  	v7 =	vnsel vm7, $0x0, v11;
	v8 =	vld [tilespmem:s23+$0x4000]  }
0x29a: {  	vm8 =	vgt.s32 v61, v3;
	v9 =	vld [tilespmem:s23+$0x4020];
	v4 =	vadd.f32 v7, v4  }
0x29b: {  	vm9 =	vgt.s32 v62, v3;
	v10 =	vld [tilespmem:s23+$0x4030];
	v7 =	vnsel vm8, $0x0, v52  }
0x29c: {  	vm10 =	vgt.s32 v28, v3;
	vm11 =	vgt.s32 v26, v3;
	v32 =	vld [tilespmem:s23+$0x4040];
	v4 =	vadd.f32 v7, v4  }
0x29d: {  	v5 =	vnsel vm9, $0x0, v5;
	v11 =	vnsel vm11, $0x0, v58;
	v36 =	vld [tilespmem:s23+$0x4060];
	v7 =	vnsel vm10, $0x0, v56  }
0x29e: {  	v4 =	vadd.f32 v5, v4;
	v5 =	vld [tilespmem:s23+$0x4050];
	v33 =	vshrl.u32 v6, $0x10;
	v34 =	vshrl.u32 v8, $0x10  }
0x29f: {  	v35 =	vand.u32 $0xFFFF, v6;
	v37 =	vand.u32 $0xFFFF, v8;
	vm12 =	veq.s32 v34, v3  }
0x2a0: {  	v38 =	vshrl.u32 v9, $0x10;
	vm13 =	veq.s32 v33, v3;
	v4 =	vadd.f32 v7, v4;
	v7 =	vld [tilespmem:s23+$0x4070]  }
0x2a1: {  	v39 =	vshrl.u32 v10, $0x10;
	v40 =	vand.u32 $0xFFFF, v9;
	vm15 =	veq.s32 v38, v3  }
0x2a2: {  	v41 =	vshrl.u32 v32, $0x10;
	v43 =	vand.u32 $0xFFFF, v10;
	vm9 =	veq.s32 v39, v3  }
0x2a3: {  	v44 =	vshrl.u32 v36, $0x10;
	vm10 =	veq.s32 v41, v3;
	v42 =	vshrl.u32 v5, $0x10  }
0x2a4: {  	v45 =	vand.u32 $0xFFFF, v32;
	vm14 =	vgt.s32 v34, v3;
	vm11 =	veq.s32 v42, v3  }
0x2a5: {  	v47 =	vand.u32 $0xFFFF, v5;
	v46 =	vshrl.u32 v7, $0x10;
	[tilespmem:v37+s19+$0x0] =	vst.idx.add.s32.msk vm12, v1;
	vm12 =	veq.s32 v44, v3  }
0x2a6: {  	v4 =	vadd.f32 v11, v4;
	v11 =	vand.u32 $0xFFFF, v36;
	[tilespmem:v35+s19+$0x0] =	vst.idx.add.s32.msk vm13, v1;
	vm13 =	veq.s32 v46, v3  }
0x2a7: {  	v8 =	vnsel vm14, $0x0, v8;
	v48 =	vand.u32 $0xFFFF, v7;
	[tilespmem:v40+s19+$0x0] =	vst.idx.add.s32.msk vm15, v1  }
0x2a8: {  	vm14 =	vgt.s32 v33, v3;
	v4 =	vadd.f32 v8, v4;
	[tilespmem:v43+s19+$0x0] =	vst.idx.add.s32.msk vm9, v1  }
0x2a9: {  	v6 =	vnsel vm14, $0x0, v6;
	[tilespmem:v45+s19+$0x0] =	vst.idx.add.s32.msk vm10, v1  }
0x2aa: {  	v4 =	vadd.f32 v6, v4;
	vm15 =	vgt.s32 v38, v3;
	[tilespmem:v47+s19+$0x0] =	vst.idx.add.s32.msk vm11, v1  }
0x2ab: {  	v6 =	vnsel vm15, $0x0, v9;
	[tilespmem:v11+s19+$0x0] =	vst.idx.add.s32.msk vm12, v1  }
0x2ac: {  	s30 =	simm.s32 $0x0;
	vm4 =	vgt.s32 v39, v3;
	v4 =	vadd.f32 v6, v4;
	[tilespmem:v48+s19+$0x0] =	vst.idx.add.s32.msk vm13, v1  }
0x2ad: {  	v6 =	vnsel vm4, $0x0, v10;
	[tilespmem:s17], [sflag:$0x2] =	stream.linear.gather [hbm4b:s11+s30], $0x4000, $0x38;
	[tilespmem:$0x18100] =	vst v63  }
0x2ae: {  	vm5 =	vgt.s32 v41, v3;
	v4 =	vadd.f32 v6, v4;
	_ =	swait.ge [sflag:s18], $0x4000  }
0x2af: {  	v6 =	vnsel vm5, $0x0, v32;
	[sflag:s18] =	ssyncset.done $0x0  }
0x2b0: {  	s31 =	simm.s32 $0x0;
	vm6 =	vgt.s32 v42, v3;
	v4 =	vadd.f32 v6, v4;
	[sflag:s18] =	ssyncadd.s32 $0xFFFFC000  }
0x2b1: {  	v5 =	vnsel vm6, $0x0, v5;
	v6 =	vld [tilespmem:s31+$0x0]  }
0x2b2: {  	vm7 =	vgt.s32 v44, v3;
	v4 =	vadd.f32 v5, v4;
	v5 =	vld [tilespmem:s31+$0x10]  }
0x2b3: {  	v8 =	vnsel vm7, $0x0, v36;
	v9 =	vld [tilespmem:s31+$0x20]  }
0x2b4: {  	v4 =	vadd.f32 v8, v4;
	v8 =	vld [tilespmem:s31+$0x30]  }
0x2b5: {  	vm8 =	vgt.s32 v46, v3;
	v10 =	vld [tilespmem:s31+$0x40]  }
0x2b6: {  	v7 =	vnsel vm8, $0x0, v7  }
0x2b7: {  	v4 =	vadd.f32 v7, v4;
	v7 =	vld [tilespmem:s31+$0x50];
	v11 =	vshrl.u32 v6, $0x10  }
0x2b8: {  	v51 =	vld [tilespmem:s31+$0x60];
	v49 =	vshrl.u32 v5, $0x10;
	v50 =	vand.u32 $0xFFFF, v5;
	vm9 =	veq.s32 v11, v3  }
0x2b9: {  	v53 =	vld [tilespmem:s31+$0x70];
	v52 =	vand.u32 $0xFFFF, v6;
	v54 =	vshrl.u32 v9, $0x10;
	vm10 =	veq.s32 v49, v3  }
0x2ba: {  	v55 =	vshrl.u32 v8, $0x10;
	v56 =	vshrl.u32 v10, $0x10;
	vm12 =	veq.s32 v54, v3  }
0x2bb: {  	vm11 =	vgt.s32 v11, v3;
	vm13 =	veq.s32 v55, v3;
	v11 =	vand.u32 $0xFFFF, v9  }
0x2bc: {  	v58 =	vand.u32 $0xFFFF, v8;
	vm14 =	veq.s32 v56, v3;
	v57 =	vshrl.u32 v7, $0x10  }
0x2bd: {  	v59 =	vshrl.u32 v51, $0x10;
	v60 =	vand.u32 $0xFFFF, v10;
	vm15 =	veq.s32 v57, v3  }
0x2be: {  	v61 =	vshrl.u32 v53, $0x10;
	vm7 =	veq.s32 v59, v3;
	v62 =	vand.u32 $0xFFFF, v7;
	[tilespmem:v52+s19+$0x0] =	vst.idx.add.s32.msk vm9, v1  }
0x2bf: {  	v63 =	vand.u32 $0xFFFF, v51;
	vm8 =	veq.s32 v61, v3;
	v6 =	vnsel vm11, $0x0, v6;
	[tilespmem:v50+s19+$0x0] =	vst.idx.add.s32.msk vm10, v1  }
0x2c0: {  	v4 =	vadd.f32 v6, v4;
	vm9 =	vgt.s32 v49, v3;
	[tilespmem:v11+s19+$0x0] =	vst.idx.add.s32.msk vm12, v1;
	v11 =	vand.u32 $0xFFFF, v53  }
0x2c1: {  	v5 =	vnsel vm9, $0x0, v5;
	[tilespmem:v58+s19+$0x0] =	vst.idx.add.s32.msk vm13, v1  }
0x2c2: {  	vm10 =	vgt.s32 v54, v3;
	v4 =	vadd.f32 v5, v4;
	[tilespmem:v60+s19+$0x0] =	vst.idx.add.s32.msk vm14, v1  }
0x2c3: {  	v5 =	vnsel vm10, $0x0, v9;
	[tilespmem:v62+s19+$0x0] =	vst.idx.add.s32.msk vm15, v1  }
0x2c4: {  	vm11 =	vgt.s32 v55, v3;
	v5 =	vadd.f32 v5, v4;
	[tilespmem:v63+s19+$0x0] =	vst.idx.add.s32.msk vm7, v1  }
0x2c5: {  	s25 =	simm.s32 $0x80;
	v6 =	vnsel vm11, $0x0, v8;
	vm12 =	vgt.s32 v56, v3;
	[tilespmem:v11+s19+$0x0] =	vst.idx.add.s32.msk vm8, v1  }
0x2c6: {  	v10 =	vnsel vm12, $0x0, v10;
	vm13 =	vgt.s32 v57, v3;
	v11 =	vadd.f32 v6, v5;
	v4 =	vld [tilespmem:s25+$0x10]  }
0x2c7: {  	vm14 =	vgt.s32 v59, v3;
	v9 =	vnsel vm13, $0x0, v7;
	vm15 =	vgt.s32 v61, v3;
	v6 =	vld [tilespmem:s25+$0x0]  }
0x2c8: {  	s26 =	simm.s32 $0x800;
	s24 =	simm.s32 $0x100;
	s23 =	simm.s32 $0x180;
	v8 =	vnsel vm14, $0x0, v51;
	v7 =	vnsel vm15, $0x0, v53;
	v5 =	vld [tilespmem:s25+$0x30];
	v10 =	vadd.f32 v10, v11  }
.LBB2_16:
0x2c9: {  	p0 =	sne.s32 s26, $0xFE00;
	v11 =	vld [tilespmem:s25+$0x20];
	s28 =	smov.u32 s26;
	s26 =	sadd.s32 $0x200, s26  }
0x2ca: {  	v12 =	vld [tilespmem:s25+$0x40];
	v9 =	vadd.f32 v9, v10  }
0x2cb: {  	v10 =	vld [tilespmem:s25+$0x50];
	v13 =	vshrl.u32 v4, $0x10;
	v14 =	vand.u32 $0xFFFF, v4  }
0x2cc: {  	v15 =	vld [tilespmem:s25+$0x60];
	v16 =	vshrl.u32 v6, $0x10;
	v17 =	vand.u32 $0xFFFF, v6;
	v8 =	vadd.f32 v8, v9  }
0x2cd: {  	v9 =	vshrl.u32 v5, $0x10;
	vm1 =	veq.s32 v16, v3;
	vm2 =	vgt.s32 v16, v3  }
0x2ce: {  	vm3 =	veq.s32 v13, v3;
	v16 =	vld [tilespmem:s25+$0x70];
	v18 =	vshrl.u32 v11, $0x10;
	vm0 =	veq.s32 v9, v3;
	s25 =	smov.u32 s24;
	s24 =	smov.u32 s23  }
0x2cf: {  	v19 =	vand.u32 $0xFFFF, v11;
	v7 =	vadd.f32 v7, v8;
	vm4 =	veq.s32 v18, v3  }
0x2d0: {  	vm5 =	vgt.s32 v13, v3;
	v8 =	vshrl.u32 v12, $0x10;
	v20 =	vshrl.u32 v10, $0x10  }
0x2d1: {  	v21 =	vand.u32 $0xFFFF, v5;
	vm6 =	veq.s32 v8, v3;
	v13 =	vshrl.u32 v15, $0x10  }
0x2d2: {  	v6 =	vnsel vm2, $0x0, v6;
	v22 =	vand.u32 $0xFFFF, v12;
	vm7 =	veq.s32 v20, v3  }
0x2d3: {  	vm2 =	veq.s32 v13, v3;
	v23 =	vshrl.u32 v16, $0x10;
	[tilespmem:v17+s19+$0x0] =	vst.idx.add.s32.msk vm1, v1;
	v17 =	vand.u32 $0xFFFF, v10  }
0x2d4: {  	vm1 =	veq.s32 v23, v3;
	[tilespmem:v14+s19+$0x0] =	vst.idx.add.s32.msk vm3, v1;
	v14 =	vand.u32 $0xFFFF, v15;
	vm3 =	vgt.s32 v18, v3  }
0x2d5: {  	v6 =	vadd.f32 v6, v7;
	v18 =	vand.u32 $0xFFFF, v16;
	[tilespmem:v19+s19+$0x0] =	vst.idx.add.s32.msk vm4, v1;
	v7 =	vnsel vm3, $0x0, v11  }
0x2d6: {  	v4 =	vnsel vm5, $0x0, v4;
	vm3 =	vgt.s32 v8, v3;
	[tilespmem:v21+s19+$0x0] =	vst.idx.add.s32.msk vm0, v1;
	vm0 =	vgt.s32 v9, v3  }
0x2d7: {  	v4 =	vadd.f32 v4, v6;
	v11 =	vnsel vm3, $0x0, v12;
	[tilespmem:v22+s19+$0x0] =	vst.idx.add.s32.msk vm6, v1;
	v5 =	vnsel vm0, $0x0, v5  }
0x2d8: {  	vm3 =	vgt.s32 v13, v3;
	vm0 =	vgt.s32 v20, v3;
	[tilespmem:v17+s19+$0x0] =	vst.idx.add.s32.msk vm7, v1  }
.Ltmp7:
0x2d9: {  	v6 =	vadd.f32 v7, v4;
	v8 =	vnsel vm3, $0x0, v15;
	v9 =	vnsel vm0, $0x0, v10;
	[tilespmem:v14+s19+$0x0] =	vst.idx.add.s32.msk vm2, v1;
	(pc) =	sbr.rel @p0 .LBB2_16-.Ltmp7, $4  }
0x2da: {  	vm0 =	vgt.s32 v23, v3;
	[tilespmem:v18+s19+$0x0] =	vst.idx.add.s32.msk vm1, v1  }
0x2db: {  	v10 =	vadd.f32 v5, v6;
	v7 =	vnsel vm0, $0x0, v16;
	v4 =	vld [tilespmem:s25+$0x10]  }
0x2dc: {  	s23 =	sshra.s32 s28, $0x2;
	v6 =	vld [tilespmem:s25+$0x0]  }
0x2dd: {  	v10 =	vadd.f32 v11, v10;
	v5 =	vld [tilespmem:s25+$0x30]  }
0x2de: {  	v11 =	vld [tilespmem:s25+$0x20]  }
0x2df: {  	v12 =	vld [tilespmem:s25+$0x40]  }
0x2e0: {  	v16 =	vld [tilespmem:s25+$0x60];
	v9 =	vadd.f32 v9, v10  }
0x2e1: {  	v18 =	vld [tilespmem:s25+$0x70];
	v14 =	vshrl.u32 v4, $0x10;
	v15 =	vand.u32 $0xFFFF, v4;
	v13 =	vshrl.u32 v6, $0x10  }
0x2e2: {  	v10 =	vld [tilespmem:s25+$0x50];
	v17 =	vand.u32 $0xFFFF, v6;
	vm1 =	veq.s32 v14, v3;
	v8 =	vadd.f32 v8, v9  }
0x2e3: {  	vm0 =	veq.s32 v13, v3;
	v9 =	vshrl.u32 v5, $0x10;
	v23 =	vand.u32 $0xFFFF, v5  }
0x2e4: {  	vm6 =	vgt.s32 v13, v3;
	v19 =	vshrl.u32 v11, $0x10;
	vm3 =	veq.s32 v9, v3  }
0x2e5: {  	v20 =	vand.u32 $0xFFFF, v11;
	v21 =	vshrl.u32 v12, $0x10;
	vm2 =	veq.s32 v19, v3  }
0x2e6: {  	v24 =	vshrl.u32 v16, $0x10;
	v25 =	vand.u32 $0xFFFF, v12;
	v26 =	vshrl.u32 v18, $0x10  }
0x2e7: {  	v7 =	vadd.f32 v7, v8;
	v22 =	vshrl.u32 v10, $0x10;
	vm4 =	veq.s32 v21, v3  }
0x2e8: {  	v6 =	vnsel vm6, $0x0, v6;
	vm6 =	vgt.s32 v14, v3;
	vm5 =	veq.s32 v22, v3  }
0x2e9: {  	vm14 =	veq.s32 v24, v3;
	v49 =	vand.u32 $0xFFFF, v10;
	v6 =	vadd.f32 v6, v7;
	[tilespmem:v17+s19+$0x0] =	vst.idx.add.s32.msk vm0, v1  }
0x2ea: {  	v50 =	vand.u32 $0xFFFF, v16;
	vm15 =	veq.s32 v26, v3;
	v4 =	vnsel vm6, $0x0, v4;
	[tilespmem:v15+s19+$0x0] =	vst.idx.add.s32.msk vm1, v1  }
0x2eb: {  	v8 =	vand.u32 $0xFFFF, v18;
	vm7 =	vgt.s32 v19, v3;
	v4 =	vadd.f32 v4, v6;
	[tilespmem:v20+s19+$0x0] =	vst.idx.add.s32.msk vm2, v1  }
0x2ec: {  	v6 =	vnsel vm7, $0x0, v11;
	[tilespmem:v23+s19+$0x0] =	vst.idx.add.s32.msk vm3, v1  }
0x2ed: {  	vm8 =	vgt.s32 v9, v3;
	v4 =	vadd.f32 v6, v4;
	[tilespmem:v25+s19+$0x0] =	vst.idx.add.s32.msk vm4, v1  }
0x2ee: {  	v5 =	vnsel vm8, $0x0, v5;
	[tilespmem:v49+s19+$0x0] =	vst.idx.add.s32.msk vm5, v1  }
0x2ef: {  	vm9 =	vgt.s32 v21, v3;
	v4 =	vadd.f32 v5, v4;
	[tilespmem:v50+s19+$0x0] =	vst.idx.add.s32.msk vm14, v1  }
0x2f0: {  	v5 =	vnsel vm9, $0x0, v12;
	[tilespmem:v8+s19+$0x0] =	vst.idx.add.s32.msk vm15, v1  }
0x2f1: {  	vm10 =	vgt.s32 v22, v3;
	v4 =	vadd.f32 v5, v4;
	v6 =	vld [tilespmem:s24+$0x10]  }
0x2f2: {  	v5 =	vnsel vm10, $0x0, v10;
	v7 =	vld [tilespmem:s24+$0x0]  }
0x2f3: {  	vm11 =	vgt.s32 v24, v3;
	v4 =	vadd.f32 v5, v4;
	v8 =	vld [tilespmem:s24+$0x20]  }
0x2f4: {  	v10 =	vnsel vm11, $0x0, v16;
	v9 =	vld [tilespmem:s24+$0x30]  }
0x2f5: {  	vm12 =	vgt.s32 v26, v3;
	v51 =	vld [tilespmem:s24+$0x40];
	v4 =	vadd.f32 v10, v4  }
0x2f6: {  	v11 =	vnsel vm12, $0x0, v18;
	v5 =	vld [tilespmem:s24+$0x50]  }
0x2f7: {  	v55 =	vld [tilespmem:s24+$0x60];
	v4 =	vadd.f32 v11, v4;
	v52 =	vshrl.u32 v6, $0x10  }
0x2f8: {  	v53 =	vshrl.u32 v7, $0x10;
	v54 =	vand.u32 $0xFFFF, v6;
	v56 =	vand.u32 $0xFFFF, v7  }
0x2f9: {  	v57 =	vshrl.u32 v8, $0x10;
	v58 =	vshrl.u32 v9, $0x10;
	vm13 =	veq.s32 v53, v3  }
0x2fa: {  	v10 =	vld [tilespmem:s24+$0x70];
	v59 =	vand.u32 $0xFFFF, v8;
	v60 =	vshrl.u32 v51, $0x10;
	vm14 =	veq.s32 v52, v3  }
0x2fb: {  	v61 =	vshrl.u32 v5, $0x10;
	v62 =	vand.u32 $0xFFFF, v9;
	vm9 =	veq.s32 v57, v3  }
0x2fc: {  	v63 =	vshrl.u32 v55, $0x10;
	v28 =	vand.u32 $0xFFFF, v51;
	vm10 =	veq.s32 v58, v3  }
0x2fd: {  	v30 =	vand.u32 $0xFFFF, v5;
	vm15 =	vgt.s32 v53, v3;
	vm11 =	veq.s32 v60, v3  }
0x2fe: {  	vm12 =	veq.s32 v61, v3;
	v7 =	vnsel vm15, $0x0, v7;
	vm15 =	vgt.s32 v52, v3  }
0x2ff: {  	v29 =	vshrl.u32 v10, $0x10;
	v4 =	vadd.f32 v7, v4;
	[tilespmem:v56+s19+$0x0] =	vst.idx.add.s32.msk vm13, v1;
	vm13 =	veq.s32 v63, v3  }
0x300: {  	v11 =	vand.u32 $0xFFFF, v55;
	v6 =	vnsel vm15, $0x0, v6;
	[tilespmem:v54+s19+$0x0] =	vst.idx.add.s32.msk vm14, v1;
	vm14 =	veq.s32 v29, v3  }
0x301: {  	v31 =	vand.u32 $0xFFFF, v10;
	vm7 =	vgt.s32 v57, v3;
	v4 =	vadd.f32 v6, v4;
	[tilespmem:v59+s19+$0x0] =	vst.idx.add.s32.msk vm9, v1  }
0x302: {  	v6 =	vnsel vm7, $0x0, v8;
	[tilespmem:v62+s19+$0x0] =	vst.idx.add.s32.msk vm10, v1  }
0x303: {  	vm8 =	vgt.s32 v58, v3;
	v4 =	vadd.f32 v6, v4;
	[tilespmem:v28+s19+$0x0] =	vst.idx.add.s32.msk vm11, v1  }
0x304: {  	v6 =	vnsel vm8, $0x0, v9;
	[tilespmem:v30+s19+$0x0] =	vst.idx.add.s32.msk vm12, v1  }
0x305: {  	vm9 =	vgt.s32 v60, v3;
	v4 =	vadd.f32 v6, v4;
	[tilespmem:v11+s19+$0x0] =	vst.idx.add.s32.msk vm13, v1  }
0x306: {  	v8 =	vnsel vm9, $0x0, v51;
	[tilespmem:v31+s19+$0x0] =	vst.idx.add.s32.msk vm14, v1  }
0x307: {  	vm10 =	vgt.s32 v61, v3;
	v4 =	vadd.f32 v8, v4;
	v7 =	vld [tilespmem:s23+$0x10]  }
0x308: {  	v5 =	vnsel vm10, $0x0, v5;
	v6 =	vld [tilespmem:s23+$0x0]  }
0x309: {  	vm11 =	vgt.s32 v63, v3;
	v4 =	vadd.f32 v5, v4;
	v9 =	vld [tilespmem:s23+$0x30]  }
0x30a: {  	v11 =	vnsel vm11, $0x0, v55;
	v8 =	vld [tilespmem:s23+$0x20]  }
0x30b: {  	vm12 =	vgt.s32 v29, v3;
	v32 =	vld [tilespmem:s23+$0x40];
	v4 =	vadd.f32 v11, v4  }
0x30c: {  	v10 =	vnsel vm12, $0x0, v10;
	v5 =	vld [tilespmem:s23+$0x50]  }
0x30d: {  	v36 =	vld [tilespmem:s23+$0x60];
	v4 =	vadd.f32 v10, v4;
	v35 =	vshrl.u32 v6, $0x10  }
0x30e: {  	v38 =	vld [tilespmem:s23+$0x70];
	v33 =	vshrl.u32 v7, $0x10;
	v34 =	vand.u32 $0xFFFF, v7;
	vm13 =	veq.s32 v35, v3  }
0x30f: {  	v37 =	vand.u32 $0xFFFF, v6;
	v39 =	vshrl.u32 v8, $0x10;
	vm1 =	veq.s32 v33, v3  }
0x310: {  	v11 =	vshrl.u32 v9, $0x10;
	v40 =	vand.u32 $0xFFFF, v8;
	vm9 =	veq.s32 v39, v3  }
0x311: {  	v10 =	vshrl.u32 v32, $0x10;
	v41 =	vshrl.u32 v5, $0x10;
	vm15 =	veq.s32 v11, v3  }
0x312: {  	v42 =	vand.u32 $0xFFFF, v9;
	v43 =	vshrl.u32 v36, $0x10;
	vm10 =	veq.s32 v10, v3  }
0x313: {  	v44 =	vand.u32 $0xFFFF, v32;
	v45 =	vshrl.u32 v38, $0x10;
	vm11 =	veq.s32 v41, v3  }
0x314: {  	v46 =	vand.u32 $0xFFFF, v5;
	vm14 =	vgt.s32 v35, v3;
	vm12 =	veq.s32 v43, v3;
	[tilespmem:v37+s19+$0x0] =	vst.idx.add.s32.msk vm13, v1  }
0x315: {  	v47 =	vand.u32 $0xFFFF, v36;
	v6 =	vnsel vm14, $0x0, v6;
	vm13 =	veq.s32 v45, v3;
	[tilespmem:v34+s19+$0x0] =	vst.idx.add.s32.msk vm1, v1  }
0x316: {  	v48 =	vand.u32 $0xFFFF, v38;
	vm14 =	vgt.s32 v33, v3;
	v4 =	vadd.f32 v6, v4;
	[tilespmem:v40+s19+$0x0] =	vst.idx.add.s32.msk vm9, v1  }
0x317: {  	v6 =	vnsel vm14, $0x0, v7;
	[tilespmem:v42+s19+$0x0] =	vst.idx.add.s32.msk vm15, v1  }
0x318: {  	v4 =	vadd.f32 v6, v4;
	vm15 =	vgt.s32 v39, v3;
	[tilespmem:v44+s19+$0x0] =	vst.idx.add.s32.msk vm10, v1  }
0x319: {  	v6 =	vnsel vm15, $0x0, v8;
	[tilespmem:v46+s19+$0x0] =	vst.idx.add.s32.msk vm11, v1  }
0x31a: {  	vm4 =	vgt.s32 v11, v3;
	v4 =	vadd.f32 v6, v4;
	[tilespmem:v47+s19+$0x0] =	vst.idx.add.s32.msk vm12, v1  }
0x31b: {  	v6 =	vnsel vm4, $0x0, v9;
	[tilespmem:v48+s19+$0x0] =	vst.idx.add.s32.msk vm13, v1  }
0x31c: {  	vm5 =	vgt.s32 v10, v3;
	v4 =	vadd.f32 v6, v4;
	_ =	swait.ge [sflag:s20], $0x4000  }
0x31d: {  	v6 =	vnsel vm5, $0x0, v32;
	[sflag:s20] =	ssyncset.done $0x0  }
0x31e: {  	s31 =	simm.s32 $0x0;
	vm6 =	vgt.s32 v41, v3;
	v4 =	vadd.f32 v6, v4;
	[sflag:s20] =	ssyncadd.s32 $0xFFFFC000  }
0x31f: {  	v5 =	vnsel vm6, $0x0, v5;
	v6 =	vld [tilespmem:s31+$0x4000]  }
0x320: {  	v4 =	vadd.f32 v5, v4;
	v5 =	vld [tilespmem:s31+$0x4010]  }
0x321: {  	vm7 =	vgt.s32 v43, v3;
	v8 =	vld [tilespmem:s31+$0x4020]  }
0x322: {  	v7 =	vnsel vm7, $0x0, v36;
	v10 =	vld [tilespmem:s31+$0x4040]  }
0x323: {  	vm8 =	vgt.s32 v45, v3;
	v4 =	vadd.f32 v7, v4;
	v7 =	vld [tilespmem:s31+$0x4030]  }
0x324: {  	v9 =	vnsel vm8, $0x0, v38  }
0x325: {  	v4 =	vadd.f32 v9, v4;
	v9 =	vld [tilespmem:s31+$0x4050];
	v11 =	vshrl.u32 v6, $0x10  }
0x326: {  	v51 =	vld [tilespmem:s31+$0x4060];
	v49 =	vshrl.u32 v5, $0x10;
	v50 =	vand.u32 $0xFFFF, v5;
	vm9 =	veq.s32 v11, v3  }
0x327: {  	v53 =	vld [tilespmem:s31+$0x4070];
	v52 =	vand.u32 $0xFFFF, v6;
	v54 =	vshrl.u32 v8, $0x10;
	vm10 =	veq.s32 v49, v3  }
0x328: {  	v56 =	vshrl.u32 v10, $0x10;
	vm12 =	veq.s32 v54, v3;
	v55 =	vshrl.u32 v7, $0x10  }
0x329: {  	vm11 =	vgt.s32 v11, v3;
	v11 =	vand.u32 $0xFFFF, v8;
	vm13 =	veq.s32 v55, v3  }
0x32a: {  	vm14 =	veq.s32 v56, v3;
	v58 =	vand.u32 $0xFFFF, v7;
	v57 =	vshrl.u32 v9, $0x10  }
0x32b: {  	v59 =	vshrl.u32 v51, $0x10;
	v60 =	vand.u32 $0xFFFF, v10;
	vm15 =	veq.s32 v57, v3  }
0x32c: {  	v61 =	vshrl.u32 v53, $0x10;
	vm7 =	veq.s32 v59, v3;
	v62 =	vand.u32 $0xFFFF, v9;
	[tilespmem:v52+s19+$0x0] =	vst.idx.add.s32.msk vm9, v1  }
0x32d: {  	v63 =	vand.u32 $0xFFFF, v51;
	vm8 =	veq.s32 v61, v3;
	v6 =	vnsel vm11, $0x0, v6;
	[tilespmem:v50+s19+$0x0] =	vst.idx.add.s32.msk vm10, v1  }
0x32e: {  	v4 =	vadd.f32 v6, v4;
	vm9 =	vgt.s32 v49, v3;
	[tilespmem:v11+s19+$0x0] =	vst.idx.add.s32.msk vm12, v1;
	v11 =	vand.u32 $0xFFFF, v53  }
0x32f: {  	v5 =	vnsel vm9, $0x0, v5;
	[tilespmem:v58+s19+$0x0] =	vst.idx.add.s32.msk vm13, v1  }
0x330: {  	vm10 =	vgt.s32 v54, v3;
	v4 =	vadd.f32 v5, v4;
	[tilespmem:v60+s19+$0x0] =	vst.idx.add.s32.msk vm14, v1  }
0x331: {  	v5 =	vnsel vm10, $0x0, v8;
	[tilespmem:v62+s19+$0x0] =	vst.idx.add.s32.msk vm15, v1  }
0x332: {  	vm11 =	vgt.s32 v55, v3;
	v5 =	vadd.f32 v5, v4;
	[tilespmem:v63+s19+$0x0] =	vst.idx.add.s32.msk vm7, v1  }
0x333: {  	s25 =	simm.s32 $0x80;
	v6 =	vnsel vm11, $0x0, v7;
	vm12 =	vgt.s32 v56, v3;
	[tilespmem:v11+s19+$0x0] =	vst.idx.add.s32.msk vm8, v1  }
0x334: {  	v10 =	vnsel vm12, $0x0, v10;
	vm13 =	vgt.s32 v57, v3;
	v11 =	vadd.f32 v6, v5;
	v4 =	vld [tilespmem:s25+$0x4010]  }
0x335: {  	vm14 =	vgt.s32 v59, v3;
	v9 =	vnsel vm13, $0x0, v9;
	vm15 =	vgt.s32 v61, v3;
	v6 =	vld [tilespmem:s25+$0x4000]  }
0x336: {  	s26 =	simm.s32 $0x800;
	s24 =	simm.s32 $0x100;
	s23 =	simm.s32 $0x180;
	v8 =	vnsel vm14, $0x0, v51;
	v7 =	vnsel vm15, $0x0, v53;
	v5 =	vld [tilespmem:s25+$0x4030];
	v10 =	vadd.f32 v10, v11  }
.LBB2_18:
0x337: {  	p0 =	sne.s32 s26, $0xFE00;
	v11 =	vld [tilespmem:s25+$0x4020];
	s28 =	smov.u32 s26;
	s26 =	sadd.s32 $0x200, s26  }
0x338: {  	v12 =	vld [tilespmem:s25+$0x4040];
	v9 =	vadd.f32 v9, v10  }
0x339: {  	v10 =	vld [tilespmem:s25+$0x4050];
	v13 =	vshrl.u32 v4, $0x10;
	v14 =	vand.u32 $0xFFFF, v4  }
0x33a: {  	v15 =	vld [tilespmem:s25+$0x4060];
	v16 =	vshrl.u32 v6, $0x10;
	v17 =	vand.u32 $0xFFFF, v6;
	v8 =	vadd.f32 v8, v9  }
0x33b: {  	v9 =	vshrl.u32 v5, $0x10;
	vm1 =	veq.s32 v16, v3;
	vm2 =	vgt.s32 v16, v3  }
0x33c: {  	vm3 =	veq.s32 v13, v3;
	v16 =	vld [tilespmem:s25+$0x4070];
	v18 =	vshrl.u32 v11, $0x10;
	vm0 =	veq.s32 v9, v3;
	s25 =	smov.u32 s24;
	s24 =	smov.u32 s23  }
0x33d: {  	v19 =	vand.u32 $0xFFFF, v11;
	v7 =	vadd.f32 v7, v8;
	vm4 =	veq.s32 v18, v3  }
0x33e: {  	vm5 =	vgt.s32 v13, v3;
	v8 =	vshrl.u32 v12, $0x10;
	v20 =	vshrl.u32 v10, $0x10  }
0x33f: {  	v21 =	vand.u32 $0xFFFF, v5;
	vm6 =	veq.s32 v8, v3;
	v13 =	vshrl.u32 v15, $0x10  }
0x340: {  	v6 =	vnsel vm2, $0x0, v6;
	v22 =	vand.u32 $0xFFFF, v12;
	vm7 =	veq.s32 v20, v3  }
0x341: {  	vm2 =	veq.s32 v13, v3;
	v23 =	vshrl.u32 v16, $0x10;
	[tilespmem:v17+s19+$0x0] =	vst.idx.add.s32.msk vm1, v1;
	v17 =	vand.u32 $0xFFFF, v10  }
0x342: {  	vm1 =	veq.s32 v23, v3;
	[tilespmem:v14+s19+$0x0] =	vst.idx.add.s32.msk vm3, v1;
	v14 =	vand.u32 $0xFFFF, v15;
	vm3 =	vgt.s32 v18, v3  }
0x343: {  	v6 =	vadd.f32 v6, v7;
	v18 =	vand.u32 $0xFFFF, v16;
	[tilespmem:v19+s19+$0x0] =	vst.idx.add.s32.msk vm4, v1;
	v7 =	vnsel vm3, $0x0, v11  }
0x344: {  	v4 =	vnsel vm5, $0x0, v4;
	vm3 =	vgt.s32 v8, v3;
	[tilespmem:v21+s19+$0x0] =	vst.idx.add.s32.msk vm0, v1;
	vm0 =	vgt.s32 v9, v3  }
0x345: {  	v4 =	vadd.f32 v4, v6;
	v11 =	vnsel vm3, $0x0, v12;
	[tilespmem:v22+s19+$0x0] =	vst.idx.add.s32.msk vm6, v1;
	v5 =	vnsel vm0, $0x0, v5  }
0x346: {  	vm3 =	vgt.s32 v13, v3;
	vm0 =	vgt.s32 v20, v3;
	[tilespmem:v17+s19+$0x0] =	vst.idx.add.s32.msk vm7, v1  }
.Ltmp8:
0x347: {  	v6 =	vadd.f32 v7, v4;
	v8 =	vnsel vm3, $0x0, v15;
	v9 =	vnsel vm0, $0x0, v10;
	[tilespmem:v14+s19+$0x0] =	vst.idx.add.s32.msk vm2, v1;
	(pc) =	sbr.rel @p0 .LBB2_18-.Ltmp8, $4  }
0x348: {  	vm0 =	vgt.s32 v23, v3;
	[tilespmem:v18+s19+$0x0] =	vst.idx.add.s32.msk vm1, v1  }
0x349: {  	v10 =	vadd.f32 v5, v6;
	v7 =	vnsel vm0, $0x0, v16;
	v4 =	vld [tilespmem:s25+$0x4010]  }
0x34a: {  	s23 =	sshra.s32 s28, $0x2;
	v6 =	vld [tilespmem:s25+$0x4000]  }
0x34b: {  	v10 =	vadd.f32 v11, v10;
	v5 =	vld [tilespmem:s25+$0x4030]  }
0x34c: {  	v11 =	vld [tilespmem:s25+$0x4020]  }
0x34d: {  	v12 =	vld [tilespmem:s25+$0x4040]  }
0x34e: {  	v33 =	vld [tilespmem:s25+$0x4050];
	v9 =	vadd.f32 v9, v10  }
0x34f: {  	v16 =	vld [tilespmem:s25+$0x4060];
	v13 =	vshrl.u32 v4, $0x10;
	v15 =	vand.u32 $0xFFFF, v4;
	v14 =	vshrl.u32 v6, $0x10  }
0x350: {  	v17 =	vand.u32 $0xFFFF, v6;
	v8 =	vadd.f32 v8, v9;
	vm1 =	veq.s32 v13, v3  }
0x351: {  	v34 =	vld [tilespmem:s25+$0x4070];
	vm7 =	vgt.s32 v13, v3;
	vm0 =	veq.s32 v14, v3;
	v19 =	vshrl.u32 v5, $0x10  }
0x352: {  	vm2 =	vgt.s32 v14, v3;
	v22 =	vand.u32 $0xFFFF, v5;
	v18 =	vshrl.u32 v11, $0x10  }
0x353: {  	vm4 =	veq.s32 v19, v3;
	v35 =	vand.u32 $0xFFFF, v11;
	vm3 =	veq.s32 v18, v3  }
0x354: {  	v20 =	vshrl.u32 v12, $0x10;
	v21 =	vshrl.u32 v33, $0x10;
	v23 =	vshrl.u32 v16, $0x10  }
0x355: {  	v24 =	vand.u32 $0xFFFF, v12;
	v7 =	vadd.f32 v7, v8;
	vm5 =	veq.s32 v20, v3  }
0x356: {  	v25 =	vshrl.u32 v34, $0x10;
	v38 =	vnsel vm2, $0x0, v6;
	vm6 =	veq.s32 v21, v3  }
0x357: {  	v36 =	vand.u32 $0xFFFF, v33;
	vm14 =	veq.s32 v23, v3;
	v6 =	vadd.f32 v38, v7;
	[tilespmem:v17+s19+$0x0] =	vst.idx.add.s32.msk vm0, v1  }
0x358: {  	v40 =	vnsel vm7, $0x0, v4;
	v37 =	vand.u32 $0xFFFF, v16;
	vm15 =	veq.s32 v25, v3;
	[tilespmem:v15+s19+$0x0] =	vst.idx.add.s32.msk vm1, v1  }
0x359: {  	v39 =	vand.u32 $0xFFFF, v34;
	vm8 =	vgt.s32 v18, v3;
	v4 =	vadd.f32 v40, v6;
	[tilespmem:v35+s19+$0x0] =	vst.idx.add.s32.msk vm3, v1  }
0x35a: {  	v41 =	vnsel vm8, $0x0, v11;
	[tilespmem:v22+s19+$0x0] =	vst.idx.add.s32.msk vm4, v1  }
0x35b: {  	vm9 =	vgt.s32 v19, v3;
	v4 =	vadd.f32 v41, v4;
	[tilespmem:v24+s19+$0x0] =	vst.idx.add.s32.msk vm5, v1  }
0x35c: {  	v42 =	vnsel vm9, $0x0, v5;
	[tilespmem:v36+s19+$0x0] =	vst.idx.add.s32.msk vm6, v1  }
0x35d: {  	vm10 =	vgt.s32 v20, v3;
	v4 =	vadd.f32 v42, v4;
	[tilespmem:v37+s19+$0x0] =	vst.idx.add.s32.msk vm14, v1  }
0x35e: {  	v45 =	vnsel vm10, $0x0, v12;
	[tilespmem:v39+s19+$0x0] =	vst.idx.add.s32.msk vm15, v1  }
0x35f: {  	vm11 =	vgt.s32 v21, v3;
	v4 =	vadd.f32 v45, v4;
	v43 =	vld [tilespmem:s24+$0x4010]  }
0x360: {  	v10 =	vnsel vm11, $0x0, v33;
	v44 =	vld [tilespmem:s24+$0x4000]  }
0x361: {  	vm12 =	vgt.s32 v23, v3;
	v4 =	vadd.f32 v10, v4;
	v8 =	vld [tilespmem:s24+$0x4030]  }
0x362: {  	v47 =	vnsel vm12, $0x0, v16;
	v46 =	vld [tilespmem:s24+$0x4020]  }
0x363: {  	vm13 =	vgt.s32 v25, v3;
	v48 =	vld [tilespmem:s24+$0x4040];
	v4 =	vadd.f32 v47, v4  }
0x364: {  	v9 =	vnsel vm13, $0x0, v34;
	v49 =	vld [tilespmem:s24+$0x4050]  }
0x365: {  	v53 =	vld [tilespmem:s24+$0x4060];
	v4 =	vadd.f32 v9, v4  }
0x366: {  	v56 =	vld [tilespmem:s24+$0x4070];
	v50 =	vshrl.u32 v43, $0x10;
	v51 =	vand.u32 $0xFFFF, v43;
	v52 =	vshrl.u32 v44, $0x10  }
0x367: {  	v54 =	vand.u32 $0xFFFF, v44;
	v55 =	vshrl.u32 v8, $0x10;
	vm14 =	veq.s32 v52, v3  }
0x368: {  	v57 =	vshrl.u32 v46, $0x10;
	v58 =	vand.u32 $0xFFFF, v46;
	vm1 =	veq.s32 v50, v3  }
0x369: {  	v59 =	vshrl.u32 v48, $0x10;
	v60 =	vshrl.u32 v49, $0x10;
	vm10 =	veq.s32 v57, v3  }
0x36a: {  	v61 =	vand.u32 $0xFFFF, v8;
	v62 =	vshrl.u32 v53, $0x10;
	vm9 =	veq.s32 v55, v3  }
0x36b: {  	v63 =	vand.u32 $0xFFFF, v48;
	v28 =	vshrl.u32 v56, $0x10;
	vm11 =	veq.s32 v59, v3  }
0x36c: {  	v29 =	vand.u32 $0xFFFF, v49;
	vm15 =	vgt.s32 v52, v3;
	vm12 =	veq.s32 v60, v3  }
0x36d: {  	vm13 =	veq.s32 v62, v3;
	v5 =	vnsel vm15, $0x0, v44;
	vm15 =	vgt.s32 v50, v3;
	[tilespmem:v54+s19+$0x0] =	vst.idx.add.s32.msk vm14, v1  }
0x36e: {  	v30 =	vand.u32 $0xFFFF, v53;
	v4 =	vadd.f32 v5, v4;
	vm14 =	veq.s32 v28, v3;
	[tilespmem:v51+s19+$0x0] =	vst.idx.add.s32.msk vm1, v1  }
0x36f: {  	v31 =	vand.u32 $0xFFFF, v56;
	v32 =	vnsel vm15, $0x0, v43;
	[tilespmem:v58+s19+$0x0] =	vst.idx.add.s32.msk vm10, v1  }
0x370: {  	vm4 =	vgt.s32 v57, v3;
	v4 =	vadd.f32 v32, v4;
	[tilespmem:v61+s19+$0x0] =	vst.idx.add.s32.msk vm9, v1  }
0x371: {  	v33 =	vnsel vm4, $0x0, v46;
	[tilespmem:v63+s19+$0x0] =	vst.idx.add.s32.msk vm11, v1  }
0x372: {  	vm7 =	vgt.s32 v55, v3;
	v4 =	vadd.f32 v33, v4;
	[tilespmem:v29+s19+$0x0] =	vst.idx.add.s32.msk vm12, v1  }
0x373: {  	v34 =	vnsel vm7, $0x0, v8;
	[tilespmem:v30+s19+$0x0] =	vst.idx.add.s32.msk vm13, v1  }
0x374: {  	vm8 =	vgt.s32 v59, v3;
	v4 =	vadd.f32 v34, v4;
	[tilespmem:v31+s19+$0x0] =	vst.idx.add.s32.msk vm14, v1  }
0x375: {  	v36 =	vnsel vm8, $0x0, v48;
	v35 =	vld [tilespmem:s23+$0x4010]  }
0x376: {  	vm9 =	vgt.s32 v60, v3;
	v4 =	vadd.f32 v36, v4;
	v37 =	vld [tilespmem:s23+$0x4000]  }
0x377: {  	v39 =	vnsel vm9, $0x0, v49;
	v38 =	vld [tilespmem:s23+$0x4030]  }
0x378: {  	vm10 =	vgt.s32 v62, v3;
	v4 =	vadd.f32 v39, v4;
	v40 =	vld [tilespmem:s23+$0x4020]  }
0x379: {  	v41 =	vnsel vm10, $0x0, v53;
	v43 =	vld [tilespmem:s23+$0x4040]  }
0x37a: {  	vm11 =	vgt.s32 v28, v3;
	v4 =	vadd.f32 v41, v4;
	v46 =	vld [tilespmem:s23+$0x4050]  }
0x37b: {  	v42 =	vnsel vm11, $0x0, v56;
	v17 =	vld [tilespmem:s23+$0x4060]  }
0x37c: {  	v4 =	vadd.f32 v42, v4  }
0x37d: {  	v52 =	vld [tilespmem:s23+$0x4070];
	v44 =	vshrl.u32 v35, $0x10;
	v45 =	vand.u32 $0xFFFF, v35;
	v47 =	vshrl.u32 v37, $0x10  }
0x37e: {  	v48 =	vand.u32 $0xFFFF, v37;
	v49 =	vshrl.u32 v38, $0x10;
	v50 =	vshrl.u32 v40, $0x10  }
0x37f: {  	v51 =	vand.u32 $0xFFFF, v40;
	v53 =	vshrl.u32 v43, $0x10;
	vm1 =	veq.s32 v47, v3  }
0x380: {  	v54 =	vshrl.u32 v46, $0x10;
	v55 =	vshrl.u32 v17, $0x10;
	vm2 =	veq.s32 v44, v3  }
0x381: {  	v56 =	vand.u32 $0xFFFF, v38;
	v57 =	vand.u32 $0xFFFF, v43;
	vm4 =	veq.s32 v50, v3  }
0x382: {  	v58 =	vshrl.u32 v52, $0x10;
	vm12 =	vgt.s32 v47, v3;
	vm0 =	veq.s32 v49, v3  }
0x383: {  	v59 =	vand.u32 $0xFFFF, v46;
	vm15 =	veq.s32 v53, v3;
	v7 =	vnsel vm12, $0x0, v37  }
0x384: {  	vm13 =	vgt.s32 v44, v3;
	vm10 =	veq.s32 v54, v3;
	v4 =	vadd.f32 v7, v4  }
0x385: {  	vm14 =	vgt.s32 v50, v3;
	vm7 =	veq.s32 v55, v3;
	v6 =	vnsel vm13, $0x0, v35;
	[tilespmem:v48+s19+$0x0] =	vst.idx.add.s32.msk vm1, v1  }
0x386: {  	v60 =	vand.u32 $0xFFFF, v17;
	vm13 =	veq.s32 v58, v3;
	v4 =	vadd.f32 v6, v4;
	[tilespmem:v45+s19+$0x0] =	vst.idx.add.s32.msk vm2, v1  }
0x387: {  	v61 =	vand.u32 $0xFFFF, v52;
	v9 =	vnsel vm14, $0x0, v40;
	[tilespmem:v51+s19+$0x0] =	vst.idx.add.s32.msk vm4, v1  }
0x388: {  	vm9 =	vgt.s32 v49, v3;
	v4 =	vadd.f32 v9, v4;
	[tilespmem:v56+s19+$0x0] =	vst.idx.add.s32.msk vm0, v1  }
0x389: {  	v8 =	vnsel vm9, $0x0, v38;
	[tilespmem:v57+s19+$0x0] =	vst.idx.add.s32.msk vm15, v1  }
0x38a: {  	vm11 =	vgt.s32 v53, v3;
	v4 =	vadd.f32 v8, v4;
	[tilespmem:v59+s19+$0x0] =	vst.idx.add.s32.msk vm10, v1  }
0x38b: {  	v11 =	vnsel vm11, $0x0, v43;
	[tilespmem:v60+s19+$0x0] =	vst.idx.add.s32.msk vm7, v1  }
0x38c: {  	vm12 =	vgt.s32 v54, v3;
	v4 =	vadd.f32 v11, v4;
	[tilespmem:v61+s19+$0x0] =	vst.idx.add.s32.msk vm13, v1  }
0x38d: {  	v5 =	vnsel vm12, $0x0, v46;
	[tilespmem:$0x18090] =	vst v2  }
0x38e: {  	vm14 =	vgt.s32 v55, v3;
	v4 =	vadd.f32 v5, v4;
	[tilespmem:$0x180A0] =	vst v2  }
0x38f: {  	v62 =	vnsel vm14, $0x0, v17;
	[tilespmem:$0x180B0] =	vst v2  }
0x390: {  	vm15 =	vgt.s32 v58, v3;
	v3 =	vadd.f32 v62, v4;
	[tilespmem:$0x180C0] =	vst v2  }
0x391: {  	v63 =	vnsel vm15, $0x0, v52;
	[tilespmem:$0x180D0] =	vst v2  }
0x392: {  	[tilespmem:$0x180E0] =	vst v2;
	v3 =	vadd.f32 v63, v3  }
0x393: {  	[tilespmem:$0x180F0] =	vst v2  }
0x394: {  	[tilespmem:$0x18080] =	vst v3  }
0x395: {  	[hbm4b:s12+s2] =	stream.linear.scatter [tilespmem:s19], [sflag:$0x3], $0x10000, $0x38;
	[tilespmem:$0x18100] =	vst v63  }
0x396: {  	s22 =	sadd.s32 $0x1, s22;
	_ =	swait.ge [sflag:s16], $0x10000  }
0x397: {  	p0 =	sne.s32 s22, s14;
	[sflag:s16] =	ssyncset.done $0x0  }
.Ltmp9:
0x398: {  	[sflag:s16] =	ssyncadd.s32 $0xFFFF0000;
	(pc) =	sbr.rel @p0 .LBB2_1-.Ltmp9, $4  }
0x399: {  	[hbm4b:s13+s2] =	stream.linear.scatter [tilespmem:s21], [sflag:$0x3], $0x80, $0x38;
	[tilespmem:$0x18100] =	vst v63  }
0x39a: {  	_ =	swait.ge [sflag:s16], $0x80  }
0x39b: {  	[sflag:s16] =	ssyncset.done $0x0  }
0x39c: {  	[sflag:s16] =	ssyncadd.s32 $0xFFFFFF80  }
0x39d: {  	_ =	sfence.sel $0x180000  }
0x39e: {  	[bflag:$0x0] =	sbarrier.arrive $0xFFFF  }
0x39f: {  	p0 =	sne.s32 s0, $0x0;
	_ =	strace $0x9000004A  }
0x3a0: {  	s0 =	sadd.s32 @!p0 $0x100000, s1;
	[bflag:$0x2] =	sbarrier.arrive $0xFFFF  }
0x3a1: {  	[sflag:s0] =	ssyncadd.tile.s32 @!p0 $0x1;
	_ =	shalt  }
.Lfunc_end2:
_tile_overlayer_lowered:
.L_overlay_start_2:
0x3a2: {  	(tag) =	ssettag $0x2  }
0x3a3: {  	s0 =	rddreg [dreg:$0x0];
	s2 =	stileid.u32  }
0x3a4: {  	s1 =	rddreg [dreg:$0x1];
	p0 =	sne.s32 s2, $0x0  }
0x3a5: {  	s3 =	rddreg [dreg:$0x2];
	[bflag:$0x3] =	sbarrier.arrive $0xFFFF;
	s2 =	simm.s32 @!p0 $0x1C03  }
0x3a6: {  	[timem:s3], [sflag:s2] =	dma.local @!p0 [hbm:s0], s1  }
0x3a7: {  	s0 =	simm.s32 @!p0 $0x3  }
0x3a8: {  	_ =	swait.ge @!p0 [sflag:s0], s1  }
0x3a9: {  	s1 =	ssub.s32 @!p0 $0x0, s1;
	[sflag:s0] =	ssyncset.done @!p0 $0x0  }
0x3aa: {  	[sflag:s0] =	ssyncadd.s32 @!p0 s1  }
0x3ab: {  	[bflag:$0x3] =	sbarrier.arrive $0xFFFF  }
0x3ac: {  	_ =	shalt  }

// kernel: kernel.7.cloned.1.call-start
scs
__scs_entry_jumppad:
0x0: {  	(pc) =	sbr.rel $0x88, $3  }
0x1: {  	(tag) =	ssettag $0x0;
	lr =	simm.s32 $0x1  }
0x2: {  	[smem:$0x3F9F] =	sst lr;
	_ =	strace $0xD0000000  }
0x3: {  	_ = 	snop  }
0x4: {  	_ = 	snop  }
0x5: {  	_ = 	snop  }
0x6: {  	_ = 	snop  }
0x7: {  	_ = 	snop  }
__scs_overlays_trampoline_lowered:
0x8: {  	[smem:$0x3FAE] =	sst s0  }
0x9: {  	[smem:$0x3FAF] =	sst s1  }
0xa: {  	[smem:$0x3FB0] =	sst s2  }
0xb: {  	[smem:$0x3FB1] =	sst s3  }
0xc: {  	[smem:$0x3FB2] =	sst s4  }
0xd: {  	[smem:$0x3FB3] =	sst s5  }
0xe: {  	[smem:$0x3FB4] =	sst s6  }
0xf: {  	[smem:$0x3FB5] =	sst s7  }
0x10: {  	[smem:$0x3FB6] =	sst s8  }
0x11: {  	[smem:$0x3FB7] =	sst s9;
	s0 =	simm.s32 @!p0 $0x0  }
0x12: {  	s1 =	sld [smem:$0x3F9D];
	s0 =	simm.s32 @p0 $0x1  }
0x13: {  	[smem:$0x3FB8] =	sst s0;
	s0 =	simm.s32 @!p1 $0x0  }
0x14: {  	s2 =	sld [smem:$0x3F9C];
	s0 =	simm.s32 @p1 $0x1  }
0x15: {  	[smem:$0x3FB9] =	sst s0;
	s0 =	simm.s32 @!p2 $0x0  }
0x16: {  	s3 =	sld [smem:$0x3FDB];
	s0 =	simm.s32 @p2 $0x1  }
0x17: {  	s4 =	simm.s32 $0x1BF5;
	[smem:$0x3FBB] =	sst s0  }
0x18: {  	s0 =	sld [smem:$0x3F9E];
	_ =	swait.ge [sflag:s4], $0x0  }
0x19: {  	s7 =	sld [smem:$0x3F9F]  }
0x1a: {  	s8 =	sadd.s32 $0xFFFFE003, lr  }
0x1b: {  	s9 =	sadd.s32 $0xFFFFFEF7, lr;
	s5 =	simm.s32 $0xFFFFFFFF;
	p2 =	slt.u32 s8, $0xFFFFF086  }
0x1c: {  	p1 =	slt.u32 s9, $0xF7A;
	s5 =	simm.s32 @!p2 $0x0  }
0x1d: {  	s5 =	simm.s32 @p1 $0x1;
	p0 =	seq.s32 s7, s2  }
0x1e: {  	s7 =	smul.u32 @!p0 $0xF7A, s2;
	p2 =	seq.s32 @!p0 s5, $0x0  }
0x1f: {  	s9 =	smul.u32 $0xF7A, s1;
	s8 =	simm.s32 @!p0 $0x1BF5;
	p2 =	por !p2, p0  }
0x20: {  	[sflag:s8] =	ssyncset.s32 @!p0 $0xFFFFF086;
	s6 =	sadd.s32 @!p0 s3, s7;
	s7 =	simm.s32 @!p0 $0x108  }
0x21: {  	s3 =	sadd.s32 s3, s9;
	s6 =	sadd.s32 @!p0 $0x88, s6;
	s7 =	simm.s32 @p2 $0x1082  }
0x22: {  	[simem:s7], [sflag:s8] =	dma.local @!p0 [hbm:s6], $0xF7A  }
0x23: {  	s9 =	sor.u32 $0xD0000000, s2;
	s6 =	simm.s32 $0x108;
	_ =	swait.ge @!p0 [sflag:s8], $0x0  }
0x24: {  	s3 =	sadd.s32 $0x88, s3;
	s6 =	simm.s32 @!p1 $0x1082;
	[sflag:s4] =	ssyncset.s32 $0xFFFFF086  }
0x25: {  	[simem:s6], [sflag:s4] =	dma.local [hbm:s3], $0xF7A  }
0x26: {  	[smem:$0x3F9F] =	sst s1;
	(tag) =	ssettag s2;
	_ =	strace s9  }
0x27: {  	s1 =	sld [smem:$0x3FAF]  }
0x28: {  	s2 =	sld [smem:$0x3FB0]  }
0x29: {  	s4 =	sld [smem:$0x3FB2]  }
0x2a: {  	p0 =	seq.s32 s5, $0x0;
	s5 =	sld [smem:$0x3FB3]  }
0x2b: {  	s6 =	sld [smem:$0x3FB4]  }
0x2c: {  	s7 =	sld [smem:$0x3FB5]  }
0x2d: {  	s3 =	simm.s32 $0x108;
	s8 =	sld [smem:$0x3FB6]  }
0x2e: {  	s3 =	simm.s32 @!p0 $0x1082;
	s9 =	sld [smem:$0x3FB7]  }
0x2f: {  	lr =	sadd.s32 s0, s3;
	s0 =	sld [smem:$0x3FAE]  }
0x30: {  	s3 =	sld [smem:$0x3FB1]  }
0x31: {  	[smem:$0x3FBA] =	sst s10  }
0x32: {  	s10 =	sld [smem:$0x3FB8];
	_ =	sdelay $0x3  }
0x33: {  	p0 =	seq.s32 s10, $0x1;
	s10 =	sld [smem:$0x3FBA];
	_ =	sdelay $0x3  }
0x34: {  	[smem:$0x3FBA] =	sst s10  }
0x35: {  	s10 =	sld [smem:$0x3FB9];
	_ =	sdelay $0x3  }
0x36: {  	p1 =	seq.s32 s10, $0x1;
	s10 =	sld [smem:$0x3FBA];
	_ =	sdelay $0x3  }
0x37: {  	[smem:$0x3FBA] =	sst s10  }
0x38: {  	s10 =	sld [smem:$0x3FBB]  }
0x39: {  	_ = 	snop;
	(pc) =	sbr.ind lr, $3  }
0x3a: {  	_ = 	snop  }
0x3b: {  	_ = 	snop  }
0x3c: {  	p2 =	seq.s32 s10, $0x1;
	s10 =	sld [smem:$0x3FBA]  }
0x3d: {  	_ =	shalt  }
0x3e: {  	_ =	shalt  }
0x3f: {  	_ =	shalt  }
0x40: {  	_ =	shalt  }
0x41: {  	_ =	shalt  }
0x42: {  	_ =	shalt  }
0x43: {  	_ =	shalt  }
0x44: {  	_ =	shalt  }
0x45: {  	_ =	shalt  }
0x46: {  	_ =	shalt  }
0x47: {  	_ =	shalt  }
0x48: {  	_ =	shalt  }
0x49: {  	_ =	shalt  }
0x4a: {  	_ =	shalt  }
0x4b: {  	_ =	shalt  }
0x4c: {  	_ =	shalt  }
0x4d: {  	_ =	shalt  }
0x4e: {  	_ =	shalt  }
0x4f: {  	_ =	shalt  }
0x50: {  	_ =	shalt  }
0x51: {  	_ =	shalt  }
0x52: {  	_ =	shalt  }
0x53: {  	_ =	shalt  }
0x54: {  	_ =	shalt  }
0x55: {  	_ =	shalt  }
0x56: {  	_ =	shalt  }
0x57: {  	_ =	shalt  }
0x58: {  	_ =	shalt  }
0x59: {  	_ =	shalt  }
0x5a: {  	_ =	shalt  }
0x5b: {  	_ =	shalt  }
0x5c: {  	_ =	shalt  }
0x5d: {  	_ =	shalt  }
0x5e: {  	_ =	shalt  }
0x5f: {  	_ =	shalt  }
0x60: {  	_ =	shalt  }
0x61: {  	_ =	shalt  }
0x62: {  	_ =	shalt  }
0x63: {  	_ =	shalt  }
0x64: {  	_ =	shalt  }
0x65: {  	_ =	shalt  }
0x66: {  	_ =	shalt  }
0x67: {  	_ =	shalt  }
0x68: {  	_ =	shalt  }
0x69: {  	_ =	shalt  }
0x6a: {  	_ =	shalt  }
0x6b: {  	_ =	shalt  }
0x6c: {  	_ =	shalt  }
0x6d: {  	_ =	shalt  }
0x6e: {  	_ =	shalt  }
0x6f: {  	_ =	shalt  }
0x70: {  	_ =	shalt  }
0x71: {  	_ =	shalt  }
0x72: {  	_ =	shalt  }
0x73: {  	_ =	shalt  }
0x74: {  	_ =	shalt  }
0x75: {  	_ =	shalt  }
0x76: {  	_ =	shalt  }
0x77: {  	_ =	shalt  }
0x78: {  	_ =	shalt  }
0x79: {  	_ =	shalt  }
0x7a: {  	_ =	shalt  }
0x7b: {  	_ =	shalt  }
0x7c: {  	_ =	shalt  }
0x7d: {  	_ =	shalt  }
0x7e: {  	_ =	shalt  }
0x7f: {  	_ =	shalt  }
0x80: {  	_ =	shalt  }
0x81: {  	_ =	shalt  }
0x82: {  	_ =	shalt  }
0x83: {  	_ =	shalt  }
0x84: {  	_ =	shalt  }
0x85: {  	_ =	shalt  }
0x86: {  	_ =	shalt  }
0x87: {  	_ =	shalt  }
.Lfunc_end0:
.L_simem_size_0:
called_computation_lowered:
.L_overlay_start_0:
0x88: {  	s2 =	sld [smem:$0x3FD9]  }
0x89: {  	s3 =	sld [smem:$0x3FFE];
	_ =	sdelay $0x1  }
0x8a: {  	s1 =	srdreg.scid  }
0x8b: {  	s0 =	sand.u32 $0x1, s1  }
0x8c: {  	s16 =	sshll.u32 s0, $0xA;
	s2 =	sadd.s32 s3, s2  }
0x8d: {  	s2 =	sadd.s32 s2, s16  }
0x8e: {  	[smem:$0x3FC6] =	sst s2  }
0x8f: {  	_ = 	snop  }
0x90: {  	(tm) =	ssettm $0x1  }
0x91: {  	s17 =	sld [smem:$0x3FFB];
	_ =	sdelay $0x3  }
0x92: {  	_ =	strace s17  }
0x93: {  	s2 =	sld [smem:$0x3FFC];
	_ =	sdelay $0x3  }
0x94: {  	_ =	strace s2  }
0x95: {  	s2 =	sld [smem:$0x3FFD];
	_ =	sdelay $0x3  }
0x96: {  	_ =	strace s2  }
0x97: {  	_ =	strace $0x8FFFFFFF  }
0x98: {  	s18 =	sld [smem:$0x3FDB];
	_ =	sdelay $0x1  }
0x99: {  	s19 =	simm.s32 $_scs_section_size  }
0x9a: {  	s4 =	simm.s32 $_size__tile_overlayer_lowered;
	s5 =	simm.s32 $_tile_overlayer_lowered  }
0x9b: {  	s22 =	simm.s32 $0x1BFF;
	s21 =	sshll.u32 s5, $0x1;
	s2 =	sadd.s32 s19, s18  }
0x9c: {  	s6 =	simm.s32 $0x0;
	s20 =	sshll.u32 s4, $0x1;
	s4 =	sadd.s32 s21, s2  }
0x9d: {  	[timem:s6], [sflag:s22] =	dma.local [hbm:s4], s20  }
0x9e: {  	_ =	swait.ge [sflag:s22], s20  }
0x9f: {  	s3 =	ssub.s32 $0x0, s20;
	[sflag:s22] =	ssyncset.done $0x0  }
0xa0: {  	[sflag:s22] =	ssyncadd.s32 s3;
	_ =	sdelay $0x1  }
0xa1: {  	s23 =	simm.s32 $0x1B8B  }
0xa2: {  	_ =	swait.ge [sflag:s23], $0x1  }
0xa3: {  	[sflag:s23] =	ssyncset.done $0x0  }
0xa4: {  	s25 =	simm.s32 $0x1B8E;
	s24 =	sld [smem:$0x3FFE];
	[sflag:s23] =	ssyncadd.s32 $0xFFFFFFFF  }
0xa5: {  	s26 =	simm.s32 $execute0_lowered;
	[smem:$0x3FD2] =	sst s25  }
0xa6: {  	s4 =	sshll.u32 s26, $0x1;
	_ =	strace $0x80000046;
	[dreg:$0x1] =	wrdreg $0xFFFFFFFF  }
0xa7: {  	s28 =	simm.s32 $_size_execute0_lowered;
	s2 =	sadd.s32 s2, s4;
	[dreg:$0x0] =	wrdreg $0x0  }
0xa8: {  	s4 =	sshll.u32 s28, $0x1;
	[dreg:$0x2] =	wrdreg s2  }
0xa9: {  	[dreg:$0x3] =	wrdreg s4  }
0xaa: {  	[dreg:$0x4] =	wrdreg $0xC0  }
0xab: {  	_ =	task [dreg:s6], $0x5FFFF  }
0xac: {  	[dreg:$0x1] =	wrdreg $0xFFFFFFFF  }
0xad: {  	[dreg:$0x0] =	wrdreg $0x60  }
0xae: {  	[dreg:$0x2] =	wrdreg s24  }
0xaf: {  	[dreg:$0x3] =	wrdreg $0x9  }
0xb0: {  	_ =	task.clear_ibuf [dreg:s6], $0x4FFFF;
	_ =	strace $0x90000046  }
0xb1: {  	s29 =	simm.s32 $0x9;
	_ =	strace $0x80000048  }
0xb2: {  	_ =	swait.ge [sflag:s29], $0x1  }
0xb3: {  	[sflag:s29] =	ssyncadd.s32 $0xFFFFFFFF  }
0xb4: {  	_ =	strace $0x90000048  }
0xb5: {  	_ =	sfence  }
0xb6: {  	s30 =	sld [smem:$0x0];
	_ =	sdelay $0x2  }
0xb7: {  	s31 =	sshll.u32 s1, $0xD;
	s1 =	sshrl.u32 s1, $0x2  }
0xb8: {  	s3 =	sand.u32 $0x4000, s31;
	s1 =	sadd.s32 s1, s30  }
0xb9: {  	s0 =	sor.u32 s3, s0;
	s1 =	sshll.u32 s1, $0x11  }
0xba: {  	s0 =	sor.u32 s1, s0  }
0xbb: {  	s0 =	sadd.s32 $0x8F2B, s0  }
0xbc: {  	[sflag:s0] =	ssyncadd.remote.s32 $0x1  }
0xbd: {  	_ =	sfence.sel $0xFFFF  }
0xbe: {  	[dreg:$0x0] =	wrdreg $0xFFFFFFFF;
	(pc) =	sbr.abs _section_cstart, $3  }
0xbf: {  	[dreg:$0x1] =	wrdreg $0xFFFFFFFF  }
0xc0: {  	_ =	task.clear_ibuf [dreg:s6], $0x2FFFF;
	_ =	strace $0x9FFFFFFF  }
0xc1: {  	(tm) =	ssettm $0x7FFFFFFF  }
tec
execute0_lowered:
.L_overlay_start_1:
0x0: {  	(tag) =	ssettag $0x1  }
0x1: {  	s3 =	rddreg [dreg:$0x0]  }
0x2: {  	s0 =	rddreg [dreg:$0x1];
	s4 =	srdreg.scid  }
0x3: {  	s1 =	stileid.u32;
	s2 =	simm.s32 $0x0;
	s13 =	simm.s32 $0x4000  }
0x4: {  	s14 =	simm.s32 $0x1;
	s15 =	simm.s32 $0x8000;
	s16 =	simm.s32 $0x2  }
0x5: {  	s17 =	simm.s32 $0x3;
	s4 =	sand.u32 $0x1, s4;
	s5 =	sshll.u32 s1, $0x1  }
0x6: {  	s18 =	simm.s32 $0x0;
	[smem:$0x7FF] =	sst s2;
	s5 =	sor.u32 s4, s5  }
0x7: {  	_ =	strace $0x80000047;
	s4 =	ssub.s32 $0x2, s4;
	s6 =	sshll.u32 s5, $0xE  }
0x8: {  	s5 =	sshll.u32 s5, $0xC;
	s31 =	sshrl.u32 s4, $0x1;
	s10 =	sadd.s32 s6, s3  }
0x9: {  	s11 =	sadd.s32 s5, s3;
	s12 =	ssub.s32 s4, s31;
	s3 =	sadd.s32 $0x1A00, s10  }
0xa: {  	s4 =	sadd.s32 $0x2200, s10;
	s5 =	sadd.s32 $0x2A00, s10;
	s6 =	sadd.s32 $0x3200, s10  }
0xb: {  	s7 =	sadd.s32 $0x3A00, s10;
	s8 =	sadd.s32 $0x4200, s10;
	s9 =	sadd.s32 $0x4A00, s10  }
0xc: {  	v0 =	vimm.s32 $0x0;
	v1 =	vimm.s32 $0x1;
	s10 =	sadd.s32 $0x5200, s10;
	s11 =	sadd.s32 $0x81A00, s11;
	s12 =	smax.u32 s12, $0x1  }
.LBB2_1:
0xd: {  	s19 =	simm.s32 $0x0;
	s20 =	simm.s32 $0x200  }
.LBB2_2:
0xe: {  	p0 =	sne.s32 s20, $0x1FE00;
	[tilespmem:s19+$0x8070] =	vst v0  }
0xf: {  	[tilespmem:s19+$0x8000] =	vst v0  }
0x10: {  	[tilespmem:s19+$0x8010] =	vst v0  }
.Ltmp0:
0x11: {  	[tilespmem:s19+$0x8020] =	vst v0;
	(pc) =	sbr.rel @p0 .LBB2_2-.Ltmp0, $4  }
0x12: {  	[tilespmem:s19+$0x8030] =	vst v0  }
0x13: {  	[tilespmem:s19+$0x8040] =	vst v0  }
0x14: {  	[tilespmem:s19+$0x8050] =	vst v0  }
0x15: {  	[tilespmem:s19+$0x8060] =	vst v0;
	s19 =	sshra.s32 s20, $0x2;
	s20 =	sadd.s32 $0x200, s20  }
0x16: {  	[tilespmem:s19+$0x8070] =	vst v0  }
0x17: {  	[tilespmem:s19+$0x8000] =	vst v0  }
0x18: {  	[tilespmem:s19+$0x8010] =	vst v0  }
0x19: {  	[tilespmem:s19+$0x8020] =	vst v0  }
0x1a: {  	[tilespmem:s19+$0x8030] =	vst v0  }
0x1b: {  	[tilespmem:s19+$0x8040] =	vst v0  }
0x1c: {  	[tilespmem:s19+$0x8050] =	vst v0  }
0x1d: {  	[tilespmem:s19+$0x8060] =	vst v0;
	s30 =	simm.s32 $0x0  }
0x1e: {  	[tilespmem:s30], [sflag:$0x1] =	stream.linear.gather [hbm4b:s3+s30], $0x4000, $0x38;
	[tilespmem:$0x10000] =	vst v63  }
0x1f: {  	_ = 	snop  }
0x20: {  	[tilespmem:s13], [sflag:$0x2] =	stream.linear.gather [hbm4b:s4+s30], $0x4000, $0x38;
	[tilespmem:$0x10000] =	vst v63  }
0x21: {  	_ =	swait.ge [sflag:s14], $0x4000  }
0x22: {  	[sflag:s14] =	ssyncset.done $0x0  }
0x23: {  	s31 =	simm.s32 $0x0;
	[sflag:s14] =	ssyncadd.s32 $0xFFFFC000  }
0x24: {  	v2 =	vld [tilespmem:s31+$0x0]  }
0x25: {  	v3 =	vld [tilespmem:s31+$0x10]  }
0x26: {  	v4 =	vld [tilespmem:s31+$0x20]  }
0x27: {  	v5 =	vld [tilespmem:s31+$0x30]  }
0x28: {  	v6 =	vld [tilespmem:s31+$0x40]  }
0x29: {  	v7 =	vld [tilespmem:s31+$0x50];
	v2 =	vshrl.u32 v2, $0x10  }
0x2a: {  	v8 =	vld [tilespmem:s31+$0x60];
	v3 =	vshrl.u32 v3, $0x10  }
0x2b: {  	v4 =	vshrl.u32 v4, $0x10  }
0x2c: {  	v9 =	vld [tilespmem:s31+$0x70];
	v5 =	vshrl.u32 v5, $0x10  }
0x2d: {  	v6 =	vshrl.u32 v6, $0x10  }
0x2e: {  	v7 =	vshrl.u32 v7, $0x10;
	[tilespmem:v2+s15+$0x0] =	vst.idx.add.s32.msk $0xffff, v1  }
0x2f: {  	v8 =	vshrl.u32 v8, $0x10;
	[tilespmem:v3+s15+$0x0] =	vst.idx.add.s32.msk $0xffff, v1  }
0x30: {  	[tilespmem:v4+s15+$0x0] =	vst.idx.add.s32.msk $0xffff, v1  }
0x31: {  	v2 =	vshrl.u32 v9, $0x10;
	[tilespmem:v5+s15+$0x0] =	vst.idx.add.s32.msk $0xffff, v1  }
0x32: {  	[tilespmem:v6+s15+$0x0] =	vst.idx.add.s32.msk $0xffff, v1  }
0x33: {  	[tilespmem:v7+s15+$0x0] =	vst.idx.add.s32.msk $0xffff, v1  }
0x34: {  	s19 =	simm.s32 $0x200;
	s20 =	simm.s32 $0x400;
	[tilespmem:v8+s15+$0x0] =	vst.idx.add.s32.msk $0xffff, v1  }
.LBB2_4:
0x35: {  	p0 =	sne.s32 s20, $0xFE00  }
0x36: {  	s21 =	sshra.s32 s19, $0x2;
	[tilespmem:v2+s15+$0x0] =	vst.idx.add.s32.msk $0xffff, v1;
	s19 =	smov.u32 s20;
	s20 =	sadd.s32 $0x200, s20  }
0x37: {  	v2 =	vld [tilespmem:s21+$0x0]  }
0x38: {  	v3 =	vld [tilespmem:s21+$0x10]  }
0x39: {  	v4 =	vld [tilespmem:s21+$0x20]  }
0x3a: {  	v5 =	vld [tilespmem:s21+$0x30]  }
0x3b: {  	v6 =	vld [tilespmem:s21+$0x40]  }
0x3c: {  	v7 =	vld [tilespmem:s21+$0x50];
	v2 =	vshrl.u32 v2, $0x10  }
0x3d: {  	v8 =	vld [tilespmem:s21+$0x60];
	v3 =	vshrl.u32 v3, $0x10  }
0x3e: {  	v9 =	vld [tilespmem:s21+$0x70];
	v4 =	vshrl.u32 v4, $0x10  }
0x3f: {  	v5 =	vshrl.u32 v5, $0x10  }
0x40: {  	v6 =	vshrl.u32 v6, $0x10  }
0x41: {  	v7 =	vshrl.u32 v7, $0x10;
	[tilespmem:v2+s15+$0x0] =	vst.idx.add.s32.msk $0xffff, v1  }
0x42: {  	v8 =	vshrl.u32 v8, $0x10;
	[tilespmem:v3+s15+$0x0] =	vst.idx.add.s32.msk $0xffff, v1  }
.Ltmp1:
0x43: {  	v2 =	vshrl.u32 v9, $0x10;
	[tilespmem:v4+s15+$0x0] =	vst.idx.add.s32.msk $0xffff, v1;
	(pc) =	sbr.rel @p0 .LBB2_4-.Ltmp1, $4  }
0x44: {  	[tilespmem:v5+s15+$0x0] =	vst.idx.add.s32.msk $0xffff, v1  }
0x45: {  	[tilespmem:v6+s15+$0x0] =	vst.idx.add.s32.msk $0xffff, v1  }
0x46: {  	[tilespmem:v7+s15+$0x0] =	vst.idx.add.s32.msk $0xffff, v1  }
0x47: {  	[tilespmem:v8+s15+$0x0] =	vst.idx.add.s32.msk $0xffff, v1  }
0x48: {  	_ =	sdelay $0x3  }
0x49: {  	s19 =	sshra.s32 s19, $0x2;
	[tilespmem:v2+s15+$0x0] =	vst.idx.add.s32.msk $0xffff, v1  }
0x4a: {  	v2 =	vld [tilespmem:s19+$0x0]  }
0x4b: {  	v3 =	vld [tilespmem:s19+$0x10]  }
0x4c: {  	v4 =	vld [tilespmem:s19+$0x20]  }
0x4d: {  	v5 =	vld [tilespmem:s19+$0x30]  }
0x4e: {  	v6 =	vld [tilespmem:s19+$0x40]  }
0x4f: {  	v7 =	vld [tilespmem:s19+$0x50];
	v2 =	vshrl.u32 v2, $0x10  }
0x50: {  	v8 =	vld [tilespmem:s19+$0x60];
	v3 =	vshrl.u32 v3, $0x10  }
0x51: {  	v9 =	vld [tilespmem:s19+$0x70];
	v4 =	vshrl.u32 v4, $0x10  }
0x52: {  	v5 =	vshrl.u32 v5, $0x10  }
0x53: {  	v6 =	vshrl.u32 v6, $0x10  }
0x54: {  	v7 =	vshrl.u32 v7, $0x10;
	[tilespmem:v2+s15+$0x0] =	vst.idx.add.s32.msk $0xffff, v1  }
0x55: {  	v2 =	vshrl.u32 v8, $0x10;
	[tilespmem:v3+s15+$0x0] =	vst.idx.add.s32.msk $0xffff, v1  }
0x56: {  	v3 =	vshrl.u32 v9, $0x10;
	[tilespmem:v4+s15+$0x0] =	vst.idx.add.s32.msk $0xffff, v1  }
0x57: {  	[tilespmem:v5+s15+$0x0] =	vst.idx.add.s32.msk $0xffff, v1  }
0x58: {  	[tilespmem:v6+s15+$0x0] =	vst.idx.add.s32.msk $0xffff, v1  }
0x59: {  	[tilespmem:v7+s15+$0x0] =	vst.idx.add.s32.msk $0xffff, v1  }
0x5a: {  	[tilespmem:v2+s15+$0x0] =	vst.idx.add.s32.msk $0xffff, v1  }
0x5b: {  	s30 =	simm.s32 $0x0;
	[tilespmem:v3+s15+$0x0] =	vst.idx.add.s32.msk $0xffff, v1  }
0x5c: {  	[tilespmem:s30], [sflag:$0x1] =	stream.linear.gather [hbm4b:s5+s30], $0x4000, $0x38;
	[tilespmem:$0x10000] =	vst v63  }
0x5d: {  	_ =	swait.ge [sflag:s16], $0x4000  }
0x5e: {  	[sflag:s16] =	ssyncset.done $0x0  }
0x5f: {  	s31 =	simm.s32 $0x0;
	[sflag:s16] =	ssyncadd.s32 $0xFFFFC000  }
0x60: {  	v2 =	vld [tilespmem:s31+$0x4000]  }
0x61: {  	v3 =	vld [tilespmem:s31+$0x4010]  }
0x62: {  	v58 =	vld [tilespmem:s31+$0x4020]  }
0x63: {  	v59 =	vld [tilespmem:s31+$0x4030]  }
0x64: {  	v60 =	vld [tilespmem:s31+$0x4040]  }
0x65: {  	v61 =	vld [tilespmem:s31+$0x4050];
	v2 =	vshrl.u32 v2, $0x10  }
0x66: {  	v62 =	vld [tilespmem:s31+$0x4060];
	v3 =	vshrl.u32 v3, $0x10  }
0x67: {  	v4 =	vshrl.u32 v58, $0x10  }
0x68: {  	v63 =	vld [tilespmem:s31+$0x4070];
	v5 =	vshrl.u32 v59, $0x10  }
0x69: {  	v6 =	vshrl.u32 v60, $0x10  }
0x6a: {  	v7 =	vshrl.u32 v61, $0x10;
	[tilespmem:v2+s15+$0x0] =	vst.idx.add.s32.msk $0xffff, v1  }
0x6b: {  	v8 =	vshrl.u32 v62, $0x10;
	[tilespmem:v3+s15+$0x0] =	vst.idx.add.s32.msk $0xffff, v1  }
0x6c: {  	[tilespmem:v4+s15+$0x0] =	vst.idx.add.s32.msk $0xffff, v1  }
0x6d: {  	v2 =	vshrl.u32 v63, $0x10;
	[tilespmem:v5+s15+$0x0] =	vst.idx.add.s32.msk $0xffff, v1  }
0x6e: {  	[tilespmem:v6+s15+$0x0] =	vst.idx.add.s32.msk $0xffff, v1  }
0x6f: {  	[tilespmem:v7+s15+$0x0] =	vst.idx.add.s32.msk $0xffff, v1  }
0x70: {  	s20 =	simm.s32 $0x400;
	s19 =	simm.s32 $0x200;
	[tilespmem:v8+s15+$0x0] =	vst.idx.add.s32.msk $0xffff, v1  }
.LBB2_6:
0x71: {  	p0 =	sne.s32 s20, $0xFE00  }
0x72: {  	s21 =	sshra.s32 s19, $0x2;
	[tilespmem:v2+s15+$0x0] =	vst.idx.add.s32.msk $0xffff, v1;
	s19 =	smov.u32 s20;
	s20 =	sadd.s32 $0x200, s20  }
0x73: {  	v2 =	vld [tilespmem:s21+$0x4000]  }
0x74: {  	v3 =	vld [tilespmem:s21+$0x4010]  }
0x75: {  	v4 =	vld [tilespmem:s21+$0x4020]  }
0x76: {  	v5 =	vld [tilespmem:s21+$0x4030]  }
0x77: {  	v6 =	vld [tilespmem:s21+$0x4040]  }
0x78: {  	v7 =	vld [tilespmem:s21+$0x4050];
	v2 =	vshrl.u32 v2, $0x10  }
0x79: {  	v8 =	vld [tilespmem:s21+$0x4060];
	v3 =	vshrl.u32 v3, $0x10  }
0x7a: {  	v9 =	vld [tilespmem:s21+$0x4070];
	v4 =	vshrl.u32 v4, $0x10  }
0x7b: {  	v5 =	vshrl.u32 v5, $0x10  }
0x7c: {  	v6 =	vshrl.u32 v6, $0x10  }
0x7d: {  	v7 =	vshrl.u32 v7, $0x10;
	[tilespmem:v2+s15+$0x0] =	vst.idx.add.s32.msk $0xffff, v1  }
0x7e: {  	v8 =	vshrl.u32 v8, $0x10;
	[tilespmem:v3+s15+$0x0] =	vst.idx.add.s32.msk $0xffff, v1  }
.Ltmp2:
0x7f: {  	v2 =	vshrl.u32 v9, $0x10;
	[tilespmem:v4+s15+$0x0] =	vst.idx.add.s32.msk $0xffff, v1;
	(pc) =	sbr.rel @p0 .LBB2_6-.Ltmp2, $4  }
0x80: {  	[tilespmem:v5+s15+$0x0] =	vst.idx.add.s32.msk $0xffff, v1  }
0x81: {  	[tilespmem:v6+s15+$0x0] =	vst.idx.add.s32.msk $0xffff, v1  }
0x82: {  	[tilespmem:v7+s15+$0x0] =	vst.idx.add.s32.msk $0xffff, v1  }
0x83: {  	[tilespmem:v8+s15+$0x0] =	vst.idx.add.s32.msk $0xffff, v1  }
0x84: {  	_ =	sdelay $0x3  }
0x85: {  	s19 =	sshra.s32 s19, $0x2;
	[tilespmem:v2+s15+$0x0] =	vst.idx.add.s32.msk $0xffff, v1  }
0x86: {  	v2 =	vld [tilespmem:s19+$0x4000]  }
0x87: {  	v3 =	vld [tilespmem:s19+$0x4010]  }
0x88: {  	v4 =	vld [tilespmem:s19+$0x4020]  }
0x89: {  	v5 =	vld [tilespmem:s19+$0x4030]  }
0x8a: {  	v6 =	vld [tilespmem:s19+$0x4040]  }
0x8b: {  	v7 =	vld [tilespmem:s19+$0x4050];
	v2 =	vshrl.u32 v2, $0x10  }
0x8c: {  	v8 =	vld [tilespmem:s19+$0x4060];
	v3 =	vshrl.u32 v3, $0x10  }
0x8d: {  	v9 =	vld [tilespmem:s19+$0x4070];
	v4 =	vshrl.u32 v4, $0x10  }
0x8e: {  	v5 =	vshrl.u32 v5, $0x10  }
0x8f: {  	v6 =	vshrl.u32 v6, $0x10  }
0x90: {  	v7 =	vshrl.u32 v7, $0x10;
	[tilespmem:v2+s15+$0x0] =	vst.idx.add.s32.msk $0xffff, v1  }
0x91: {  	v2 =	vshrl.u32 v8, $0x10;
	[tilespmem:v3+s15+$0x0] =	vst.idx.add.s32.msk $0xffff, v1  }
0x92: {  	v3 =	vshrl.u32 v9, $0x10;
	[tilespmem:v4+s15+$0x0] =	vst.idx.add.s32.msk $0xffff, v1  }
0x93: {  	[tilespmem:v5+s15+$0x0] =	vst.idx.add.s32.msk $0xffff, v1  }
0x94: {  	[tilespmem:v6+s15+$0x0] =	vst.idx.add.s32.msk $0xffff, v1  }
0x95: {  	[tilespmem:v7+s15+$0x0] =	vst.idx.add.s32.msk $0xffff, v1  }
0x96: {  	[tilespmem:v2+s15+$0x0] =	vst.idx.add.s32.msk $0xffff, v1  }
0x97: {  	s30 =	simm.s32 $0x0;
	[tilespmem:v3+s15+$0x0] =	vst.idx.add.s32.msk $0xffff, v1  }
0x98: {  	[tilespmem:s13], [sflag:$0x2] =	stream.linear.gather [hbm4b:s6+s30], $0x4000, $0x38;
	[tilespmem:$0x10000] =	vst v63  }
0x99: {  	_ =	swait.ge [sflag:s14], $0x4000  }
0x9a: {  	[sflag:s14] =	ssyncset.done $0x0  }
0x9b: {  	s31 =	simm.s32 $0x0;
	[sflag:s14] =	ssyncadd.s32 $0xFFFFC000  }
0x9c: {  	v2 =	vld [tilespmem:s31+$0x0]  }
0x9d: {  	v3 =	vld [tilespmem:s31+$0x10]  }
0x9e: {  	v58 =	vld [tilespmem:s31+$0x20]  }
0x9f: {  	v59 =	vld [tilespmem:s31+$0x30]  }
0xa0: {  	v60 =	vld [tilespmem:s31+$0x40]  }
0xa1: {  	v61 =	vld [tilespmem:s31+$0x50];
	v2 =	vshrl.u32 v2, $0x10  }
0xa2: {  	v62 =	vld [tilespmem:s31+$0x60];
	v3 =	vshrl.u32 v3, $0x10  }
0xa3: {  	v4 =	vshrl.u32 v58, $0x10  }
0xa4: {  	v63 =	vld [tilespmem:s31+$0x70];
	v5 =	vshrl.u32 v59, $0x10  }
0xa5: {  	v6 =	vshrl.u32 v60, $0x10  }
0xa6: {  	v7 =	vshrl.u32 v61, $0x10;
	[tilespmem:v2+s15+$0x0] =	vst.idx.add.s32.msk $0xffff, v1  }
0xa7: {  	v8 =	vshrl.u32 v62, $0x10;
	[tilespmem:v3+s15+$0x0] =	vst.idx.add.s32.msk $0xffff, v1  }
0xa8: {  	[tilespmem:v4+s15+$0x0] =	vst.idx.add.s32.msk $0xffff, v1  }
0xa9: {  	v2 =	vshrl.u32 v63, $0x10;
	[tilespmem:v5+s15+$0x0] =	vst.idx.add.s32.msk $0xffff, v1  }
0xaa: {  	[tilespmem:v6+s15+$0x0] =	vst.idx.add.s32.msk $0xffff, v1  }
0xab: {  	[tilespmem:v7+s15+$0x0] =	vst.idx.add.s32.msk $0xffff, v1  }
0xac: {  	s20 =	simm.s32 $0x400;
	s19 =	simm.s32 $0x200;
	[tilespmem:v8+s15+$0x0] =	vst.idx.add.s32.msk $0xffff, v1  }
.LBB2_8:
0xad: {  	p0 =	sne.s32 s20, $0xFE00  }
0xae: {  	s21 =	sshra.s32 s19, $0x2;
	[tilespmem:v2+s15+$0x0] =	vst.idx.add.s32.msk $0xffff, v1;
	s19 =	smov.u32 s20;
	s20 =	sadd.s32 $0x200, s20  }
0xaf: {  	v2 =	vld [tilespmem:s21+$0x0]  }
0xb0: {  	v3 =	vld [tilespmem:s21+$0x10]  }
0xb1: {  	v4 =	vld [tilespmem:s21+$0x20]  }
0xb2: {  	v5 =	vld [tilespmem:s21+$0x30]  }
0xb3: {  	v6 =	vld [tilespmem:s21+$0x40]  }
0xb4: {  	v7 =	vld [tilespmem:s21+$0x50];
	v2 =	vshrl.u32 v2, $0x10  }
0xb5: {  	v8 =	vld [tilespmem:s21+$0x60];
	v3 =	vshrl.u32 v3, $0x10  }
0xb6: {  	v9 =	vld [tilespmem:s21+$0x70];
	v4 =	vshrl.u32 v4, $0x10  }
0xb7: {  	v5 =	vshrl.u32 v5, $0x10  }
0xb8: {  	v6 =	vshrl.u32 v6, $0x10  }
0xb9: {  	v7 =	vshrl.u32 v7, $0x10;
	[tilespmem:v2+s15+$0x0] =	vst.idx.add.s32.msk $0xffff, v1  }
0xba: {  	v8 =	vshrl.u32 v8, $0x10;
	[tilespmem:v3+s15+$0x0] =	vst.idx.add.s32.msk $0xffff, v1  }
.Ltmp3:
0xbb: {  	v2 =	vshrl.u32 v9, $0x10;
	[tilespmem:v4+s15+$0x0] =	vst.idx.add.s32.msk $0xffff, v1;
	(pc) =	sbr.rel @p0 .LBB2_8-.Ltmp3, $4  }
0xbc: {  	[tilespmem:v5+s15+$0x0] =	vst.idx.add.s32.msk $0xffff, v1  }
0xbd: {  	[tilespmem:v6+s15+$0x0] =	vst.idx.add.s32.msk $0xffff, v1  }
0xbe: {  	[tilespmem:v7+s15+$0x0] =	vst.idx.add.s32.msk $0xffff, v1  }
0xbf: {  	[tilespmem:v8+s15+$0x0] =	vst.idx.add.s32.msk $0xffff, v1  }
0xc0: {  	_ =	sdelay $0x3  }
0xc1: {  	s19 =	sshra.s32 s19, $0x2;
	[tilespmem:v2+s15+$0x0] =	vst.idx.add.s32.msk $0xffff, v1  }
0xc2: {  	v2 =	vld [tilespmem:s19+$0x0]  }
0xc3: {  	v3 =	vld [tilespmem:s19+$0x10]  }
0xc4: {  	v4 =	vld [tilespmem:s19+$0x20]  }
0xc5: {  	v5 =	vld [tilespmem:s19+$0x30]  }
0xc6: {  	v6 =	vld [tilespmem:s19+$0x40]  }
0xc7: {  	v7 =	vld [tilespmem:s19+$0x50];
	v2 =	vshrl.u32 v2, $0x10  }
0xc8: {  	v8 =	vld [tilespmem:s19+$0x60];
	v3 =	vshrl.u32 v3, $0x10  }
0xc9: {  	v9 =	vld [tilespmem:s19+$0x70];
	v4 =	vshrl.u32 v4, $0x10  }
0xca: {  	v5 =	vshrl.u32 v5, $0x10  }
0xcb: {  	v6 =	vshrl.u32 v6, $0x10  }
0xcc: {  	v7 =	vshrl.u32 v7, $0x10;
	[tilespmem:v2+s15+$0x0] =	vst.idx.add.s32.msk $0xffff, v1  }
0xcd: {  	v2 =	vshrl.u32 v8, $0x10;
	[tilespmem:v3+s15+$0x0] =	vst.idx.add.s32.msk $0xffff, v1  }
0xce: {  	v3 =	vshrl.u32 v9, $0x10;
	[tilespmem:v4+s15+$0x0] =	vst.idx.add.s32.msk $0xffff, v1  }
0xcf: {  	[tilespmem:v5+s15+$0x0] =	vst.idx.add.s32.msk $0xffff, v1  }
0xd0: {  	[tilespmem:v6+s15+$0x0] =	vst.idx.add.s32.msk $0xffff, v1  }
0xd1: {  	[tilespmem:v7+s15+$0x0] =	vst.idx.add.s32.msk $0xffff, v1  }
0xd2: {  	[tilespmem:v2+s15+$0x0] =	vst.idx.add.s32.msk $0xffff, v1  }
0xd3: {  	s30 =	simm.s32 $0x0;
	[tilespmem:v3+s15+$0x0] =	vst.idx.add.s32.msk $0xffff, v1  }
0xd4: {  	[tilespmem:s30], [sflag:$0x1] =	stream.linear.gather [hbm4b:s7+s30], $0x4000, $0x38;
	[tilespmem:$0x10000] =	vst v63  }
0xd5: {  	_ =	swait.ge [sflag:s16], $0x4000  }
0xd6: {  	[sflag:s16] =	ssyncset.done $0x0  }
0xd7: {  	s31 =	simm.s32 $0x0;
	[sflag:s16] =	ssyncadd.s32 $0xFFFFC000  }
0xd8: {  	v2 =	vld [tilespmem:s31+$0x4000]  }
0xd9: {  	v3 =	vld [tilespmem:s31+$0x4010]  }
0xda: {  	v58 =	vld [tilespmem:s31+$0x4020]  }
0xdb: {  	v59 =	vld [tilespmem:s31+$0x4030]  }
0xdc: {  	v60 =	vld [tilespmem:s31+$0x4040]  }
0xdd: {  	v61 =	vld [tilespmem:s31+$0x4050];
	v2 =	vshrl.u32 v2, $0x10  }
0xde: {  	v62 =	vld [tilespmem:s31+$0x4060];
	v3 =	vshrl.u32 v3, $0x10  }
0xdf: {  	v4 =	vshrl.u32 v58, $0x10  }
0xe0: {  	v63 =	vld [tilespmem:s31+$0x4070];
	v5 =	vshrl.u32 v59, $0x10  }
0xe1: {  	v6 =	vshrl.u32 v60, $0x10  }
0xe2: {  	v7 =	vshrl.u32 v61, $0x10;
	[tilespmem:v2+s15+$0x0] =	vst.idx.add.s32.msk $0xffff, v1  }
0xe3: {  	v8 =	vshrl.u32 v62, $0x10;
	[tilespmem:v3+s15+$0x0] =	vst.idx.add.s32.msk $0xffff, v1  }
0xe4: {  	[tilespmem:v4+s15+$0x0] =	vst.idx.add.s32.msk $0xffff, v1  }
0xe5: {  	v2 =	vshrl.u32 v63, $0x10;
	[tilespmem:v5+s15+$0x0] =	vst.idx.add.s32.msk $0xffff, v1  }
0xe6: {  	[tilespmem:v6+s15+$0x0] =	vst.idx.add.s32.msk $0xffff, v1  }
0xe7: {  	[tilespmem:v7+s15+$0x0] =	vst.idx.add.s32.msk $0xffff, v1  }
0xe8: {  	s20 =	simm.s32 $0x400;
	s19 =	simm.s32 $0x200;
	[tilespmem:v8+s15+$0x0] =	vst.idx.add.s32.msk $0xffff, v1  }
.LBB2_10:
0xe9: {  	p0 =	sne.s32 s20, $0xFE00  }
0xea: {  	s21 =	sshra.s32 s19, $0x2;
	[tilespmem:v2+s15+$0x0] =	vst.idx.add.s32.msk $0xffff, v1;
	s19 =	smov.u32 s20;
	s20 =	sadd.s32 $0x200, s20  }
0xeb: {  	v2 =	vld [tilespmem:s21+$0x4000]  }
0xec: {  	v3 =	vld [tilespmem:s21+$0x4010]  }
0xed: {  	v4 =	vld [tilespmem:s21+$0x4020]  }
0xee: {  	v5 =	vld [tilespmem:s21+$0x4030]  }
0xef: {  	v6 =	vld [tilespmem:s21+$0x4040]  }
0xf0: {  	v7 =	vld [tilespmem:s21+$0x4050];
	v2 =	vshrl.u32 v2, $0x10  }
0xf1: {  	v8 =	vld [tilespmem:s21+$0x4060];
	v3 =	vshrl.u32 v3, $0x10  }
0xf2: {  	v9 =	vld [tilespmem:s21+$0x4070];
	v4 =	vshrl.u32 v4, $0x10  }
0xf3: {  	v5 =	vshrl.u32 v5, $0x10  }
0xf4: {  	v6 =	vshrl.u32 v6, $0x10  }
0xf5: {  	v7 =	vshrl.u32 v7, $0x10;
	[tilespmem:v2+s15+$0x0] =	vst.idx.add.s32.msk $0xffff, v1  }
0xf6: {  	v8 =	vshrl.u32 v8, $0x10;
	[tilespmem:v3+s15+$0x0] =	vst.idx.add.s32.msk $0xffff, v1  }
.Ltmp4:
0xf7: {  	v2 =	vshrl.u32 v9, $0x10;
	[tilespmem:v4+s15+$0x0] =	vst.idx.add.s32.msk $0xffff, v1;
	(pc) =	sbr.rel @p0 .LBB2_10-.Ltmp4, $4  }
0xf8: {  	[tilespmem:v5+s15+$0x0] =	vst.idx.add.s32.msk $0xffff, v1  }
0xf9: {  	[tilespmem:v6+s15+$0x0] =	vst.idx.add.s32.msk $0xffff, v1  }
0xfa: {  	[tilespmem:v7+s15+$0x0] =	vst.idx.add.s32.msk $0xffff, v1  }
0xfb: {  	[tilespmem:v8+s15+$0x0] =	vst.idx.add.s32.msk $0xffff, v1  }
0xfc: {  	_ =	sdelay $0x3  }
0xfd: {  	s19 =	sshra.s32 s19, $0x2;
	[tilespmem:v2+s15+$0x0] =	vst.idx.add.s32.msk $0xffff, v1  }
0xfe: {  	v2 =	vld [tilespmem:s19+$0x4000]  }
0xff: {  	v3 =	vld [tilespmem:s19+$0x4010]  }
0x100: {  	v4 =	vld [tilespmem:s19+$0x4020]  }
0x101: {  	v5 =	vld [tilespmem:s19+$0x4030]  }
0x102: {  	v6 =	vld [tilespmem:s19+$0x4040]  }
0x103: {  	v7 =	vld [tilespmem:s19+$0x4050];
	v2 =	vshrl.u32 v2, $0x10  }
0x104: {  	v8 =	vld [tilespmem:s19+$0x4060];
	v3 =	vshrl.u32 v3, $0x10  }
0x105: {  	v9 =	vld [tilespmem:s19+$0x4070];
	v4 =	vshrl.u32 v4, $0x10  }
0x106: {  	v5 =	vshrl.u32 v5, $0x10  }
0x107: {  	v6 =	vshrl.u32 v6, $0x10  }
0x108: {  	v7 =	vshrl.u32 v7, $0x10;
	[tilespmem:v2+s15+$0x0] =	vst.idx.add.s32.msk $0xffff, v1  }
0x109: {  	v2 =	vshrl.u32 v8, $0x10;
	[tilespmem:v3+s15+$0x0] =	vst.idx.add.s32.msk $0xffff, v1  }
0x10a: {  	v3 =	vshrl.u32 v9, $0x10;
	[tilespmem:v4+s15+$0x0] =	vst.idx.add.s32.msk $0xffff, v1  }
0x10b: {  	[tilespmem:v5+s15+$0x0] =	vst.idx.add.s32.msk $0xffff, v1  }
0x10c: {  	[tilespmem:v6+s15+$0x0] =	vst.idx.add.s32.msk $0xffff, v1  }
0x10d: {  	[tilespmem:v7+s15+$0x0] =	vst.idx.add.s32.msk $0xffff, v1  }
0x10e: {  	[tilespmem:v2+s15+$0x0] =	vst.idx.add.s32.msk $0xffff, v1  }
0x10f: {  	s30 =	simm.s32 $0x0;
	[tilespmem:v3+s15+$0x0] =	vst.idx.add.s32.msk $0xffff, v1  }
0x110: {  	[tilespmem:s13], [sflag:$0x2] =	stream.linear.gather [hbm4b:s8+s30], $0x4000, $0x38;
	[tilespmem:$0x10000] =	vst v63  }
0x111: {  	_ =	swait.ge [sflag:s14], $0x4000  }
0x112: {  	[sflag:s14] =	ssyncset.done $0x0  }
0x113: {  	s31 =	simm.s32 $0x0;
	[sflag:s14] =	ssyncadd.s32 $0xFFFFC000  }
0x114: {  	v2 =	vld [tilespmem:s31+$0x0]  }
0x115: {  	v3 =	vld [tilespmem:s31+$0x10]  }
0x116: {  	v58 =	vld [tilespmem:s31+$0x20]  }
0x117: {  	v59 =	vld [tilespmem:s31+$0x30]  }
0x118: {  	v60 =	vld [tilespmem:s31+$0x40]  }
0x119: {  	v61 =	vld [tilespmem:s31+$0x50];
	v2 =	vshrl.u32 v2, $0x10  }
0x11a: {  	v62 =	vld [tilespmem:s31+$0x60];
	v3 =	vshrl.u32 v3, $0x10  }
0x11b: {  	v4 =	vshrl.u32 v58, $0x10  }
0x11c: {  	v63 =	vld [tilespmem:s31+$0x70];
	v5 =	vshrl.u32 v59, $0x10  }
0x11d: {  	v6 =	vshrl.u32 v60, $0x10  }
0x11e: {  	v7 =	vshrl.u32 v61, $0x10;
	[tilespmem:v2+s15+$0x0] =	vst.idx.add.s32.msk $0xffff, v1  }
0x11f: {  	v8 =	vshrl.u32 v62, $0x10;
	[tilespmem:v3+s15+$0x0] =	vst.idx.add.s32.msk $0xffff, v1  }
0x120: {  	[tilespmem:v4+s15+$0x0] =	vst.idx.add.s32.msk $0xffff, v1  }
0x121: {  	v2 =	vshrl.u32 v63, $0x10;
	[tilespmem:v5+s15+$0x0] =	vst.idx.add.s32.msk $0xffff, v1  }
0x122: {  	[tilespmem:v6+s15+$0x0] =	vst.idx.add.s32.msk $0xffff, v1  }
0x123: {  	[tilespmem:v7+s15+$0x0] =	vst.idx.add.s32.msk $0xffff, v1  }
0x124: {  	s20 =	simm.s32 $0x400;
	s19 =	simm.s32 $0x200;
	[tilespmem:v8+s15+$0x0] =	vst.idx.add.s32.msk $0xffff, v1  }
.LBB2_12:
0x125: {  	p0 =	sne.s32 s20, $0xFE00  }
0x126: {  	s21 =	sshra.s32 s19, $0x2;
	[tilespmem:v2+s15+$0x0] =	vst.idx.add.s32.msk $0xffff, v1;
	s19 =	smov.u32 s20;
	s20 =	sadd.s32 $0x200, s20  }
0x127: {  	v2 =	vld [tilespmem:s21+$0x0]  }
0x128: {  	v3 =	vld [tilespmem:s21+$0x10]  }
0x129: {  	v4 =	vld [tilespmem:s21+$0x20]  }
0x12a: {  	v5 =	vld [tilespmem:s21+$0x30]  }
0x12b: {  	v6 =	vld [tilespmem:s21+$0x40]  }
0x12c: {  	v7 =	vld [tilespmem:s21+$0x50];
	v2 =	vshrl.u32 v2, $0x10  }
0x12d: {  	v8 =	vld [tilespmem:s21+$0x60];
	v3 =	vshrl.u32 v3, $0x10  }
0x12e: {  	v9 =	vld [tilespmem:s21+$0x70];
	v4 =	vshrl.u32 v4, $0x10  }
0x12f: {  	v5 =	vshrl.u32 v5, $0x10  }
0x130: {  	v6 =	vshrl.u32 v6, $0x10  }
0x131: {  	v7 =	vshrl.u32 v7, $0x10;
	[tilespmem:v2+s15+$0x0] =	vst.idx.add.s32.msk $0xffff, v1  }
0x132: {  	v8 =	vshrl.u32 v8, $0x10;
	[tilespmem:v3+s15+$0x0] =	vst.idx.add.s32.msk $0xffff, v1  }
.Ltmp5:
0x133: {  	v2 =	vshrl.u32 v9, $0x10;
	[tilespmem:v4+s15+$0x0] =	vst.idx.add.s32.msk $0xffff, v1;
	(pc) =	sbr.rel @p0 .LBB2_12-.Ltmp5, $4  }
0x134: {  	[tilespmem:v5+s15+$0x0] =	vst.idx.add.s32.msk $0xffff, v1  }
0x135: {  	[tilespmem:v6+s15+$0x0] =	vst.idx.add.s32.msk $0xffff, v1  }
0x136: {  	[tilespmem:v7+s15+$0x0] =	vst.idx.add.s32.msk $0xffff, v1  }
0x137: {  	[tilespmem:v8+s15+$0x0] =	vst.idx.add.s32.msk $0xffff, v1  }
0x138: {  	_ =	sdelay $0x3  }
0x139: {  	s19 =	sshra.s32 s19, $0x2;
	[tilespmem:v2+s15+$0x0] =	vst.idx.add.s32.msk $0xffff, v1  }
0x13a: {  	v2 =	vld [tilespmem:s19+$0x0]  }
0x13b: {  	v3 =	vld [tilespmem:s19+$0x10]  }
0x13c: {  	v4 =	vld [tilespmem:s19+$0x20]  }
0x13d: {  	v5 =	vld [tilespmem:s19+$0x30]  }
0x13e: {  	v6 =	vld [tilespmem:s19+$0x40]  }
0x13f: {  	v7 =	vld [tilespmem:s19+$0x50];
	v2 =	vshrl.u32 v2, $0x10  }
0x140: {  	v8 =	vld [tilespmem:s19+$0x60];
	v3 =	vshrl.u32 v3, $0x10  }
0x141: {  	v9 =	vld [tilespmem:s19+$0x70];
	v4 =	vshrl.u32 v4, $0x10  }
0x142: {  	v5 =	vshrl.u32 v5, $0x10  }
0x143: {  	v6 =	vshrl.u32 v6, $0x10  }
0x144: {  	v7 =	vshrl.u32 v7, $0x10;
	[tilespmem:v2+s15+$0x0] =	vst.idx.add.s32.msk $0xffff, v1  }
0x145: {  	v2 =	vshrl.u32 v8, $0x10;
	[tilespmem:v3+s15+$0x0] =	vst.idx.add.s32.msk $0xffff, v1  }
0x146: {  	v3 =	vshrl.u32 v9, $0x10;
	[tilespmem:v4+s15+$0x0] =	vst.idx.add.s32.msk $0xffff, v1  }
0x147: {  	[tilespmem:v5+s15+$0x0] =	vst.idx.add.s32.msk $0xffff, v1  }
0x148: {  	[tilespmem:v6+s15+$0x0] =	vst.idx.add.s32.msk $0xffff, v1  }
0x149: {  	[tilespmem:v7+s15+$0x0] =	vst.idx.add.s32.msk $0xffff, v1  }
0x14a: {  	[tilespmem:v2+s15+$0x0] =	vst.idx.add.s32.msk $0xffff, v1  }
0x14b: {  	s30 =	simm.s32 $0x0;
	[tilespmem:v3+s15+$0x0] =	vst.idx.add.s32.msk $0xffff, v1  }
0x14c: {  	[tilespmem:s30], [sflag:$0x1] =	stream.linear.gather [hbm4b:s9+s30], $0x4000, $0x38;
	[tilespmem:$0x10000] =	vst v63  }
0x14d: {  	_ =	swait.ge [sflag:s16], $0x4000  }
0x14e: {  	[sflag:s16] =	ssyncset.done $0x0  }
0x14f: {  	s31 =	simm.s32 $0x0;
	[sflag:s16] =	ssyncadd.s32 $0xFFFFC000  }
0x150: {  	v2 =	vld [tilespmem:s31+$0x4000]  }
0x151: {  	v3 =	vld [tilespmem:s31+$0x4010]  }
0x152: {  	v58 =	vld [tilespmem:s31+$0x4020]  }
0x153: {  	v59 =	vld [tilespmem:s31+$0x4030]  }
0x154: {  	v60 =	vld [tilespmem:s31+$0x4040]  }
0x155: {  	v61 =	vld [tilespmem:s31+$0x4050];
	v2 =	vshrl.u32 v2, $0x10  }
0x156: {  	v62 =	vld [tilespmem:s31+$0x4060];
	v3 =	vshrl.u32 v3, $0x10  }
0x157: {  	v4 =	vshrl.u32 v58, $0x10  }
0x158: {  	v63 =	vld [tilespmem:s31+$0x4070];
	v5 =	vshrl.u32 v59, $0x10  }
0x159: {  	v6 =	vshrl.u32 v60, $0x10  }
0x15a: {  	v7 =	vshrl.u32 v61, $0x10;
	[tilespmem:v2+s15+$0x0] =	vst.idx.add.s32.msk $0xffff, v1  }
0x15b: {  	v8 =	vshrl.u32 v62, $0x10;
	[tilespmem:v3+s15+$0x0] =	vst.idx.add.s32.msk $0xffff, v1  }
0x15c: {  	[tilespmem:v4+s15+$0x0] =	vst.idx.add.s32.msk $0xffff, v1  }
0x15d: {  	v2 =	vshrl.u32 v63, $0x10;
	[tilespmem:v5+s15+$0x0] =	vst.idx.add.s32.msk $0xffff, v1  }
0x15e: {  	[tilespmem:v6+s15+$0x0] =	vst.idx.add.s32.msk $0xffff, v1  }
0x15f: {  	[tilespmem:v7+s15+$0x0] =	vst.idx.add.s32.msk $0xffff, v1  }
0x160: {  	s20 =	simm.s32 $0x400;
	s19 =	simm.s32 $0x200;
	[tilespmem:v8+s15+$0x0] =	vst.idx.add.s32.msk $0xffff, v1  }
.LBB2_14:
0x161: {  	p0 =	sne.s32 s20, $0xFE00  }
0x162: {  	s21 =	sshra.s32 s19, $0x2;
	[tilespmem:v2+s15+$0x0] =	vst.idx.add.s32.msk $0xffff, v1;
	s19 =	smov.u32 s20;
	s20 =	sadd.s32 $0x200, s20  }
0x163: {  	v2 =	vld [tilespmem:s21+$0x4000]  }
0x164: {  	v3 =	vld [tilespmem:s21+$0x4010]  }
0x165: {  	v4 =	vld [tilespmem:s21+$0x4020]  }
0x166: {  	v5 =	vld [tilespmem:s21+$0x4030]  }
0x167: {  	v6 =	vld [tilespmem:s21+$0x4040]  }
0x168: {  	v7 =	vld [tilespmem:s21+$0x4050];
	v2 =	vshrl.u32 v2, $0x10  }
0x169: {  	v8 =	vld [tilespmem:s21+$0x4060];
	v3 =	vshrl.u32 v3, $0x10  }
0x16a: {  	v9 =	vld [tilespmem:s21+$0x4070];
	v4 =	vshrl.u32 v4, $0x10  }
0x16b: {  	v5 =	vshrl.u32 v5, $0x10  }
0x16c: {  	v6 =	vshrl.u32 v6, $0x10  }
0x16d: {  	v7 =	vshrl.u32 v7, $0x10;
	[tilespmem:v2+s15+$0x0] =	vst.idx.add.s32.msk $0xffff, v1  }
0x16e: {  	v8 =	vshrl.u32 v8, $0x10;
	[tilespmem:v3+s15+$0x0] =	vst.idx.add.s32.msk $0xffff, v1  }
.Ltmp6:
0x16f: {  	v2 =	vshrl.u32 v9, $0x10;
	[tilespmem:v4+s15+$0x0] =	vst.idx.add.s32.msk $0xffff, v1;
	(pc) =	sbr.rel @p0 .LBB2_14-.Ltmp6, $4  }
0x170: {  	[tilespmem:v5+s15+$0x0] =	vst.idx.add.s32.msk $0xffff, v1  }
0x171: {  	[tilespmem:v6+s15+$0x0] =	vst.idx.add.s32.msk $0xffff, v1  }
0x172: {  	[tilespmem:v7+s15+$0x0] =	vst.idx.add.s32.msk $0xffff, v1  }
0x173: {  	[tilespmem:v8+s15+$0x0] =	vst.idx.add.s32.msk $0xffff, v1  }
0x174: {  	_ =	sdelay $0x3  }
0x175: {  	s19 =	sshra.s32 s19, $0x2;
	[tilespmem:v2+s15+$0x0] =	vst.idx.add.s32.msk $0xffff, v1  }
0x176: {  	v2 =	vld [tilespmem:s19+$0x4000]  }
0x177: {  	v3 =	vld [tilespmem:s19+$0x4010]  }
0x178: {  	v4 =	vld [tilespmem:s19+$0x4020]  }
0x179: {  	v5 =	vld [tilespmem:s19+$0x4030]  }
0x17a: {  	v6 =	vld [tilespmem:s19+$0x4040]  }
0x17b: {  	v7 =	vld [tilespmem:s19+$0x4050];
	v2 =	vshrl.u32 v2, $0x10  }
0x17c: {  	v8 =	vld [tilespmem:s19+$0x4060];
	v3 =	vshrl.u32 v3, $0x10  }
0x17d: {  	v9 =	vld [tilespmem:s19+$0x4070];
	v4 =	vshrl.u32 v4, $0x10  }
0x17e: {  	v5 =	vshrl.u32 v5, $0x10  }
0x17f: {  	v6 =	vshrl.u32 v6, $0x10  }
0x180: {  	v7 =	vshrl.u32 v7, $0x10;
	[tilespmem:v2+s15+$0x0] =	vst.idx.add.s32.msk $0xffff, v1  }
0x181: {  	v2 =	vshrl.u32 v8, $0x10;
	[tilespmem:v3+s15+$0x0] =	vst.idx.add.s32.msk $0xffff, v1  }
0x182: {  	v3 =	vshrl.u32 v9, $0x10;
	[tilespmem:v4+s15+$0x0] =	vst.idx.add.s32.msk $0xffff, v1  }
0x183: {  	[tilespmem:v5+s15+$0x0] =	vst.idx.add.s32.msk $0xffff, v1  }
0x184: {  	[tilespmem:v6+s15+$0x0] =	vst.idx.add.s32.msk $0xffff, v1  }
0x185: {  	[tilespmem:v7+s15+$0x0] =	vst.idx.add.s32.msk $0xffff, v1  }
0x186: {  	[tilespmem:v2+s15+$0x0] =	vst.idx.add.s32.msk $0xffff, v1  }
0x187: {  	s30 =	simm.s32 $0x0;
	[tilespmem:v3+s15+$0x0] =	vst.idx.add.s32.msk $0xffff, v1  }
0x188: {  	[tilespmem:s13], [sflag:$0x2] =	stream.linear.gather [hbm4b:s10+s30], $0x4000, $0x38;
	[tilespmem:$0x10000] =	vst v63  }
0x189: {  	_ =	swait.ge [sflag:s14], $0x4000  }
0x18a: {  	[sflag:s14] =	ssyncset.done $0x0  }
0x18b: {  	s31 =	simm.s32 $0x0;
	[sflag:s14] =	ssyncadd.s32 $0xFFFFC000  }
0x18c: {  	v2 =	vld [tilespmem:s31+$0x0]  }
0x18d: {  	v3 =	vld [tilespmem:s31+$0x10]  }
0x18e: {  	v58 =	vld [tilespmem:s31+$0x20]  }
0x18f: {  	v59 =	vld [tilespmem:s31+$0x30]  }
0x190: {  	v60 =	vld [tilespmem:s31+$0x40]  }
0x191: {  	v61 =	vld [tilespmem:s31+$0x50];
	v2 =	vshrl.u32 v2, $0x10  }
0x192: {  	v62 =	vld [tilespmem:s31+$0x60];
	v3 =	vshrl.u32 v3, $0x10  }
0x193: {  	v4 =	vshrl.u32 v58, $0x10  }
0x194: {  	v63 =	vld [tilespmem:s31+$0x70];
	v5 =	vshrl.u32 v59, $0x10  }
0x195: {  	v6 =	vshrl.u32 v60, $0x10  }
0x196: {  	v7 =	vshrl.u32 v61, $0x10;
	[tilespmem:v2+s15+$0x0] =	vst.idx.add.s32.msk $0xffff, v1  }
0x197: {  	v8 =	vshrl.u32 v62, $0x10;
	[tilespmem:v3+s15+$0x0] =	vst.idx.add.s32.msk $0xffff, v1  }
0x198: {  	[tilespmem:v4+s15+$0x0] =	vst.idx.add.s32.msk $0xffff, v1  }
0x199: {  	v2 =	vshrl.u32 v63, $0x10;
	[tilespmem:v5+s15+$0x0] =	vst.idx.add.s32.msk $0xffff, v1  }
0x19a: {  	[tilespmem:v6+s15+$0x0] =	vst.idx.add.s32.msk $0xffff, v1  }
0x19b: {  	[tilespmem:v7+s15+$0x0] =	vst.idx.add.s32.msk $0xffff, v1  }
0x19c: {  	s20 =	simm.s32 $0x400;
	s19 =	simm.s32 $0x200;
	[tilespmem:v8+s15+$0x0] =	vst.idx.add.s32.msk $0xffff, v1  }
.LBB2_16:
0x19d: {  	p0 =	sne.s32 s20, $0xFE00  }
0x19e: {  	s21 =	sshra.s32 s19, $0x2;
	[tilespmem:v2+s15+$0x0] =	vst.idx.add.s32.msk $0xffff, v1;
	s19 =	smov.u32 s20;
	s20 =	sadd.s32 $0x200, s20  }
0x19f: {  	v2 =	vld [tilespmem:s21+$0x0]  }
0x1a0: {  	v3 =	vld [tilespmem:s21+$0x10]  }
0x1a1: {  	v4 =	vld [tilespmem:s21+$0x20]  }
0x1a2: {  	v5 =	vld [tilespmem:s21+$0x30]  }
0x1a3: {  	v6 =	vld [tilespmem:s21+$0x40]  }
0x1a4: {  	v7 =	vld [tilespmem:s21+$0x50];
	v2 =	vshrl.u32 v2, $0x10  }
0x1a5: {  	v8 =	vld [tilespmem:s21+$0x60];
	v3 =	vshrl.u32 v3, $0x10  }
0x1a6: {  	v9 =	vld [tilespmem:s21+$0x70];
	v4 =	vshrl.u32 v4, $0x10  }
0x1a7: {  	v5 =	vshrl.u32 v5, $0x10  }
0x1a8: {  	v6 =	vshrl.u32 v6, $0x10  }
0x1a9: {  	v7 =	vshrl.u32 v7, $0x10;
	[tilespmem:v2+s15+$0x0] =	vst.idx.add.s32.msk $0xffff, v1  }
0x1aa: {  	v8 =	vshrl.u32 v8, $0x10;
	[tilespmem:v3+s15+$0x0] =	vst.idx.add.s32.msk $0xffff, v1  }
.Ltmp7:
0x1ab: {  	v2 =	vshrl.u32 v9, $0x10;
	[tilespmem:v4+s15+$0x0] =	vst.idx.add.s32.msk $0xffff, v1;
	(pc) =	sbr.rel @p0 .LBB2_16-.Ltmp7, $4  }
0x1ac: {  	[tilespmem:v5+s15+$0x0] =	vst.idx.add.s32.msk $0xffff, v1  }
0x1ad: {  	[tilespmem:v6+s15+$0x0] =	vst.idx.add.s32.msk $0xffff, v1  }
0x1ae: {  	[tilespmem:v7+s15+$0x0] =	vst.idx.add.s32.msk $0xffff, v1  }
0x1af: {  	[tilespmem:v8+s15+$0x0] =	vst.idx.add.s32.msk $0xffff, v1  }
0x1b0: {  	_ =	sdelay $0x3  }
0x1b1: {  	s19 =	sshra.s32 s19, $0x2;
	[tilespmem:v2+s15+$0x0] =	vst.idx.add.s32.msk $0xffff, v1  }
0x1b2: {  	v2 =	vld [tilespmem:s19+$0x0]  }
0x1b3: {  	v3 =	vld [tilespmem:s19+$0x10]  }
0x1b4: {  	v4 =	vld [tilespmem:s19+$0x20]  }
0x1b5: {  	v5 =	vld [tilespmem:s19+$0x30]  }
0x1b6: {  	v6 =	vld [tilespmem:s19+$0x40]  }
0x1b7: {  	v7 =	vld [tilespmem:s19+$0x50];
	v2 =	vshrl.u32 v2, $0x10  }
0x1b8: {  	v8 =	vld [tilespmem:s19+$0x60];
	v3 =	vshrl.u32 v3, $0x10  }
0x1b9: {  	v9 =	vld [tilespmem:s19+$0x70];
	v4 =	vshrl.u32 v4, $0x10  }
0x1ba: {  	v5 =	vshrl.u32 v5, $0x10  }
0x1bb: {  	v6 =	vshrl.u32 v6, $0x10  }
0x1bc: {  	v7 =	vshrl.u32 v7, $0x10;
	[tilespmem:v2+s15+$0x0] =	vst.idx.add.s32.msk $0xffff, v1  }
0x1bd: {  	v2 =	vshrl.u32 v8, $0x10;
	[tilespmem:v3+s15+$0x0] =	vst.idx.add.s32.msk $0xffff, v1  }
0x1be: {  	v3 =	vshrl.u32 v9, $0x10;
	[tilespmem:v4+s15+$0x0] =	vst.idx.add.s32.msk $0xffff, v1  }
0x1bf: {  	[tilespmem:v5+s15+$0x0] =	vst.idx.add.s32.msk $0xffff, v1  }
0x1c0: {  	[tilespmem:v6+s15+$0x0] =	vst.idx.add.s32.msk $0xffff, v1  }
0x1c1: {  	[tilespmem:v7+s15+$0x0] =	vst.idx.add.s32.msk $0xffff, v1  }
0x1c2: {  	[tilespmem:v2+s15+$0x0] =	vst.idx.add.s32.msk $0xffff, v1  }
0x1c3: {  	[tilespmem:v3+s15+$0x0] =	vst.idx.add.s32.msk $0xffff, v1  }
0x1c4: {  	_ =	swait.ge [sflag:s16], $0x4000  }
0x1c5: {  	[sflag:s16] =	ssyncset.done $0x0  }
0x1c6: {  	s31 =	simm.s32 $0x0;
	[sflag:s16] =	ssyncadd.s32 $0xFFFFC000  }
0x1c7: {  	v2 =	vld [tilespmem:s31+$0x4000]  }
0x1c8: {  	v3 =	vld [tilespmem:s31+$0x4010]  }
0x1c9: {  	v58 =	vld [tilespmem:s31+$0x4020]  }
0x1ca: {  	v59 =	vld [tilespmem:s31+$0x4030]  }
0x1cb: {  	v60 =	vld [tilespmem:s31+$0x4040]  }
0x1cc: {  	v61 =	vld [tilespmem:s31+$0x4050];
	v2 =	vshrl.u32 v2, $0x10  }
0x1cd: {  	v62 =	vld [tilespmem:s31+$0x4060];
	v3 =	vshrl.u32 v3, $0x10  }
0x1ce: {  	v4 =	vshrl.u32 v58, $0x10  }
0x1cf: {  	v63 =	vld [tilespmem:s31+$0x4070];
	v5 =	vshrl.u32 v59, $0x10  }
0x1d0: {  	v6 =	vshrl.u32 v60, $0x10  }
0x1d1: {  	v7 =	vshrl.u32 v61, $0x10;
	[tilespmem:v2+s15+$0x0] =	vst.idx.add.s32.msk $0xffff, v1  }
0x1d2: {  	v8 =	vshrl.u32 v62, $0x10;
	[tilespmem:v3+s15+$0x0] =	vst.idx.add.s32.msk $0xffff, v1  }
0x1d3: {  	[tilespmem:v4+s15+$0x0] =	vst.idx.add.s32.msk $0xffff, v1  }
0x1d4: {  	v2 =	vshrl.u32 v63, $0x10;
	[tilespmem:v5+s15+$0x0] =	vst.idx.add.s32.msk $0xffff, v1  }
0x1d5: {  	[tilespmem:v6+s15+$0x0] =	vst.idx.add.s32.msk $0xffff, v1  }
0x1d6: {  	[tilespmem:v7+s15+$0x0] =	vst.idx.add.s32.msk $0xffff, v1  }
0x1d7: {  	s20 =	simm.s32 $0x400;
	s19 =	simm.s32 $0x200;
	[tilespmem:v8+s15+$0x0] =	vst.idx.add.s32.msk $0xffff, v1  }
.LBB2_18:
0x1d8: {  	p0 =	sne.s32 s20, $0xFE00  }
0x1d9: {  	s21 =	sshra.s32 s19, $0x2;
	[tilespmem:v2+s15+$0x0] =	vst.idx.add.s32.msk $0xffff, v1;
	s19 =	smov.u32 s20;
	s20 =	sadd.s32 $0x200, s20  }
0x1da: {  	v2 =	vld [tilespmem:s21+$0x4000]  }
0x1db: {  	v3 =	vld [tilespmem:s21+$0x4010]  }
0x1dc: {  	v4 =	vld [tilespmem:s21+$0x4020]  }
0x1dd: {  	v5 =	vld [tilespmem:s21+$0x4030]  }
0x1de: {  	v6 =	vld [tilespmem:s21+$0x4040]  }
0x1df: {  	v7 =	vld [tilespmem:s21+$0x4050];
	v2 =	vshrl.u32 v2, $0x10  }
0x1e0: {  	v8 =	vld [tilespmem:s21+$0x4060];
	v3 =	vshrl.u32 v3, $0x10  }
0x1e1: {  	v9 =	vld [tilespmem:s21+$0x4070];
	v4 =	vshrl.u32 v4, $0x10  }
0x1e2: {  	v5 =	vshrl.u32 v5, $0x10  }
0x1e3: {  	v6 =	vshrl.u32 v6, $0x10  }
0x1e4: {  	v7 =	vshrl.u32 v7, $0x10;
	[tilespmem:v2+s15+$0x0] =	vst.idx.add.s32.msk $0xffff, v1  }
0x1e5: {  	v8 =	vshrl.u32 v8, $0x10;
	[tilespmem:v3+s15+$0x0] =	vst.idx.add.s32.msk $0xffff, v1  }
.Ltmp8:
0x1e6: {  	v2 =	vshrl.u32 v9, $0x10;
	[tilespmem:v4+s15+$0x0] =	vst.idx.add.s32.msk $0xffff, v1;
	(pc) =	sbr.rel @p0 .LBB2_18-.Ltmp8, $4  }
0x1e7: {  	[tilespmem:v5+s15+$0x0] =	vst.idx.add.s32.msk $0xffff, v1  }
0x1e8: {  	[tilespmem:v6+s15+$0x0] =	vst.idx.add.s32.msk $0xffff, v1  }
0x1e9: {  	[tilespmem:v7+s15+$0x0] =	vst.idx.add.s32.msk $0xffff, v1  }
0x1ea: {  	[tilespmem:v8+s15+$0x0] =	vst.idx.add.s32.msk $0xffff, v1  }
0x1eb: {  	_ =	sdelay $0x3  }
0x1ec: {  	s19 =	sshra.s32 s19, $0x2;
	[tilespmem:v2+s15+$0x0] =	vst.idx.add.s32.msk $0xffff, v1  }
0x1ed: {  	v2 =	vld [tilespmem:s19+$0x4000]  }
0x1ee: {  	v3 =	vld [tilespmem:s19+$0x4010]  }
0x1ef: {  	v4 =	vld [tilespmem:s19+$0x4020]  }
0x1f0: {  	v5 =	vld [tilespmem:s19+$0x4030]  }
0x1f1: {  	v6 =	vld [tilespmem:s19+$0x4040]  }
0x1f2: {  	v7 =	vld [tilespmem:s19+$0x4050];
	v2 =	vshrl.u32 v2, $0x10  }
0x1f3: {  	v8 =	vld [tilespmem:s19+$0x4060];
	v3 =	vshrl.u32 v3, $0x10  }
0x1f4: {  	v9 =	vld [tilespmem:s19+$0x4070];
	v4 =	vshrl.u32 v4, $0x10  }
0x1f5: {  	v5 =	vshrl.u32 v5, $0x10  }
0x1f6: {  	v6 =	vshrl.u32 v6, $0x10  }
0x1f7: {  	v7 =	vshrl.u32 v7, $0x10;
	[tilespmem:v2+s15+$0x0] =	vst.idx.add.s32.msk $0xffff, v1  }
0x1f8: {  	v2 =	vshrl.u32 v8, $0x10;
	[tilespmem:v3+s15+$0x0] =	vst.idx.add.s32.msk $0xffff, v1  }
0x1f9: {  	v3 =	vshrl.u32 v9, $0x10;
	[tilespmem:v4+s15+$0x0] =	vst.idx.add.s32.msk $0xffff, v1  }
0x1fa: {  	[tilespmem:v5+s15+$0x0] =	vst.idx.add.s32.msk $0xffff, v1  }
0x1fb: {  	[tilespmem:v6+s15+$0x0] =	vst.idx.add.s32.msk $0xffff, v1  }
0x1fc: {  	s18 =	sadd.s32 $0x1, s18;
	[tilespmem:v7+s15+$0x0] =	vst.idx.add.s32.msk $0xffff, v1  }
0x1fd: {  	p0 =	sne.s32 s18, s12;
	[tilespmem:v2+s15+$0x0] =	vst.idx.add.s32.msk $0xffff, v1  }
.Ltmp9:
0x1fe: {  	[tilespmem:v3+s15+$0x0] =	vst.idx.add.s32.msk $0xffff, v1;
	(pc) =	sbr.rel @p0 .LBB2_1-.Ltmp9, $4  }
0x1ff: {  	[hbm4b:s11+s2] =	stream.linear.scatter [tilespmem:s15], [sflag:$0x3], $0x8000, $0x38;
	[tilespmem:$0x10000] =	vst v63  }
0x200: {  	_ =	swait.ge [sflag:s17], $0x8000  }
0x201: {  	[sflag:s17] =	ssyncset.done $0x0  }
0x202: {  	[sflag:s17] =	ssyncadd.s32 $0xFFFF8000  }
0x203: {  	_ =	sfence.sel $0x180000  }
0x204: {  	[bflag:$0x0] =	sbarrier.arrive $0xFFFF  }
0x205: {  	p0 =	sne.s32 s1, $0x0;
	_ =	strace $0x90000047  }
0x206: {  	s0 =	sadd.s32 @!p0 $0x100000, s0;
	[bflag:$0x2] =	sbarrier.arrive $0xFFFF  }
0x207: {  	[sflag:s0] =	ssyncadd.tile.s32 @!p0 $0x1;
	_ =	shalt  }
.Lfunc_end2:
_tile_overlayer_lowered:
.L_overlay_start_2:
0x208: {  	(tag) =	ssettag $0x2  }
0x209: {  	s0 =	rddreg [dreg:$0x0];
	s2 =	stileid.u32  }
0x20a: {  	s1 =	rddreg [dreg:$0x1];
	p0 =	sne.s32 s2, $0x0  }
0x20b: {  	s3 =	rddreg [dreg:$0x2];
	[bflag:$0x3] =	sbarrier.arrive $0xFFFF;
	s2 =	simm.s32 @!p0 $0x1C03  }
0x20c: {  	[timem:s3], [sflag:s2] =	dma.local @!p0 [hbm:s0], s1  }
0x20d: {  	s0 =	simm.s32 @!p0 $0x3  }
0x20e: {  	_ =	swait.ge @!p0 [sflag:s0], s1  }
0x20f: {  	s1 =	ssub.s32 @!p0 $0x0, s1;
	[sflag:s0] =	ssyncset.done @!p0 $0x0  }
0x210: {  	[sflag:s0] =	ssyncadd.s32 @!p0 s1  }
0x211: {  	[bflag:$0x3] =	sbarrier.arrive $0xFFFF  }
0x212: {  	_ =	shalt  }

</sc_bundles>
